<compile_context>
chip_gen: v7x
topology: tpu7x:2x2x1
jax: 0.10.2.dev20260603
libtpu: 0.0.44.dev20260713+nightly
codegen_flags: <defaults>
</compile_context>

<pallas_src>
import functools

import jax
import jax.numpy as jnp
from jax import lax
from jax.experimental import pallas as pl
from jax.experimental.pallas import tpu as pltpu
from jax.experimental.pallas import tpu_sc as plsc

BATCH = 16384
MF_DIM = 32
MLP_HALF = 16
MLP_DIM = 32
NC = 2
NS = 16
NW = NC * NS
B_PER_W = BATCH // NW
SUB = 8


def _sc_gather_body(user, item, mfu_t, mfi_t, mlpu_t, mlpi_t,
                    out_mf, out_mlp,
                    idx_u, idx_i, bmfu, bmfi, bmlu, bmli, st_mf, st_mlp, sem):
    wid = lax.axis_index("s") * NC + lax.axis_index("c")
    base = wid * B_PER_W
    pltpu.sync_copy(user.at[pl.ds(base, B_PER_W)], idx_u)
    pltpu.sync_copy(item.at[pl.ds(base, B_PER_W)], idx_i)
    lanes = lax.iota(jnp.int32, 16)

    def step(t, _):
        vu = idx_u[pl.ds(t * 16, 16)]
        vi = idx_i[pl.ds(t * 16, 16)]
        for half in range(2):
            for k in range(SUB):
                iu = vu[half * SUB + k]
                ii = vi[half * SUB + k]
                cu = pl.multiple_of((iu >> 7) * 128, 128)
                ci = pl.multiple_of((ii >> 7) * 128, 128)
                pltpu.async_copy(mfu_t.at[:, pl.ds(cu, 128)], bmfu.at[k], sem)
                pltpu.async_copy(mfi_t.at[:, pl.ds(ci, 128)], bmfi.at[k], sem)
                pltpu.async_copy(mlpu_t.at[:, pl.ds(cu, 128)], bmlu.at[k], sem)
                pltpu.async_copy(mlpi_t.at[:, pl.ds(ci, 128)], bmli.at[k], sem)
            for k in range(SUB):
                pltpu.make_async_copy(mfu_t.at[:, pl.ds(0, 128)], bmfu.at[k], sem).wait()
                pltpu.make_async_copy(mfi_t.at[:, pl.ds(0, 128)], bmfi.at[k], sem).wait()
                pltpu.make_async_copy(mlpu_t.at[:, pl.ds(0, 128)], bmlu.at[k], sem).wait()
                pltpu.make_async_copy(mlpi_t.at[:, pl.ds(0, 128)], bmli.at[k], sem).wait()
            for k in range(SUB):
                s = half * SUB + k
                lu = jnp.full((16,), vu[s] & 127, jnp.int32)
                li = jnp.full((16,), vi[s] & 127, jnp.int32)
                a0 = plsc.load_gather(bmfu.at[k], [lanes, lu])
                a1 = plsc.load_gather(bmfu.at[k], [lanes + 16, lu])
                b0 = plsc.load_gather(bmfi.at[k], [lanes, li])
                b1 = plsc.load_gather(bmfi.at[k], [lanes + 16, li])
                st_mf[s, pl.ds(0, 16)] = a0 * b0
                st_mf[s, pl.ds(16, 16)] = a1 * b1
                st_mlp[s, pl.ds(0, 16)] = plsc.load_gather(bmlu.at[k], [lanes, lu])
                st_mlp[s, pl.ds(16, 16)] = plsc.load_gather(bmli.at[k], [lanes, li])
        row = pl.ds(base + t * 16, 16)
        pltpu.sync_copy(st_mf, out_mf.at[row])
        pltpu.sync_copy(st_mlp, out_mlp.at[row])
        return _

    lax.fori_loop(0, B_PER_W // 16, step, 0)


def _sc_gather(user, item, mfu_t, mfi_t, mlpu_t, mlpi_t):
    mesh = plsc.VectorSubcoreMesh(core_axis_name="c", subcore_axis_name="s")
    f32 = jnp.float32
    i32 = jnp.int32
    run = functools.partial(
        pl.kernel,
        mesh=mesh,
        compiler_params=pltpu.CompilerParams(needs_layout_passes=False),
        out_type=[
            jax.ShapeDtypeStruct((BATCH, MF_DIM), f32),
            jax.ShapeDtypeStruct((BATCH, MLP_DIM), f32),
        ],
        scratch_types=[
            pltpu.VMEM((B_PER_W,), i32),
            pltpu.VMEM((B_PER_W,), i32),
            pltpu.VMEM((SUB, MF_DIM, 128), f32),
            pltpu.VMEM((SUB, MF_DIM, 128), f32),
            pltpu.VMEM((SUB, MLP_HALF, 128), f32),
            pltpu.VMEM((SUB, MLP_HALF, 128), f32),
            pltpu.VMEM((16, MF_DIM), f32),
            pltpu.VMEM((16, MLP_DIM), f32),
            pltpu.SemaphoreType.DMA,
        ],
    )(_sc_gather_body)
    return run(user, item, mfu_t, mfi_t, mlpu_t, mlpi_t)


def _tc_mlp_body(xmf, xmlp, w0, b0, w1, b1, w2, b2, w3, b3, wfm, wfp, bf, out):
    f32 = jnp.float32
    h = xmlp[...]
    for w, b in ((w0, b0), (w1, b1), (w2, b2), (w3, b3)):
        h = jnp.maximum(jnp.dot(h, w[...], preferred_element_type=f32) + b[...], 0.0)
    logit = (jnp.dot(xmf[...], wfm[...], preferred_element_type=f32)
             + jnp.dot(h, wfp[...], preferred_element_type=f32)
             + bf[...])
    out[...] = jax.nn.sigmoid(logit)


def _tc_mlp(xmf, xmlp, W0, b0, W1, b1, W2, b2, W3, b3, Wf, bf):
    R = 2048
    grid = (BATCH // R,)
    D = MLP_DIM
    rows = lambda d: pl.BlockSpec((R, d), lambda i: (i, 0))
    full = lambda a, b: pl.BlockSpec((a, b), lambda i: (0, 0))
    in_specs = [
        rows(D), rows(D),
        full(D, D), full(1, D),
        full(D, D), full(1, D),
        full(D, D), full(1, D),
        full(D, D), full(1, D),
        full(D, 1), full(D, 1), full(1, 1),
    ]
    out_spec = pl.BlockSpec((R, 1), lambda i: (i, 0))
    args = (
        xmf, xmlp,
        W0, b0.reshape(1, D),
        W1, b1.reshape(1, D),
        W2, b2.reshape(1, D),
        W3, b3.reshape(1, D),
        Wf[:D], Wf[D:], bf.reshape(1, 1),
    )
    return pl.pallas_call(
        _tc_mlp_body,
        grid=grid,
        in_specs=in_specs,
        out_specs=out_spec,
        out_shape=jax.ShapeDtypeStruct((BATCH, 1), jnp.float32),
    )(*args)


def kernel(user, item, mf_user_embed, mf_item_embed, mlp_user_embed,
           mlp_item_embed, W0, b0, W1, b1, W2, b2, W3, b3, Wf, bf):
    xmf, xmlp = _sc_gather(user, item, mf_user_embed.T, mf_item_embed.T,
                           mlp_user_embed.T, mlp_item_embed.T)
    return _tc_mlp(xmf, xmlp, W0, b0, W1, b1, W2, b2, W3, b3, Wf, bf)

# --- scband reference (transcript-rebuilt; emitter-appended) ---
"""Pipeline reference for scband-neu-mf-27547920236554 (READ-ONLY COPY).

The authoritative reference and input builder live on the scoring server;
editing this copy changes nothing except your own understanding.
"""

import jax, jax.numpy as jnp
import numpy as np

NUM_USERS = 1000000
NUM_ITEMS = 1000000
MF_DIM = 32
MLP_DIM = 32
N_MLP_LAYERS = 4
BATCH = 16384


def setup_inputs(seed: int = 0) -> dict:
    key = jax.random.key(seed)
    ks = jax.random.split(key, 16)
    inp = {}
    inp['user'] = jax.random.randint(ks[0], (BATCH,), 0, NUM_USERS, dtype=jnp.int64 if jax.config.jax_enable_x64 else jnp.int32)
    inp['item'] = jax.random.randint(ks[1], (BATCH,), 0, NUM_ITEMS, dtype=jnp.int64 if jax.config.jax_enable_x64 else jnp.int32)
    inp['mf_user_embed'] = jax.random.normal(ks[2], (NUM_USERS, MF_DIM), dtype=jnp.float32) * 0.05
    inp['mf_item_embed'] = jax.random.normal(ks[3], (NUM_ITEMS, MF_DIM), dtype=jnp.float32) * 0.05
    inp['mlp_user_embed'] = jax.random.normal(ks[4], (NUM_USERS, MLP_DIM // 2), dtype=jnp.float32) * 0.05
    inp['mlp_item_embed'] = jax.random.normal(ks[5], (NUM_ITEMS, MLP_DIM // 2), dtype=jnp.float32) * 0.05
    for i in range(N_MLP_LAYERS):
        inp[f'W{i}'] = jax.random.normal(ks[6 + i], (MLP_DIM, MLP_DIM), dtype=jnp.float32) * (1.0 / np.sqrt(MLP_DIM))
        inp[f'b{i}'] = jnp.zeros((MLP_DIM,), dtype=jnp.float32)
    inp['Wf'] = jax.random.normal(ks[12], (MLP_DIM + MF_DIM, 1), dtype=jnp.float32) * (1.0 / np.sqrt(MLP_DIM + MF_DIM))
    inp['bf'] = jnp.zeros((1,), dtype=jnp.float32)
    return inp


def reference(user, item, mf_user_embed, mf_item_embed, mlp_user_embed, mlp_item_embed,
              W0, b0, W1, b1, W2, b2, W3, b3, Wf, bf):
    # GMF branch: gather + elementwise product
    xmfu = jnp.take(mf_user_embed, user, axis=0)
    xmfi = jnp.take(mf_item_embed, item, axis=0)
    xmf = xmfu * xmfi
    # MLP branch: gather + concat
    xmlpu = jnp.take(mlp_user_embed, user, axis=0)
    xmlpi = jnp.take(mlp_item_embed, item, axis=0)
    xmlp = jnp.concatenate([xmlpu, xmlpi], axis=1)
    # MLP tower (Linear -> BatchNorm(eval, identity stats) -> ReLU -> Dropout(eval, identity))
    for W, b in ((W0, b0), (W1, b1), (W2, b2), (W3, b3)):
        xmlp = jax.nn.relu(xmlp @ W + b)
    x = jnp.concatenate([xmf, xmlp], axis=1)
    x = x @ Wf + bf
    return jax.nn.sigmoid(x)

if __name__ == "__main__":
    import jax
    _d = setup_inputs()
    print(jax.jit(kernel)(*tuple(_d.values())))

</pallas_src>

<mosaic_0001>
#map = affine_map<(d0, d1) -> (0)>
#map1 = affine_map<(d0, d1) -> (0, 0)>
module attributes {stable_mosaic.version = 14 : i64} {
  func.func @_sc_gather_body(%arg0: i32, %arg1: i32, %arg2: memref<16384xi32, #tpu.memory_space<hbm>>, %arg3: memref<16384xi32, #tpu.memory_space<hbm>>, %arg4: memref<32x1000000xf32, #tpu.memory_space<hbm>>, %arg5: memref<32x1000000xf32, #tpu.memory_space<hbm>>, %arg6: memref<16x1000000xf32, #tpu.memory_space<hbm>>, %arg7: memref<16x1000000xf32, #tpu.memory_space<hbm>>, %arg8: memref<16384x32xf32, #tpu.memory_space<hbm>>, %arg9: memref<16384x32xf32, #tpu.memory_space<hbm>>, %arg10: memref<512xi32, #tpu.memory_space<vmem>>, %arg11: memref<512xi32, #tpu.memory_space<vmem>>, %arg12: memref<8x32x128xf32, #tpu.memory_space<vmem>>, %arg13: memref<8x32x128xf32, #tpu.memory_space<vmem>>, %arg14: memref<8x16x128xf32, #tpu.memory_space<vmem>>, %arg15: memref<8x16x128xf32, #tpu.memory_space<vmem>>, %arg16: memref<16x32xf32, #tpu.memory_space<vmem>>, %arg17: memref<16x32xf32, #tpu.memory_space<vmem>>, %arg18: memref<!tpu.dma_semaphore, #tpu.memory_space<semaphore_mem>>) attributes {dimension_semantics = [#tpu.dimension_semantics<core_parallel>, #tpu.dimension_semantics<subcore_parallel>], iteration_bounds = array<i64: 2, 16>, scalar_prefetch = 0 : i64, scratch_operands = 9 : i64, tpu.core_type = #tpu.core_type<sc_vector_subcore>, window_params = [{transform_indices = #map}, {transform_indices = #map}, {transform_indices = #map1}, {transform_indices = #map1}, {transform_indices = #map1}, {transform_indices = #map1}, {transform_indices = #map1}, {transform_indices = #map1}]} {
    %mul3A = arith.constant 2 : i32
    %mul3A_0 = arith.muli %arg1, %mul3A : i32
    %add3A = arith.addi %mul3A_0, %arg0 : i32
    %mul3A_1 = arith.constant 512 : i32
    %mul3A_2 = arith.muli %add3A, %mul3A_1 : i32
    "tpu.region"() ({
      %run_scoped3A = tpu.sem_alloc : memref<!tpu.dma_semaphore, #tpu.memory_space<semaphore_mem>>
      %dma_start3A = tpu.memref_slice %arg2[%mul3A_2] : memref<16384xi32, #tpu.memory_space<hbm>> -> memref<512xi32, #tpu.memory_space<hbm>>
      %dma_start3A_8 = tpu.memref_slice %arg2[%mul3A_2] : memref<16384xi32, #tpu.memory_space<hbm>> -> memref<512xi32, #tpu.memory_space<hbm>>
      tpu.enqueue_dma source(%dma_start3A_8 : memref<512xi32, #tpu.memory_space<hbm>>) target(%arg10 : memref<512xi32, #tpu.memory_space<vmem>>) target_semaphore(%run_scoped3A : memref<!tpu.dma_semaphore, #tpu.memory_space<semaphore_mem>>)
      %dma_wait3A = tpu.memref_slice %arg2[%mul3A_2] : memref<16384xi32, #tpu.memory_space<hbm>> -> memref<512xi32, #tpu.memory_space<hbm>>
      %dma_wait3A_9 = tpu.memref_slice %arg2[%mul3A_2] : memref<16384xi32, #tpu.memory_space<hbm>> -> memref<512xi32, #tpu.memory_space<hbm>>
      tpu.wait_dma2 semaphore(%run_scoped3A : memref<!tpu.dma_semaphore, #tpu.memory_space<semaphore_mem>>) src(%dma_wait3A_9 : memref<512xi32, #tpu.memory_space<hbm>>) dst(%arg10 : memref<512xi32, #tpu.memory_space<vmem>>)
      tpu.yield
    }) : () -> ()
    "tpu.region"() ({
      %run_scoped3A = tpu.sem_alloc : memref<!tpu.dma_semaphore, #tpu.memory_space<semaphore_mem>>
      %dma_start3A = tpu.memref_slice %arg3[%mul3A_2] : memref<16384xi32, #tpu.memory_space<hbm>> -> memref<512xi32, #tpu.memory_space<hbm>>
      %dma_start3A_8 = tpu.memref_slice %arg3[%mul3A_2] : memref<16384xi32, #tpu.memory_space<hbm>> -> memref<512xi32, #tpu.memory_space<hbm>>
      tpu.enqueue_dma source(%dma_start3A_8 : memref<512xi32, #tpu.memory_space<hbm>>) target(%arg11 : memref<512xi32, #tpu.memory_space<vmem>>) target_semaphore(%run_scoped3A : memref<!tpu.dma_semaphore, #tpu.memory_space<semaphore_mem>>)
      %dma_wait3A = tpu.memref_slice %arg3[%mul3A_2] : memref<16384xi32, #tpu.memory_space<hbm>> -> memref<512xi32, #tpu.memory_space<hbm>>
      %dma_wait3A_9 = tpu.memref_slice %arg3[%mul3A_2] : memref<16384xi32, #tpu.memory_space<hbm>> -> memref<512xi32, #tpu.memory_space<hbm>>
      tpu.wait_dma2 semaphore(%run_scoped3A : memref<!tpu.dma_semaphore, #tpu.memory_space<semaphore_mem>>) src(%dma_wait3A_9 : memref<512xi32, #tpu.memory_space<hbm>>) dst(%arg11 : memref<512xi32, #tpu.memory_space<vmem>>)
      tpu.yield
    }) : () -> ()
    %iota3A = tpu.iota {dimensions = array<i32: 0>} : vector<16xi32>
    %scan3A = arith.constant 0 : i32
    %scan3A_3 = arith.constant 0 : i32
    %scan3A_4 = arith.constant 32 : i32
    %scan3A_5 = arith.addi %scan3A_3, %scan3A_4 : i32
    %scan3A_6 = arith.constant 1 : i32
    scf.for %scan3A_8 = %scan3A_3 to %scan3A_5 step %scan3A_6  : i32 {
      %mul3A_9 = arith.constant 16 : i32
      %mul3A_10 = arith.muli %scan3A_8, %mul3A_9 : i32
      %get3A = arith.index_cast %mul3A_10 : i32 to index
      %get3A_11 = tpu.vector_load %arg10[%get3A] {strides = array<i32>} : memref<512xi32, #tpu.memory_space<vmem>>, vector<16xi32>,
      %mul3A_12 = arith.constant 16 : i32
      %mul3A_13 = arith.muli %scan3A_8, %mul3A_12 : i32
      %get3A_14 = arith.index_cast %mul3A_13 : i32 to index
      %get3A_15 = tpu.vector_load %arg11[%get3A_14] {strides = array<i32>} : memref<512xi32, #tpu.memory_space<vmem>>, vector<16xi32>,
      %slice3A = vector.extract_strided_slice %get3A_11 {offsets = [0], sizes = [1], strides = [1]} : vector<16xi32> to vector<1xi32>
      %squeeze3A = vector.extract %slice3A[0] : i32 from vector<1xi32>
      %slice3A_16 = vector.extract_strided_slice %get3A_15 {offsets = [0], sizes = [1], strides = [1]} : vector<16xi32> to vector<1xi32>
      %squeeze3A_17 = vector.extract %slice3A_16[0] : i32 from vector<1xi32>
      %shift_right_arithmetic3A = arith.constant 7 : i32
      %shift_right_arithmetic3A_18 = arith.shrsi %squeeze3A, %shift_right_arithmetic3A : i32
      %mul3A_19 = arith.constant 128 : i32
      %mul3A_20 = arith.muli %shift_right_arithmetic3A_18, %mul3A_19 : i32
      %multiple_of3A = tpu.assume_multiple %mul3A_20, 128 : i32
      %shift_right_arithmetic3A_21 = arith.constant 7 : i32
      %shift_right_arithmetic3A_22 = arith.shrsi %squeeze3A_17, %shift_right_arithmetic3A_21 : i32
      %mul3A_23 = arith.constant 128 : i32
      %mul3A_24 = arith.muli %shift_right_arithmetic3A_22, %mul3A_23 : i32
      %multiple_of3A_25 = tpu.assume_multiple %mul3A_24, 128 : i32
      %dma_start3A = arith.constant 0 : i32
      %dma_start3A_26 = arith.constant 0 : i32
      %dma_start3A_27 = arith.constant 0 : i32
      %dma_start3A_28 = tpu.memref_slice %arg12[%dma_start3A, %dma_start3A_26, %dma_start3A_27] : memref<8x32x128xf32, #tpu.memory_space<vmem>> -> memref<1x32x128xf32, #tpu.memory_space<vmem>>
      %dma_start3A_29 = tpu.memref_squeeze %dma_start3A_28 : memref<1x32x128xf32, #tpu.memory_space<vmem>> -> memref<32x128xf32, #tpu.memory_space<vmem>>
      %dma_start3A_30 = arith.constant 0 : i32
      %dma_start3A_31 = tpu.memref_slice %arg4[%dma_start3A_30, %multiple_of3A] : memref<32x1000000xf32, #tpu.memory_space<hbm>> -> memref<32x128xf32, #tpu.memory_space<hbm>>
      %dma_start3A_32 = arith.constant 0 : i32
      %dma_start3A_33 = arith.constant 0 : i32
      %dma_start3A_34 = tpu.memref_slice %arg12[%dma_start3A, %dma_start3A_32, %dma_start3A_33] : memref<8x32x128xf32, #tpu.memory_space<vmem>> -> memref<1x32x128xf32, #tpu.memory_space<vmem>>
      %dma_start3A_35 = tpu.memref_squeeze %dma_start3A_34 : memref<1x32x128xf32, #tpu.memory_space<vmem>> -> memref<32x128xf32, #tpu.memory_space<vmem>>
      %dma_start3A_36 = arith.constant 0 : i32
      %dma_start3A_37 = tpu.memref_slice %arg4[%dma_start3A_36, %multiple_of3A] : memref<32x1000000xf32, #tpu.memory_space<hbm>> -> memref<32x128xf32, #tpu.memory_space<hbm>>
      tpu.enqueue_dma source(%dma_start3A_37 : memref<32x128xf32, #tpu.memory_space<hbm>>) target(%dma_start3A_35 : memref<32x128xf32, #tpu.memory_space<vmem>>) target_semaphore(%arg18 : memref<!tpu.dma_semaphore, #tpu.memory_space<semaphore_mem>>)
      %dma_start3A_38 = arith.constant 0 : i32
      %dma_start3A_39 = arith.constant 0 : i32
      %dma_start3A_40 = arith.constant 0 : i32
      %dma_start3A_41 = tpu.memref_slice %arg13[%dma_start3A_38, %dma_start3A_39, %dma_start3A_40] : memref<8x32x128xf32, #tpu.memory_space<vmem>> -> memref<1x32x128xf32, #tpu.memory_space<vmem>>
      %dma_start3A_42 = tpu.memref_squeeze %dma_start3A_41 : memref<1x32x128xf32, #tpu.memory_space<vmem>> -> memref<32x128xf32, #tpu.memory_space<vmem>>
      %dma_start3A_43 = arith.constant 0 : i32
      %dma_start3A_44 = tpu.memref_slice %arg5[%dma_start3A_43, %multiple_of3A_25] : memref<32x1000000xf32, #tpu.memory_space<hbm>> -> memref<32x128xf32, #tpu.memory_space<hbm>>
      %dma_start3A_45 = arith.constant 0 : i32
      %dma_start3A_46 = arith.constant 0 : i32
      %dma_start3A_47 = tpu.memref_slice %arg13[%dma_start3A_38, %dma_start3A_45, %dma_start3A_46] : memref<8x32x128xf32, #tpu.memory_space<vmem>> -> memref<1x32x128xf32, #tpu.memory_space<vmem>>
      %dma_start3A_48 = tpu.memref_squeeze %dma_start3A_47 : memref<1x32x128xf32, #tpu.memory_space<vmem>> -> memref<32x128xf32, #tpu.memory_space<vmem>>
      %dma_start3A_49 = arith.constant 0 : i32
      %dma_start3A_50 = tpu.memref_slice %arg5[%dma_start3A_49, %multiple_of3A_25] : memref<32x1000000xf32, #tpu.memory_space<hbm>> -> memref<32x128xf32, #tpu.memory_space<hbm>>
      tpu.enqueue_dma source(%dma_start3A_50 : memref<32x128xf32, #tpu.memory_space<hbm>>) target(%dma_start3A_48 : memref<32x128xf32, #tpu.memory_space<vmem>>) target_semaphore(%arg18 : memref<!tpu.dma_semaphore, #tpu.memory_space<semaphore_mem>>)
      %dma_start3A_51 = arith.constant 0 : i32
      %dma_start3A_52 = arith.constant 0 : i32
      %dma_start3A_53 = arith.constant 0 : i32
      %dma_start3A_54 = tpu.memref_slice %arg14[%dma_start3A_51, %dma_start3A_52, %dma_start3A_53] : memref<8x16x128xf32, #tpu.memory_space<vmem>> -> memref<1x16x128xf32, #tpu.memory_space<vmem>>
      %dma_start3A_55 = tpu.memref_squeeze %dma_start3A_54 : memref<1x16x128xf32, #tpu.memory_space<vmem>> -> memref<16x128xf32, #tpu.memory_space<vmem>>
      %dma_start3A_56 = arith.constant 0 : i32
      %dma_start3A_57 = tpu.memref_slice %arg6[%dma_start3A_56, %multiple_of3A] : memref<16x1000000xf32, #tpu.memory_space<hbm>> -> memref<16x128xf32, #tpu.memory_space<hbm>>
      %dma_start3A_58 = arith.constant 0 : i32
      %dma_start3A_59 = arith.constant 0 : i32
      %dma_start3A_60 = tpu.memref_slice %arg14[%dma_start3A_51, %dma_start3A_58, %dma_start3A_59] : memref<8x16x128xf32, #tpu.memory_space<vmem>> -> memref<1x16x128xf32, #tpu.memory_space<vmem>>
      %dma_start3A_61 = tpu.memref_squeeze %dma_start3A_60 : memref<1x16x128xf32, #tpu.memory_space<vmem>> -> memref<16x128xf32, #tpu.memory_space<vmem>>
      %dma_start3A_62 = arith.constant 0 : i32
      %dma_start3A_63 = tpu.memref_slice %arg6[%dma_start3A_62, %multiple_of3A] : memref<16x1000000xf32, #tpu.memory_space<hbm>> -> memref<16x128xf32, #tpu.memory_space<hbm>>
      tpu.enqueue_dma source(%dma_start3A_63 : memref<16x128xf32, #tpu.memory_space<hbm>>) target(%dma_start3A_61 : memref<16x128xf32, #tpu.memory_space<vmem>>) target_semaphore(%arg18 : memref<!tpu.dma_semaphore, #tpu.memory_space<semaphore_mem>>)
      %dma_start3A_64 = arith.constant 0 : i32
      %dma_start3A_65 = arith.constant 0 : i32
      %dma_start3A_66 = arith.constant 0 : i32
      %dma_start3A_67 = tpu.memref_slice %arg15[%dma_start3A_64, %dma_start3A_65, %dma_start3A_66] : memref<8x16x128xf32, #tpu.memory_space<vmem>> -> memref<1x16x128xf32, #tpu.memory_space<vmem>>
      %dma_start3A_68 = tpu.memref_squeeze %dma_start3A_67 : memref<1x16x128xf32, #tpu.memory_space<vmem>> -> memref<16x128xf32, #tpu.memory_space<vmem>>
      %dma_start3A_69 = arith.constant 0 : i32
      %dma_start3A_70 = tpu.memref_slice %arg7[%dma_start3A_69, %multiple_of3A_25] : memref<16x1000000xf32, #tpu.memory_space<hbm>> -> memref<16x128xf32, #tpu.memory_space<hbm>>
      %dma_start3A_71 = arith.constant 0 : i32
      %dma_start3A_72 = arith.constant 0 : i32
      %dma_start3A_73 = tpu.memref_slice %arg15[%dma_start3A_64, %dma_start3A_71, %dma_start3A_72] : memref<8x16x128xf32, #tpu.memory_space<vmem>> -> memref<1x16x128xf32, #tpu.memory_space<vmem>>
      %dma_start3A_74 = tpu.memref_squeeze %dma_start3A_73 : memref<1x16x128xf32, #tpu.memory_space<vmem>> -> memref<16x128xf32, #tpu.memory_space<vmem>>
      %dma_start3A_75 = arith.constant 0 : i32
      %dma_start3A_76 = tpu.memref_slice %arg7[%dma_start3A_75, %multiple_of3A_25] : memref<16x1000000xf32, #tpu.memory_space<hbm>> -> memref<16x128xf32, #tpu.memory_space<hbm>>
      tpu.enqueue_dma source(%dma_start3A_76 : memref<16x128xf32, #tpu.memory_space<hbm>>) target(%dma_start3A_74 : memref<16x128xf32, #tpu.memory_space<vmem>>) target_semaphore(%arg18 : memref<!tpu.dma_semaphore, #tpu.memory_space<semaphore_mem>>)
      %slice3A_77 = vector.extract_strided_slice %get3A_11 {offsets = [1], sizes = [1], strides = [1]} : vector<16xi32> to vector<1xi32>
      %squeeze3A_78 = vector.extract %slice3A_77[0] : i32 from vector<1xi32>
      %slice3A_79 = vector.extract_strided_slice %get3A_15 {offsets = [1], sizes = [1], strides = [1]} : vector<16xi32> to vector<1xi32>
      %squeeze3A_80 = vector.extract %slice3A_79[0] : i32 from vector<1xi32>
      %shift_right_arithmetic3A_81 = arith.constant 7 : i32
      %shift_right_arithmetic3A_82 = arith.shrsi %squeeze3A_78, %shift_right_arithmetic3A_81 : i32
      %mul3A_83 = arith.constant 128 : i32
      %mul3A_84 = arith.muli %shift_right_arithmetic3A_82, %mul3A_83 : i32
      %multiple_of3A_85 = tpu.assume_multiple %mul3A_84, 128 : i32
      %shift_right_arithmetic3A_86 = arith.constant 7 : i32
      %shift_right_arithmetic3A_87 = arith.shrsi %squeeze3A_80, %shift_right_arithmetic3A_86 : i32
      %mul3A_88 = arith.constant 128 : i32
      %mul3A_89 = arith.muli %shift_right_arithmetic3A_87, %mul3A_88 : i32
      %multiple_of3A_90 = tpu.assume_multiple %mul3A_89, 128 : i32
      %dma_start3A_91 = arith.constant 1 : i32
      %dma_start3A_92 = arith.constant 0 : i32
      %dma_start3A_93 = arith.constant 0 : i32
      %dma_start3A_94 = tpu.memref_slice %arg12[%dma_start3A_91, %dma_start3A_92, %dma_start3A_93] : memref<8x32x128xf32, #tpu.memory_space<vmem>> -> memref<1x32x128xf32, #tpu.memory_space<vmem>>
      %dma_start3A_95 = tpu.memref_squeeze %dma_start3A_94 : memref<1x32x128xf32, #tpu.memory_space<vmem>> -> memref<32x128xf32, #tpu.memory_space<vmem>>
      %dma_start3A_96 = arith.constant 0 : i32
      %dma_start3A_97 = tpu.memref_slice %arg4[%dma_start3A_96, %multiple_of3A_85] : memref<32x1000000xf32, #tpu.memory_space<hbm>> -> memref<32x128xf32, #tpu.memory_space<hbm>>
      %dma_start3A_98 = arith.constant 0 : i32
      %dma_start3A_99 = arith.constant 0 : i32
      %dma_start3A_100 = tpu.memref_slice %arg12[%dma_start3A_91, %dma_start3A_98, %dma_start3A_99] : memref<8x32x128xf32, #tpu.memory_space<vmem>> -> memref<1x32x128xf32, #tpu.memory_space<vmem>>
      %dma_start3A_101 = tpu.memref_squeeze %dma_start3A_100 : memref<1x32x128xf32, #tpu.memory_space<vmem>> -> memref<32x128xf32, #tpu.memory_space<vmem>>
      %dma_start3A_102 = arith.constant 0 : i32
      %dma_start3A_103 = tpu.memref_slice %arg4[%dma_start3A_102, %multiple_of3A_85] : memref<32x1000000xf32, #tpu.memory_space<hbm>> -> memref<32x128xf32, #tpu.memory_space<hbm>>
      tpu.enqueue_dma source(%dma_start3A_103 : memref<32x128xf32, #tpu.memory_space<hbm>>) target(%dma_start3A_101 : memref<32x128xf32, #tpu.memory_space<vmem>>) target_semaphore(%arg18 : memref<!tpu.dma_semaphore, #tpu.memory_space<semaphore_mem>>)
      %dma_start3A_104 = arith.constant 1 : i32
      %dma_start3A_105 = arith.constant 0 : i32
      %dma_start3A_106 = arith.constant 0 : i32
      %dma_start3A_107 = tpu.memref_slice %arg13[%dma_start3A_104, %dma_start3A_105, %dma_start3A_106] : memref<8x32x128xf32, #tpu.memory_space<vmem>> -> memref<1x32x128xf32, #tpu.memory_space<vmem>>
      %dma_start3A_108 = tpu.memref_squeeze %dma_start3A_107 : memref<1x32x128xf32, #tpu.memory_space<vmem>> -> memref<32x128xf32, #tpu.memory_space<vmem>>
      %dma_start3A_109 = arith.constant 0 : i32
      %dma_start3A_110 = tpu.memref_slice %arg5[%dma_start3A_109, %multiple_of3A_90] : memref<32x1000000xf32, #tpu.memory_space<hbm>> -> memref<32x128xf32, #tpu.memory_space<hbm>>
      %dma_start3A_111 = arith.constant 0 : i32
      %dma_start3A_112 = arith.constant 0 : i32
      %dma_start3A_113 = tpu.memref_slice %arg13[%dma_start3A_104, %dma_start3A_111, %dma_start3A_112] : memref<8x32x128xf32, #tpu.memory_space<vmem>> -> memref<1x32x128xf32, #tpu.memory_space<vmem>>
      %dma_start3A_114 = tpu.memref_squeeze %dma_start3A_113 : memref<1x32x128xf32, #tpu.memory_space<vmem>> -> memref<32x128xf32, #tpu.memory_space<vmem>>
      %dma_start3A_115 = arith.constant 0 : i32
      %dma_start3A_116 = tpu.memref_slice %arg5[%dma_start3A_115, %multiple_of3A_90] : memref<32x1000000xf32, #tpu.memory_space<hbm>> -> memref<32x128xf32, #tpu.memory_space<hbm>>
      tpu.enqueue_dma source(%dma_start3A_116 : memref<32x128xf32, #tpu.memory_space<hbm>>) target(%dma_start3A_114 : memref<32x128xf32, #tpu.memory_space<vmem>>) target_semaphore(%arg18 : memref<!tpu.dma_semaphore, #tpu.memory_space<semaphore_mem>>)
      %dma_start3A_117 = arith.constant 1 : i32
      %dma_start3A_118 = arith.constant 0 : i32
      %dma_start3A_119 = arith.constant 0 : i32
      %dma_start3A_120 = tpu.memref_slice %arg14[%dma_start3A_117, %dma_start3A_118, %dma_start3A_119] : memref<8x16x128xf32, #tpu.memory_space<vmem>> -> memref<1x16x128xf32, #tpu.memory_space<vmem>>
      %dma_start3A_121 = tpu.memref_squeeze %dma_start3A_120 : memref<1x16x128xf32, #tpu.memory_space<vmem>> -> memref<16x128xf32, #tpu.memory_space<vmem>>
      %dma_start3A_122 = arith.constant 0 : i32
      %dma_start3A_123 = tpu.memref_slice %arg6[%dma_start3A_122, %multiple_of3A_85] : memref<16x1000000xf32, #tpu.memory_space<hbm>> -> memref<16x128xf32, #tpu.memory_space<hbm>>
      %dma_start3A_124 = arith.constant 0 : i32
      %dma_start3A_125 = arith.constant 0 : i32
      %dma_start3A_126 = tpu.memref_slice %arg14[%dma_start3A_117, %dma_start3A_124, %dma_start3A_125] : memref<8x16x128xf32, #tpu.memory_space<vmem>> -> memref<1x16x128xf32, #tpu.memory_space<vmem>>
      %dma_start3A_127 = tpu.memref_squeeze %dma_start3A_126 : memref<1x16x128xf32, #tpu.memory_space<vmem>> -> memref<16x128xf32, #tpu.memory_space<vmem>>
      %dma_start3A_128 = arith.constant 0 : i32
      %dma_start3A_129 = tpu.memref_slice %arg6[%dma_start3A_128, %multiple_of3A_85] : memref<16x1000000xf32, #tpu.memory_space<hbm>> -> memref<16x128xf32, #tpu.memory_space<hbm>>
      tpu.enqueue_dma source(%dma_start3A_129 : memref<16x128xf32, #tpu.memory_space<hbm>>) target(%dma_start3A_127 : memref<16x128xf32, #tpu.memory_space<vmem>>) target_semaphore(%arg18 : memref<!tpu.dma_semaphore, #tpu.memory_space<semaphore_mem>>)
      %dma_start3A_130 = arith.constant 1 : i32
      %dma_start3A_131 = arith.constant 0 : i32
      %dma_start3A_132 = arith.constant 0 : i32
      %dma_start3A_133 = tpu.memref_slice %arg15[%dma_start3A_130, %dma_start3A_131, %dma_start3A_132] : memref<8x16x128xf32, #tpu.memory_space<vmem>> -> memref<1x16x128xf32, #tpu.memory_space<vmem>>
      %dma_start3A_134 = tpu.memref_squeeze %dma_start3A_133 : memref<1x16x128xf32, #tpu.memory_space<vmem>> -> memref<16x128xf32, #tpu.memory_space<vmem>>
      %dma_start3A_135 = arith.constant 0 : i32
      %dma_start3A_136 = tpu.memref_slice %arg7[%dma_start3A_135, %multiple_of3A_90] : memref<16x1000000xf32, #tpu.memory_space<hbm>> -> memref<16x128xf32, #tpu.memory_space<hbm>>
      %dma_start3A_137 = arith.constant 0 : i32
      %dma_start3A_138 = arith.constant 0 : i32
      %dma_start3A_139 = tpu.memref_slice %arg15[%dma_start3A_130, %dma_start3A_137, %dma_start3A_138] : memref<8x16x128xf32, #tpu.memory_space<vmem>> -> memref<1x16x128xf32, #tpu.memory_space<vmem>>
      %dma_start3A_140 = tpu.memref_squeeze %dma_start3A_139 : memref<1x16x128xf32, #tpu.memory_space<vmem>> -> memref<16x128xf32, #tpu.memory_space<vmem>>
      %dma_start3A_141 = arith.constant 0 : i32
      %dma_start3A_142 = tpu.memref_slice %arg7[%dma_start3A_141, %multiple_of3A_90] : memref<16x1000000xf32, #tpu.memory_space<hbm>> -> memref<16x128xf32, #tpu.memory_space<hbm>>
      tpu.enqueue_dma source(%dma_start3A_142 : memref<16x128xf32, #tpu.memory_space<hbm>>) target(%dma_start3A_140 : memref<16x128xf32, #tpu.memory_space<vmem>>) target_semaphore(%arg18 : memref<!tpu.dma_semaphore, #tpu.memory_space<semaphore_mem>>)
      %slice3A_143 = vector.extract_strided_slice %get3A_11 {offsets = [2], sizes = [1], strides = [1]} : vector<16xi32> to vector<1xi32>
      %squeeze3A_144 = vector.extract %slice3A_143[0] : i32 from vector<1xi32>
      %slice3A_145 = vector.extract_strided_slice %get3A_15 {offsets = [2], sizes = [1], strides = [1]} : vector<16xi32> to vector<1xi32>
      %squeeze3A_146 = vector.extract %slice3A_145[0] : i32 from vector<1xi32>
      %shift_right_arithmetic3A_147 = arith.constant 7 : i32
      %shift_right_arithmetic3A_148 = arith.shrsi %squeeze3A_144, %shift_right_arithmetic3A_147 : i32
      %mul3A_149 = arith.constant 128 : i32
      %mul3A_150 = arith.muli %shift_right_arithmetic3A_148, %mul3A_149 : i32
      %multiple_of3A_151 = tpu.assume_multiple %mul3A_150, 128 : i32
      %shift_right_arithmetic3A_152 = arith.constant 7 : i32
      %shift_right_arithmetic3A_153 = arith.shrsi %squeeze3A_146, %shift_right_arithmetic3A_152 : i32
      %mul3A_154 = arith.constant 128 : i32
      %mul3A_155 = arith.muli %shift_right_arithmetic3A_153, %mul3A_154 : i32
      %multiple_of3A_156 = tpu.assume_multiple %mul3A_155, 128 : i32
      %dma_start3A_157 = arith.constant 2 : i32
      %dma_start3A_158 = arith.constant 0 : i32
      %dma_start3A_159 = arith.constant 0 : i32
      %dma_start3A_160 = tpu.memref_slice %arg12[%dma_start3A_157, %dma_start3A_158, %dma_start3A_159] : memref<8x32x128xf32, #tpu.memory_space<vmem>> -> memref<1x32x128xf32, #tpu.memory_space<vmem>>
      %dma_start3A_161 = tpu.memref_squeeze %dma_start3A_160 : memref<1x32x128xf32, #tpu.memory_space<vmem>> -> memref<32x128xf32, #tpu.memory_space<vmem>>
      %dma_start3A_162 = arith.constant 0 : i32
      %dma_start3A_163 = tpu.memref_slice %arg4[%dma_start3A_162, %multiple_of3A_151] : memref<32x1000000xf32, #tpu.memory_space<hbm>> -> memref<32x128xf32, #tpu.memory_space<hbm>>
      %dma_start3A_164 = arith.constant 0 : i32
      %dma_start3A_165 = arith.constant 0 : i32
      %dma_start3A_166 = tpu.memref_slice %arg12[%dma_start3A_157, %dma_start3A_164, %dma_start3A_165] : memref<8x32x128xf32, #tpu.memory_space<vmem>> -> memref<1x32x128xf32, #tpu.memory_space<vmem>>
      %dma_start3A_167 = tpu.memref_squeeze %dma_start3A_166 : memref<1x32x128xf32, #tpu.memory_space<vmem>> -> memref<32x128xf32, #tpu.memory_space<vmem>>
      %dma_start3A_168 = arith.constant 0 : i32
      %dma_start3A_169 = tpu.memref_slice %arg4[%dma_start3A_168, %multiple_of3A_151] : memref<32x1000000xf32, #tpu.memory_space<hbm>> -> memref<32x128xf32, #tpu.memory_space<hbm>>
      tpu.enqueue_dma source(%dma_start3A_169 : memref<32x128xf32, #tpu.memory_space<hbm>>) target(%dma_start3A_167 : memref<32x128xf32, #tpu.memory_space<vmem>>) target_semaphore(%arg18 : memref<!tpu.dma_semaphore, #tpu.memory_space<semaphore_mem>>)
      %dma_start3A_170 = arith.constant 2 : i32
      %dma_start3A_171 = arith.constant 0 : i32
      %dma_start3A_172 = arith.constant 0 : i32
      %dma_start3A_173 = tpu.memref_slice %arg13[%dma_start3A_170, %dma_start3A_171, %dma_start3A_172] : memref<8x32x128xf32, #tpu.memory_space<vmem>> -> memref<1x32x128xf32, #tpu.memory_space<vmem>>
      %dma_start3A_174 = tpu.memref_squeeze %dma_start3A_173 : memref<1x32x128xf32, #tpu.memory_space<vmem>> -> memref<32x128xf32, #tpu.memory_space<vmem>>
      %dma_start3A_175 = arith.constant 0 : i32
      %dma_start3A_176 = tpu.memref_slice %arg5[%dma_start3A_175, %multiple_of3A_156] : memref<32x1000000xf32, #tpu.memory_space<hbm>> -> memref<32x128xf32, #tpu.memory_space<hbm>>
      %dma_start3A_177 = arith.constant 0 : i32
      %dma_start3A_178 = arith.constant 0 : i32
      %dma_start3A_179 = tpu.memref_slice %arg13[%dma_start3A_170, %dma_start3A_177, %dma_start3A_178] : memref<8x32x128xf32, #tpu.memory_space<vmem>> -> memref<1x32x128xf32, #tpu.memory_space<vmem>>
      %dma_start3A_180 = tpu.memref_squeeze %dma_start3A_179 : memref<1x32x128xf32, #tpu.memory_space<vmem>> -> memref<32x128xf32, #tpu.memory_space<vmem>>
      %dma_start3A_181 = arith.constant 0 : i32
      %dma_start3A_182 = tpu.memref_slice %arg5[%dma_start3A_181, %multiple_of3A_156] : memref<32x1000000xf32, #tpu.memory_space<hbm>> -> memref<32x128xf32, #tpu.memory_space<hbm>>
      tpu.enqueue_dma source(%dma_start3A_182 : memref<32x128xf32, #tpu.memory_space<hbm>>) target(%dma_start3A_180 : memref<32x128xf32, #tpu.memory_space<vmem>>) target_semaphore(%arg18 : memref<!tpu.dma_semaphore, #tpu.memory_space<semaphore_mem>>)
      %dma_start3A_183 = arith.constant 2 : i32
      %dma_start3A_184 = arith.constant 0 : i32
      %dma_start3A_185 = arith.constant 0 : i32
      %dma_start3A_186 = tpu.memref_slice %arg14[%dma_start3A_183, %dma_start3A_184, %dma_start3A_185] : memref<8x16x128xf32, #tpu.memory_space<vmem>> -> memref<1x16x128xf32, #tpu.memory_space<vmem>>
      %dma_start3A_187 = tpu.memref_squeeze %dma_start3A_186 : memref<1x16x128xf32, #tpu.memory_space<vmem>> -> memref<16x128xf32, #tpu.memory_space<vmem>>
      %dma_start3A_188 = arith.constant 0 : i32
      %dma_start3A_189 = tpu.memref_slice %arg6[%dma_start3A_188, %multiple_of3A_151] : memref<16x1000000xf32, #tpu.memory_space<hbm>> -> memref<16x128xf32, #tpu.memory_space<hbm>>
      %dma_start3A_190 = arith.constant 0 : i32
      %dma_start3A_191 = arith.constant 0 : i32
      %dma_start3A_192 = tpu.memref_slice %arg14[%dma_start3A_183, %dma_start3A_190, %dma_start3A_191] : memref<8x16x128xf32, #tpu.memory_space<vmem>> -> memref<1x16x128xf32, #tpu.memory_space<vmem>>
      %dma_start3A_193 = tpu.memref_squeeze %dma_start3A_192 : memref<1x16x128xf32, #tpu.memory_space<vmem>> -> memref<16x128xf32, #tpu.memory_space<vmem>>
      %dma_start3A_194 = arith.constant 0 : i32
      %dma_start3A_195 = tpu.memref_slice %arg6[%dma_start3A_194, %multiple_of3A_151] : memref<16x1000000xf32, #tpu.memory_space<hbm>> -> memref<16x128xf32, #tpu.memory_space<hbm>>
      tpu.enqueue_dma source(%dma_start3A_195 : memref<16x128xf32, #tpu.memory_space<hbm>>) target(%dma_start3A_193 : memref<16x128xf32, #tpu.memory_space<vmem>>) target_semaphore(%arg18 : memref<!tpu.dma_semaphore, #tpu.memory_space<semaphore_mem>>)
      %dma_start3A_196 = arith.constant 2 : i32
      %dma_start3A_197 = arith.constant 0 : i32
      %dma_start3A_198 = arith.constant 0 : i32
      %dma_start3A_199 = tpu.memref_slice %arg15[%dma_start3A_196, %dma_start3A_197, %dma_start3A_198] : memref<8x16x128xf32, #tpu.memory_space<vmem>> -> memref<1x16x128xf32, #tpu.memory_space<vmem>>
      %dma_start3A_200 = tpu.memref_squeeze %dma_start3A_199 : memref<1x16x128xf32, #tpu.memory_space<vmem>> -> memref<16x128xf32, #tpu.memory_space<vmem>>
      %dma_start3A_201 = arith.constant 0 : i32
      %dma_start3A_202 = tpu.memref_slice %arg7[%dma_start3A_201, %multiple_of3A_156] : memref<16x1000000xf32, #tpu.memory_space<hbm>> -> memref<16x128xf32, #tpu.memory_space<hbm>>
      %dma_start3A_203 = arith.constant 0 : i32
      %dma_start3A_204 = arith.constant 0 : i32
      %dma_start3A_205 = tpu.memref_slice %arg15[%dma_start3A_196, %dma_start3A_203, %dma_start3A_204] : memref<8x16x128xf32, #tpu.memory_space<vmem>> -> memref<1x16x128xf32, #tpu.memory_space<vmem>>
      %dma_start3A_206 = tpu.memref_squeeze %dma_start3A_205 : memref<1x16x128xf32, #tpu.memory_space<vmem>> -> memref<16x128xf32, #tpu.memory_space<vmem>>
      %dma_start3A_207 = arith.constant 0 : i32
      %dma_start3A_208 = tpu.memref_slice %arg7[%dma_start3A_207, %multiple_of3A_156] : memref<16x1000000xf32, #tpu.memory_space<hbm>> -> memref<16x128xf32, #tpu.memory_space<hbm>>
      tpu.enqueue_dma source(%dma_start3A_208 : memref<16x128xf32, #tpu.memory_space<hbm>>) target(%dma_start3A_206 : memref<16x128xf32, #tpu.memory_space<vmem>>) target_semaphore(%arg18 : memref<!tpu.dma_semaphore, #tpu.memory_space<semaphore_mem>>)
      %slice3A_209 = vector.extract_strided_slice %get3A_11 {offsets = [3], sizes = [1], strides = [1]} : vector<16xi32> to vector<1xi32>
      %squeeze3A_210 = vector.extract %slice3A_209[0] : i32 from vector<1xi32>
      %slice3A_211 = vector.extract_strided_slice %get3A_15 {offsets = [3], sizes = [1], strides = [1]} : vector<16xi32> to vector<1xi32>
      %squeeze3A_212 = vector.extract %slice3A_211[0] : i32 from vector<1xi32>
      %shift_right_arithmetic3A_213 = arith.constant 7 : i32
      %shift_right_arithmetic3A_214 = arith.shrsi %squeeze3A_210, %shift_right_arithmetic3A_213 : i32
      %mul3A_215 = arith.constant 128 : i32
      %mul3A_216 = arith.muli %shift_right_arithmetic3A_214, %mul3A_215 : i32
      %multiple_of3A_217 = tpu.assume_multiple %mul3A_216, 128 : i32
      %shift_right_arithmetic3A_218 = arith.constant 7 : i32
      %shift_right_arithmetic3A_219 = arith.shrsi %squeeze3A_212, %shift_right_arithmetic3A_218 : i32
      %mul3A_220 = arith.constant 128 : i32
      %mul3A_221 = arith.muli %shift_right_arithmetic3A_219, %mul3A_220 : i32
      %multiple_of3A_222 = tpu.assume_multiple %mul3A_221, 128 : i32
      %dma_start3A_223 = arith.constant 3 : i32
      %dma_start3A_224 = arith.constant 0 : i32
      %dma_start3A_225 = arith.constant 0 : i32
      %dma_start3A_226 = tpu.memref_slice %arg12[%dma_start3A_223, %dma_start3A_224, %dma_start3A_225] : memref<8x32x128xf32, #tpu.memory_space<vmem>> -> memref<1x32x128xf32, #tpu.memory_space<vmem>>
      %dma_start3A_227 = tpu.memref_squeeze %dma_start3A_226 : memref<1x32x128xf32, #tpu.memory_space<vmem>> -> memref<32x128xf32, #tpu.memory_space<vmem>>
      %dma_start3A_228 = arith.constant 0 : i32
      %dma_start3A_229 = tpu.memref_slice %arg4[%dma_start3A_228, %multiple_of3A_217] : memref<32x1000000xf32, #tpu.memory_space<hbm>> -> memref<32x128xf32, #tpu.memory_space<hbm>>
      %dma_start3A_230 = arith.constant 0 : i32
      %dma_start3A_231 = arith.constant 0 : i32
      %dma_start3A_232 = tpu.memref_slice %arg12[%dma_start3A_223, %dma_start3A_230, %dma_start3A_231] : memref<8x32x128xf32, #tpu.memory_space<vmem>> -> memref<1x32x128xf32, #tpu.memory_space<vmem>>
      %dma_start3A_233 = tpu.memref_squeeze %dma_start3A_232 : memref<1x32x128xf32, #tpu.memory_space<vmem>> -> memref<32x128xf32, #tpu.memory_space<vmem>>
      %dma_start3A_234 = arith.constant 0 : i32
      %dma_start3A_235 = tpu.memref_slice %arg4[%dma_start3A_234, %multiple_of3A_217] : memref<32x1000000xf32, #tpu.memory_space<hbm>> -> memref<32x128xf32, #tpu.memory_space<hbm>>
      tpu.enqueue_dma source(%dma_start3A_235 : memref<32x128xf32, #tpu.memory_space<hbm>>) target(%dma_start3A_233 : memref<32x128xf32, #tpu.memory_space<vmem>>) target_semaphore(%arg18 : memref<!tpu.dma_semaphore, #tpu.memory_space<semaphore_mem>>)
      %dma_start3A_236 = arith.constant 3 : i32
      %dma_start3A_237 = arith.constant 0 : i32
      %dma_start3A_238 = arith.constant 0 : i32
      %dma_start3A_239 = tpu.memref_slice %arg13[%dma_start3A_236, %dma_start3A_237, %dma_start3A_238] : memref<8x32x128xf32, #tpu.memory_space<vmem>> -> memref<1x32x128xf32, #tpu.memory_space<vmem>>
      %dma_start3A_240 = tpu.memref_squeeze %dma_start3A_239 : memref<1x32x128xf32, #tpu.memory_space<vmem>> -> memref<32x128xf32, #tpu.memory_space<vmem>>
      %dma_start3A_241 = arith.constant 0 : i32
      %dma_start3A_242 = tpu.memref_slice %arg5[%dma_start3A_241, %multiple_of3A_222] : memref<32x1000000xf32, #tpu.memory_space<hbm>> -> memref<32x128xf32, #tpu.memory_space<hbm>>
      %dma_start3A_243 = arith.constant 0 : i32
      %dma_start3A_244 = arith.constant 0 : i32
      %dma_start3A_245 = tpu.memref_slice %arg13[%dma_start3A_236, %dma_start3A_243, %dma_start3A_244] : memref<8x32x128xf32, #tpu.memory_space<vmem>> -> memref<1x32x128xf32, #tpu.memory_space<vmem>>
      %dma_start3A_246 = tpu.memref_squeeze %dma_start3A_245 : memref<1x32x128xf32, #tpu.memory_space<vmem>> -> memref<32x128xf32, #tpu.memory_space<vmem>>
      %dma_start3A_247 = arith.constant 0 : i32
      %dma_start3A_248 = tpu.memref_slice %arg5[%dma_start3A_247, %multiple_of3A_222] : memref<32x1000000xf32, #tpu.memory_space<hbm>> -> memref<32x128xf32, #tpu.memory_space<hbm>>
      tpu.enqueue_dma source(%dma_start3A_248 : memref<32x128xf32, #tpu.memory_space<hbm>>) target(%dma_start3A_246 : memref<32x128xf32, #tpu.memory_space<vmem>>) target_semaphore(%arg18 : memref<!tpu.dma_semaphore, #tpu.memory_space<semaphore_mem>>)
      %dma_start3A_249 = arith.constant 3 : i32
      %dma_start3A_250 = arith.constant 0 : i32
      %dma_start3A_251 = arith.constant 0 : i32
      %dma_start3A_252 = tpu.memref_slice %arg14[%dma_start3A_249, %dma_start3A_250, %dma_start3A_251] : memref<8x16x128xf32, #tpu.memory_space<vmem>> -> memref<1x16x128xf32, #tpu.memory_space<vmem>>
      %dma_start3A_253 = tpu.memref_squeeze %dma_start3A_252 : memref<1x16x128xf32, #tpu.memory_space<vmem>> -> memref<16x128xf32, #tpu.memory_space<vmem>>
      %dma_start3A_254 = arith.constant 0 : i32
      %dma_start3A_255 = tpu.memref_slice %arg6[%dma_start3A_254, %multiple_of3A_217] : memref<16x1000000xf32, #tpu.memory_space<hbm>> -> memref<16x128xf32, #tpu.memory_space<hbm>>
      %dma_start3A_256 = arith.constant 0 : i32
      %dma_start3A_257 = arith.constant 0 : i32
      %dma_start3A_258 = tpu.memref_slice %arg14[%dma_start3A_249, %dma_start3A_256, %dma_start3A_257] : memref<8x16x128xf32, #tpu.memory_space<vmem>> -> memref<1x16x128xf32, #tpu.memory_space<vmem>>
      %dma_start3A_259 = tpu.memref_squeeze %dma_start3A_258 : memref<1x16x128xf32, #tpu.memory_space<vmem>> -> memref<16x128xf32, #tpu.memory_space<vmem>>
      %dma_start3A_260 = arith.constant 0 : i32
      %dma_start3A_261 = tpu.memref_slice %arg6[%dma_start3A_260, %multiple_of3A_217] : memref<16x1000000xf32, #tpu.memory_space<hbm>> -> memref<16x128xf32, #tpu.memory_space<hbm>>
      tpu.enqueue_dma source(%dma_start3A_261 : memref<16x128xf32, #tpu.memory_space<hbm>>) target(%dma_start3A_259 : memref<16x128xf32, #tpu.memory_space<vmem>>) target_semaphore(%arg18 : memref<!tpu.dma_semaphore, #tpu.memory_space<semaphore_mem>>)
      %dma_start3A_262 = arith.constant 3 : i32
      %dma_start3A_263 = arith.constant 0 : i32
      %dma_start3A_264 = arith.constant 0 : i32
      %dma_start3A_265 = tpu.memref_slice %arg15[%dma_start3A_262, %dma_start3A_263, %dma_start3A_264] : memref<8x16x128xf32, #tpu.memory_space<vmem>> -> memref<1x16x128xf32, #tpu.memory_space<vmem>>
      %dma_start3A_266 = tpu.memref_squeeze %dma_start3A_265 : memref<1x16x128xf32, #tpu.memory_space<vmem>> -> memref<16x128xf32, #tpu.memory_space<vmem>>
      %dma_start3A_267 = arith.constant 0 : i32
      %dma_start3A_268 = tpu.memref_slice %arg7[%dma_start3A_267, %multiple_of3A_222] : memref<16x1000000xf32, #tpu.memory_space<hbm>> -> memref<16x128xf32, #tpu.memory_space<hbm>>
      %dma_start3A_269 = arith.constant 0 : i32
      %dma_start3A_270 = arith.constant 0 : i32
      %dma_start3A_271 = tpu.memref_slice %arg15[%dma_start3A_262, %dma_start3A_269, %dma_start3A_270] : memref<8x16x128xf32, #tpu.memory_space<vmem>> -> memref<1x16x128xf32, #tpu.memory_space<vmem>>
      %dma_start3A_272 = tpu.memref_squeeze %dma_start3A_271 : memref<1x16x128xf32, #tpu.memory_space<vmem>> -> memref<16x128xf32, #tpu.memory_space<vmem>>
      %dma_start3A_273 = arith.constant 0 : i32
      %dma_start3A_274 = tpu.memref_slice %arg7[%dma_start3A_273, %multiple_of3A_222] : memref<16x1000000xf32, #tpu.memory_space<hbm>> -> memref<16x128xf32, #tpu.memory_space<hbm>>
      tpu.enqueue_dma source(%dma_start3A_274 : memref<16x128xf32, #tpu.memory_space<hbm>>) target(%dma_start3A_272 : memref<16x128xf32, #tpu.memory_space<vmem>>) target_semaphore(%arg18 : memref<!tpu.dma_semaphore, #tpu.memory_space<semaphore_mem>>)
      %slice3A_275 = vector.extract_strided_slice %get3A_11 {offsets = [4], sizes = [1], strides = [1]} : vector<16xi32> to vector<1xi32>
      %squeeze3A_276 = vector.extract %slice3A_275[0] : i32 from vector<1xi32>
      %slice3A_277 = vector.extract_strided_slice %get3A_15 {offsets = [4], sizes = [1], strides = [1]} : vector<16xi32> to vector<1xi32>
      %squeeze3A_278 = vector.extract %slice3A_277[0] : i32 from vector<1xi32>
      %shift_right_arithmetic3A_279 = arith.constant 7 : i32
      %shift_right_arithmetic3A_280 = arith.shrsi %squeeze3A_276, %shift_right_arithmetic3A_279 : i32
      %mul3A_281 = arith.constant 128 : i32
      %mul3A_282 = arith.muli %shift_right_arithmetic3A_280, %mul3A_281 : i32
      %multiple_of3A_283 = tpu.assume_multiple %mul3A_282, 128 : i32
      %shift_right_arithmetic3A_284 = arith.constant 7 : i32
      %shift_right_arithmetic3A_285 = arith.shrsi %squeeze3A_278, %shift_right_arithmetic3A_284 : i32
      %mul3A_286 = arith.constant 128 : i32
      %mul3A_287 = arith.muli %shift_right_arithmetic3A_285, %mul3A_286 : i32
      %multiple_of3A_288 = tpu.assume_multiple %mul3A_287, 128 : i32
      %dma_start3A_289 = arith.constant 4 : i32
      %dma_start3A_290 = arith.constant 0 : i32
      %dma_start3A_291 = arith.constant 0 : i32
      %dma_start3A_292 = tpu.memref_slice %arg12[%dma_start3A_289, %dma_start3A_290, %dma_start3A_291] : memref<8x32x128xf32, #tpu.memory_space<vmem>> -> memref<1x32x128xf32, #tpu.memory_space<vmem>>
      %dma_start3A_293 = tpu.memref_squeeze %dma_start3A_292 : memref<1x32x128xf32, #tpu.memory_space<vmem>> -> memref<32x128xf32, #tpu.memory_space<vmem>>
      %dma_start3A_294 = arith.constant 0 : i32
      %dma_start3A_295 = tpu.memref_slice %arg4[%dma_start3A_294, %multiple_of3A_283] : memref<32x1000000xf32, #tpu.memory_space<hbm>> -> memref<32x128xf32, #tpu.memory_space<hbm>>
      %dma_start3A_296 = arith.constant 0 : i32
      %dma_start3A_297 = arith.constant 0 : i32
      %dma_start3A_298 = tpu.memref_slice %arg12[%dma_start3A_289, %dma_start3A_296, %dma_start3A_297] : memref<8x32x128xf32, #tpu.memory_space<vmem>> -> memref<1x32x128xf32, #tpu.memory_space<vmem>>
      %dma_start3A_299 = tpu.memref_squeeze %dma_start3A_298 : memref<1x32x128xf32, #tpu.memory_space<vmem>> -> memref<32x128xf32, #tpu.memory_space<vmem>>
      %dma_start3A_300 = arith.constant 0 : i32
      %dma_start3A_301 = tpu.memref_slice %arg4[%dma_start3A_300, %multiple_of3A_283] : memref<32x1000000xf32, #tpu.memory_space<hbm>> -> memref<32x128xf32, #tpu.memory_space<hbm>>
      tpu.enqueue_dma source(%dma_start3A_301 : memref<32x128xf32, #tpu.memory_space<hbm>>) target(%dma_start3A_299 : memref<32x128xf32, #tpu.memory_space<vmem>>) target_semaphore(%arg18 : memref<!tpu.dma_semaphore, #tpu.memory_space<semaphore_mem>>)
      %dma_start3A_302 = arith.constant 4 : i32
      %dma_start3A_303 = arith.constant 0 : i32
      %dma_start3A_304 = arith.constant 0 : i32
      %dma_start3A_305 = tpu.memref_slice %arg13[%dma_start3A_302, %dma_start3A_303, %dma_start3A_304] : memref<8x32x128xf32, #tpu.memory_space<vmem>> -> memref<1x32x128xf32, #tpu.memory_space<vmem>>
      %dma_start3A_306 = tpu.memref_squeeze %dma_start3A_305 : memref<1x32x128xf32, #tpu.memory_space<vmem>> -> memref<32x128xf32, #tpu.memory_space<vmem>>
      %dma_start3A_307 = arith.constant 0 : i32
      %dma_start3A_308 = tpu.memref_slice %arg5[%dma_start3A_307, %multiple_of3A_288] : memref<32x1000000xf32, #tpu.memory_space<hbm>> -> memref<32x128xf32, #tpu.memory_space<hbm>>
      %dma_start3A_309 = arith.constant 0 : i32
      %dma_start3A_310 = arith.constant 0 : i32
      %dma_start3A_311 = tpu.memref_slice %arg13[%dma_start3A_302, %dma_start3A_309, %dma_start3A_310] : memref<8x32x128xf32, #tpu.memory_space<vmem>> -> memref<1x32x128xf32, #tpu.memory_space<vmem>>
      %dma_start3A_312 = tpu.memref_squeeze %dma_start3A_311 : memref<1x32x128xf32, #tpu.memory_space<vmem>> -> memref<32x128xf32, #tpu.memory_space<vmem>>
      %dma_start3A_313 = arith.constant 0 : i32
      %dma_start3A_314 = tpu.memref_slice %arg5[%dma_start3A_313, %multiple_of3A_288] : memref<32x1000000xf32, #tpu.memory_space<hbm>> -> memref<32x128xf32, #tpu.memory_space<hbm>>
      tpu.enqueue_dma source(%dma_start3A_314 : memref<32x128xf32, #tpu.memory_space<hbm>>) target(%dma_start3A_312 : memref<32x128xf32, #tpu.memory_space<vmem>>) target_semaphore(%arg18 : memref<!tpu.dma_semaphore, #tpu.memory_space<semaphore_mem>>)
      %dma_start3A_315 = arith.constant 4 : i32
      %dma_start3A_316 = arith.constant 0 : i32
      %dma_start3A_317 = arith.constant 0 : i32
      %dma_start3A_318 = tpu.memref_slice %arg14[%dma_start3A_315, %dma_start3A_316, %dma_start3A_317] : memref<8x16x128xf32, #tpu.memory_space<vmem>> -> memref<1x16x128xf32, #tpu.memory_space<vmem>>
      %dma_start3A_319 = tpu.memref_squeeze %dma_start3A_318 : memref<1x16x128xf32, #tpu.memory_space<vmem>> -> memref<16x128xf32, #tpu.memory_space<vmem>>
      %dma_start3A_320 = arith.constant 0 : i32
      %dma_start3A_321 = tpu.memref_slice %arg6[%dma_start3A_320, %multiple_of3A_283] : memref<16x1000000xf32, #tpu.memory_space<hbm>> -> memref<16x128xf32, #tpu.memory_space<hbm>>
      %dma_start3A_322 = arith.constant 0 : i32
      %dma_start3A_323 = arith.constant 0 : i32
      %dma_start3A_324 = tpu.memref_slice %arg14[%dma_start3A_315, %dma_start3A_322, %dma_start3A_323] : memref<8x16x128xf32, #tpu.memory_space<vmem>> -> memref<1x16x128xf32, #tpu.memory_space<vmem>>
      %dma_start3A_325 = tpu.memref_squeeze %dma_start3A_324 : memref<1x16x128xf32, #tpu.memory_space<vmem>> -> memref<16x128xf32, #tpu.memory_space<vmem>>
      %dma_start3A_326 = arith.constant 0 : i32
      %dma_start3A_327 = tpu.memref_slice %arg6[%dma_start3A_326, %multiple_of3A_283] : memref<16x1000000xf32, #tpu.memory_space<hbm>> -> memref<16x128xf32, #tpu.memory_space<hbm>>
      tpu.enqueue_dma source(%dma_start3A_327 : memref<16x128xf32, #tpu.memory_space<hbm>>) target(%dma_start3A_325 : memref<16x128xf32, #tpu.memory_space<vmem>>) target_semaphore(%arg18 : memref<!tpu.dma_semaphore, #tpu.memory_space<semaphore_mem>>)
      %dma_start3A_328 = arith.constant 4 : i32
      %dma_start3A_329 = arith.constant 0 : i32
      %dma_start3A_330 = arith.constant 0 : i32
      %dma_start3A_331 = tpu.memref_slice %arg15[%dma_start3A_328, %dma_start3A_329, %dma_start3A_330] : memref<8x16x128xf32, #tpu.memory_space<vmem>> -> memref<1x16x128xf32, #tpu.memory_space<vmem>>
      %dma_start3A_332 = tpu.memref_squeeze %dma_start3A_331 : memref<1x16x128xf32, #tpu.memory_space<vmem>> -> memref<16x128xf32, #tpu.memory_space<vmem>>
      %dma_start3A_333 = arith.constant 0 : i32
      %dma_start3A_334 = tpu.memref_slice %arg7[%dma_start3A_333, %multiple_of3A_288] : memref<16x1000000xf32, #tpu.memory_space<hbm>> -> memref<16x128xf32, #tpu.memory_space<hbm>>
      %dma_start3A_335 = arith.constant 0 : i32
      %dma_start3A_336 = arith.constant 0 : i32
      %dma_start3A_337 = tpu.memref_slice %arg15[%dma_start3A_328, %dma_start3A_335, %dma_start3A_336] : memref<8x16x128xf32, #tpu.memory_space<vmem>> -> memref<1x16x128xf32, #tpu.memory_space<vmem>>
      %dma_start3A_338 = tpu.memref_squeeze %dma_start3A_337 : memref<1x16x128xf32, #tpu.memory_space<vmem>> -> memref<16x128xf32, #tpu.memory_space<vmem>>
      %dma_start3A_339 = arith.constant 0 : i32
      %dma_start3A_340 = tpu.memref_slice %arg7[%dma_start3A_339, %multiple_of3A_288] : memref<16x1000000xf32, #tpu.memory_space<hbm>> -> memref<16x128xf32, #tpu.memory_space<hbm>>
      tpu.enqueue_dma source(%dma_start3A_340 : memref<16x128xf32, #tpu.memory_space<hbm>>) target(%dma_start3A_338 : memref<16x128xf32, #tpu.memory_space<vmem>>) target_semaphore(%arg18 : memref<!tpu.dma_semaphore, #tpu.memory_space<semaphore_mem>>)
      %slice3A_341 = vector.extract_strided_slice %get3A_11 {offsets = [5], sizes = [1], strides = [1]} : vector<16xi32> to vector<1xi32>
      %squeeze3A_342 = vector.extract %slice3A_341[0] : i32 from vector<1xi32>
      %slice3A_343 = vector.extract_strided_slice %get3A_15 {offsets = [5], sizes = [1], strides = [1]} : vector<16xi32> to vector<1xi32>
      %squeeze3A_344 = vector.extract %slice3A_343[0] : i32 from vector<1xi32>
      %shift_right_arithmetic3A_345 = arith.constant 7 : i32
      %shift_right_arithmetic3A_346 = arith.shrsi %squeeze3A_342, %shift_right_arithmetic3A_345 : i32
      %mul3A_347 = arith.constant 128 : i32
      %mul3A_348 = arith.muli %shift_right_arithmetic3A_346, %mul3A_347 : i32
      %multiple_of3A_349 = tpu.assume_multiple %mul3A_348, 128 : i32
      %shift_right_arithmetic3A_350 = arith.constant 7 : i32
      %shift_right_arithmetic3A_351 = arith.shrsi %squeeze3A_344, %shift_right_arithmetic3A_350 : i32
      %mul3A_352 = arith.constant 128 : i32
      %mul3A_353 = arith.muli %shift_right_arithmetic3A_351, %mul3A_352 : i32
      %multiple_of3A_354 = tpu.assume_multiple %mul3A_353, 128 : i32
      %dma_start3A_355 = arith.constant 5 : i32
      %dma_start3A_356 = arith.constant 0 : i32
      %dma_start3A_357 = arith.constant 0 : i32
      %dma_start3A_358 = tpu.memref_slice %arg12[%dma_start3A_355, %dma_start3A_356, %dma_start3A_357] : memref<8x32x128xf32, #tpu.memory_space<vmem>> -> memref<1x32x128xf32, #tpu.memory_space<vmem>>
      %dma_start3A_359 = tpu.memref_squeeze %dma_start3A_358 : memref<1x32x128xf32, #tpu.memory_space<vmem>> -> memref<32x128xf32, #tpu.memory_space<vmem>>
      %dma_start3A_360 = arith.constant 0 : i32
      %dma_start3A_361 = tpu.memref_slice %arg4[%dma_start3A_360, %multiple_of3A_349] : memref<32x1000000xf32, #tpu.memory_space<hbm>> -> memref<32x128xf32, #tpu.memory_space<hbm>>
      %dma_start3A_362 = arith.constant 0 : i32
      %dma_start3A_363 = arith.constant 0 : i32
      %dma_start3A_364 = tpu.memref_slice %arg12[%dma_start3A_355, %dma_start3A_362, %dma_start3A_363] : memref<8x32x128xf32, #tpu.memory_space<vmem>> -> memref<1x32x128xf32, #tpu.memory_space<vmem>>
      %dma_start3A_365 = tpu.memref_squeeze %dma_start3A_364 : memref<1x32x128xf32, #tpu.memory_space<vmem>> -> memref<32x128xf32, #tpu.memory_space<vmem>>
      %dma_start3A_366 = arith.constant 0 : i32
      %dma_start3A_367 = tpu.memref_slice %arg4[%dma_start3A_366, %multiple_of3A_349] : memref<32x1000000xf32, #tpu.memory_space<hbm>> -> memref<32x128xf32, #tpu.memory_space<hbm>>
      tpu.enqueue_dma source(%dma_start3A_367 : memref<32x128xf32, #tpu.memory_space<hbm>>) target(%dma_start3A_365 : memref<32x128xf32, #tpu.memory_space<vmem>>) target_semaphore(%arg18 : memref<!tpu.dma_semaphore, #tpu.memory_space<semaphore_mem>>)
      %dma_start3A_368 = arith.constant 5 : i32
      %dma_start3A_369 = arith.constant 0 : i32
      %dma_start3A_370 = arith.constant 0 : i32
      %dma_start3A_371 = tpu.memref_slice %arg13[%dma_start3A_368, %dma_start3A_369, %dma_start3A_370] : memref<8x32x128xf32, #tpu.memory_space<vmem>> -> memref<1x32x128xf32, #tpu.memory_space<vmem>>
      %dma_start3A_372 = tpu.memref_squeeze %dma_start3A_371 : memref<1x32x128xf32, #tpu.memory_space<vmem>> -> memref<32x128xf32, #tpu.memory_space<vmem>>
      %dma_start3A_373 = arith.constant 0 : i32
      %dma_start3A_374 = tpu.memref_slice %arg5[%dma_start3A_373, %multiple_of3A_354] : memref<32x1000000xf32, #tpu.memory_space<hbm>> -> memref<32x128xf32, #tpu.memory_space<hbm>>
      %dma_start3A_375 = arith.constant 0 : i32
      %dma_start3A_376 = arith.constant 0 : i32
      %dma_start3A_377 = tpu.memref_slice %arg13[%dma_start3A_368, %dma_start3A_375, %dma_start3A_376] : memref<8x32x128xf32, #tpu.memory_space<vmem>> -> memref<1x32x128xf32, #tpu.memory_space<vmem>>
      %dma_start3A_378 = tpu.memref_squeeze %dma_start3A_377 : memref<1x32x128xf32, #tpu.memory_space<vmem>> -> memref<32x128xf32, #tpu.memory_space<vmem>>
      %dma_start3A_379 = arith.constant 0 : i32
      %dma_start3A_380 = tpu.memref_slice %arg5[%dma_start3A_379, %multiple_of3A_354] : memref<32x1000000xf32, #tpu.memory_space<hbm>> -> memref<32x128xf32, #tpu.memory_space<hbm>>
      tpu.enqueue_dma source(%dma_start3A_380 : memref<32x128xf32, #tpu.memory_space<hbm>>) target(%dma_start3A_378 : memref<32x128xf32, #tpu.memory_space<vmem>>) target_semaphore(%arg18 : memref<!tpu.dma_semaphore, #tpu.memory_space<semaphore_mem>>)
      %dma_start3A_381 = arith.constant 5 : i32
      %dma_start3A_382 = arith.constant 0 : i32
      %dma_start3A_383 = arith.constant 0 : i32
      %dma_start3A_384 = tpu.memref_slice %arg14[%dma_start3A_381, %dma_start3A_382, %dma_start3A_383] : memref<8x16x128xf32, #tpu.memory_space<vmem>> -> memref<1x16x128xf32, #tpu.memory_space<vmem>>
      %dma_start3A_385 = tpu.memref_squeeze %dma_start3A_384 : memref<1x16x128xf32, #tpu.memory_space<vmem>> -> memref<16x128xf32, #tpu.memory_space<vmem>>
      %dma_start3A_386 = arith.constant 0 : i32
      %dma_start3A_387 = tpu.memref_slice %arg6[%dma_start3A_386, %multiple_of3A_349] : memref<16x1000000xf32, #tpu.memory_space<hbm>> -> memref<16x128xf32, #tpu.memory_space<hbm>>
      %dma_start3A_388 = arith.constant 0 : i32
      %dma_start3A_389 = arith.constant 0 : i32
      %dma_start3A_390 = tpu.memref_slice %arg14[%dma_start3A_381, %dma_start3A_388, %dma_start3A_389] : memref<8x16x128xf32, #tpu.memory_space<vmem>> -> memref<1x16x128xf32, #tpu.memory_space<vmem>>
      %dma_start3A_391 = tpu.memref_squeeze %dma_start3A_390 : memref<1x16x128xf32, #tpu.memory_space<vmem>> -> memref<16x128xf32, #tpu.memory_space<vmem>>
      %dma_start3A_392 = arith.constant 0 : i32
      %dma_start3A_393 = tpu.memref_slice %arg6[%dma_start3A_392, %multiple_of3A_349] : memref<16x1000000xf32, #tpu.memory_space<hbm>> -> memref<16x128xf32, #tpu.memory_space<hbm>>
      tpu.enqueue_dma source(%dma_start3A_393 : memref<16x128xf32, #tpu.memory_space<hbm>>) target(%dma_start3A_391 : memref<16x128xf32, #tpu.memory_space<vmem>>) target_semaphore(%arg18 : memref<!tpu.dma_semaphore, #tpu.memory_space<semaphore_mem>>)
      %dma_start3A_394 = arith.constant 5 : i32
      %dma_start3A_395 = arith.constant 0 : i32
      %dma_start3A_396 = arith.constant 0 : i32
      %dma_start3A_397 = tpu.memref_slice %arg15[%dma_start3A_394, %dma_start3A_395, %dma_start3A_396] : memref<8x16x128xf32, #tpu.memory_space<vmem>> -> memref<1x16x128xf32, #tpu.memory_space<vmem>>
      %dma_start3A_398 = tpu.memref_squeeze %dma_start3A_397 : memref<1x16x128xf32, #tpu.memory_space<vmem>> -> memref<16x128xf32, #tpu.memory_space<vmem>>
      %dma_start3A_399 = arith.constant 0 : i32
      %dma_start3A_400 = tpu.memref_slice %arg7[%dma_start3A_399, %multiple_of3A_354] : memref<16x1000000xf32, #tpu.memory_space<hbm>> -> memref<16x128xf32, #tpu.memory_space<hbm>>
      %dma_start3A_401 = arith.constant 0 : i32
      %dma_start3A_402 = arith.constant 0 : i32
      %dma_start3A_403 = tpu.memref_slice %arg15[%dma_start3A_394, %dma_start3A_401, %dma_start3A_402] : memref<8x16x128xf32, #tpu.memory_space<vmem>> -> memref<1x16x128xf32, #tpu.memory_space<vmem>>
      %dma_start3A_404 = tpu.memref_squeeze %dma_start3A_403 : memref<1x16x128xf32, #tpu.memory_space<vmem>> -> memref<16x128xf32, #tpu.memory_space<vmem>>
      %dma_start3A_405 = arith.constant 0 : i32
      %dma_start3A_406 = tpu.memref_slice %arg7[%dma_start3A_405, %multiple_of3A_354] : memref<16x1000000xf32, #tpu.memory_space<hbm>> -> memref<16x128xf32, #tpu.memory_space<hbm>>
      tpu.enqueue_dma source(%dma_start3A_406 : memref<16x128xf32, #tpu.memory_space<hbm>>) target(%dma_start3A_404 : memref<16x128xf32, #tpu.memory_space<vmem>>) target_semaphore(%arg18 : memref<!tpu.dma_semaphore, #tpu.memory_space<semaphore_mem>>)
      %slice3A_407 = vector.extract_strided_slice %get3A_11 {offsets = [6], sizes = [1], strides = [1]} : vector<16xi32> to vector<1xi32>
      %squeeze3A_408 = vector.extract %slice3A_407[0] : i32 from vector<1xi32>
      %slice3A_409 = vector.extract_strided_slice %get3A_15 {offsets = [6], sizes = [1], strides = [1]} : vector<16xi32> to vector<1xi32>
      %squeeze3A_410 = vector.extract %slice3A_409[0] : i32 from vector<1xi32>
      %shift_right_arithmetic3A_411 = arith.constant 7 : i32
      %shift_right_arithmetic3A_412 = arith.shrsi %squeeze3A_408, %shift_right_arithmetic3A_411 : i32
      %mul3A_413 = arith.constant 128 : i32
      %mul3A_414 = arith.muli %shift_right_arithmetic3A_412, %mul3A_413 : i32
      %multiple_of3A_415 = tpu.assume_multiple %mul3A_414, 128 : i32
      %shift_right_arithmetic3A_416 = arith.constant 7 : i32
      %shift_right_arithmetic3A_417 = arith.shrsi %squeeze3A_410, %shift_right_arithmetic3A_416 : i32
      %mul3A_418 = arith.constant 128 : i32
      %mul3A_419 = arith.muli %shift_right_arithmetic3A_417, %mul3A_418 : i32
      %multiple_of3A_420 = tpu.assume_multiple %mul3A_419, 128 : i32
      %dma_start3A_421 = arith.constant 6 : i32
      %dma_start3A_422 = arith.constant 0 : i32
      %dma_start3A_423 = arith.constant 0 : i32
      %dma_start3A_424 = tpu.memref_slice %arg12[%dma_start3A_421, %dma_start3A_422, %dma_start3A_423] : memref<8x32x128xf32, #tpu.memory_space<vmem>> -> memref<1x32x128xf32, #tpu.memory_space<vmem>>
      %dma_start3A_425 = tpu.memref_squeeze %dma_start3A_424 : memref<1x32x128xf32, #tpu.memory_space<vmem>> -> memref<32x128xf32, #tpu.memory_space<vmem>>
      %dma_start3A_426 = arith.constant 0 : i32
      %dma_start3A_427 = tpu.memref_slice %arg4[%dma_start3A_426, %multiple_of3A_415] : memref<32x1000000xf32, #tpu.memory_space<hbm>> -> memref<32x128xf32, #tpu.memory_space<hbm>>
      %dma_start3A_428 = arith.constant 0 : i32
      %dma_start3A_429 = arith.constant 0 : i32
      %dma_start3A_430 = tpu.memref_slice %arg12[%dma_start3A_421, %dma_start3A_428, %dma_start3A_429] : memref<8x32x128xf32, #tpu.memory_space<vmem>> -> memref<1x32x128xf32, #tpu.memory_space<vmem>>
      %dma_start3A_431 = tpu.memref_squeeze %dma_start3A_430 : memref<1x32x128xf32, #tpu.memory_space<vmem>> -> memref<32x128xf32, #tpu.memory_space<vmem>>
      %dma_start3A_432 = arith.constant 0 : i32
      %dma_start3A_433 = tpu.memref_slice %arg4[%dma_start3A_432, %multiple_of3A_415] : memref<32x1000000xf32, #tpu.memory_space<hbm>> -> memref<32x128xf32, #tpu.memory_space<hbm>>
      tpu.enqueue_dma source(%dma_start3A_433 : memref<32x128xf32, #tpu.memory_space<hbm>>) target(%dma_start3A_431 : memref<32x128xf32, #tpu.memory_space<vmem>>) target_semaphore(%arg18 : memref<!tpu.dma_semaphore, #tpu.memory_space<semaphore_mem>>)
      %dma_start3A_434 = arith.constant 6 : i32
      %dma_start3A_435 = arith.constant 0 : i32
      %dma_start3A_436 = arith.constant 0 : i32
      %dma_start3A_437 = tpu.memref_slice %arg13[%dma_start3A_434, %dma_start3A_435, %dma_start3A_436] : memref<8x32x128xf32, #tpu.memory_space<vmem>> -> memref<1x32x128xf32, #tpu.memory_space<vmem>>
      %dma_start3A_438 = tpu.memref_squeeze %dma_start3A_437 : memref<1x32x128xf32, #tpu.memory_space<vmem>> -> memref<32x128xf32, #tpu.memory_space<vmem>>
      %dma_start3A_439 = arith.constant 0 : i32
      %dma_start3A_440 = tpu.memref_slice %arg5[%dma_start3A_439, %multiple_of3A_420] : memref<32x1000000xf32, #tpu.memory_space<hbm>> -> memref<32x128xf32, #tpu.memory_space<hbm>>
      %dma_start3A_441 = arith.constant 0 : i32
      %dma_start3A_442 = arith.constant 0 : i32
      %dma_start3A_443 = tpu.memref_slice %arg13[%dma_start3A_434, %dma_start3A_441, %dma_start3A_442] : memref<8x32x128xf32, #tpu.memory_space<vmem>> -> memref<1x32x128xf32, #tpu.memory_space<vmem>>
      %dma_start3A_444 = tpu.memref_squeeze %dma_start3A_443 : memref<1x32x128xf32, #tpu.memory_space<vmem>> -> memref<32x128xf32, #tpu.memory_space<vmem>>
      %dma_start3A_445 = arith.constant 0 : i32
      %dma_start3A_446 = tpu.memref_slice %arg5[%dma_start3A_445, %multiple_of3A_420] : memref<32x1000000xf32, #tpu.memory_space<hbm>> -> memref<32x128xf32, #tpu.memory_space<hbm>>
      tpu.enqueue_dma source(%dma_start3A_446 : memref<32x128xf32, #tpu.memory_space<hbm>>) target(%dma_start3A_444 : memref<32x128xf32, #tpu.memory_space<vmem>>) target_semaphore(%arg18 : memref<!tpu.dma_semaphore, #tpu.memory_space<semaphore_mem>>)
      %dma_start3A_447 = arith.constant 6 : i32
      %dma_start3A_448 = arith.constant 0 : i32
      %dma_start3A_449 = arith.constant 0 : i32
      %dma_start3A_450 = tpu.memref_slice %arg14[%dma_start3A_447, %dma_start3A_448, %dma_start3A_449] : memref<8x16x128xf32, #tpu.memory_space<vmem>> -> memref<1x16x128xf32, #tpu.memory_space<vmem>>
      %dma_start3A_451 = tpu.memref_squeeze %dma_start3A_450 : memref<1x16x128xf32, #tpu.memory_space<vmem>> -> memref<16x128xf32, #tpu.memory_space<vmem>>
      %dma_start3A_452 = arith.constant 0 : i32
      %dma_start3A_453 = tpu.memref_slice %arg6[%dma_start3A_452, %multiple_of3A_415] : memref<16x1000000xf32, #tpu.memory_space<hbm>> -> memref<16x128xf32, #tpu.memory_space<hbm>>
      %dma_start3A_454 = arith.constant 0 : i32
      %dma_start3A_455 = arith.constant 0 : i32
      %dma_start3A_456 = tpu.memref_slice %arg14[%dma_start3A_447, %dma_start3A_454, %dma_start3A_455] : memref<8x16x128xf32, #tpu.memory_space<vmem>> -> memref<1x16x128xf32, #tpu.memory_space<vmem>>
      %dma_start3A_457 = tpu.memref_squeeze %dma_start3A_456 : memref<1x16x128xf32, #tpu.memory_space<vmem>> -> memref<16x128xf32, #tpu.memory_space<vmem>>
      %dma_start3A_458 = arith.constant 0 : i32
      %dma_start3A_459 = tpu.memref_slice %arg6[%dma_start3A_458, %multiple_of3A_415] : memref<16x1000000xf32, #tpu.memory_space<hbm>> -> memref<16x128xf32, #tpu.memory_space<hbm>>
      tpu.enqueue_dma source(%dma_start3A_459 : memref<16x128xf32, #tpu.memory_space<hbm>>) target(%dma_start3A_457 : memref<16x128xf32, #tpu.memory_space<vmem>>) target_semaphore(%arg18 : memref<!tpu.dma_semaphore, #tpu.memory_space<semaphore_mem>>)
      %dma_start3A_460 = arith.constant 6 : i32
      %dma_start3A_461 = arith.constant 0 : i32
      %dma_start3A_462 = arith.constant 0 : i32
      %dma_start3A_463 = tpu.memref_slice %arg15[%dma_start3A_460, %dma_start3A_461, %dma_start3A_462] : memref<8x16x128xf32, #tpu.memory_space<vmem>> -> memref<1x16x128xf32, #tpu.memory_space<vmem>>
      %dma_start3A_464 = tpu.memref_squeeze %dma_start3A_463 : memref<1x16x128xf32, #tpu.memory_space<vmem>> -> memref<16x128xf32, #tpu.memory_space<vmem>>
      %dma_start3A_465 = arith.constant 0 : i32
      %dma_start3A_466 = tpu.memref_slice %arg7[%dma_start3A_465, %multiple_of3A_420] : memref<16x1000000xf32, #tpu.memory_space<hbm>> -> memref<16x128xf32, #tpu.memory_space<hbm>>
      %dma_start3A_467 = arith.constant 0 : i32
      %dma_start3A_468 = arith.constant 0 : i32
      %dma_start3A_469 = tpu.memref_slice %arg15[%dma_start3A_460, %dma_start3A_467, %dma_start3A_468] : memref<8x16x128xf32, #tpu.memory_space<vmem>> -> memref<1x16x128xf32, #tpu.memory_space<vmem>>
      %dma_start3A_470 = tpu.memref_squeeze %dma_start3A_469 : memref<1x16x128xf32, #tpu.memory_space<vmem>> -> memref<16x128xf32, #tpu.memory_space<vmem>>
      %dma_start3A_471 = arith.constant 0 : i32
      %dma_start3A_472 = tpu.memref_slice %arg7[%dma_start3A_471, %multiple_of3A_420] : memref<16x1000000xf32, #tpu.memory_space<hbm>> -> memref<16x128xf32, #tpu.memory_space<hbm>>
      tpu.enqueue_dma source(%dma_start3A_472 : memref<16x128xf32, #tpu.memory_space<hbm>>) target(%dma_start3A_470 : memref<16x128xf32, #tpu.memory_space<vmem>>) target_semaphore(%arg18 : memref<!tpu.dma_semaphore, #tpu.memory_space<semaphore_mem>>)
      %slice3A_473 = vector.extract_strided_slice %get3A_11 {offsets = [7], sizes = [1], strides = [1]} : vector<16xi32> to vector<1xi32>
      %squeeze3A_474 = vector.extract %slice3A_473[0] : i32 from vector<1xi32>
      %slice3A_475 = vector.extract_strided_slice %get3A_15 {offsets = [7], sizes = [1], strides = [1]} : vector<16xi32> to vector<1xi32>
      %squeeze3A_476 = vector.extract %slice3A_475[0] : i32 from vector<1xi32>
      %shift_right_arithmetic3A_477 = arith.constant 7 : i32
      %shift_right_arithmetic3A_478 = arith.shrsi %squeeze3A_474, %shift_right_arithmetic3A_477 : i32
      %mul3A_479 = arith.constant 128 : i32
      %mul3A_480 = arith.muli %shift_right_arithmetic3A_478, %mul3A_479 : i32
      %multiple_of3A_481 = tpu.assume_multiple %mul3A_480, 128 : i32
      %shift_right_arithmetic3A_482 = arith.constant 7 : i32
      %shift_right_arithmetic3A_483 = arith.shrsi %squeeze3A_476, %shift_right_arithmetic3A_482 : i32
      %mul3A_484 = arith.constant 128 : i32
      %mul3A_485 = arith.muli %shift_right_arithmetic3A_483, %mul3A_484 : i32
      %multiple_of3A_486 = tpu.assume_multiple %mul3A_485, 128 : i32
      %dma_start3A_487 = arith.constant 7 : i32
      %dma_start3A_488 = arith.constant 0 : i32
      %dma_start3A_489 = arith.constant 0 : i32
      %dma_start3A_490 = tpu.memref_slice %arg12[%dma_start3A_487, %dma_start3A_488, %dma_start3A_489] : memref<8x32x128xf32, #tpu.memory_space<vmem>> -> memref<1x32x128xf32, #tpu.memory_space<vmem>>
      %dma_start3A_491 = tpu.memref_squeeze %dma_start3A_490 : memref<1x32x128xf32, #tpu.memory_space<vmem>> -> memref<32x128xf32, #tpu.memory_space<vmem>>
      %dma_start3A_492 = arith.constant 0 : i32
      %dma_start3A_493 = tpu.memref_slice %arg4[%dma_start3A_492, %multiple_of3A_481] : memref<32x1000000xf32, #tpu.memory_space<hbm>> -> memref<32x128xf32, #tpu.memory_space<hbm>>
      %dma_start3A_494 = arith.constant 0 : i32
      %dma_start3A_495 = arith.constant 0 : i32
      %dma_start3A_496 = tpu.memref_slice %arg12[%dma_start3A_487, %dma_start3A_494, %dma_start3A_495] : memref<8x32x128xf32, #tpu.memory_space<vmem>> -> memref<1x32x128xf32, #tpu.memory_space<vmem>>
      %dma_start3A_497 = tpu.memref_squeeze %dma_start3A_496 : memref<1x32x128xf32, #tpu.memory_space<vmem>> -> memref<32x128xf32, #tpu.memory_space<vmem>>
      %dma_start3A_498 = arith.constant 0 : i32
      %dma_start3A_499 = tpu.memref_slice %arg4[%dma_start3A_498, %multiple_of3A_481] : memref<32x1000000xf32, #tpu.memory_space<hbm>> -> memref<32x128xf32, #tpu.memory_space<hbm>>
      tpu.enqueue_dma source(%dma_start3A_499 : memref<32x128xf32, #tpu.memory_space<hbm>>) target(%dma_start3A_497 : memref<32x128xf32, #tpu.memory_space<vmem>>) target_semaphore(%arg18 : memref<!tpu.dma_semaphore, #tpu.memory_space<semaphore_mem>>)
      %dma_start3A_500 = arith.constant 7 : i32
      %dma_start3A_501 = arith.constant 0 : i32
      %dma_start3A_502 = arith.constant 0 : i32
      %dma_start3A_503 = tpu.memref_slice %arg13[%dma_start3A_500, %dma_start3A_501, %dma_start3A_502] : memref<8x32x128xf32, #tpu.memory_space<vmem>> -> memref<1x32x128xf32, #tpu.memory_space<vmem>>
      %dma_start3A_504 = tpu.memref_squeeze %dma_start3A_503 : memref<1x32x128xf32, #tpu.memory_space<vmem>> -> memref<32x128xf32, #tpu.memory_space<vmem>>
      %dma_start3A_505 = arith.constant 0 : i32
      %dma_start3A_506 = tpu.memref_slice %arg5[%dma_start3A_505, %multiple_of3A_486] : memref<32x1000000xf32, #tpu.memory_space<hbm>> -> memref<32x128xf32, #tpu.memory_space<hbm>>
      %dma_start3A_507 = arith.constant 0 : i32
      %dma_start3A_508 = arith.constant 0 : i32
      %dma_start3A_509 = tpu.memref_slice %arg13[%dma_start3A_500, %dma_start3A_507, %dma_start3A_508] : memref<8x32x128xf32, #tpu.memory_space<vmem>> -> memref<1x32x128xf32, #tpu.memory_space<vmem>>
      %dma_start3A_510 = tpu.memref_squeeze %dma_start3A_509 : memref<1x32x128xf32, #tpu.memory_space<vmem>> -> memref<32x128xf32, #tpu.memory_space<vmem>>
      %dma_start3A_511 = arith.constant 0 : i32
      %dma_start3A_512 = tpu.memref_slice %arg5[%dma_start3A_511, %multiple_of3A_486] : memref<32x1000000xf32, #tpu.memory_space<hbm>> -> memref<32x128xf32, #tpu.memory_space<hbm>>
      tpu.enqueue_dma source(%dma_start3A_512 : memref<32x128xf32, #tpu.memory_space<hbm>>) target(%dma_start3A_510 : memref<32x128xf32, #tpu.memory_space<vmem>>) target_semaphore(%arg18 : memref<!tpu.dma_semaphore, #tpu.memory_space<semaphore_mem>>)
      %dma_start3A_513 = arith.constant 7 : i32
      %dma_start3A_514 = arith.constant 0 : i32
      %dma_start3A_515 = arith.constant 0 : i32
      %dma_start3A_516 = tpu.memref_slice %arg14[%dma_start3A_513, %dma_start3A_514, %dma_start3A_515] : memref<8x16x128xf32, #tpu.memory_space<vmem>> -> memref<1x16x128xf32, #tpu.memory_space<vmem>>
      %dma_start3A_517 = tpu.memref_squeeze %dma_start3A_516 : memref<1x16x128xf32, #tpu.memory_space<vmem>> -> memref<16x128xf32, #tpu.memory_space<vmem>>
      %dma_start3A_518 = arith.constant 0 : i32
      %dma_start3A_519 = tpu.memref_slice %arg6[%dma_start3A_518, %multiple_of3A_481] : memref<16x1000000xf32, #tpu.memory_space<hbm>> -> memref<16x128xf32, #tpu.memory_space<hbm>>
      %dma_start3A_520 = arith.constant 0 : i32
      %dma_start3A_521 = arith.constant 0 : i32
      %dma_start3A_522 = tpu.memref_slice %arg14[%dma_start3A_513, %dma_start3A_520, %dma_start3A_521] : memref<8x16x128xf32, #tpu.memory_space<vmem>> -> memref<1x16x128xf32, #tpu.memory_space<vmem>>
      %dma_start3A_523 = tpu.memref_squeeze %dma_start3A_522 : memref<1x16x128xf32, #tpu.memory_space<vmem>> -> memref<16x128xf32, #tpu.memory_space<vmem>>
      %dma_start3A_524 = arith.constant 0 : i32
      %dma_start3A_525 = tpu.memref_slice %arg6[%dma_start3A_524, %multiple_of3A_481] : memref<16x1000000xf32, #tpu.memory_space<hbm>> -> memref<16x128xf32, #tpu.memory_space<hbm>>
      tpu.enqueue_dma source(%dma_start3A_525 : memref<16x128xf32, #tpu.memory_space<hbm>>) target(%dma_start3A_523 : memref<16x128xf32, #tpu.memory_space<vmem>>) target_semaphore(%arg18 : memref<!tpu.dma_semaphore, #tpu.memory_space<semaphore_mem>>)
      %dma_start3A_526 = arith.constant 7 : i32
      %dma_start3A_527 = arith.constant 0 : i32
      %dma_start3A_528 = arith.constant 0 : i32
      %dma_start3A_529 = tpu.memref_slice %arg15[%dma_start3A_526, %dma_start3A_527, %dma_start3A_528] : memref<8x16x128xf32, #tpu.memory_space<vmem>> -> memref<1x16x128xf32, #tpu.memory_space<vmem>>
      %dma_start3A_530 = tpu.memref_squeeze %dma_start3A_529 : memref<1x16x128xf32, #tpu.memory_space<vmem>> -> memref<16x128xf32, #tpu.memory_space<vmem>>
      %dma_start3A_531 = arith.constant 0 : i32
      %dma_start3A_532 = tpu.memref_slice %arg7[%dma_start3A_531, %multiple_of3A_486] : memref<16x1000000xf32, #tpu.memory_space<hbm>> -> memref<16x128xf32, #tpu.memory_space<hbm>>
      %dma_start3A_533 = arith.constant 0 : i32
      %dma_start3A_534 = arith.constant 0 : i32
      %dma_start3A_535 = tpu.memref_slice %arg15[%dma_start3A_526, %dma_start3A_533, %dma_start3A_534] : memref<8x16x128xf32, #tpu.memory_space<vmem>> -> memref<1x16x128xf32, #tpu.memory_space<vmem>>
      %dma_start3A_536 = tpu.memref_squeeze %dma_start3A_535 : memref<1x16x128xf32, #tpu.memory_space<vmem>> -> memref<16x128xf32, #tpu.memory_space<vmem>>
      %dma_start3A_537 = arith.constant 0 : i32
      %dma_start3A_538 = tpu.memref_slice %arg7[%dma_start3A_537, %multiple_of3A_486] : memref<16x1000000xf32, #tpu.memory_space<hbm>> -> memref<16x128xf32, #tpu.memory_space<hbm>>
      tpu.enqueue_dma source(%dma_start3A_538 : memref<16x128xf32, #tpu.memory_space<hbm>>) target(%dma_start3A_536 : memref<16x128xf32, #tpu.memory_space<vmem>>) target_semaphore(%arg18 : memref<!tpu.dma_semaphore, #tpu.memory_space<semaphore_mem>>)
      %dma_wait3A = arith.constant 0 : i32
      %dma_wait3A_539 = arith.constant 0 : i32
      %dma_wait3A_540 = arith.constant 0 : i32
      %dma_wait3A_541 = tpu.memref_slice %arg12[%dma_wait3A, %dma_wait3A_539, %dma_wait3A_540] : memref<8x32x128xf32, #tpu.memory_space<vmem>> -> memref<1x32x128xf32, #tpu.memory_space<vmem>>
      %dma_wait3A_542 = tpu.memref_squeeze %dma_wait3A_541 : memref<1x32x128xf32, #tpu.memory_space<vmem>> -> memref<32x128xf32, #tpu.memory_space<vmem>>
      %dma_wait3A_543 = arith.constant 0 : i32
      %dma_wait3A_544 = arith.constant 0 : i32
      %dma_wait3A_545 = tpu.memref_slice %arg4[%dma_wait3A_543, %dma_wait3A_544] : memref<32x1000000xf32, #tpu.memory_space<hbm>> -> memref<32x128xf32, #tpu.memory_space<hbm>>
      %dma_wait3A_546 = arith.constant 0 : i32
      %dma_wait3A_547 = arith.constant 0 : i32
      %dma_wait3A_548 = tpu.memref_slice %arg12[%dma_wait3A, %dma_wait3A_546, %dma_wait3A_547] : memref<8x32x128xf32, #tpu.memory_space<vmem>> -> memref<1x32x128xf32, #tpu.memory_space<vmem>>
      %dma_wait3A_549 = tpu.memref_squeeze %dma_wait3A_548 : memref<1x32x128xf32, #tpu.memory_space<vmem>> -> memref<32x128xf32, #tpu.memory_space<vmem>>
      %dma_wait3A_550 = arith.constant 0 : i32
      %dma_wait3A_551 = arith.constant 0 : i32
      %dma_wait3A_552 = tpu.memref_slice %arg4[%dma_wait3A_550, %dma_wait3A_551] : memref<32x1000000xf32, #tpu.memory_space<hbm>> -> memref<32x128xf32, #tpu.memory_space<hbm>>
      tpu.wait_dma2 semaphore(%arg18 : memref<!tpu.dma_semaphore, #tpu.memory_space<semaphore_mem>>) src(%dma_wait3A_552 : memref<32x128xf32, #tpu.memory_space<hbm>>) dst(%dma_wait3A_549 : memref<32x128xf32, #tpu.memory_space<vmem>>)
      %dma_wait3A_553 = arith.constant 0 : i32
      %dma_wait3A_554 = arith.constant 0 : i32
      %dma_wait3A_555 = arith.constant 0 : i32
      %dma_wait3A_556 = tpu.memref_slice %arg13[%dma_wait3A_553, %dma_wait3A_554, %dma_wait3A_555] : memref<8x32x128xf32, #tpu.memory_space<vmem>> -> memref<1x32x128xf32, #tpu.memory_space<vmem>>
      %dma_wait3A_557 = tpu.memref_squeeze %dma_wait3A_556 : memref<1x32x128xf32, #tpu.memory_space<vmem>> -> memref<32x128xf32, #tpu.memory_space<vmem>>
      %dma_wait3A_558 = arith.constant 0 : i32
      %dma_wait3A_559 = arith.constant 0 : i32
      %dma_wait3A_560 = tpu.memref_slice %arg5[%dma_wait3A_558, %dma_wait3A_559] : memref<32x1000000xf32, #tpu.memory_space<hbm>> -> memref<32x128xf32, #tpu.memory_space<hbm>>
      %dma_wait3A_561 = arith.constant 0 : i32
      %dma_wait3A_562 = arith.constant 0 : i32
      %dma_wait3A_563 = tpu.memref_slice %arg13[%dma_wait3A_553, %dma_wait3A_561, %dma_wait3A_562] : memref<8x32x128xf32, #tpu.memory_space<vmem>> -> memref<1x32x128xf32, #tpu.memory_space<vmem>>
      %dma_wait3A_564 = tpu.memref_squeeze %dma_wait3A_563 : memref<1x32x128xf32, #tpu.memory_space<vmem>> -> memref<32x128xf32, #tpu.memory_space<vmem>>
      %dma_wait3A_565 = arith.constant 0 : i32
      %dma_wait3A_566 = arith.constant 0 : i32
      %dma_wait3A_567 = tpu.memref_slice %arg5[%dma_wait3A_565, %dma_wait3A_566] : memref<32x1000000xf32, #tpu.memory_space<hbm>> -> memref<32x128xf32, #tpu.memory_space<hbm>>
      tpu.wait_dma2 semaphore(%arg18 : memref<!tpu.dma_semaphore, #tpu.memory_space<semaphore_mem>>) src(%dma_wait3A_567 : memref<32x128xf32, #tpu.memory_space<hbm>>) dst(%dma_wait3A_564 : memref<32x128xf32, #tpu.memory_space<vmem>>)
      %dma_wait3A_568 = arith.constant 0 : i32
      %dma_wait3A_569 = arith.constant 0 : i32
      %dma_wait3A_570 = arith.constant 0 : i32
      %dma_wait3A_571 = tpu.memref_slice %arg14[%dma_wait3A_568, %dma_wait3A_569, %dma_wait3A_570] : memref<8x16x128xf32, #tpu.memory_space<vmem>> -> memref<1x16x128xf32, #tpu.memory_space<vmem>>
      %dma_wait3A_572 = tpu.memref_squeeze %dma_wait3A_571 : memref<1x16x128xf32, #tpu.memory_space<vmem>> -> memref<16x128xf32, #tpu.memory_space<vmem>>
      %dma_wait3A_573 = arith.constant 0 : i32
      %dma_wait3A_574 = arith.constant 0 : i32
      %dma_wait3A_575 = tpu.memref_slice %arg6[%dma_wait3A_573, %dma_wait3A_574] : memref<16x1000000xf32, #tpu.memory_space<hbm>> -> memref<16x128xf32, #tpu.memory_space<hbm>>
      %dma_wait3A_576 = arith.constant 0 : i32
      %dma_wait3A_577 = arith.constant 0 : i32
      %dma_wait3A_578 = tpu.memref_slice %arg14[%dma_wait3A_568, %dma_wait3A_576, %dma_wait3A_577] : memref<8x16x128xf32, #tpu.memory_space<vmem>> -> memref<1x16x128xf32, #tpu.memory_space<vmem>>
      %dma_wait3A_579 = tpu.memref_squeeze %dma_wait3A_578 : memref<1x16x128xf32, #tpu.memory_space<vmem>> -> memref<16x128xf32, #tpu.memory_space<vmem>>
      %dma_wait3A_580 = arith.constant 0 : i32
      %dma_wait3A_581 = arith.constant 0 : i32
      %dma_wait3A_582 = tpu.memref_slice %arg6[%dma_wait3A_580, %dma_wait3A_581] : memref<16x1000000xf32, #tpu.memory_space<hbm>> -> memref<16x128xf32, #tpu.memory_space<hbm>>
      tpu.wait_dma2 semaphore(%arg18 : memref<!tpu.dma_semaphore, #tpu.memory_space<semaphore_mem>>) src(%dma_wait3A_582 : memref<16x128xf32, #tpu.memory_space<hbm>>) dst(%dma_wait3A_579 : memref<16x128xf32, #tpu.memory_space<vmem>>)
      %dma_wait3A_583 = arith.constant 0 : i32
      %dma_wait3A_584 = arith.constant 0 : i32
      %dma_wait3A_585 = arith.constant 0 : i32
      %dma_wait3A_586 = tpu.memref_slice %arg15[%dma_wait3A_583, %dma_wait3A_584, %dma_wait3A_585] : memref<8x16x128xf32, #tpu.memory_space<vmem>> -> memref<1x16x128xf32, #tpu.memory_space<vmem>>
      %dma_wait3A_587 = tpu.memref_squeeze %dma_wait3A_586 : memref<1x16x128xf32, #tpu.memory_space<vmem>> -> memref<16x128xf32, #tpu.memory_space<vmem>>
      %dma_wait3A_588 = arith.constant 0 : i32
      %dma_wait3A_589 = arith.constant 0 : i32
      %dma_wait3A_590 = tpu.memref_slice %arg7[%dma_wait3A_588, %dma_wait3A_589] : memref<16x1000000xf32, #tpu.memory_space<hbm>> -> memref<16x128xf32, #tpu.memory_space<hbm>>
      %dma_wait3A_591 = arith.constant 0 : i32
      %dma_wait3A_592 = arith.constant 0 : i32
      %dma_wait3A_593 = tpu.memref_slice %arg15[%dma_wait3A_583, %dma_wait3A_591, %dma_wait3A_592] : memref<8x16x128xf32, #tpu.memory_space<vmem>> -> memref<1x16x128xf32, #tpu.memory_space<vmem>>
      %dma_wait3A_594 = tpu.memref_squeeze %dma_wait3A_593 : memref<1x16x128xf32, #tpu.memory_space<vmem>> -> memref<16x128xf32, #tpu.memory_space<vmem>>
      %dma_wait3A_595 = arith.constant 0 : i32
      %dma_wait3A_596 = arith.constant 0 : i32
      %dma_wait3A_597 = tpu.memref_slice %arg7[%dma_wait3A_595, %dma_wait3A_596] : memref<16x1000000xf32, #tpu.memory_space<hbm>> -> memref<16x128xf32, #tpu.memory_space<hbm>>
      tpu.wait_dma2 semaphore(%arg18 : memref<!tpu.dma_semaphore, #tpu.memory_space<semaphore_mem>>) src(%dma_wait3A_597 : memref<16x128xf32, #tpu.memory_space<hbm>>) dst(%dma_wait3A_594 : memref<16x128xf32, #tpu.memory_space<vmem>>)
      %dma_wait3A_598 = arith.constant 1 : i32
      %dma_wait3A_599 = arith.constant 0 : i32
      %dma_wait3A_600 = arith.constant 0 : i32
      %dma_wait3A_601 = tpu.memref_slice %arg12[%dma_wait3A_598, %dma_wait3A_599, %dma_wait3A_600] : memref<8x32x128xf32, #tpu.memory_space<vmem>> -> memref<1x32x128xf32, #tpu.memory_space<vmem>>
      %dma_wait3A_602 = tpu.memref_squeeze %dma_wait3A_601 : memref<1x32x128xf32, #tpu.memory_space<vmem>> -> memref<32x128xf32, #tpu.memory_space<vmem>>
      %dma_wait3A_603 = arith.constant 0 : i32
      %dma_wait3A_604 = arith.constant 0 : i32
      %dma_wait3A_605 = tpu.memref_slice %arg4[%dma_wait3A_603, %dma_wait3A_604] : memref<32x1000000xf32, #tpu.memory_space<hbm>> -> memref<32x128xf32, #tpu.memory_space<hbm>>
      %dma_wait3A_606 = arith.constant 0 : i32
      %dma_wait3A_607 = arith.constant 0 : i32
      %dma_wait3A_608 = tpu.memref_slice %arg12[%dma_wait3A_598, %dma_wait3A_606, %dma_wait3A_607] : memref<8x32x128xf32, #tpu.memory_space<vmem>> -> memref<1x32x128xf32, #tpu.memory_space<vmem>>
      %dma_wait3A_609 = tpu.memref_squeeze %dma_wait3A_608 : memref<1x32x128xf32, #tpu.memory_space<vmem>> -> memref<32x128xf32, #tpu.memory_space<vmem>>
      %dma_wait3A_610 = arith.constant 0 : i32
      %dma_wait3A_611 = arith.constant 0 : i32
      %dma_wait3A_612 = tpu.memref_slice %arg4[%dma_wait3A_610, %dma_wait3A_611] : memref<32x1000000xf32, #tpu.memory_space<hbm>> -> memref<32x128xf32, #tpu.memory_space<hbm>>
      tpu.wait_dma2 semaphore(%arg18 : memref<!tpu.dma_semaphore, #tpu.memory_space<semaphore_mem>>) src(%dma_wait3A_612 : memref<32x128xf32, #tpu.memory_space<hbm>>) dst(%dma_wait3A_609 : memref<32x128xf32, #tpu.memory_space<vmem>>)
      %dma_wait3A_613 = arith.constant 1 : i32
      %dma_wait3A_614 = arith.constant 0 : i32
      %dma_wait3A_615 = arith.constant 0 : i32
      %dma_wait3A_616 = tpu.memref_slice %arg13[%dma_wait3A_613, %dma_wait3A_614, %dma_wait3A_615] : memref<8x32x128xf32, #tpu.memory_space<vmem>> -> memref<1x32x128xf32, #tpu.memory_space<vmem>>
      %dma_wait3A_617 = tpu.memref_squeeze %dma_wait3A_616 : memref<1x32x128xf32, #tpu.memory_space<vmem>> -> memref<32x128xf32, #tpu.memory_space<vmem>>
      %dma_wait3A_618 = arith.constant 0 : i32
      %dma_wait3A_619 = arith.constant 0 : i32
      %dma_wait3A_620 = tpu.memref_slice %arg5[%dma_wait3A_618, %dma_wait3A_619] : memref<32x1000000xf32, #tpu.memory_space<hbm>> -> memref<32x128xf32, #tpu.memory_space<hbm>>
      %dma_wait3A_621 = arith.constant 0 : i32
      %dma_wait3A_622 = arith.constant 0 : i32
      %dma_wait3A_623 = tpu.memref_slice %arg13[%dma_wait3A_613, %dma_wait3A_621, %dma_wait3A_622] : memref<8x32x128xf32, #tpu.memory_space<vmem>> -> memref<1x32x128xf32, #tpu.memory_space<vmem>>
      %dma_wait3A_624 = tpu.memref_squeeze %dma_wait3A_623 : memref<1x32x128xf32, #tpu.memory_space<vmem>> -> memref<32x128xf32, #tpu.memory_space<vmem>>
      %dma_wait3A_625 = arith.constant 0 : i32
      %dma_wait3A_626 = arith.constant 0 : i32
      %dma_wait3A_627 = tpu.memref_slice %arg5[%dma_wait3A_625, %dma_wait3A_626] : memref<32x1000000xf32, #tpu.memory_space<hbm>> -> memref<32x128xf32, #tpu.memory_space<hbm>>
      tpu.wait_dma2 semaphore(%arg18 : memref<!tpu.dma_semaphore, #tpu.memory_space<semaphore_mem>>) src(%dma_wait3A_627 : memref<32x128xf32, #tpu.memory_space<hbm>>) dst(%dma_wait3A_624 : memref<32x128xf32, #tpu.memory_space<vmem>>)
      %dma_wait3A_628 = arith.constant 1 : i32
      %dma_wait3A_629 = arith.constant 0 : i32
      %dma_wait3A_630 = arith.constant 0 : i32
      %dma_wait3A_631 = tpu.memref_slice %arg14[%dma_wait3A_628, %dma_wait3A_629, %dma_wait3A_630] : memref<8x16x128xf32, #tpu.memory_space<vmem>> -> memref<1x16x128xf32, #tpu.memory_space<vmem>>
      %dma_wait3A_632 = tpu.memref_squeeze %dma_wait3A_631 : memref<1x16x128xf32, #tpu.memory_space<vmem>> -> memref<16x128xf32, #tpu.memory_space<vmem>>
      %dma_wait3A_633 = arith.constant 0 : i32
      %dma_wait3A_634 = arith.constant 0 : i32
      %dma_wait3A_635 = tpu.memref_slice %arg6[%dma_wait3A_633, %dma_wait3A_634] : memref<16x1000000xf32, #tpu.memory_space<hbm>> -> memref<16x128xf32, #tpu.memory_space<hbm>>
      %dma_wait3A_636 = arith.constant 0 : i32
      %dma_wait3A_637 = arith.constant 0 : i32
      %dma_wait3A_638 = tpu.memref_slice %arg14[%dma_wait3A_628, %dma_wait3A_636, %dma_wait3A_637] : memref<8x16x128xf32, #tpu.memory_space<vmem>> -> memref<1x16x128xf32, #tpu.memory_space<vmem>>
      %dma_wait3A_639 = tpu.memref_squeeze %dma_wait3A_638 : memref<1x16x128xf32, #tpu.memory_space<vmem>> -> memref<16x128xf32, #tpu.memory_space<vmem>>
      %dma_wait3A_640 = arith.constant 0 : i32
      %dma_wait3A_641 = arith.constant 0 : i32
      %dma_wait3A_642 = tpu.memref_slice %arg6[%dma_wait3A_640, %dma_wait3A_641] : memref<16x1000000xf32, #tpu.memory_space<hbm>> -> memref<16x128xf32, #tpu.memory_space<hbm>>
      tpu.wait_dma2 semaphore(%arg18 : memref<!tpu.dma_semaphore, #tpu.memory_space<semaphore_mem>>) src(%dma_wait3A_642 : memref<16x128xf32, #tpu.memory_space<hbm>>) dst(%dma_wait3A_639 : memref<16x128xf32, #tpu.memory_space<vmem>>)
      %dma_wait3A_643 = arith.constant 1 : i32
      %dma_wait3A_644 = arith.constant 0 : i32
      %dma_wait3A_645 = arith.constant 0 : i32
      %dma_wait3A_646 = tpu.memref_slice %arg15[%dma_wait3A_643, %dma_wait3A_644, %dma_wait3A_645] : memref<8x16x128xf32, #tpu.memory_space<vmem>> -> memref<1x16x128xf32, #tpu.memory_space<vmem>>
      %dma_wait3A_647 = tpu.memref_squeeze %dma_wait3A_646 : memref<1x16x128xf32, #tpu.memory_space<vmem>> -> memref<16x128xf32, #tpu.memory_space<vmem>>
      %dma_wait3A_648 = arith.constant 0 : i32
      %dma_wait3A_649 = arith.constant 0 : i32
      %dma_wait3A_650 = tpu.memref_slice %arg7[%dma_wait3A_648, %dma_wait3A_649] : memref<16x1000000xf32, #tpu.memory_space<hbm>> -> memref<16x128xf32, #tpu.memory_space<hbm>>
      %dma_wait3A_651 = arith.constant 0 : i32
      %dma_wait3A_652 = arith.constant 0 : i32
      %dma_wait3A_653 = tpu.memref_slice %arg15[%dma_wait3A_643, %dma_wait3A_651, %dma_wait3A_652] : memref<8x16x128xf32, #tpu.memory_space<vmem>> -> memref<1x16x128xf32, #tpu.memory_space<vmem>>
      %dma_wait3A_654 = tpu.memref_squeeze %dma_wait3A_653 : memref<1x16x128xf32, #tpu.memory_space<vmem>> -> memref<16x128xf32, #tpu.memory_space<vmem>>
      %dma_wait3A_655 = arith.constant 0 : i32
      %dma_wait3A_656 = arith.constant 0 : i32
      %dma_wait3A_657 = tpu.memref_slice %arg7[%dma_wait3A_655, %dma_wait3A_656] : memref<16x1000000xf32, #tpu.memory_space<hbm>> -> memref<16x128xf32, #tpu.memory_space<hbm>>
      tpu.wait_dma2 semaphore(%arg18 : memref<!tpu.dma_semaphore, #tpu.memory_space<semaphore_mem>>) src(%dma_wait3A_657 : memref<16x128xf32, #tpu.memory_space<hbm>>) dst(%dma_wait3A_654 : memref<16x128xf32, #tpu.memory_space<vmem>>)
      %dma_wait3A_658 = arith.constant 2 : i32
      %dma_wait3A_659 = arith.constant 0 : i32
      %dma_wait3A_660 = arith.constant 0 : i32
      %dma_wait3A_661 = tpu.memref_slice %arg12[%dma_wait3A_658, %dma_wait3A_659, %dma_wait3A_660] : memref<8x32x128xf32, #tpu.memory_space<vmem>> -> memref<1x32x128xf32, #tpu.memory_space<vmem>>
      %dma_wait3A_662 = tpu.memref_squeeze %dma_wait3A_661 : memref<1x32x128xf32, #tpu.memory_space<vmem>> -> memref<32x128xf32, #tpu.memory_space<vmem>>
      %dma_wait3A_663 = arith.constant 0 : i32
      %dma_wait3A_664 = arith.constant 0 : i32
      %dma_wait3A_665 = tpu.memref_slice %arg4[%dma_wait3A_663, %dma_wait3A_664] : memref<32x1000000xf32, #tpu.memory_space<hbm>> -> memref<32x128xf32, #tpu.memory_space<hbm>>
      %dma_wait3A_666 = arith.constant 0 : i32
      %dma_wait3A_667 = arith.constant 0 : i32
      %dma_wait3A_668 = tpu.memref_slice %arg12[%dma_wait3A_658, %dma_wait3A_666, %dma_wait3A_667] : memref<8x32x128xf32, #tpu.memory_space<vmem>> -> memref<1x32x128xf32, #tpu.memory_space<vmem>>
      %dma_wait3A_669 = tpu.memref_squeeze %dma_wait3A_668 : memref<1x32x128xf32, #tpu.memory_space<vmem>> -> memref<32x128xf32, #tpu.memory_space<vmem>>
      %dma_wait3A_670 = arith.constant 0 : i32
      %dma_wait3A_671 = arith.constant 0 : i32
      %dma_wait3A_672 = tpu.memref_slice %arg4[%dma_wait3A_670, %dma_wait3A_671] : memref<32x1000000xf32, #tpu.memory_space<hbm>> -> memref<32x128xf32, #tpu.memory_space<hbm>>
      tpu.wait_dma2 semaphore(%arg18 : memref<!tpu.dma_semaphore, #tpu.memory_space<semaphore_mem>>) src(%dma_wait3A_672 : memref<32x128xf32, #tpu.memory_space<hbm>>) dst(%dma_wait3A_669 : memref<32x128xf32, #tpu.memory_space<vmem>>)
      %dma_wait3A_673 = arith.constant 2 : i32
      %dma_wait3A_674 = arith.constant 0 : i32
      %dma_wait3A_675 = arith.constant 0 : i32
      %dma_wait3A_676 = tpu.memref_slice %arg13[%dma_wait3A_673, %dma_wait3A_674, %dma_wait3A_675] : memref<8x32x128xf32, #tpu.memory_space<vmem>> -> memref<1x32x128xf32, #tpu.memory_space<vmem>>
      %dma_wait3A_677 = tpu.memref_squeeze %dma_wait3A_676 : memref<1x32x128xf32, #tpu.memory_space<vmem>> -> memref<32x128xf32, #tpu.memory_space<vmem>>
      %dma_wait3A_678 = arith.constant 0 : i32
      %dma_wait3A_679 = arith.constant 0 : i32
      %dma_wait3A_680 = tpu.memref_slice %arg5[%dma_wait3A_678, %dma_wait3A_679] : memref<32x1000000xf32, #tpu.memory_space<hbm>> -> memref<32x128xf32, #tpu.memory_space<hbm>>
      %dma_wait3A_681 = arith.constant 0 : i32
      %dma_wait3A_682 = arith.constant 0 : i32
      %dma_wait3A_683 = tpu.memref_slice %arg13[%dma_wait3A_673, %dma_wait3A_681, %dma_wait3A_682] : memref<8x32x128xf32, #tpu.memory_space<vmem>> -> memref<1x32x128xf32, #tpu.memory_space<vmem>>
      %dma_wait3A_684 = tpu.memref_squeeze %dma_wait3A_683 : memref<1x32x128xf32, #tpu.memory_space<vmem>> -> memref<32x128xf32, #tpu.memory_space<vmem>>
      %dma_wait3A_685 = arith.constant 0 : i32
      %dma_wait3A_686 = arith.constant 0 : i32
      %dma_wait3A_687 = tpu.memref_slice %arg5[%dma_wait3A_685, %dma_wait3A_686] : memref<32x1000000xf32, #tpu.memory_space<hbm>> -> memref<32x128xf32, #tpu.memory_space<hbm>>
      tpu.wait_dma2 semaphore(%arg18 : memref<!tpu.dma_semaphore, #tpu.memory_space<semaphore_mem>>) src(%dma_wait3A_687 : memref<32x128xf32, #tpu.memory_space<hbm>>) dst(%dma_wait3A_684 : memref<32x128xf32, #tpu.memory_space<vmem>>)
      %dma_wait3A_688 = arith.constant 2 : i32
      %dma_wait3A_689 = arith.constant 0 : i32
      %dma_wait3A_690 = arith.constant 0 : i32
      %dma_wait3A_691 = tpu.memref_slice %arg14[%dma_wait3A_688, %dma_wait3A_689, %dma_wait3A_690] : memref<8x16x128xf32, #tpu.memory_space<vmem>> -> memref<1x16x128xf32, #tpu.memory_space<vmem>>
      %dma_wait3A_692 = tpu.memref_squeeze %dma_wait3A_691 : memref<1x16x128xf32, #tpu.memory_space<vmem>> -> memref<16x128xf32, #tpu.memory_space<vmem>>
      %dma_wait3A_693 = arith.constant 0 : i32
      %dma_wait3A_694 = arith.constant 0 : i32
      %dma_wait3A_695 = tpu.memref_slice %arg6[%dma_wait3A_693, %dma_wait3A_694] : memref<16x1000000xf32, #tpu.memory_space<hbm>> -> memref<16x128xf32, #tpu.memory_space<hbm>>
      %dma_wait3A_696 = arith.constant 0 : i32
      %dma_wait3A_697 = arith.constant 0 : i32
      %dma_wait3A_698 = tpu.memref_slice %arg14[%dma_wait3A_688, %dma_wait3A_696, %dma_wait3A_697] : memref<8x16x128xf32, #tpu.memory_space<vmem>> -> memref<1x16x128xf32, #tpu.memory_space<vmem>>
      %dma_wait3A_699 = tpu.memref_squeeze %dma_wait3A_698 : memref<1x16x128xf32, #tpu.memory_space<vmem>> -> memref<16x128xf32, #tpu.memory_space<vmem>>
      %dma_wait3A_700 = arith.constant 0 : i32
      %dma_wait3A_701 = arith.constant 0 : i32
      %dma_wait3A_702 = tpu.memref_slice %arg6[%dma_wait3A_700, %dma_wait3A_701] : memref<16x1000000xf32, #tpu.memory_space<hbm>> -> memref<16x128xf32, #tpu.memory_space<hbm>>
      tpu.wait_dma2 semaphore(%arg18 : memref<!tpu.dma_semaphore, #tpu.memory_space<semaphore_mem>>) src(%dma_wait3A_702 : memref<16x128xf32, #tpu.memory_space<hbm>>) dst(%dma_wait3A_699 : memref<16x128xf32, #tpu.memory_space<vmem>>)
      %dma_wait3A_703 = arith.constant 2 : i32
      %dma_wait3A_704 = arith.constant 0 : i32
      %dma_wait3A_705 = arith.constant 0 : i32
      %dma_wait3A_706 = tpu.memref_slice %arg15[%dma_wait3A_703, %dma_wait3A_704, %dma_wait3A_705] : memref<8x16x128xf32, #tpu.memory_space<vmem>> -> memref<1x16x128xf32, #tpu.memory_space<vmem>>
      %dma_wait3A_707 = tpu.memref_squeeze %dma_wait3A_706 : memref<1x16x128xf32, #tpu.memory_space<vmem>> -> memref<16x128xf32, #tpu.memory_space<vmem>>
      %dma_wait3A_708 = arith.constant 0 : i32
      %dma_wait3A_709 = arith.constant 0 : i32
      %dma_wait3A_710 = tpu.memref_slice %arg7[%dma_wait3A_708, %dma_wait3A_709] : memref<16x1000000xf32, #tpu.memory_space<hbm>> -> memref<16x128xf32, #tpu.memory_space<hbm>>
      %dma_wait3A_711 = arith.constant 0 : i32
      %dma_wait3A_712 = arith.constant 0 : i32
      %dma_wait3A_713 = tpu.memref_slice %arg15[%dma_wait3A_703, %dma_wait3A_711, %dma_wait3A_712] : memref<8x16x128xf32, #tpu.memory_space<vmem>> -> memref<1x16x128xf32, #tpu.memory_space<vmem>>
      %dma_wait3A_714 = tpu.memref_squeeze %dma_wait3A_713 : memref<1x16x128xf32, #tpu.memory_space<vmem>> -> memref<16x128xf32, #tpu.memory_space<vmem>>
      %dma_wait3A_715 = arith.constant 0 : i32
      %dma_wait3A_716 = arith.constant 0 : i32
      %dma_wait3A_717 = tpu.memref_slice %arg7[%dma_wait3A_715, %dma_wait3A_716] : memref<16x1000000xf32, #tpu.memory_space<hbm>> -> memref<16x128xf32, #tpu.memory_space<hbm>>
      tpu.wait_dma2 semaphore(%arg18 : memref<!tpu.dma_semaphore, #tpu.memory_space<semaphore_mem>>) src(%dma_wait3A_717 : memref<16x128xf32, #tpu.memory_space<hbm>>) dst(%dma_wait3A_714 : memref<16x128xf32, #tpu.memory_space<vmem>>)
      %dma_wait3A_718 = arith.constant 3 : i32
      %dma_wait3A_719 = arith.constant 0 : i32
      %dma_wait3A_720 = arith.constant 0 : i32
      %dma_wait3A_721 = tpu.memref_slice %arg12[%dma_wait3A_718, %dma_wait3A_719, %dma_wait3A_720] : memref<8x32x128xf32, #tpu.memory_space<vmem>> -> memref<1x32x128xf32, #tpu.memory_space<vmem>>
      %dma_wait3A_722 = tpu.memref_squeeze %dma_wait3A_721 : memref<1x32x128xf32, #tpu.memory_space<vmem>> -> memref<32x128xf32, #tpu.memory_space<vmem>>
      %dma_wait3A_723 = arith.constant 0 : i32
      %dma_wait3A_724 = arith.constant 0 : i32
      %dma_wait3A_725 = tpu.memref_slice %arg4[%dma_wait3A_723, %dma_wait3A_724] : memref<32x1000000xf32, #tpu.memory_space<hbm>> -> memref<32x128xf32, #tpu.memory_space<hbm>>
      %dma_wait3A_726 = arith.constant 0 : i32
      %dma_wait3A_727 = arith.constant 0 : i32
      %dma_wait3A_728 = tpu.memref_slice %arg12[%dma_wait3A_718, %dma_wait3A_726, %dma_wait3A_727] : memref<8x32x128xf32, #tpu.memory_space<vmem>> -> memref<1x32x128xf32, #tpu.memory_space<vmem>>
      %dma_wait3A_729 = tpu.memref_squeeze %dma_wait3A_728 : memref<1x32x128xf32, #tpu.memory_space<vmem>> -> memref<32x128xf32, #tpu.memory_space<vmem>>
      %dma_wait3A_730 = arith.constant 0 : i32
      %dma_wait3A_731 = arith.constant 0 : i32
      %dma_wait3A_732 = tpu.memref_slice %arg4[%dma_wait3A_730, %dma_wait3A_731] : memref<32x1000000xf32, #tpu.memory_space<hbm>> -> memref<32x128xf32, #tpu.memory_space<hbm>>
      tpu.wait_dma2 semaphore(%arg18 : memref<!tpu.dma_semaphore, #tpu.memory_space<semaphore_mem>>) src(%dma_wait3A_732 : memref<32x128xf32, #tpu.memory_space<hbm>>) dst(%dma_wait3A_729 : memref<32x128xf32, #tpu.memory_space<vmem>>)
      %dma_wait3A_733 = arith.constant 3 : i32
      %dma_wait3A_734 = arith.constant 0 : i32
      %dma_wait3A_735 = arith.constant 0 : i32
      %dma_wait3A_736 = tpu.memref_slice %arg13[%dma_wait3A_733, %dma_wait3A_734, %dma_wait3A_735] : memref<8x32x128xf32, #tpu.memory_space<vmem>> -> memref<1x32x128xf32, #tpu.memory_space<vmem>>
      %dma_wait3A_737 = tpu.memref_squeeze %dma_wait3A_736 : memref<1x32x128xf32, #tpu.memory_space<vmem>> -> memref<32x128xf32, #tpu.memory_space<vmem>>
      %dma_wait3A_738 = arith.constant 0 : i32
      %dma_wait3A_739 = arith.constant 0 : i32
      %dma_wait3A_740 = tpu.memref_slice %arg5[%dma_wait3A_738, %dma_wait3A_739] : memref<32x1000000xf32, #tpu.memory_space<hbm>> -> memref<32x128xf32, #tpu.memory_space<hbm>>
      %dma_wait3A_741 = arith.constant 0 : i32
      %dma_wait3A_742 = arith.constant 0 : i32
      %dma_wait3A_743 = tpu.memref_slice %arg13[%dma_wait3A_733, %dma_wait3A_741, %dma_wait3A_742] : memref<8x32x128xf32, #tpu.memory_space<vmem>> -> memref<1x32x128xf32, #tpu.memory_space<vmem>>
      %dma_wait3A_744 = tpu.memref_squeeze %dma_wait3A_743 : memref<1x32x128xf32, #tpu.memory_space<vmem>> -> memref<32x128xf32, #tpu.memory_space<vmem>>
      %dma_wait3A_745 = arith.constant 0 : i32
      %dma_wait3A_746 = arith.constant 0 : i32
      %dma_wait3A_747 = tpu.memref_slice %arg5[%dma_wait3A_745, %dma_wait3A_746] : memref<32x1000000xf32, #tpu.memory_space<hbm>> -> memref<32x128xf32, #tpu.memory_space<hbm>>
      tpu.wait_dma2 semaphore(%arg18 : memref<!tpu.dma_semaphore, #tpu.memory_space<semaphore_mem>>) src(%dma_wait3A_747 : memref<32x128xf32, #tpu.memory_space<hbm>>) dst(%dma_wait3A_744 : memref<32x128xf32, #tpu.memory_space<vmem>>)
      %dma_wait3A_748 = arith.constant 3 : i32
      %dma_wait3A_749 = arith.constant 0 : i32
      %dma_wait3A_750 = arith.constant 0 : i32
      %dma_wait3A_751 = tpu.memref_slice %arg14[%dma_wait3A_748, %dma_wait3A_749, %dma_wait3A_750] : memref<8x16x128xf32, #tpu.memory_space<vmem>> -> memref<1x16x128xf32, #tpu.memory_space<vmem>>
      %dma_wait3A_752 = tpu.memref_squeeze %dma_wait3A_751 : memref<1x16x128xf32, #tpu.memory_space<vmem>> -> memref<16x128xf32, #tpu.memory_space<vmem>>
      %dma_wait3A_753 = arith.constant 0 : i32
      %dma_wait3A_754 = arith.constant 0 : i32
      %dma_wait3A_755 = tpu.memref_slice %arg6[%dma_wait3A_753, %dma_wait3A_754] : memref<16x1000000xf32, #tpu.memory_space<hbm>> -> memref<16x128xf32, #tpu.memory_space<hbm>>
      %dma_wait3A_756 = arith.constant 0 : i32
      %dma_wait3A_757 = arith.constant 0 : i32
      %dma_wait3A_758 = tpu.memref_slice %arg14[%dma_wait3A_748, %dma_wait3A_756, %dma_wait3A_757] : memref<8x16x128xf32, #tpu.memory_space<vmem>> -> memref<1x16x128xf32, #tpu.memory_space<vmem>>
      %dma_wait3A_759 = tpu.memref_squeeze %dma_wait3A_758 : memref<1x16x128xf32, #tpu.memory_space<vmem>> -> memref<16x128xf32, #tpu.memory_space<vmem>>
      %dma_wait3A_760 = arith.constant 0 : i32
      %dma_wait3A_761 = arith.constant 0 : i32
      %dma_wait3A_762 = tpu.memref_slice %arg6[%dma_wait3A_760, %dma_wait3A_761] : memref<16x1000000xf32, #tpu.memory_space<hbm>> -> memref<16x128xf32, #tpu.memory_space<hbm>>
      tpu.wait_dma2 semaphore(%arg18 : memref<!tpu.dma_semaphore, #tpu.memory_space<semaphore_mem>>) src(%dma_wait3A_762 : memref<16x128xf32, #tpu.memory_space<hbm>>) dst(%dma_wait3A_759 : memref<16x128xf32, #tpu.memory_space<vmem>>)
      %dma_wait3A_763 = arith.constant 3 : i32
      %dma_wait3A_764 = arith.constant 0 : i32
      %dma_wait3A_765 = arith.constant 0 : i32
      %dma_wait3A_766 = tpu.memref_slice %arg15[%dma_wait3A_763, %dma_wait3A_764, %dma_wait3A_765] : memref<8x16x128xf32, #tpu.memory_space<vmem>> -> memref<1x16x128xf32, #tpu.memory_space<vmem>>
      %dma_wait3A_767 = tpu.memref_squeeze %dma_wait3A_766 : memref<1x16x128xf32, #tpu.memory_space<vmem>> -> memref<16x128xf32, #tpu.memory_space<vmem>>
      %dma_wait3A_768 = arith.constant 0 : i32
      %dma_wait3A_769 = arith.constant 0 : i32
      %dma_wait3A_770 = tpu.memref_slice %arg7[%dma_wait3A_768, %dma_wait3A_769] : memref<16x1000000xf32, #tpu.memory_space<hbm>> -> memref<16x128xf32, #tpu.memory_space<hbm>>
      %dma_wait3A_771 = arith.constant 0 : i32
      %dma_wait3A_772 = arith.constant 0 : i32
      %dma_wait3A_773 = tpu.memref_slice %arg15[%dma_wait3A_763, %dma_wait3A_771, %dma_wait3A_772] : memref<8x16x128xf32, #tpu.memory_space<vmem>> -> memref<1x16x128xf32, #tpu.memory_space<vmem>>
      %dma_wait3A_774 = tpu.memref_squeeze %dma_wait3A_773 : memref<1x16x128xf32, #tpu.memory_space<vmem>> -> memref<16x128xf32, #tpu.memory_space<vmem>>
      %dma_wait3A_775 = arith.constant 0 : i32
      %dma_wait3A_776 = arith.constant 0 : i32
      %dma_wait3A_777 = tpu.memref_slice %arg7[%dma_wait3A_775, %dma_wait3A_776] : memref<16x1000000xf32, #tpu.memory_space<hbm>> -> memref<16x128xf32, #tpu.memory_space<hbm>>
      tpu.wait_dma2 semaphore(%arg18 : memref<!tpu.dma_semaphore, #tpu.memory_space<semaphore_mem>>) src(%dma_wait3A_777 : memref<16x128xf32, #tpu.memory_space<hbm>>) dst(%dma_wait3A_774 : memref<16x128xf32, #tpu.memory_space<vmem>>)
      %dma_wait3A_778 = arith.constant 4 : i32
      %dma_wait3A_779 = arith.constant 0 : i32
      %dma_wait3A_780 = arith.constant 0 : i32
      %dma_wait3A_781 = tpu.memref_slice %arg12[%dma_wait3A_778, %dma_wait3A_779, %dma_wait3A_780] : memref<8x32x128xf32, #tpu.memory_space<vmem>> -> memref<1x32x128xf32, #tpu.memory_space<vmem>>
      %dma_wait3A_782 = tpu.memref_squeeze %dma_wait3A_781 : memref<1x32x128xf32, #tpu.memory_space<vmem>> -> memref<32x128xf32, #tpu.memory_space<vmem>>
      %dma_wait3A_783 = arith.constant 0 : i32
      %dma_wait3A_784 = arith.constant 0 : i32
      %dma_wait3A_785 = tpu.memref_slice %arg4[%dma_wait3A_783, %dma_wait3A_784] : memref<32x1000000xf32, #tpu.memory_space<hbm>> -> memref<32x128xf32, #tpu.memory_space<hbm>>
      %dma_wait3A_786 = arith.constant 0 : i32
      %dma_wait3A_787 = arith.constant 0 : i32
      %dma_wait3A_788 = tpu.memref_slice %arg12[%dma_wait3A_778, %dma_wait3A_786, %dma_wait3A_787] : memref<8x32x128xf32, #tpu.memory_space<vmem>> -> memref<1x32x128xf32, #tpu.memory_space<vmem>>
      %dma_wait3A_789 = tpu.memref_squeeze %dma_wait3A_788 : memref<1x32x128xf32, #tpu.memory_space<vmem>> -> memref<32x128xf32, #tpu.memory_space<vmem>>
      %dma_wait3A_790 = arith.constant 0 : i32
      %dma_wait3A_791 = arith.constant 0 : i32
      %dma_wait3A_792 = tpu.memref_slice %arg4[%dma_wait3A_790, %dma_wait3A_791] : memref<32x1000000xf32, #tpu.memory_space<hbm>> -> memref<32x128xf32, #tpu.memory_space<hbm>>
      tpu.wait_dma2 semaphore(%arg18 : memref<!tpu.dma_semaphore, #tpu.memory_space<semaphore_mem>>) src(%dma_wait3A_792 : memref<32x128xf32, #tpu.memory_space<hbm>>) dst(%dma_wait3A_789 : memref<32x128xf32, #tpu.memory_space<vmem>>)
      %dma_wait3A_793 = arith.constant 4 : i32
      %dma_wait3A_794 = arith.constant 0 : i32
      %dma_wait3A_795 = arith.constant 0 : i32
      %dma_wait3A_796 = tpu.memref_slice %arg13[%dma_wait3A_793, %dma_wait3A_794, %dma_wait3A_795] : memref<8x32x128xf32, #tpu.memory_space<vmem>> -> memref<1x32x128xf32, #tpu.memory_space<vmem>>
      %dma_wait3A_797 = tpu.memref_squeeze %dma_wait3A_796 : memref<1x32x128xf32, #tpu.memory_space<vmem>> -> memref<32x128xf32, #tpu.memory_space<vmem>>
      %dma_wait3A_798 = arith.constant 0 : i32
      %dma_wait3A_799 = arith.constant 0 : i32
      %dma_wait3A_800 = tpu.memref_slice %arg5[%dma_wait3A_798, %dma_wait3A_799] : memref<32x1000000xf32, #tpu.memory_space<hbm>> -> memref<32x128xf32, #tpu.memory_space<hbm>>
      %dma_wait3A_801 = arith.constant 0 : i32
      %dma_wait3A_802 = arith.constant 0 : i32
      %dma_wait3A_803 = tpu.memref_slice %arg13[%dma_wait3A_793, %dma_wait3A_801, %dma_wait3A_802] : memref<8x32x128xf32, #tpu.memory_space<vmem>> -> memref<1x32x128xf32, #tpu.memory_space<vmem>>
      %dma_wait3A_804 = tpu.memref_squeeze %dma_wait3A_803 : memref<1x32x128xf32, #tpu.memory_space<vmem>> -> memref<32x128xf32, #tpu.memory_space<vmem>>
      %dma_wait3A_805 = arith.constant 0 : i32
      %dma_wait3A_806 = arith.constant 0 : i32
      %dma_wait3A_807 = tpu.memref_slice %arg5[%dma_wait3A_805, %dma_wait3A_806] : memref<32x1000000xf32, #tpu.memory_space<hbm>> -> memref<32x128xf32, #tpu.memory_space<hbm>>
      tpu.wait_dma2 semaphore(%arg18 : memref<!tpu.dma_semaphore, #tpu.memory_space<semaphore_mem>>) src(%dma_wait3A_807 : memref<32x128xf32, #tpu.memory_space<hbm>>) dst(%dma_wait3A_804 : memref<32x128xf32, #tpu.memory_space<vmem>>)
      %dma_wait3A_808 = arith.constant 4 : i32
      %dma_wait3A_809 = arith.constant 0 : i32
      %dma_wait3A_810 = arith.constant 0 : i32
      %dma_wait3A_811 = tpu.memref_slice %arg14[%dma_wait3A_808, %dma_wait3A_809, %dma_wait3A_810] : memref<8x16x128xf32, #tpu.memory_space<vmem>> -> memref<1x16x128xf32, #tpu.memory_space<vmem>>
      %dma_wait3A_812 = tpu.memref_squeeze %dma_wait3A_811 : memref<1x16x128xf32, #tpu.memory_space<vmem>> -> memref<16x128xf32, #tpu.memory_space<vmem>>
      %dma_wait3A_813 = arith.constant 0 : i32
      %dma_wait3A_814 = arith.constant 0 : i32
      %dma_wait3A_815 = tpu.memref_slice %arg6[%dma_wait3A_813, %dma_wait3A_814] : memref<16x1000000xf32, #tpu.memory_space<hbm>> -> memref<16x128xf32, #tpu.memory_space<hbm>>
      %dma_wait3A_816 = arith.constant 0 : i32
      %dma_wait3A_817 = arith.constant 0 : i32
      %dma_wait3A_818 = tpu.memref_slice %arg14[%dma_wait3A_808, %dma_wait3A_816, %dma_wait3A_817] : memref<8x16x128xf32, #tpu.memory_space<vmem>> -> memref<1x16x128xf32, #tpu.memory_space<vmem>>
      %dma_wait3A_819 = tpu.memref_squeeze %dma_wait3A_818 : memref<1x16x128xf32, #tpu.memory_space<vmem>> -> memref<16x128xf32, #tpu.memory_space<vmem>>
      %dma_wait3A_820 = arith.constant 0 : i32
      %dma_wait3A_821 = arith.constant 0 : i32
      %dma_wait3A_822 = tpu.memref_slice %arg6[%dma_wait3A_820, %dma_wait3A_821] : memref<16x1000000xf32, #tpu.memory_space<hbm>> -> memref<16x128xf32, #tpu.memory_space<hbm>>
      tpu.wait_dma2 semaphore(%arg18 : memref<!tpu.dma_semaphore, #tpu.memory_space<semaphore_mem>>) src(%dma_wait3A_822 : memref<16x128xf32, #tpu.memory_space<hbm>>) dst(%dma_wait3A_819 : memref<16x128xf32, #tpu.memory_space<vmem>>)
      %dma_wait3A_823 = arith.constant 4 : i32
      %dma_wait3A_824 = arith.constant 0 : i32
      %dma_wait3A_825 = arith.constant 0 : i32
      %dma_wait3A_826 = tpu.memref_slice %arg15[%dma_wait3A_823, %dma_wait3A_824, %dma_wait3A_825] : memref<8x16x128xf32, #tpu.memory_space<vmem>> -> memref<1x16x128xf32, #tpu.memory_space<vmem>>
      %dma_wait3A_827 = tpu.memref_squeeze %dma_wait3A_826 : memref<1x16x128xf32, #tpu.memory_space<vmem>> -> memref<16x128xf32, #tpu.memory_space<vmem>>
      %dma_wait3A_828 = arith.constant 0 : i32
      %dma_wait3A_829 = arith.constant 0 : i32
      %dma_wait3A_830 = tpu.memref_slice %arg7[%dma_wait3A_828, %dma_wait3A_829] : memref<16x1000000xf32, #tpu.memory_space<hbm>> -> memref<16x128xf32, #tpu.memory_space<hbm>>
      %dma_wait3A_831 = arith.constant 0 : i32
      %dma_wait3A_832 = arith.constant 0 : i32
      %dma_wait3A_833 = tpu.memref_slice %arg15[%dma_wait3A_823, %dma_wait3A_831, %dma_wait3A_832] : memref<8x16x128xf32, #tpu.memory_space<vmem>> -> memref<1x16x128xf32, #tpu.memory_space<vmem>>
      %dma_wait3A_834 = tpu.memref_squeeze %dma_wait3A_833 : memref<1x16x128xf32, #tpu.memory_space<vmem>> -> memref<16x128xf32, #tpu.memory_space<vmem>>
      %dma_wait3A_835 = arith.constant 0 : i32
      %dma_wait3A_836 = arith.constant 0 : i32
      %dma_wait3A_837 = tpu.memref_slice %arg7[%dma_wait3A_835, %dma_wait3A_836] : memref<16x1000000xf32, #tpu.memory_space<hbm>> -> memref<16x128xf32, #tpu.memory_space<hbm>>
      tpu.wait_dma2 semaphore(%arg18 : memref<!tpu.dma_semaphore, #tpu.memory_space<semaphore_mem>>) src(%dma_wait3A_837 : memref<16x128xf32, #tpu.memory_space<hbm>>) dst(%dma_wait3A_834 : memref<16x128xf32, #tpu.memory_space<vmem>>)
      %dma_wait3A_838 = arith.constant 5 : i32
      %dma_wait3A_839 = arith.constant 0 : i32
      %dma_wait3A_840 = arith.constant 0 : i32
      %dma_wait3A_841 = tpu.memref_slice %arg12[%dma_wait3A_838, %dma_wait3A_839, %dma_wait3A_840] : memref<8x32x128xf32, #tpu.memory_space<vmem>> -> memref<1x32x128xf32, #tpu.memory_space<vmem>>
      %dma_wait3A_842 = tpu.memref_squeeze %dma_wait3A_841 : memref<1x32x128xf32, #tpu.memory_space<vmem>> -> memref<32x128xf32, #tpu.memory_space<vmem>>
      %dma_wait3A_843 = arith.constant 0 : i32
      %dma_wait3A_844 = arith.constant 0 : i32
      %dma_wait3A_845 = tpu.memref_slice %arg4[%dma_wait3A_843, %dma_wait3A_844] : memref<32x1000000xf32, #tpu.memory_space<hbm>> -> memref<32x128xf32, #tpu.memory_space<hbm>>
      %dma_wait3A_846 = arith.constant 0 : i32
      %dma_wait3A_847 = arith.constant 0 : i32
      %dma_wait3A_848 = tpu.memref_slice %arg12[%dma_wait3A_838, %dma_wait3A_846, %dma_wait3A_847] : memref<8x32x128xf32, #tpu.memory_space<vmem>> -> memref<1x32x128xf32, #tpu.memory_space<vmem>>
      %dma_wait3A_849 = tpu.memref_squeeze %dma_wait3A_848 : memref<1x32x128xf32, #tpu.memory_space<vmem>> -> memref<32x128xf32, #tpu.memory_space<vmem>>
      %dma_wait3A_850 = arith.constant 0 : i32
      %dma_wait3A_851 = arith.constant 0 : i32
      %dma_wait3A_852 = tpu.memref_slice %arg4[%dma_wait3A_850, %dma_wait3A_851] : memref<32x1000000xf32, #tpu.memory_space<hbm>> -> memref<32x128xf32, #tpu.memory_space<hbm>>
      tpu.wait_dma2 semaphore(%arg18 : memref<!tpu.dma_semaphore, #tpu.memory_space<semaphore_mem>>) src(%dma_wait3A_852 : memref<32x128xf32, #tpu.memory_space<hbm>>) dst(%dma_wait3A_849 : memref<32x128xf32, #tpu.memory_space<vmem>>)
      %dma_wait3A_853 = arith.constant 5 : i32
      %dma_wait3A_854 = arith.constant 0 : i32
      %dma_wait3A_855 = arith.constant 0 : i32
      %dma_wait3A_856 = tpu.memref_slice %arg13[%dma_wait3A_853, %dma_wait3A_854, %dma_wait3A_855] : memref<8x32x128xf32, #tpu.memory_space<vmem>> -> memref<1x32x128xf32, #tpu.memory_space<vmem>>
      %dma_wait3A_857 = tpu.memref_squeeze %dma_wait3A_856 : memref<1x32x128xf32, #tpu.memory_space<vmem>> -> memref<32x128xf32, #tpu.memory_space<vmem>>
      %dma_wait3A_858 = arith.constant 0 : i32
      %dma_wait3A_859 = arith.constant 0 : i32
      %dma_wait3A_860 = tpu.memref_slice %arg5[%dma_wait3A_858, %dma_wait3A_859] : memref<32x1000000xf32, #tpu.memory_space<hbm>> -> memref<32x128xf32, #tpu.memory_space<hbm>>
      %dma_wait3A_861 = arith.constant 0 : i32
      %dma_wait3A_862 = arith.constant 0 : i32
      %dma_wait3A_863 = tpu.memref_slice %arg13[%dma_wait3A_853, %dma_wait3A_861, %dma_wait3A_862] : memref<8x32x128xf32, #tpu.memory_space<vmem>> -> memref<1x32x128xf32, #tpu.memory_space<vmem>>
      %dma_wait3A_864 = tpu.memref_squeeze %dma_wait3A_863 : memref<1x32x128xf32, #tpu.memory_space<vmem>> -> memref<32x128xf32, #tpu.memory_space<vmem>>
      %dma_wait3A_865 = arith.constant 0 : i32
      %dma_wait3A_866 = arith.constant 0 : i32
      %dma_wait3A_867 = tpu.memref_slice %arg5[%dma_wait3A_865, %dma_wait3A_866] : memref<32x1000000xf32, #tpu.memory_space<hbm>> -> memref<32x128xf32, #tpu.memory_space<hbm>>
      tpu.wait_dma2 semaphore(%arg18 : memref<!tpu.dma_semaphore, #tpu.memory_space<semaphore_mem>>) src(%dma_wait3A_867 : memref<32x128xf32, #tpu.memory_space<hbm>>) dst(%dma_wait3A_864 : memref<32x128xf32, #tpu.memory_space<vmem>>)
      %dma_wait3A_868 = arith.constant 5 : i32
      %dma_wait3A_869 = arith.constant 0 : i32
      %dma_wait3A_870 = arith.constant 0 : i32
      %dma_wait3A_871 = tpu.memref_slice %arg14[%dma_wait3A_868, %dma_wait3A_869, %dma_wait3A_870] : memref<8x16x128xf32, #tpu.memory_space<vmem>> -> memref<1x16x128xf32, #tpu.memory_space<vmem>>
      %dma_wait3A_872 = tpu.memref_squeeze %dma_wait3A_871 : memref<1x16x128xf32, #tpu.memory_space<vmem>> -> memref<16x128xf32, #tpu.memory_space<vmem>>
      %dma_wait3A_873 = arith.constant 0 : i32
      %dma_wait3A_874 = arith.constant 0 : i32
      %dma_wait3A_875 = tpu.memref_slice %arg6[%dma_wait3A_873, %dma_wait3A_874] : memref<16x1000000xf32, #tpu.memory_space<hbm>> -> memref<16x128xf32, #tpu.memory_space<hbm>>
      %dma_wait3A_876 = arith.constant 0 : i32
      %dma_wait3A_877 = arith.constant 0 : i32
      %dma_wait3A_878 = tpu.memref_slice %arg14[%dma_wait3A_868, %dma_wait3A_876, %dma_wait3A_877] : memref<8x16x128xf32, #tpu.memory_space<vmem>> -> memref<1x16x128xf32, #tpu.memory_space<vmem>>
      %dma_wait3A_879 = tpu.memref_squeeze %dma_wait3A_878 : memref<1x16x128xf32, #tpu.memory_space<vmem>> -> memref<16x128xf32, #tpu.memory_space<vmem>>
      %dma_wait3A_880 = arith.constant 0 : i32
      %dma_wait3A_881 = arith.constant 0 : i32
      %dma_wait3A_882 = tpu.memref_slice %arg6[%dma_wait3A_880, %dma_wait3A_881] : memref<16x1000000xf32, #tpu.memory_space<hbm>> -> memref<16x128xf32, #tpu.memory_space<hbm>>
      tpu.wait_dma2 semaphore(%arg18 : memref<!tpu.dma_semaphore, #tpu.memory_space<semaphore_mem>>) src(%dma_wait3A_882 : memref<16x128xf32, #tpu.memory_space<hbm>>) dst(%dma_wait3A_879 : memref<16x128xf32, #tpu.memory_space<vmem>>)
      %dma_wait3A_883 = arith.constant 5 : i32
      %dma_wait3A_884 = arith.constant 0 : i32
      %dma_wait3A_885 = arith.constant 0 : i32
      %dma_wait3A_886 = tpu.memref_slice %arg15[%dma_wait3A_883, %dma_wait3A_884, %dma_wait3A_885] : memref<8x16x128xf32, #tpu.memory_space<vmem>> -> memref<1x16x128xf32, #tpu.memory_space<vmem>>
      %dma_wait3A_887 = tpu.memref_squeeze %dma_wait3A_886 : memref<1x16x128xf32, #tpu.memory_space<vmem>> -> memref<16x128xf32, #tpu.memory_space<vmem>>
      %dma_wait3A_888 = arith.constant 0 : i32
      %dma_wait3A_889 = arith.constant 0 : i32
      %dma_wait3A_890 = tpu.memref_slice %arg7[%dma_wait3A_888, %dma_wait3A_889] : memref<16x1000000xf32, #tpu.memory_space<hbm>> -> memref<16x128xf32, #tpu.memory_space<hbm>>
      %dma_wait3A_891 = arith.constant 0 : i32
      %dma_wait3A_892 = arith.constant 0 : i32
      %dma_wait3A_893 = tpu.memref_slice %arg15[%dma_wait3A_883, %dma_wait3A_891, %dma_wait3A_892] : memref<8x16x128xf32, #tpu.memory_space<vmem>> -> memref<1x16x128xf32, #tpu.memory_space<vmem>>
      %dma_wait3A_894 = tpu.memref_squeeze %dma_wait3A_893 : memref<1x16x128xf32, #tpu.memory_space<vmem>> -> memref<16x128xf32, #tpu.memory_space<vmem>>
      %dma_wait3A_895 = arith.constant 0 : i32
      %dma_wait3A_896 = arith.constant 0 : i32
      %dma_wait3A_897 = tpu.memref_slice %arg7[%dma_wait3A_895, %dma_wait3A_896] : memref<16x1000000xf32, #tpu.memory_space<hbm>> -> memref<16x128xf32, #tpu.memory_space<hbm>>
      tpu.wait_dma2 semaphore(%arg18 : memref<!tpu.dma_semaphore, #tpu.memory_space<semaphore_mem>>) src(%dma_wait3A_897 : memref<16x128xf32, #tpu.memory_space<hbm>>) dst(%dma_wait3A_894 : memref<16x128xf32, #tpu.memory_space<vmem>>)
      %dma_wait3A_898 = arith.constant 6 : i32
      %dma_wait3A_899 = arith.constant 0 : i32
      %dma_wait3A_900 = arith.constant 0 : i32
      %dma_wait3A_901 = tpu.memref_slice %arg12[%dma_wait3A_898, %dma_wait3A_899, %dma_wait3A_900] : memref<8x32x128xf32, #tpu.memory_space<vmem>> -> memref<1x32x128xf32, #tpu.memory_space<vmem>>
      %dma_wait3A_902 = tpu.memref_squeeze %dma_wait3A_901 : memref<1x32x128xf32, #tpu.memory_space<vmem>> -> memref<32x128xf32, #tpu.memory_space<vmem>>
      %dma_wait3A_903 = arith.constant 0 : i32
      %dma_wait3A_904 = arith.constant 0 : i32
      %dma_wait3A_905 = tpu.memref_slice %arg4[%dma_wait3A_903, %dma_wait3A_904] : memref<32x1000000xf32, #tpu.memory_space<hbm>> -> memref<32x128xf32, #tpu.memory_space<hbm>>
      %dma_wait3A_906 = arith.constant 0 : i32
      %dma_wait3A_907 = arith.constant 0 : i32
      %dma_wait3A_908 = tpu.memref_slice %arg12[%dma_wait3A_898, %dma_wait3A_906, %dma_wait3A_907] : memref<8x32x128xf32, #tpu.memory_space<vmem>> -> memref<1x32x128xf32, #tpu.memory_space<vmem>>
      %dma_wait3A_909 = tpu.memref_squeeze %dma_wait3A_908 : memref<1x32x128xf32, #tpu.memory_space<vmem>> -> memref<32x128xf32, #tpu.memory_space<vmem>>
      %dma_wait3A_910 = arith.constant 0 : i32
      %dma_wait3A_911 = arith.constant 0 : i32
      %dma_wait3A_912 = tpu.memref_slice %arg4[%dma_wait3A_910, %dma_wait3A_911] : memref<32x1000000xf32, #tpu.memory_space<hbm>> -> memref<32x128xf32, #tpu.memory_space<hbm>>
      tpu.wait_dma2 semaphore(%arg18 : memref<!tpu.dma_semaphore, #tpu.memory_space<semaphore_mem>>) src(%dma_wait3A_912 : memref<32x128xf32, #tpu.memory_space<hbm>>) dst(%dma_wait3A_909 : memref<32x128xf32, #tpu.memory_space<vmem>>)
      %dma_wait3A_913 = arith.constant 6 : i32
      %dma_wait3A_914 = arith.constant 0 : i32
      %dma_wait3A_915 = arith.constant 0 : i32
      %dma_wait3A_916 = tpu.memref_slice %arg13[%dma_wait3A_913, %dma_wait3A_914, %dma_wait3A_915] : memref<8x32x128xf32, #tpu.memory_space<vmem>> -> memref<1x32x128xf32, #tpu.memory_space<vmem>>
      %dma_wait3A_917 = tpu.memref_squeeze %dma_wait3A_916 : memref<1x32x128xf32, #tpu.memory_space<vmem>> -> memref<32x128xf32, #tpu.memory_space<vmem>>
      %dma_wait3A_918 = arith.constant 0 : i32
      %dma_wait3A_919 = arith.constant 0 : i32
      %dma_wait3A_920 = tpu.memref_slice %arg5[%dma_wait3A_918, %dma_wait3A_919] : memref<32x1000000xf32, #tpu.memory_space<hbm>> -> memref<32x128xf32, #tpu.memory_space<hbm>>
      %dma_wait3A_921 = arith.constant 0 : i32
      %dma_wait3A_922 = arith.constant 0 : i32
      %dma_wait3A_923 = tpu.memref_slice %arg13[%dma_wait3A_913, %dma_wait3A_921, %dma_wait3A_922] : memref<8x32x128xf32, #tpu.memory_space<vmem>> -> memref<1x32x128xf32, #tpu.memory_space<vmem>>
      %dma_wait3A_924 = tpu.memref_squeeze %dma_wait3A_923 : memref<1x32x128xf32, #tpu.memory_space<vmem>> -> memref<32x128xf32, #tpu.memory_space<vmem>>
      %dma_wait3A_925 = arith.constant 0 : i32
      %dma_wait3A_926 = arith.constant 0 : i32
      %dma_wait3A_927 = tpu.memref_slice %arg5[%dma_wait3A_925, %dma_wait3A_926] : memref<32x1000000xf32, #tpu.memory_space<hbm>> -> memref<32x128xf32, #tpu.memory_space<hbm>>
      tpu.wait_dma2 semaphore(%arg18 : memref<!tpu.dma_semaphore, #tpu.memory_space<semaphore_mem>>) src(%dma_wait3A_927 : memref<32x128xf32, #tpu.memory_space<hbm>>) dst(%dma_wait3A_924 : memref<32x128xf32, #tpu.memory_space<vmem>>)
      %dma_wait3A_928 = arith.constant 6 : i32
      %dma_wait3A_929 = arith.constant 0 : i32
      %dma_wait3A_930 = arith.constant 0 : i32
      %dma_wait3A_931 = tpu.memref_slice %arg14[%dma_wait3A_928, %dma_wait3A_929, %dma_wait3A_930] : memref<8x16x128xf32, #tpu.memory_space<vmem>> -> memref<1x16x128xf32, #tpu.memory_space<vmem>>
      %dma_wait3A_932 = tpu.memref_squeeze %dma_wait3A_931 : memref<1x16x128xf32, #tpu.memory_space<vmem>> -> memref<16x128xf32, #tpu.memory_space<vmem>>
      %dma_wait3A_933 = arith.constant 0 : i32
      %dma_wait3A_934 = arith.constant 0 : i32
      %dma_wait3A_935 = tpu.memref_slice %arg6[%dma_wait3A_933, %dma_wait3A_934] : memref<16x1000000xf32, #tpu.memory_space<hbm>> -> memref<16x128xf32, #tpu.memory_space<hbm>>
      %dma_wait3A_936 = arith.constant 0 : i32
      %dma_wait3A_937 = arith.constant 0 : i32
      %dma_wait3A_938 = tpu.memref_slice %arg14[%dma_wait3A_928, %dma_wait3A_936, %dma_wait3A_937] : memref<8x16x128xf32, #tpu.memory_space<vmem>> -> memref<1x16x128xf32, #tpu.memory_space<vmem>>
      %dma_wait3A_939 = tpu.memref_squeeze %dma_wait3A_938 : memref<1x16x128xf32, #tpu.memory_space<vmem>> -> memref<16x128xf32, #tpu.memory_space<vmem>>
      %dma_wait3A_940 = arith.constant 0 : i32
      %dma_wait3A_941 = arith.constant 0 : i32
      %dma_wait3A_942 = tpu.memref_slice %arg6[%dma_wait3A_940, %dma_wait3A_941] : memref<16x1000000xf32, #tpu.memory_space<hbm>> -> memref<16x128xf32, #tpu.memory_space<hbm>>
      tpu.wait_dma2 semaphore(%arg18 : memref<!tpu.dma_semaphore, #tpu.memory_space<semaphore_mem>>) src(%dma_wait3A_942 : memref<16x128xf32, #tpu.memory_space<hbm>>) dst(%dma_wait3A_939 : memref<16x128xf32, #tpu.memory_space<vmem>>)
      %dma_wait3A_943 = arith.constant 6 : i32
      %dma_wait3A_944 = arith.constant 0 : i32
      %dma_wait3A_945 = arith.constant 0 : i32
      %dma_wait3A_946 = tpu.memref_slice %arg15[%dma_wait3A_943, %dma_wait3A_944, %dma_wait3A_945] : memref<8x16x128xf32, #tpu.memory_space<vmem>> -> memref<1x16x128xf32, #tpu.memory_space<vmem>>
      %dma_wait3A_947 = tpu.memref_squeeze %dma_wait3A_946 : memref<1x16x128xf32, #tpu.memory_space<vmem>> -> memref<16x128xf32, #tpu.memory_space<vmem>>
      %dma_wait3A_948 = arith.constant 0 : i32
      %dma_wait3A_949 = arith.constant 0 : i32
      %dma_wait3A_950 = tpu.memref_slice %arg7[%dma_wait3A_948, %dma_wait3A_949] : memref<16x1000000xf32, #tpu.memory_space<hbm>> -> memref<16x128xf32, #tpu.memory_space<hbm>>
      %dma_wait3A_951 = arith.constant 0 : i32
      %dma_wait3A_952 = arith.constant 0 : i32
      %dma_wait3A_953 = tpu.memref_slice %arg15[%dma_wait3A_943, %dma_wait3A_951, %dma_wait3A_952] : memref<8x16x128xf32, #tpu.memory_space<vmem>> -> memref<1x16x128xf32, #tpu.memory_space<vmem>>
      %dma_wait3A_954 = tpu.memref_squeeze %dma_wait3A_953 : memref<1x16x128xf32, #tpu.memory_space<vmem>> -> memref<16x128xf32, #tpu.memory_space<vmem>>
      %dma_wait3A_955 = arith.constant 0 : i32
      %dma_wait3A_956 = arith.constant 0 : i32
      %dma_wait3A_957 = tpu.memref_slice %arg7[%dma_wait3A_955, %dma_wait3A_956] : memref<16x1000000xf32, #tpu.memory_space<hbm>> -> memref<16x128xf32, #tpu.memory_space<hbm>>
      tpu.wait_dma2 semaphore(%arg18 : memref<!tpu.dma_semaphore, #tpu.memory_space<semaphore_mem>>) src(%dma_wait3A_957 : memref<16x128xf32, #tpu.memory_space<hbm>>) dst(%dma_wait3A_954 : memref<16x128xf32, #tpu.memory_space<vmem>>)
      %dma_wait3A_958 = arith.constant 7 : i32
      %dma_wait3A_959 = arith.constant 0 : i32
      %dma_wait3A_960 = arith.constant 0 : i32
      %dma_wait3A_961 = tpu.memref_slice %arg12[%dma_wait3A_958, %dma_wait3A_959, %dma_wait3A_960] : memref<8x32x128xf32, #tpu.memory_space<vmem>> -> memref<1x32x128xf32, #tpu.memory_space<vmem>>
      %dma_wait3A_962 = tpu.memref_squeeze %dma_wait3A_961 : memref<1x32x128xf32, #tpu.memory_space<vmem>> -> memref<32x128xf32, #tpu.memory_space<vmem>>
      %dma_wait3A_963 = arith.constant 0 : i32
      %dma_wait3A_964 = arith.constant 0 : i32
      %dma_wait3A_965 = tpu.memref_slice %arg4[%dma_wait3A_963, %dma_wait3A_964] : memref<32x1000000xf32, #tpu.memory_space<hbm>> -> memref<32x128xf32, #tpu.memory_space<hbm>>
      %dma_wait3A_966 = arith.constant 0 : i32
      %dma_wait3A_967 = arith.constant 0 : i32
      %dma_wait3A_968 = tpu.memref_slice %arg12[%dma_wait3A_958, %dma_wait3A_966, %dma_wait3A_967] : memref<8x32x128xf32, #tpu.memory_space<vmem>> -> memref<1x32x128xf32, #tpu.memory_space<vmem>>
      %dma_wait3A_969 = tpu.memref_squeeze %dma_wait3A_968 : memref<1x32x128xf32, #tpu.memory_space<vmem>> -> memref<32x128xf32, #tpu.memory_space<vmem>>
      %dma_wait3A_970 = arith.constant 0 : i32
      %dma_wait3A_971 = arith.constant 0 : i32
      %dma_wait3A_972 = tpu.memref_slice %arg4[%dma_wait3A_970, %dma_wait3A_971] : memref<32x1000000xf32, #tpu.memory_space<hbm>> -> memref<32x128xf32, #tpu.memory_space<hbm>>
      tpu.wait_dma2 semaphore(%arg18 : memref<!tpu.dma_semaphore, #tpu.memory_space<semaphore_mem>>) src(%dma_wait3A_972 : memref<32x128xf32, #tpu.memory_space<hbm>>) dst(%dma_wait3A_969 : memref<32x128xf32, #tpu.memory_space<vmem>>)
      %dma_wait3A_973 = arith.constant 7 : i32
      %dma_wait3A_974 = arith.constant 0 : i32
      %dma_wait3A_975 = arith.constant 0 : i32
      %dma_wait3A_976 = tpu.memref_slice %arg13[%dma_wait3A_973, %dma_wait3A_974, %dma_wait3A_975] : memref<8x32x128xf32, #tpu.memory_space<vmem>> -> memref<1x32x128xf32, #tpu.memory_space<vmem>>
      %dma_wait3A_977 = tpu.memref_squeeze %dma_wait3A_976 : memref<1x32x128xf32, #tpu.memory_space<vmem>> -> memref<32x128xf32, #tpu.memory_space<vmem>>
      %dma_wait3A_978 = arith.constant 0 : i32
      %dma_wait3A_979 = arith.constant 0 : i32
      %dma_wait3A_980 = tpu.memref_slice %arg5[%dma_wait3A_978, %dma_wait3A_979] : memref<32x1000000xf32, #tpu.memory_space<hbm>> -> memref<32x128xf32, #tpu.memory_space<hbm>>
      %dma_wait3A_981 = arith.constant 0 : i32
      %dma_wait3A_982 = arith.constant 0 : i32
      %dma_wait3A_983 = tpu.memref_slice %arg13[%dma_wait3A_973, %dma_wait3A_981, %dma_wait3A_982] : memref<8x32x128xf32, #tpu.memory_space<vmem>> -> memref<1x32x128xf32, #tpu.memory_space<vmem>>
      %dma_wait3A_984 = tpu.memref_squeeze %dma_wait3A_983 : memref<1x32x128xf32, #tpu.memory_space<vmem>> -> memref<32x128xf32, #tpu.memory_space<vmem>>
      %dma_wait3A_985 = arith.constant 0 : i32
      %dma_wait3A_986 = arith.constant 0 : i32
      %dma_wait3A_987 = tpu.memref_slice %arg5[%dma_wait3A_985, %dma_wait3A_986] : memref<32x1000000xf32, #tpu.memory_space<hbm>> -> memref<32x128xf32, #tpu.memory_space<hbm>>
      tpu.wait_dma2 semaphore(%arg18 : memref<!tpu.dma_semaphore, #tpu.memory_space<semaphore_mem>>) src(%dma_wait3A_987 : memref<32x128xf32, #tpu.memory_space<hbm>>) dst(%dma_wait3A_984 : memref<32x128xf32, #tpu.memory_space<vmem>>)
      %dma_wait3A_988 = arith.constant 7 : i32
      %dma_wait3A_989 = arith.constant 0 : i32
      %dma_wait3A_990 = arith.constant 0 : i32
      %dma_wait3A_991 = tpu.memref_slice %arg14[%dma_wait3A_988, %dma_wait3A_989, %dma_wait3A_990] : memref<8x16x128xf32, #tpu.memory_space<vmem>> -> memref<1x16x128xf32, #tpu.memory_space<vmem>>
      %dma_wait3A_992 = tpu.memref_squeeze %dma_wait3A_991 : memref<1x16x128xf32, #tpu.memory_space<vmem>> -> memref<16x128xf32, #tpu.memory_space<vmem>>
      %dma_wait3A_993 = arith.constant 0 : i32
      %dma_wait3A_994 = arith.constant 0 : i32
      %dma_wait3A_995 = tpu.memref_slice %arg6[%dma_wait3A_993, %dma_wait3A_994] : memref<16x1000000xf32, #tpu.memory_space<hbm>> -> memref<16x128xf32, #tpu.memory_space<hbm>>
      %dma_wait3A_996 = arith.constant 0 : i32
      %dma_wait3A_997 = arith.constant 0 : i32
      %dma_wait3A_998 = tpu.memref_slice %arg14[%dma_wait3A_988, %dma_wait3A_996, %dma_wait3A_997] : memref<8x16x128xf32, #tpu.memory_space<vmem>> -> memref<1x16x128xf32, #tpu.memory_space<vmem>>
      %dma_wait3A_999 = tpu.memref_squeeze %dma_wait3A_998 : memref<1x16x128xf32, #tpu.memory_space<vmem>> -> memref<16x128xf32, #tpu.memory_space<vmem>>
      %dma_wait3A_1000 = arith.constant 0 : i32
      %dma_wait3A_1001 = arith.constant 0 : i32
      %dma_wait3A_1002 = tpu.memref_slice %arg6[%dma_wait3A_1000, %dma_wait3A_1001] : memref<16x1000000xf32, #tpu.memory_space<hbm>> -> memref<16x128xf32, #tpu.memory_space<hbm>>
      tpu.wait_dma2 semaphore(%arg18 : memref<!tpu.dma_semaphore, #tpu.memory_space<semaphore_mem>>) src(%dma_wait3A_1002 : memref<16x128xf32, #tpu.memory_space<hbm>>) dst(%dma_wait3A_999 : memref<16x128xf32, #tpu.memory_space<vmem>>)
      %dma_wait3A_1003 = arith.constant 7 : i32
      %dma_wait3A_1004 = arith.constant 0 : i32
      %dma_wait3A_1005 = arith.constant 0 : i32
      %dma_wait3A_1006 = tpu.memref_slice %arg15[%dma_wait3A_1003, %dma_wait3A_1004, %dma_wait3A_1005] : memref<8x16x128xf32, #tpu.memory_space<vmem>> -> memref<1x16x128xf32, #tpu.memory_space<vmem>>
      %dma_wait3A_1007 = tpu.memref_squeeze %dma_wait3A_1006 : memref<1x16x128xf32, #tpu.memory_space<vmem>> -> memref<16x128xf32, #tpu.memory_space<vmem>>
      %dma_wait3A_1008 = arith.constant 0 : i32
      %dma_wait3A_1009 = arith.constant 0 : i32
      %dma_wait3A_1010 = tpu.memref_slice %arg7[%dma_wait3A_1008, %dma_wait3A_1009] : memref<16x1000000xf32, #tpu.memory_space<hbm>> -> memref<16x128xf32, #tpu.memory_space<hbm>>
      %dma_wait3A_1011 = arith.constant 0 : i32
      %dma_wait3A_1012 = arith.constant 0 : i32
      %dma_wait3A_1013 = tpu.memref_slice %arg15[%dma_wait3A_1003, %dma_wait3A_1011, %dma_wait3A_1012] : memref<8x16x128xf32, #tpu.memory_space<vmem>> -> memref<1x16x128xf32, #tpu.memory_space<vmem>>
      %dma_wait3A_1014 = tpu.memref_squeeze %dma_wait3A_1013 : memref<1x16x128xf32, #tpu.memory_space<vmem>> -> memref<16x128xf32, #tpu.memory_space<vmem>>
      %dma_wait3A_1015 = arith.constant 0 : i32
      %dma_wait3A_1016 = arith.constant 0 : i32
      %dma_wait3A_1017 = tpu.memref_slice %arg7[%dma_wait3A_1015, %dma_wait3A_1016] : memref<16x1000000xf32, #tpu.memory_space<hbm>> -> memref<16x128xf32, #tpu.memory_space<hbm>>
      tpu.wait_dma2 semaphore(%arg18 : memref<!tpu.dma_semaphore, #tpu.memory_space<semaphore_mem>>) src(%dma_wait3A_1017 : memref<16x128xf32, #tpu.memory_space<hbm>>) dst(%dma_wait3A_1014 : memref<16x128xf32, #tpu.memory_space<vmem>>)
      %slice3A_1018 = vector.extract_strided_slice %get3A_11 {offsets = [0], sizes = [1], strides = [1]} : vector<16xi32> to vector<1xi32>
      %squeeze3A_1019 = vector.extract %slice3A_1018[0] : i32 from vector<1xi32>
      %and3A = arith.constant 127 : i32
      %and3A_1020 = arith.andi %squeeze3A_1019, %and3A : i32
      %broadcast_in_dim3A = vector.broadcast %and3A_1020 : i32 to vector<16xi32>
      %slice3A_1021 = vector.extract_strided_slice %get3A_15 {offsets = [0], sizes = [1], strides = [1]} : vector<16xi32> to vector<1xi32>
      %squeeze3A_1022 = vector.extract %slice3A_1021[0] : i32 from vector<1xi32>
      %and3A_1023 = arith.constant 127 : i32
      %and3A_1024 = arith.andi %squeeze3A_1022, %and3A_1023 : i32
      %broadcast_in_dim3A_1025 = vector.broadcast %and3A_1024 : i32 to vector<16xi32>
      %gather3A = arith.constant 0 : i32
      %gather3A_1026 = arith.constant 0 : i32
      %gather3A_1027 = arith.constant 0 : i32
      %gather3A_1028 = tpu.memref_slice %arg12[%gather3A, %gather3A_1026, %gather3A_1027] : memref<8x32x128xf32, #tpu.memory_space<vmem>> -> memref<1x32x128xf32, #tpu.memory_space<vmem>>
      %gather3A_1029 = tpu.memref_squeeze %gather3A_1028 : memref<1x32x128xf32, #tpu.memory_space<vmem>> -> memref<32x128xf32, #tpu.memory_space<vmem>>
      %gather3A_1030 = tpu.vector_load_idx %gather3A_1029[%iota3A, %broadcast_in_dim3A] : memref<32x128xf32, #tpu.memory_space<vmem>>[vector<16xi32>, vector<16xi32>], vector<16xf32>,
      %add3A_1031 = arith.constant 16 : i32
      %add3A_1032 = vector.broadcast %add3A_1031 : i32 to vector<16xi32>
      %add3A_1033 = arith.addi %iota3A, %add3A_1032 : vector<16xi32>
      %gather3A_1034 = arith.constant 0 : i32
      %gather3A_1035 = arith.constant 0 : i32
      %gather3A_1036 = arith.constant 0 : i32
      %gather3A_1037 = tpu.memref_slice %arg12[%gather3A_1034, %gather3A_1035, %gather3A_1036] : memref<8x32x128xf32, #tpu.memory_space<vmem>> -> memref<1x32x128xf32, #tpu.memory_space<vmem>>
      %gather3A_1038 = tpu.memref_squeeze %gather3A_1037 : memref<1x32x128xf32, #tpu.memory_space<vmem>> -> memref<32x128xf32, #tpu.memory_space<vmem>>
      %gather3A_1039 = tpu.vector_load_idx %gather3A_1038[%add3A_1033, %broadcast_in_dim3A] : memref<32x128xf32, #tpu.memory_space<vmem>>[vector<16xi32>, vector<16xi32>], vector<16xf32>,
      %gather3A_1040 = arith.constant 0 : i32
      %gather3A_1041 = arith.constant 0 : i32
      %gather3A_1042 = arith.constant 0 : i32
      %gather3A_1043 = tpu.memref_slice %arg13[%gather3A_1040, %gather3A_1041, %gather3A_1042] : memref<8x32x128xf32, #tpu.memory_space<vmem>> -> memref<1x32x128xf32, #tpu.memory_space<vmem>>
      %gather3A_1044 = tpu.memref_squeeze %gather3A_1043 : memref<1x32x128xf32, #tpu.memory_space<vmem>> -> memref<32x128xf32, #tpu.memory_space<vmem>>
      %gather3A_1045 = tpu.vector_load_idx %gather3A_1044[%iota3A, %broadcast_in_dim3A_1025] : memref<32x128xf32, #tpu.memory_space<vmem>>[vector<16xi32>, vector<16xi32>], vector<16xf32>,
      %add3A_1046 = arith.constant 16 : i32
      %add3A_1047 = vector.broadcast %add3A_1046 : i32 to vector<16xi32>
      %add3A_1048 = arith.addi %iota3A, %add3A_1047 : vector<16xi32>
      %gather3A_1049 = arith.constant 0 : i32
      %gather3A_1050 = arith.constant 0 : i32
      %gather3A_1051 = arith.constant 0 : i32
      %gather3A_1052 = tpu.memref_slice %arg13[%gather3A_1049, %gather3A_1050, %gather3A_1051] : memref<8x32x128xf32, #tpu.memory_space<vmem>> -> memref<1x32x128xf32, #tpu.memory_space<vmem>>
      %gather3A_1053 = tpu.memref_squeeze %gather3A_1052 : memref<1x32x128xf32, #tpu.memory_space<vmem>> -> memref<32x128xf32, #tpu.memory_space<vmem>>
      %gather3A_1054 = tpu.vector_load_idx %gather3A_1053[%add3A_1048, %broadcast_in_dim3A_1025] : memref<32x128xf32, #tpu.memory_space<vmem>>[vector<16xi32>, vector<16xi32>], vector<16xf32>,
      %mul3A_1055 = arith.mulf %gather3A_1030, %gather3A_1045 : vector<16xf32>
      %swap3A = arith.constant 0 : i32
      %swap3A_1056 = arith.index_cast %swap3A : i32 to index
      %swap3A_1057 = arith.constant 0 : index
      %swap3A_1058 = tpu.vector_load %arg16[%swap3A_1056, %swap3A_1057] {strides = array<i32>} : memref<16x32xf32, #tpu.memory_space<vmem>>, vector<16xf32>,
      tpu.vector_store %arg16[%swap3A_1056, %swap3A_1057], %mul3A_1055 {strides = array<i32>} : memref<16x32xf32, #tpu.memory_space<vmem>>, vector<16xf32>,
      %mul3A_1059 = arith.mulf %gather3A_1039, %gather3A_1054 : vector<16xf32>
      %swap3A_1060 = arith.constant 0 : i32
      %swap3A_1061 = arith.index_cast %swap3A_1060 : i32 to index
      %swap3A_1062 = arith.constant 16 : index
      %swap3A_1063 = tpu.vector_load %arg16[%swap3A_1061, %swap3A_1062] {strides = array<i32>} : memref<16x32xf32, #tpu.memory_space<vmem>>, vector<16xf32>,
      tpu.vector_store %arg16[%swap3A_1061, %swap3A_1062], %mul3A_1059 {strides = array<i32>} : memref<16x32xf32, #tpu.memory_space<vmem>>, vector<16xf32>,
      %gather3A_1064 = arith.constant 0 : i32
      %gather3A_1065 = arith.constant 0 : i32
      %gather3A_1066 = arith.constant 0 : i32
      %gather3A_1067 = tpu.memref_slice %arg14[%gather3A_1064, %gather3A_1065, %gather3A_1066] : memref<8x16x128xf32, #tpu.memory_space<vmem>> -> memref<1x16x128xf32, #tpu.memory_space<vmem>>
      %gather3A_1068 = tpu.memref_squeeze %gather3A_1067 : memref<1x16x128xf32, #tpu.memory_space<vmem>> -> memref<16x128xf32, #tpu.memory_space<vmem>>
      %gather3A_1069 = tpu.vector_load_idx %gather3A_1068[%iota3A, %broadcast_in_dim3A] : memref<16x128xf32, #tpu.memory_space<vmem>>[vector<16xi32>, vector<16xi32>], vector<16xf32>,
      %swap3A_1070 = arith.constant 0 : i32
      %swap3A_1071 = arith.index_cast %swap3A_1070 : i32 to index
      %swap3A_1072 = arith.constant 0 : index
      %swap3A_1073 = tpu.vector_load %arg17[%swap3A_1071, %swap3A_1072] {strides = array<i32>} : memref<16x32xf32, #tpu.memory_space<vmem>>, vector<16xf32>,
      tpu.vector_store %arg17[%swap3A_1071, %swap3A_1072], %gather3A_1069 {strides = array<i32>} : memref<16x32xf32, #tpu.memory_space<vmem>>, vector<16xf32>,
      %gather3A_1074 = arith.constant 0 : i32
      %gather3A_1075 = arith.constant 0 : i32
      %gather3A_1076 = arith.constant 0 : i32
      %gather3A_1077 = tpu.memref_slice %arg15[%gather3A_1074, %gather3A_1075, %gather3A_1076] : memref<8x16x128xf32, #tpu.memory_space<vmem>> -> memref<1x16x128xf32, #tpu.memory_space<vmem>>
      %gather3A_1078 = tpu.memref_squeeze %gather3A_1077 : memref<1x16x128xf32, #tpu.memory_space<vmem>> -> memref<16x128xf32, #tpu.memory_space<vmem>>
      %gather3A_1079 = tpu.vector_load_idx %gather3A_1078[%iota3A, %broadcast_in_dim3A_1025] : memref<16x128xf32, #tpu.memory_space<vmem>>[vector<16xi32>, vector<16xi32>], vector<16xf32>,
      %swap3A_1080 = arith.constant 0 : i32
      %swap3A_1081 = arith.index_cast %swap3A_1080 : i32 to index
      %swap3A_1082 = arith.constant 16 : index
      %swap3A_1083 = tpu.vector_load %arg17[%swap3A_1081, %swap3A_1082] {strides = array<i32>} : memref<16x32xf32, #tpu.memory_space<vmem>>, vector<16xf32>,
      tpu.vector_store %arg17[%swap3A_1081, %swap3A_1082], %gather3A_1079 {strides = array<i32>} : memref<16x32xf32, #tpu.memory_space<vmem>>, vector<16xf32>,
      %slice3A_1084 = vector.extract_strided_slice %get3A_11 {offsets = [1], sizes = [1], strides = [1]} : vector<16xi32> to vector<1xi32>
      %squeeze3A_1085 = vector.extract %slice3A_1084[0] : i32 from vector<1xi32>
      %and3A_1086 = arith.constant 127 : i32
      %and3A_1087 = arith.andi %squeeze3A_1085, %and3A_1086 : i32
      %broadcast_in_dim3A_1088 = vector.broadcast %and3A_1087 : i32 to vector<16xi32>
      %slice3A_1089 = vector.extract_strided_slice %get3A_15 {offsets = [1], sizes = [1], strides = [1]} : vector<16xi32> to vector<1xi32>
      %squeeze3A_1090 = vector.extract %slice3A_1089[0] : i32 from vector<1xi32>
      %and3A_1091 = arith.constant 127 : i32
      %and3A_1092 = arith.andi %squeeze3A_1090, %and3A_1091 : i32
      %broadcast_in_dim3A_1093 = vector.broadcast %and3A_1092 : i32 to vector<16xi32>
      %gather3A_1094 = arith.constant 1 : i32
      %gather3A_1095 = arith.constant 0 : i32
      %gather3A_1096 = arith.constant 0 : i32
      %gather3A_1097 = tpu.memref_slice %arg12[%gather3A_1094, %gather3A_1095, %gather3A_1096] : memref<8x32x128xf32, #tpu.memory_space<vmem>> -> memref<1x32x128xf32, #tpu.memory_space<vmem>>
      %gather3A_1098 = tpu.memref_squeeze %gather3A_1097 : memref<1x32x128xf32, #tpu.memory_space<vmem>> -> memref<32x128xf32, #tpu.memory_space<vmem>>
      %gather3A_1099 = tpu.vector_load_idx %gather3A_1098[%iota3A, %broadcast_in_dim3A_1088] : memref<32x128xf32, #tpu.memory_space<vmem>>[vector<16xi32>, vector<16xi32>], vector<16xf32>,
      %add3A_1100 = arith.constant 16 : i32
      %add3A_1101 = vector.broadcast %add3A_1100 : i32 to vector<16xi32>
      %add3A_1102 = arith.addi %iota3A, %add3A_1101 : vector<16xi32>
      %gather3A_1103 = arith.constant 1 : i32
      %gather3A_1104 = arith.constant 0 : i32
      %gather3A_1105 = arith.constant 0 : i32
      %gather3A_1106 = tpu.memref_slice %arg12[%gather3A_1103, %gather3A_1104, %gather3A_1105] : memref<8x32x128xf32, #tpu.memory_space<vmem>> -> memref<1x32x128xf32, #tpu.memory_space<vmem>>
      %gather3A_1107 = tpu.memref_squeeze %gather3A_1106 : memref<1x32x128xf32, #tpu.memory_space<vmem>> -> memref<32x128xf32, #tpu.memory_space<vmem>>
      %gather3A_1108 = tpu.vector_load_idx %gather3A_1107[%add3A_1102, %broadcast_in_dim3A_1088] : memref<32x128xf32, #tpu.memory_space<vmem>>[vector<16xi32>, vector<16xi32>], vector<16xf32>,
      %gather3A_1109 = arith.constant 1 : i32
      %gather3A_1110 = arith.constant 0 : i32
      %gather3A_1111 = arith.constant 0 : i32
      %gather3A_1112 = tpu.memref_slice %arg13[%gather3A_1109, %gather3A_1110, %gather3A_1111] : memref<8x32x128xf32, #tpu.memory_space<vmem>> -> memref<1x32x128xf32, #tpu.memory_space<vmem>>
      %gather3A_1113 = tpu.memref_squeeze %gather3A_1112 : memref<1x32x128xf32, #tpu.memory_space<vmem>> -> memref<32x128xf32, #tpu.memory_space<vmem>>
      %gather3A_1114 = tpu.vector_load_idx %gather3A_1113[%iota3A, %broadcast_in_dim3A_1093] : memref<32x128xf32, #tpu.memory_space<vmem>>[vector<16xi32>, vector<16xi32>], vector<16xf32>,
      %add3A_1115 = arith.constant 16 : i32
      %add3A_1116 = vector.broadcast %add3A_1115 : i32 to vector<16xi32>
      %add3A_1117 = arith.addi %iota3A, %add3A_1116 : vector<16xi32>
      %gather3A_1118 = arith.constant 1 : i32
      %gather3A_1119 = arith.constant 0 : i32
      %gather3A_1120 = arith.constant 0 : i32
      %gather3A_1121 = tpu.memref_slice %arg13[%gather3A_1118, %gather3A_1119, %gather3A_1120] : memref<8x32x128xf32, #tpu.memory_space<vmem>> -> memref<1x32x128xf32, #tpu.memory_space<vmem>>
      %gather3A_1122 = tpu.memref_squeeze %gather3A_1121 : memref<1x32x128xf32, #tpu.memory_space<vmem>> -> memref<32x128xf32, #tpu.memory_space<vmem>>
      %gather3A_1123 = tpu.vector_load_idx %gather3A_1122[%add3A_1117, %broadcast_in_dim3A_1093] : memref<32x128xf32, #tpu.memory_space<vmem>>[vector<16xi32>, vector<16xi32>], vector<16xf32>,
      %mul3A_1124 = arith.mulf %gather3A_1099, %gather3A_1114 : vector<16xf32>
      %swap3A_1125 = arith.constant 1 : i32
      %swap3A_1126 = arith.index_cast %swap3A_1125 : i32 to index
      %swap3A_1127 = arith.constant 0 : index
      %swap3A_1128 = tpu.vector_load %arg16[%swap3A_1126, %swap3A_1127] {strides = array<i32>} : memref<16x32xf32, #tpu.memory_space<vmem>>, vector<16xf32>,
      tpu.vector_store %arg16[%swap3A_1126, %swap3A_1127], %mul3A_1124 {strides = array<i32>} : memref<16x32xf32, #tpu.memory_space<vmem>>, vector<16xf32>,
      %mul3A_1129 = arith.mulf %gather3A_1108, %gather3A_1123 : vector<16xf32>
      %swap3A_1130 = arith.constant 1 : i32
      %swap3A_1131 = arith.index_cast %swap3A_1130 : i32 to index
      %swap3A_1132 = arith.constant 16 : index
      %swap3A_1133 = tpu.vector_load %arg16[%swap3A_1131, %swap3A_1132] {strides = array<i32>} : memref<16x32xf32, #tpu.memory_space<vmem>>, vector<16xf32>,
      tpu.vector_store %arg16[%swap3A_1131, %swap3A_1132], %mul3A_1129 {strides = array<i32>} : memref<16x32xf32, #tpu.memory_space<vmem>>, vector<16xf32>,
      %gather3A_1134 = arith.constant 1 : i32
      %gather3A_1135 = arith.constant 0 : i32
      %gather3A_1136 = arith.constant 0 : i32
      %gather3A_1137 = tpu.memref_slice %arg14[%gather3A_1134, %gather3A_1135, %gather3A_1136] : memref<8x16x128xf32, #tpu.memory_space<vmem>> -> memref<1x16x128xf32, #tpu.memory_space<vmem>>
      %gather3A_1138 = tpu.memref_squeeze %gather3A_1137 : memref<1x16x128xf32, #tpu.memory_space<vmem>> -> memref<16x128xf32, #tpu.memory_space<vmem>>
      %gather3A_1139 = tpu.vector_load_idx %gather3A_1138[%iota3A, %broadcast_in_dim3A_1088] : memref<16x128xf32, #tpu.memory_space<vmem>>[vector<16xi32>, vector<16xi32>], vector<16xf32>,
      %swap3A_1140 = arith.constant 1 : i32
      %swap3A_1141 = arith.index_cast %swap3A_1140 : i32 to index
      %swap3A_1142 = arith.constant 0 : index
      %swap3A_1143 = tpu.vector_load %arg17[%swap3A_1141, %swap3A_1142] {strides = array<i32>} : memref<16x32xf32, #tpu.memory_space<vmem>>, vector<16xf32>,
      tpu.vector_store %arg17[%swap3A_1141, %swap3A_1142], %gather3A_1139 {strides = array<i32>} : memref<16x32xf32, #tpu.memory_space<vmem>>, vector<16xf32>,
      %gather3A_1144 = arith.constant 1 : i32
      %gather3A_1145 = arith.constant 0 : i32
      %gather3A_1146 = arith.constant 0 : i32
      %gather3A_1147 = tpu.memref_slice %arg15[%gather3A_1144, %gather3A_1145, %gather3A_1146] : memref<8x16x128xf32, #tpu.memory_space<vmem>> -> memref<1x16x128xf32, #tpu.memory_space<vmem>>
      %gather3A_1148 = tpu.memref_squeeze %gather3A_1147 : memref<1x16x128xf32, #tpu.memory_space<vmem>> -> memref<16x128xf32, #tpu.memory_space<vmem>>
      %gather3A_1149 = tpu.vector_load_idx %gather3A_1148[%iota3A, %broadcast_in_dim3A_1093] : memref<16x128xf32, #tpu.memory_space<vmem>>[vector<16xi32>, vector<16xi32>], vector<16xf32>,
      %swap3A_1150 = arith.constant 1 : i32
      %swap3A_1151 = arith.index_cast %swap3A_1150 : i32 to index
      %swap3A_1152 = arith.constant 16 : index
      %swap3A_1153 = tpu.vector_load %arg17[%swap3A_1151, %swap3A_1152] {strides = array<i32>} : memref<16x32xf32, #tpu.memory_space<vmem>>, vector<16xf32>,
      tpu.vector_store %arg17[%swap3A_1151, %swap3A_1152], %gather3A_1149 {strides = array<i32>} : memref<16x32xf32, #tpu.memory_space<vmem>>, vector<16xf32>,
      %slice3A_1154 = vector.extract_strided_slice %get3A_11 {offsets = [2], sizes = [1], strides = [1]} : vector<16xi32> to vector<1xi32>
      %squeeze3A_1155 = vector.extract %slice3A_1154[0] : i32 from vector<1xi32>
      %and3A_1156 = arith.constant 127 : i32
      %and3A_1157 = arith.andi %squeeze3A_1155, %and3A_1156 : i32
      %broadcast_in_dim3A_1158 = vector.broadcast %and3A_1157 : i32 to vector<16xi32>
      %slice3A_1159 = vector.extract_strided_slice %get3A_15 {offsets = [2], sizes = [1], strides = [1]} : vector<16xi32> to vector<1xi32>
      %squeeze3A_1160 = vector.extract %slice3A_1159[0] : i32 from vector<1xi32>
      %and3A_1161 = arith.constant 127 : i32
      %and3A_1162 = arith.andi %squeeze3A_1160, %and3A_1161 : i32
      %broadcast_in_dim3A_1163 = vector.broadcast %and3A_1162 : i32 to vector<16xi32>
      %gather3A_1164 = arith.constant 2 : i32
      %gather3A_1165 = arith.constant 0 : i32
      %gather3A_1166 = arith.constant 0 : i32
      %gather3A_1167 = tpu.memref_slice %arg12[%gather3A_1164, %gather3A_1165, %gather3A_1166] : memref<8x32x128xf32, #tpu.memory_space<vmem>> -> memref<1x32x128xf32, #tpu.memory_space<vmem>>
      %gather3A_1168 = tpu.memref_squeeze %gather3A_1167 : memref<1x32x128xf32, #tpu.memory_space<vmem>> -> memref<32x128xf32, #tpu.memory_space<vmem>>
      %gather3A_1169 = tpu.vector_load_idx %gather3A_1168[%iota3A, %broadcast_in_dim3A_1158] : memref<32x128xf32, #tpu.memory_space<vmem>>[vector<16xi32>, vector<16xi32>], vector<16xf32>,
      %add3A_1170 = arith.constant 16 : i32
      %add3A_1171 = vector.broadcast %add3A_1170 : i32 to vector<16xi32>
      %add3A_1172 = arith.addi %iota3A, %add3A_1171 : vector<16xi32>
      %gather3A_1173 = arith.constant 2 : i32
      %gather3A_1174 = arith.constant 0 : i32
      %gather3A_1175 = arith.constant 0 : i32
      %gather3A_1176 = tpu.memref_slice %arg12[%gather3A_1173, %gather3A_1174, %gather3A_1175] : memref<8x32x128xf32, #tpu.memory_space<vmem>> -> memref<1x32x128xf32, #tpu.memory_space<vmem>>
      %gather3A_1177 = tpu.memref_squeeze %gather3A_1176 : memref<1x32x128xf32, #tpu.memory_space<vmem>> -> memref<32x128xf32, #tpu.memory_space<vmem>>
      %gather3A_1178 = tpu.vector_load_idx %gather3A_1177[%add3A_1172, %broadcast_in_dim3A_1158] : memref<32x128xf32, #tpu.memory_space<vmem>>[vector<16xi32>, vector<16xi32>], vector<16xf32>,
      %gather3A_1179 = arith.constant 2 : i32
      %gather3A_1180 = arith.constant 0 : i32
      %gather3A_1181 = arith.constant 0 : i32
      %gather3A_1182 = tpu.memref_slice %arg13[%gather3A_1179, %gather3A_1180, %gather3A_1181] : memref<8x32x128xf32, #tpu.memory_space<vmem>> -> memref<1x32x128xf32, #tpu.memory_space<vmem>>
      %gather3A_1183 = tpu.memref_squeeze %gather3A_1182 : memref<1x32x128xf32, #tpu.memory_space<vmem>> -> memref<32x128xf32, #tpu.memory_space<vmem>>
      %gather3A_1184 = tpu.vector_load_idx %gather3A_1183[%iota3A, %broadcast_in_dim3A_1163] : memref<32x128xf32, #tpu.memory_space<vmem>>[vector<16xi32>, vector<16xi32>], vector<16xf32>,
      %add3A_1185 = arith.constant 16 : i32
      %add3A_1186 = vector.broadcast %add3A_1185 : i32 to vector<16xi32>
      %add3A_1187 = arith.addi %iota3A, %add3A_1186 : vector<16xi32>
      %gather3A_1188 = arith.constant 2 : i32
      %gather3A_1189 = arith.constant 0 : i32
      %gather3A_1190 = arith.constant 0 : i32
      %gather3A_1191 = tpu.memref_slice %arg13[%gather3A_1188, %gather3A_1189, %gather3A_1190] : memref<8x32x128xf32, #tpu.memory_space<vmem>> -> memref<1x32x128xf32, #tpu.memory_space<vmem>>
      %gather3A_1192 = tpu.memref_squeeze %gather3A_1191 : memref<1x32x128xf32, #tpu.memory_space<vmem>> -> memref<32x128xf32, #tpu.memory_space<vmem>>
      %gather3A_1193 = tpu.vector_load_idx %gather3A_1192[%add3A_1187, %broadcast_in_dim3A_1163] : memref<32x128xf32, #tpu.memory_space<vmem>>[vector<16xi32>, vector<16xi32>], vector<16xf32>,
      %mul3A_1194 = arith.mulf %gather3A_1169, %gather3A_1184 : vector<16xf32>
      %swap3A_1195 = arith.constant 2 : i32
      %swap3A_1196 = arith.index_cast %swap3A_1195 : i32 to index
      %swap3A_1197 = arith.constant 0 : index
      %swap3A_1198 = tpu.vector_load %arg16[%swap3A_1196, %swap3A_1197] {strides = array<i32>} : memref<16x32xf32, #tpu.memory_space<vmem>>, vector<16xf32>,
      tpu.vector_store %arg16[%swap3A_1196, %swap3A_1197], %mul3A_1194 {strides = array<i32>} : memref<16x32xf32, #tpu.memory_space<vmem>>, vector<16xf32>,
      %mul3A_1199 = arith.mulf %gather3A_1178, %gather3A_1193 : vector<16xf32>
      %swap3A_1200 = arith.constant 2 : i32
      %swap3A_1201 = arith.index_cast %swap3A_1200 : i32 to index
      %swap3A_1202 = arith.constant 16 : index
      %swap3A_1203 = tpu.vector_load %arg16[%swap3A_1201, %swap3A_1202] {strides = array<i32>} : memref<16x32xf32, #tpu.memory_space<vmem>>, vector<16xf32>,
      tpu.vector_store %arg16[%swap3A_1201, %swap3A_1202], %mul3A_1199 {strides = array<i32>} : memref<16x32xf32, #tpu.memory_space<vmem>>, vector<16xf32>,
      %gather3A_1204 = arith.constant 2 : i32
      %gather3A_1205 = arith.constant 0 : i32
      %gather3A_1206 = arith.constant 0 : i32
      %gather3A_1207 = tpu.memref_slice %arg14[%gather3A_1204, %gather3A_1205, %gather3A_1206] : memref<8x16x128xf32, #tpu.memory_space<vmem>> -> memref<1x16x128xf32, #tpu.memory_space<vmem>>
      %gather3A_1208 = tpu.memref_squeeze %gather3A_1207 : memref<1x16x128xf32, #tpu.memory_space<vmem>> -> memref<16x128xf32, #tpu.memory_space<vmem>>
      %gather3A_1209 = tpu.vector_load_idx %gather3A_1208[%iota3A, %broadcast_in_dim3A_1158] : memref<16x128xf32, #tpu.memory_space<vmem>>[vector<16xi32>, vector<16xi32>], vector<16xf32>,
      %swap3A_1210 = arith.constant 2 : i32
      %swap3A_1211 = arith.index_cast %swap3A_1210 : i32 to index
      %swap3A_1212 = arith.constant 0 : index
      %swap3A_1213 = tpu.vector_load %arg17[%swap3A_1211, %swap3A_1212] {strides = array<i32>} : memref<16x32xf32, #tpu.memory_space<vmem>>, vector<16xf32>,
      tpu.vector_store %arg17[%swap3A_1211, %swap3A_1212], %gather3A_1209 {strides = array<i32>} : memref<16x32xf32, #tpu.memory_space<vmem>>, vector<16xf32>,
      %gather3A_1214 = arith.constant 2 : i32
      %gather3A_1215 = arith.constant 0 : i32
      %gather3A_1216 = arith.constant 0 : i32
      %gather3A_1217 = tpu.memref_slice %arg15[%gather3A_1214, %gather3A_1215, %gather3A_1216] : memref<8x16x128xf32, #tpu.memory_space<vmem>> -> memref<1x16x128xf32, #tpu.memory_space<vmem>>
      %gather3A_1218 = tpu.memref_squeeze %gather3A_1217 : memref<1x16x128xf32, #tpu.memory_space<vmem>> -> memref<16x128xf32, #tpu.memory_space<vmem>>
      %gather3A_1219 = tpu.vector_load_idx %gather3A_1218[%iota3A, %broadcast_in_dim3A_1163] : memref<16x128xf32, #tpu.memory_space<vmem>>[vector<16xi32>, vector<16xi32>], vector<16xf32>,
      %swap3A_1220 = arith.constant 2 : i32
      %swap3A_1221 = arith.index_cast %swap3A_1220 : i32 to index
      %swap3A_1222 = arith.constant 16 : index
      %swap3A_1223 = tpu.vector_load %arg17[%swap3A_1221, %swap3A_1222] {strides = array<i32>} : memref<16x32xf32, #tpu.memory_space<vmem>>, vector<16xf32>,
      tpu.vector_store %arg17[%swap3A_1221, %swap3A_1222], %gather3A_1219 {strides = array<i32>} : memref<16x32xf32, #tpu.memory_space<vmem>>, vector<16xf32>,
      %slice3A_1224 = vector.extract_strided_slice %get3A_11 {offsets = [3], sizes = [1], strides = [1]} : vector<16xi32> to vector<1xi32>
      %squeeze3A_1225 = vector.extract %slice3A_1224[0] : i32 from vector<1xi32>
      %and3A_1226 = arith.constant 127 : i32
      %and3A_1227 = arith.andi %squeeze3A_1225, %and3A_1226 : i32
      %broadcast_in_dim3A_1228 = vector.broadcast %and3A_1227 : i32 to vector<16xi32>
      %slice3A_1229 = vector.extract_strided_slice %get3A_15 {offsets = [3], sizes = [1], strides = [1]} : vector<16xi32> to vector<1xi32>
      %squeeze3A_1230 = vector.extract %slice3A_1229[0] : i32 from vector<1xi32>
      %and3A_1231 = arith.constant 127 : i32
      %and3A_1232 = arith.andi %squeeze3A_1230, %and3A_1231 : i32
      %broadcast_in_dim3A_1233 = vector.broadcast %and3A_1232 : i32 to vector<16xi32>
      %gather3A_1234 = arith.constant 3 : i32
      %gather3A_1235 = arith.constant 0 : i32
      %gather3A_1236 = arith.constant 0 : i32
      %gather3A_1237 = tpu.memref_slice %arg12[%gather3A_1234, %gather3A_1235, %gather3A_1236] : memref<8x32x128xf32, #tpu.memory_space<vmem>> -> memref<1x32x128xf32, #tpu.memory_space<vmem>>
      %gather3A_1238 = tpu.memref_squeeze %gather3A_1237 : memref<1x32x128xf32, #tpu.memory_space<vmem>> -> memref<32x128xf32, #tpu.memory_space<vmem>>
      %gather3A_1239 = tpu.vector_load_idx %gather3A_1238[%iota3A, %broadcast_in_dim3A_1228] : memref<32x128xf32, #tpu.memory_space<vmem>>[vector<16xi32>, vector<16xi32>], vector<16xf32>,
      %add3A_1240 = arith.constant 16 : i32
      %add3A_1241 = vector.broadcast %add3A_1240 : i32 to vector<16xi32>
      %add3A_1242 = arith.addi %iota3A, %add3A_1241 : vector<16xi32>
      %gather3A_1243 = arith.constant 3 : i32
      %gather3A_1244 = arith.constant 0 : i32
      %gather3A_1245 = arith.constant 0 : i32
      %gather3A_1246 = tpu.memref_slice %arg12[%gather3A_1243, %gather3A_1244, %gather3A_1245] : memref<8x32x128xf32, #tpu.memory_space<vmem>> -> memref<1x32x128xf32, #tpu.memory_space<vmem>>
      %gather3A_1247 = tpu.memref_squeeze %gather3A_1246 : memref<1x32x128xf32, #tpu.memory_space<vmem>> -> memref<32x128xf32, #tpu.memory_space<vmem>>
      %gather3A_1248 = tpu.vector_load_idx %gather3A_1247[%add3A_1242, %broadcast_in_dim3A_1228] : memref<32x128xf32, #tpu.memory_space<vmem>>[vector<16xi32>, vector<16xi32>], vector<16xf32>,
      %gather3A_1249 = arith.constant 3 : i32
      %gather3A_1250 = arith.constant 0 : i32
      %gather3A_1251 = arith.constant 0 : i32
      %gather3A_1252 = tpu.memref_slice %arg13[%gather3A_1249, %gather3A_1250, %gather3A_1251] : memref<8x32x128xf32, #tpu.memory_space<vmem>> -> memref<1x32x128xf32, #tpu.memory_space<vmem>>
      %gather3A_1253 = tpu.memref_squeeze %gather3A_1252 : memref<1x32x128xf32, #tpu.memory_space<vmem>> -> memref<32x128xf32, #tpu.memory_space<vmem>>
      %gather3A_1254 = tpu.vector_load_idx %gather3A_1253[%iota3A, %broadcast_in_dim3A_1233] : memref<32x128xf32, #tpu.memory_space<vmem>>[vector<16xi32>, vector<16xi32>], vector<16xf32>,
      %add3A_1255 = arith.constant 16 : i32
      %add3A_1256 = vector.broadcast %add3A_1255 : i32 to vector<16xi32>
      %add3A_1257 = arith.addi %iota3A, %add3A_1256 : vector<16xi32>
      %gather3A_1258 = arith.constant 3 : i32
      %gather3A_1259 = arith.constant 0 : i32
      %gather3A_1260 = arith.constant 0 : i32
      %gather3A_1261 = tpu.memref_slice %arg13[%gather3A_1258, %gather3A_1259, %gather3A_1260] : memref<8x32x128xf32, #tpu.memory_space<vmem>> -> memref<1x32x128xf32, #tpu.memory_space<vmem>>
      %gather3A_1262 = tpu.memref_squeeze %gather3A_1261 : memref<1x32x128xf32, #tpu.memory_space<vmem>> -> memref<32x128xf32, #tpu.memory_space<vmem>>
      %gather3A_1263 = tpu.vector_load_idx %gather3A_1262[%add3A_1257, %broadcast_in_dim3A_1233] : memref<32x128xf32, #tpu.memory_space<vmem>>[vector<16xi32>, vector<16xi32>], vector<16xf32>,
      %mul3A_1264 = arith.mulf %gather3A_1239, %gather3A_1254 : vector<16xf32>
      %swap3A_1265 = arith.constant 3 : i32
      %swap3A_1266 = arith.index_cast %swap3A_1265 : i32 to index
      %swap3A_1267 = arith.constant 0 : index
      %swap3A_1268 = tpu.vector_load %arg16[%swap3A_1266, %swap3A_1267] {strides = array<i32>} : memref<16x32xf32, #tpu.memory_space<vmem>>, vector<16xf32>,
      tpu.vector_store %arg16[%swap3A_1266, %swap3A_1267], %mul3A_1264 {strides = array<i32>} : memref<16x32xf32, #tpu.memory_space<vmem>>, vector<16xf32>,
      %mul3A_1269 = arith.mulf %gather3A_1248, %gather3A_1263 : vector<16xf32>
      %swap3A_1270 = arith.constant 3 : i32
      %swap3A_1271 = arith.index_cast %swap3A_1270 : i32 to index
      %swap3A_1272 = arith.constant 16 : index
      %swap3A_1273 = tpu.vector_load %arg16[%swap3A_1271, %swap3A_1272] {strides = array<i32>} : memref<16x32xf32, #tpu.memory_space<vmem>>, vector<16xf32>,
      tpu.vector_store %arg16[%swap3A_1271, %swap3A_1272], %mul3A_1269 {strides = array<i32>} : memref<16x32xf32, #tpu.memory_space<vmem>>, vector<16xf32>,
      %gather3A_1274 = arith.constant 3 : i32
      %gather3A_1275 = arith.constant 0 : i32
      %gather3A_1276 = arith.constant 0 : i32
      %gather3A_1277 = tpu.memref_slice %arg14[%gather3A_1274, %gather3A_1275, %gather3A_1276] : memref<8x16x128xf32, #tpu.memory_space<vmem>> -> memref<1x16x128xf32, #tpu.memory_space<vmem>>
      %gather3A_1278 = tpu.memref_squeeze %gather3A_1277 : memref<1x16x128xf32, #tpu.memory_space<vmem>> -> memref<16x128xf32, #tpu.memory_space<vmem>>
      %gather3A_1279 = tpu.vector_load_idx %gather3A_1278[%iota3A, %broadcast_in_dim3A_1228] : memref<16x128xf32, #tpu.memory_space<vmem>>[vector<16xi32>, vector<16xi32>], vector<16xf32>,
      %swap3A_1280 = arith.constant 3 : i32
      %swap3A_1281 = arith.index_cast %swap3A_1280 : i32 to index
      %swap3A_1282 = arith.constant 0 : index
      %swap3A_1283 = tpu.vector_load %arg17[%swap3A_1281, %swap3A_1282] {strides = array<i32>} : memref<16x32xf32, #tpu.memory_space<vmem>>, vector<16xf32>,
      tpu.vector_store %arg17[%swap3A_1281, %swap3A_1282], %gather3A_1279 {strides = array<i32>} : memref<16x32xf32, #tpu.memory_space<vmem>>, vector<16xf32>,
      %gather3A_1284 = arith.constant 3 : i32
      %gather3A_1285 = arith.constant 0 : i32
      %gather3A_1286 = arith.constant 0 : i32
      %gather3A_1287 = tpu.memref_slice %arg15[%gather3A_1284, %gather3A_1285, %gather3A_1286] : memref<8x16x128xf32, #tpu.memory_space<vmem>> -> memref<1x16x128xf32, #tpu.memory_space<vmem>>
      %gather3A_1288 = tpu.memref_squeeze %gather3A_1287 : memref<1x16x128xf32, #tpu.memory_space<vmem>> -> memref<16x128xf32, #tpu.memory_space<vmem>>
      %gather3A_1289 = tpu.vector_load_idx %gather3A_1288[%iota3A, %broadcast_in_dim3A_1233] : memref<16x128xf32, #tpu.memory_space<vmem>>[vector<16xi32>, vector<16xi32>], vector<16xf32>,
      %swap3A_1290 = arith.constant 3 : i32
      %swap3A_1291 = arith.index_cast %swap3A_1290 : i32 to index
      %swap3A_1292 = arith.constant 16 : index
      %swap3A_1293 = tpu.vector_load %arg17[%swap3A_1291, %swap3A_1292] {strides = array<i32>} : memref<16x32xf32, #tpu.memory_space<vmem>>, vector<16xf32>,
      tpu.vector_store %arg17[%swap3A_1291, %swap3A_1292], %gather3A_1289 {strides = array<i32>} : memref<16x32xf32, #tpu.memory_space<vmem>>, vector<16xf32>,
      %slice3A_1294 = vector.extract_strided_slice %get3A_11 {offsets = [4], sizes = [1], strides = [1]} : vector<16xi32> to vector<1xi32>
      %squeeze3A_1295 = vector.extract %slice3A_1294[0] : i32 from vector<1xi32>
      %and3A_1296 = arith.constant 127 : i32
      %and3A_1297 = arith.andi %squeeze3A_1295, %and3A_1296 : i32
      %broadcast_in_dim3A_1298 = vector.broadcast %and3A_1297 : i32 to vector<16xi32>
      %slice3A_1299 = vector.extract_strided_slice %get3A_15 {offsets = [4], sizes = [1], strides = [1]} : vector<16xi32> to vector<1xi32>
      %squeeze3A_1300 = vector.extract %slice3A_1299[0] : i32 from vector<1xi32>
      %and3A_1301 = arith.constant 127 : i32
      %and3A_1302 = arith.andi %squeeze3A_1300, %and3A_1301 : i32
      %broadcast_in_dim3A_1303 = vector.broadcast %and3A_1302 : i32 to vector<16xi32>
      %gather3A_1304 = arith.constant 4 : i32
      %gather3A_1305 = arith.constant 0 : i32
      %gather3A_1306 = arith.constant 0 : i32
      %gather3A_1307 = tpu.memref_slice %arg12[%gather3A_1304, %gather3A_1305, %gather3A_1306] : memref<8x32x128xf32, #tpu.memory_space<vmem>> -> memref<1x32x128xf32, #tpu.memory_space<vmem>>
      %gather3A_1308 = tpu.memref_squeeze %gather3A_1307 : memref<1x32x128xf32, #tpu.memory_space<vmem>> -> memref<32x128xf32, #tpu.memory_space<vmem>>
      %gather3A_1309 = tpu.vector_load_idx %gather3A_1308[%iota3A, %broadcast_in_dim3A_1298] : memref<32x128xf32, #tpu.memory_space<vmem>>[vector<16xi32>, vector<16xi32>], vector<16xf32>,
      %add3A_1310 = arith.constant 16 : i32
      %add3A_1311 = vector.broadcast %add3A_1310 : i32 to vector<16xi32>
      %add3A_1312 = arith.addi %iota3A, %add3A_1311 : vector<16xi32>
      %gather3A_1313 = arith.constant 4 : i32
      %gather3A_1314 = arith.constant 0 : i32
      %gather3A_1315 = arith.constant 0 : i32
      %gather3A_1316 = tpu.memref_slice %arg12[%gather3A_1313, %gather3A_1314, %gather3A_1315] : memref<8x32x128xf32, #tpu.memory_space<vmem>> -> memref<1x32x128xf32, #tpu.memory_space<vmem>>
      %gather3A_1317 = tpu.memref_squeeze %gather3A_1316 : memref<1x32x128xf32, #tpu.memory_space<vmem>> -> memref<32x128xf32, #tpu.memory_space<vmem>>
      %gather3A_1318 = tpu.vector_load_idx %gather3A_1317[%add3A_1312, %broadcast_in_dim3A_1298] : memref<32x128xf32, #tpu.memory_space<vmem>>[vector<16xi32>, vector<16xi32>], vector<16xf32>,
      %gather3A_1319 = arith.constant 4 : i32
      %gather3A_1320 = arith.constant 0 : i32
      %gather3A_1321 = arith.constant 0 : i32
      %gather3A_1322 = tpu.memref_slice %arg13[%gather3A_1319, %gather3A_1320, %gather3A_1321] : memref<8x32x128xf32, #tpu.memory_space<vmem>> -> memref<1x32x128xf32, #tpu.memory_space<vmem>>
      %gather3A_1323 = tpu.memref_squeeze %gather3A_1322 : memref<1x32x128xf32, #tpu.memory_space<vmem>> -> memref<32x128xf32, #tpu.memory_space<vmem>>
      %gather3A_1324 = tpu.vector_load_idx %gather3A_1323[%iota3A, %broadcast_in_dim3A_1303] : memref<32x128xf32, #tpu.memory_space<vmem>>[vector<16xi32>, vector<16xi32>], vector<16xf32>,
      %add3A_1325 = arith.constant 16 : i32
      %add3A_1326 = vector.broadcast %add3A_1325 : i32 to vector<16xi32>
      %add3A_1327 = arith.addi %iota3A, %add3A_1326 : vector<16xi32>
      %gather3A_1328 = arith.constant 4 : i32
      %gather3A_1329 = arith.constant 0 : i32
      %gather3A_1330 = arith.constant 0 : i32
      %gather3A_1331 = tpu.memref_slice %arg13[%gather3A_1328, %gather3A_1329, %gather3A_1330] : memref<8x32x128xf32, #tpu.memory_space<vmem>> -> memref<1x32x128xf32, #tpu.memory_space<vmem>>
      %gather3A_1332 = tpu.memref_squeeze %gather3A_1331 : memref<1x32x128xf32, #tpu.memory_space<vmem>> -> memref<32x128xf32, #tpu.memory_space<vmem>>
      %gather3A_1333 = tpu.vector_load_idx %gather3A_1332[%add3A_1327, %broadcast_in_dim3A_1303] : memref<32x128xf32, #tpu.memory_space<vmem>>[vector<16xi32>, vector<16xi32>], vector<16xf32>,
      %mul3A_1334 = arith.mulf %gather3A_1309, %gather3A_1324 : vector<16xf32>
      %swap3A_1335 = arith.constant 4 : i32
      %swap3A_1336 = arith.index_cast %swap3A_1335 : i32 to index
      %swap3A_1337 = arith.constant 0 : index
      %swap3A_1338 = tpu.vector_load %arg16[%swap3A_1336, %swap3A_1337] {strides = array<i32>} : memref<16x32xf32, #tpu.memory_space<vmem>>, vector<16xf32>,
      tpu.vector_store %arg16[%swap3A_1336, %swap3A_1337], %mul3A_1334 {strides = array<i32>} : memref<16x32xf32, #tpu.memory_space<vmem>>, vector<16xf32>,
      %mul3A_1339 = arith.mulf %gather3A_1318, %gather3A_1333 : vector<16xf32>
      %swap3A_1340 = arith.constant 4 : i32
      %swap3A_1341 = arith.index_cast %swap3A_1340 : i32 to index
      %swap3A_1342 = arith.constant 16 : index
      %swap3A_1343 = tpu.vector_load %arg16[%swap3A_1341, %swap3A_1342] {strides = array<i32>} : memref<16x32xf32, #tpu.memory_space<vmem>>, vector<16xf32>,
      tpu.vector_store %arg16[%swap3A_1341, %swap3A_1342], %mul3A_1339 {strides = array<i32>} : memref<16x32xf32, #tpu.memory_space<vmem>>, vector<16xf32>,
      %gather3A_1344 = arith.constant 4 : i32
      %gather3A_1345 = arith.constant 0 : i32
      %gather3A_1346 = arith.constant 0 : i32
      %gather3A_1347 = tpu.memref_slice %arg14[%gather3A_1344, %gather3A_1345, %gather3A_1346] : memref<8x16x128xf32, #tpu.memory_space<vmem>> -> memref<1x16x128xf32, #tpu.memory_space<vmem>>
      %gather3A_1348 = tpu.memref_squeeze %gather3A_1347 : memref<1x16x128xf32, #tpu.memory_space<vmem>> -> memref<16x128xf32, #tpu.memory_space<vmem>>
      %gather3A_1349 = tpu.vector_load_idx %gather3A_1348[%iota3A, %broadcast_in_dim3A_1298] : memref<16x128xf32, #tpu.memory_space<vmem>>[vector<16xi32>, vector<16xi32>], vector<16xf32>,
      %swap3A_1350 = arith.constant 4 : i32
      %swap3A_1351 = arith.index_cast %swap3A_1350 : i32 to index
      %swap3A_1352 = arith.constant 0 : index
      %swap3A_1353 = tpu.vector_load %arg17[%swap3A_1351, %swap3A_1352] {strides = array<i32>} : memref<16x32xf32, #tpu.memory_space<vmem>>, vector<16xf32>,
      tpu.vector_store %arg17[%swap3A_1351, %swap3A_1352], %gather3A_1349 {strides = array<i32>} : memref<16x32xf32, #tpu.memory_space<vmem>>, vector<16xf32>,
      %gather3A_1354 = arith.constant 4 : i32
      %gather3A_1355 = arith.constant 0 : i32
      %gather3A_1356 = arith.constant 0 : i32
      %gather3A_1357 = tpu.memref_slice %arg15[%gather3A_1354, %gather3A_1355, %gather3A_1356] : memref<8x16x128xf32, #tpu.memory_space<vmem>> -> memref<1x16x128xf32, #tpu.memory_space<vmem>>
      %gather3A_1358 = tpu.memref_squeeze %gather3A_1357 : memref<1x16x128xf32, #tpu.memory_space<vmem>> -> memref<16x128xf32, #tpu.memory_space<vmem>>
      %gather3A_1359 = tpu.vector_load_idx %gather3A_1358[%iota3A, %broadcast_in_dim3A_1303] : memref<16x128xf32, #tpu.memory_space<vmem>>[vector<16xi32>, vector<16xi32>], vector<16xf32>,
      %swap3A_1360 = arith.constant 4 : i32
      %swap3A_1361 = arith.index_cast %swap3A_1360 : i32 to index
      %swap3A_1362 = arith.constant 16 : index
      %swap3A_1363 = tpu.vector_load %arg17[%swap3A_1361, %swap3A_1362] {strides = array<i32>} : memref<16x32xf32, #tpu.memory_space<vmem>>, vector<16xf32>,
      tpu.vector_store %arg17[%swap3A_1361, %swap3A_1362], %gather3A_1359 {strides = array<i32>} : memref<16x32xf32, #tpu.memory_space<vmem>>, vector<16xf32>,
      %slice3A_1364 = vector.extract_strided_slice %get3A_11 {offsets = [5], sizes = [1], strides = [1]} : vector<16xi32> to vector<1xi32>
      %squeeze3A_1365 = vector.extract %slice3A_1364[0] : i32 from vector<1xi32>
      %and3A_1366 = arith.constant 127 : i32
      %and3A_1367 = arith.andi %squeeze3A_1365, %and3A_1366 : i32
      %broadcast_in_dim3A_1368 = vector.broadcast %and3A_1367 : i32 to vector<16xi32>
      %slice3A_1369 = vector.extract_strided_slice %get3A_15 {offsets = [5], sizes = [1], strides = [1]} : vector<16xi32> to vector<1xi32>
      %squeeze3A_1370 = vector.extract %slice3A_1369[0] : i32 from vector<1xi32>
      %and3A_1371 = arith.constant 127 : i32
      %and3A_1372 = arith.andi %squeeze3A_1370, %and3A_1371 : i32
      %broadcast_in_dim3A_1373 = vector.broadcast %and3A_1372 : i32 to vector<16xi32>
      %gather3A_1374 = arith.constant 5 : i32
      %gather3A_1375 = arith.constant 0 : i32
      %gather3A_1376 = arith.constant 0 : i32
      %gather3A_1377 = tpu.memref_slice %arg12[%gather3A_1374, %gather3A_1375, %gather3A_1376] : memref<8x32x128xf32, #tpu.memory_space<vmem>> -> memref<1x32x128xf32, #tpu.memory_space<vmem>>
      %gather3A_1378 = tpu.memref_squeeze %gather3A_1377 : memref<1x32x128xf32, #tpu.memory_space<vmem>> -> memref<32x128xf32, #tpu.memory_space<vmem>>
      %gather3A_1379 = tpu.vector_load_idx %gather3A_1378[%iota3A, %broadcast_in_dim3A_1368] : memref<32x128xf32, #tpu.memory_space<vmem>>[vector<16xi32>, vector<16xi32>], vector<16xf32>,
      %add3A_1380 = arith.constant 16 : i32
      %add3A_1381 = vector.broadcast %add3A_1380 : i32 to vector<16xi32>
      %add3A_1382 = arith.addi %iota3A, %add3A_1381 : vector<16xi32>
      %gather3A_1383 = arith.constant 5 : i32
      %gather3A_1384 = arith.constant 0 : i32
      %gather3A_1385 = arith.constant 0 : i32
      %gather3A_1386 = tpu.memref_slice %arg12[%gather3A_1383, %gather3A_1384, %gather3A_1385] : memref<8x32x128xf32, #tpu.memory_space<vmem>> -> memref<1x32x128xf32, #tpu.memory_space<vmem>>
      %gather3A_1387 = tpu.memref_squeeze %gather3A_1386 : memref<1x32x128xf32, #tpu.memory_space<vmem>> -> memref<32x128xf32, #tpu.memory_space<vmem>>
      %gather3A_1388 = tpu.vector_load_idx %gather3A_1387[%add3A_1382, %broadcast_in_dim3A_1368] : memref<32x128xf32, #tpu.memory_space<vmem>>[vector<16xi32>, vector<16xi32>], vector<16xf32>,
      %gather3A_1389 = arith.constant 5 : i32
      %gather3A_1390 = arith.constant 0 : i32
      %gather3A_1391 = arith.constant 0 : i32
      %gather3A_1392 = tpu.memref_slice %arg13[%gather3A_1389, %gather3A_1390, %gather3A_1391] : memref<8x32x128xf32, #tpu.memory_space<vmem>> -> memref<1x32x128xf32, #tpu.memory_space<vmem>>
      %gather3A_1393 = tpu.memref_squeeze %gather3A_1392 : memref<1x32x128xf32, #tpu.memory_space<vmem>> -> memref<32x128xf32, #tpu.memory_space<vmem>>
      %gather3A_1394 = tpu.vector_load_idx %gather3A_1393[%iota3A, %broadcast_in_dim3A_1373] : memref<32x128xf32, #tpu.memory_space<vmem>>[vector<16xi32>, vector<16xi32>], vector<16xf32>,
      %add3A_1395 = arith.constant 16 : i32
      %add3A_1396 = vector.broadcast %add3A_1395 : i32 to vector<16xi32>
      %add3A_1397 = arith.addi %iota3A, %add3A_1396 : vector<16xi32>
      %gather3A_1398 = arith.constant 5 : i32
      %gather3A_1399 = arith.constant 0 : i32
      %gather3A_1400 = arith.constant 0 : i32
      %gather3A_1401 = tpu.memref_slice %arg13[%gather3A_1398, %gather3A_1399, %gather3A_1400] : memref<8x32x128xf32, #tpu.memory_space<vmem>> -> memref<1x32x128xf32, #tpu.memory_space<vmem>>
      %gather3A_1402 = tpu.memref_squeeze %gather3A_1401 : memref<1x32x128xf32, #tpu.memory_space<vmem>> -> memref<32x128xf32, #tpu.memory_space<vmem>>
      %gather3A_1403 = tpu.vector_load_idx %gather3A_1402[%add3A_1397, %broadcast_in_dim3A_1373] : memref<32x128xf32, #tpu.memory_space<vmem>>[vector<16xi32>, vector<16xi32>], vector<16xf32>,
      %mul3A_1404 = arith.mulf %gather3A_1379, %gather3A_1394 : vector<16xf32>
      %swap3A_1405 = arith.constant 5 : i32
      %swap3A_1406 = arith.index_cast %swap3A_1405 : i32 to index
      %swap3A_1407 = arith.constant 0 : index
      %swap3A_1408 = tpu.vector_load %arg16[%swap3A_1406, %swap3A_1407] {strides = array<i32>} : memref<16x32xf32, #tpu.memory_space<vmem>>, vector<16xf32>,
      tpu.vector_store %arg16[%swap3A_1406, %swap3A_1407], %mul3A_1404 {strides = array<i32>} : memref<16x32xf32, #tpu.memory_space<vmem>>, vector<16xf32>,
      %mul3A_1409 = arith.mulf %gather3A_1388, %gather3A_1403 : vector<16xf32>
      %swap3A_1410 = arith.constant 5 : i32
      %swap3A_1411 = arith.index_cast %swap3A_1410 : i32 to index
      %swap3A_1412 = arith.constant 16 : index
      %swap3A_1413 = tpu.vector_load %arg16[%swap3A_1411, %swap3A_1412] {strides = array<i32>} : memref<16x32xf32, #tpu.memory_space<vmem>>, vector<16xf32>,
      tpu.vector_store %arg16[%swap3A_1411, %swap3A_1412], %mul3A_1409 {strides = array<i32>} : memref<16x32xf32, #tpu.memory_space<vmem>>, vector<16xf32>,
      %gather3A_1414 = arith.constant 5 : i32
      %gather3A_1415 = arith.constant 0 : i32
      %gather3A_1416 = arith.constant 0 : i32
      %gather3A_1417 = tpu.memref_slice %arg14[%gather3A_1414, %gather3A_1415, %gather3A_1416] : memref<8x16x128xf32, #tpu.memory_space<vmem>> -> memref<1x16x128xf32, #tpu.memory_space<vmem>>
      %gather3A_1418 = tpu.memref_squeeze %gather3A_1417 : memref<1x16x128xf32, #tpu.memory_space<vmem>> -> memref<16x128xf32, #tpu.memory_space<vmem>>
      %gather3A_1419 = tpu.vector_load_idx %gather3A_1418[%iota3A, %broadcast_in_dim3A_1368] : memref<16x128xf32, #tpu.memory_space<vmem>>[vector<16xi32>, vector<16xi32>], vector<16xf32>,
      %swap3A_1420 = arith.constant 5 : i32
      %swap3A_1421 = arith.index_cast %swap3A_1420 : i32 to index
      %swap3A_1422 = arith.constant 0 : index
      %swap3A_1423 = tpu.vector_load %arg17[%swap3A_1421, %swap3A_1422] {strides = array<i32>} : memref<16x32xf32, #tpu.memory_space<vmem>>, vector<16xf32>,
      tpu.vector_store %arg17[%swap3A_1421, %swap3A_1422], %gather3A_1419 {strides = array<i32>} : memref<16x32xf32, #tpu.memory_space<vmem>>, vector<16xf32>,
      %gather3A_1424 = arith.constant 5 : i32
      %gather3A_1425 = arith.constant 0 : i32
      %gather3A_1426 = arith.constant 0 : i32
      %gather3A_1427 = tpu.memref_slice %arg15[%gather3A_1424, %gather3A_1425, %gather3A_1426] : memref<8x16x128xf32, #tpu.memory_space<vmem>> -> memref<1x16x128xf32, #tpu.memory_space<vmem>>
      %gather3A_1428 = tpu.memref_squeeze %gather3A_1427 : memref<1x16x128xf32, #tpu.memory_space<vmem>> -> memref<16x128xf32, #tpu.memory_space<vmem>>
      %gather3A_1429 = tpu.vector_load_idx %gather3A_1428[%iota3A, %broadcast_in_dim3A_1373] : memref<16x128xf32, #tpu.memory_space<vmem>>[vector<16xi32>, vector<16xi32>], vector<16xf32>,
      %swap3A_1430 = arith.constant 5 : i32
      %swap3A_1431 = arith.index_cast %swap3A_1430 : i32 to index
      %swap3A_1432 = arith.constant 16 : index
      %swap3A_1433 = tpu.vector_load %arg17[%swap3A_1431, %swap3A_1432] {strides = array<i32>} : memref<16x32xf32, #tpu.memory_space<vmem>>, vector<16xf32>,
      tpu.vector_store %arg17[%swap3A_1431, %swap3A_1432], %gather3A_1429 {strides = array<i32>} : memref<16x32xf32, #tpu.memory_space<vmem>>, vector<16xf32>,
      %slice3A_1434 = vector.extract_strided_slice %get3A_11 {offsets = [6], sizes = [1], strides = [1]} : vector<16xi32> to vector<1xi32>
      %squeeze3A_1435 = vector.extract %slice3A_1434[0] : i32 from vector<1xi32>
      %and3A_1436 = arith.constant 127 : i32
      %and3A_1437 = arith.andi %squeeze3A_1435, %and3A_1436 : i32
      %broadcast_in_dim3A_1438 = vector.broadcast %and3A_1437 : i32 to vector<16xi32>
      %slice3A_1439 = vector.extract_strided_slice %get3A_15 {offsets = [6], sizes = [1], strides = [1]} : vector<16xi32> to vector<1xi32>
      %squeeze3A_1440 = vector.extract %slice3A_1439[0] : i32 from vector<1xi32>
      %and3A_1441 = arith.constant 127 : i32
      %and3A_1442 = arith.andi %squeeze3A_1440, %and3A_1441 : i32
      %broadcast_in_dim3A_1443 = vector.broadcast %and3A_1442 : i32 to vector<16xi32>
      %gather3A_1444 = arith.constant 6 : i32
      %gather3A_1445 = arith.constant 0 : i32
      %gather3A_1446 = arith.constant 0 : i32
      %gather3A_1447 = tpu.memref_slice %arg12[%gather3A_1444, %gather3A_1445, %gather3A_1446] : memref<8x32x128xf32, #tpu.memory_space<vmem>> -> memref<1x32x128xf32, #tpu.memory_space<vmem>>
      %gather3A_1448 = tpu.memref_squeeze %gather3A_1447 : memref<1x32x128xf32, #tpu.memory_space<vmem>> -> memref<32x128xf32, #tpu.memory_space<vmem>>
      %gather3A_1449 = tpu.vector_load_idx %gather3A_1448[%iota3A, %broadcast_in_dim3A_1438] : memref<32x128xf32, #tpu.memory_space<vmem>>[vector<16xi32>, vector<16xi32>], vector<16xf32>,
      %add3A_1450 = arith.constant 16 : i32
      %add3A_1451 = vector.broadcast %add3A_1450 : i32 to vector<16xi32>
      %add3A_1452 = arith.addi %iota3A, %add3A_1451 : vector<16xi32>
      %gather3A_1453 = arith.constant 6 : i32
      %gather3A_1454 = arith.constant 0 : i32
      %gather3A_1455 = arith.constant 0 : i32
      %gather3A_1456 = tpu.memref_slice %arg12[%gather3A_1453, %gather3A_1454, %gather3A_1455] : memref<8x32x128xf32, #tpu.memory_space<vmem>> -> memref<1x32x128xf32, #tpu.memory_space<vmem>>
      %gather3A_1457 = tpu.memref_squeeze %gather3A_1456 : memref<1x32x128xf32, #tpu.memory_space<vmem>> -> memref<32x128xf32, #tpu.memory_space<vmem>>
      %gather3A_1458 = tpu.vector_load_idx %gather3A_1457[%add3A_1452, %broadcast_in_dim3A_1438] : memref<32x128xf32, #tpu.memory_space<vmem>>[vector<16xi32>, vector<16xi32>], vector<16xf32>,
      %gather3A_1459 = arith.constant 6 : i32
      %gather3A_1460 = arith.constant 0 : i32
      %gather3A_1461 = arith.constant 0 : i32
      %gather3A_1462 = tpu.memref_slice %arg13[%gather3A_1459, %gather3A_1460, %gather3A_1461] : memref<8x32x128xf32, #tpu.memory_space<vmem>> -> memref<1x32x128xf32, #tpu.memory_space<vmem>>
      %gather3A_1463 = tpu.memref_squeeze %gather3A_1462 : memref<1x32x128xf32, #tpu.memory_space<vmem>> -> memref<32x128xf32, #tpu.memory_space<vmem>>
      %gather3A_1464 = tpu.vector_load_idx %gather3A_1463[%iota3A, %broadcast_in_dim3A_1443] : memref<32x128xf32, #tpu.memory_space<vmem>>[vector<16xi32>, vector<16xi32>], vector<16xf32>,
      %add3A_1465 = arith.constant 16 : i32
      %add3A_1466 = vector.broadcast %add3A_1465 : i32 to vector<16xi32>
      %add3A_1467 = arith.addi %iota3A, %add3A_1466 : vector<16xi32>
      %gather3A_1468 = arith.constant 6 : i32
      %gather3A_1469 = arith.constant 0 : i32
      %gather3A_1470 = arith.constant 0 : i32
      %gather3A_1471 = tpu.memref_slice %arg13[%gather3A_1468, %gather3A_1469, %gather3A_1470] : memref<8x32x128xf32, #tpu.memory_space<vmem>> -> memref<1x32x128xf32, #tpu.memory_space<vmem>>
      %gather3A_1472 = tpu.memref_squeeze %gather3A_1471 : memref<1x32x128xf32, #tpu.memory_space<vmem>> -> memref<32x128xf32, #tpu.memory_space<vmem>>
      %gather3A_1473 = tpu.vector_load_idx %gather3A_1472[%add3A_1467, %broadcast_in_dim3A_1443] : memref<32x128xf32, #tpu.memory_space<vmem>>[vector<16xi32>, vector<16xi32>], vector<16xf32>,
      %mul3A_1474 = arith.mulf %gather3A_1449, %gather3A_1464 : vector<16xf32>
      %swap3A_1475 = arith.constant 6 : i32
      %swap3A_1476 = arith.index_cast %swap3A_1475 : i32 to index
      %swap3A_1477 = arith.constant 0 : index
      %swap3A_1478 = tpu.vector_load %arg16[%swap3A_1476, %swap3A_1477] {strides = array<i32>} : memref<16x32xf32, #tpu.memory_space<vmem>>, vector<16xf32>,
      tpu.vector_store %arg16[%swap3A_1476, %swap3A_1477], %mul3A_1474 {strides = array<i32>} : memref<16x32xf32, #tpu.memory_space<vmem>>, vector<16xf32>,
      %mul3A_1479 = arith.mulf %gather3A_1458, %gather3A_1473 : vector<16xf32>
      %swap3A_1480 = arith.constant 6 : i32
      %swap3A_1481 = arith.index_cast %swap3A_1480 : i32 to index
      %swap3A_1482 = arith.constant 16 : index
      %swap3A_1483 = tpu.vector_load %arg16[%swap3A_1481, %swap3A_1482] {strides = array<i32>} : memref<16x32xf32, #tpu.memory_space<vmem>>, vector<16xf32>,
      tpu.vector_store %arg16[%swap3A_1481, %swap3A_1482], %mul3A_1479 {strides = array<i32>} : memref<16x32xf32, #tpu.memory_space<vmem>>, vector<16xf32>,
      %gather3A_1484 = arith.constant 6 : i32
      %gather3A_1485 = arith.constant 0 : i32
      %gather3A_1486 = arith.constant 0 : i32
      %gather3A_1487 = tpu.memref_slice %arg14[%gather3A_1484, %gather3A_1485, %gather3A_1486] : memref<8x16x128xf32, #tpu.memory_space<vmem>> -> memref<1x16x128xf32, #tpu.memory_space<vmem>>
      %gather3A_1488 = tpu.memref_squeeze %gather3A_1487 : memref<1x16x128xf32, #tpu.memory_space<vmem>> -> memref<16x128xf32, #tpu.memory_space<vmem>>
      %gather3A_1489 = tpu.vector_load_idx %gather3A_1488[%iota3A, %broadcast_in_dim3A_1438] : memref<16x128xf32, #tpu.memory_space<vmem>>[vector<16xi32>, vector<16xi32>], vector<16xf32>,
      %swap3A_1490 = arith.constant 6 : i32
      %swap3A_1491 = arith.index_cast %swap3A_1490 : i32 to index
      %swap3A_1492 = arith.constant 0 : index
      %swap3A_1493 = tpu.vector_load %arg17[%swap3A_1491, %swap3A_1492] {strides = array<i32>} : memref<16x32xf32, #tpu.memory_space<vmem>>, vector<16xf32>,
      tpu.vector_store %arg17[%swap3A_1491, %swap3A_1492], %gather3A_1489 {strides = array<i32>} : memref<16x32xf32, #tpu.memory_space<vmem>>, vector<16xf32>,
      %gather3A_1494 = arith.constant 6 : i32
      %gather3A_1495 = arith.constant 0 : i32
      %gather3A_1496 = arith.constant 0 : i32
      %gather3A_1497 = tpu.memref_slice %arg15[%gather3A_1494, %gather3A_1495, %gather3A_1496] : memref<8x16x128xf32, #tpu.memory_space<vmem>> -> memref<1x16x128xf32, #tpu.memory_space<vmem>>
      %gather3A_1498 = tpu.memref_squeeze %gather3A_1497 : memref<1x16x128xf32, #tpu.memory_space<vmem>> -> memref<16x128xf32, #tpu.memory_space<vmem>>
      %gather3A_1499 = tpu.vector_load_idx %gather3A_1498[%iota3A, %broadcast_in_dim3A_1443] : memref<16x128xf32, #tpu.memory_space<vmem>>[vector<16xi32>, vector<16xi32>], vector<16xf32>,
      %swap3A_1500 = arith.constant 6 : i32
      %swap3A_1501 = arith.index_cast %swap3A_1500 : i32 to index
      %swap3A_1502 = arith.constant 16 : index
      %swap3A_1503 = tpu.vector_load %arg17[%swap3A_1501, %swap3A_1502] {strides = array<i32>} : memref<16x32xf32, #tpu.memory_space<vmem>>, vector<16xf32>,
      tpu.vector_store %arg17[%swap3A_1501, %swap3A_1502], %gather3A_1499 {strides = array<i32>} : memref<16x32xf32, #tpu.memory_space<vmem>>, vector<16xf32>,
      %slice3A_1504 = vector.extract_strided_slice %get3A_11 {offsets = [7], sizes = [1], strides = [1]} : vector<16xi32> to vector<1xi32>
      %squeeze3A_1505 = vector.extract %slice3A_1504[0] : i32 from vector<1xi32>
      %and3A_1506 = arith.constant 127 : i32
      %and3A_1507 = arith.andi %squeeze3A_1505, %and3A_1506 : i32
      %broadcast_in_dim3A_1508 = vector.broadcast %and3A_1507 : i32 to vector<16xi32>
      %slice3A_1509 = vector.extract_strided_slice %get3A_15 {offsets = [7], sizes = [1], strides = [1]} : vector<16xi32> to vector<1xi32>
      %squeeze3A_1510 = vector.extract %slice3A_1509[0] : i32 from vector<1xi32>
      %and3A_1511 = arith.constant 127 : i32
      %and3A_1512 = arith.andi %squeeze3A_1510, %and3A_1511 : i32
      %broadcast_in_dim3A_1513 = vector.broadcast %and3A_1512 : i32 to vector<16xi32>
      %gather3A_1514 = arith.constant 7 : i32
      %gather3A_1515 = arith.constant 0 : i32
      %gather3A_1516 = arith.constant 0 : i32
      %gather3A_1517 = tpu.memref_slice %arg12[%gather3A_1514, %gather3A_1515, %gather3A_1516] : memref<8x32x128xf32, #tpu.memory_space<vmem>> -> memref<1x32x128xf32, #tpu.memory_space<vmem>>
      %gather3A_1518 = tpu.memref_squeeze %gather3A_1517 : memref<1x32x128xf32, #tpu.memory_space<vmem>> -> memref<32x128xf32, #tpu.memory_space<vmem>>
      %gather3A_1519 = tpu.vector_load_idx %gather3A_1518[%iota3A, %broadcast_in_dim3A_1508] : memref<32x128xf32, #tpu.memory_space<vmem>>[vector<16xi32>, vector<16xi32>], vector<16xf32>,
      %add3A_1520 = arith.constant 16 : i32
      %add3A_1521 = vector.broadcast %add3A_1520 : i32 to vector<16xi32>
      %add3A_1522 = arith.addi %iota3A, %add3A_1521 : vector<16xi32>
      %gather3A_1523 = arith.constant 7 : i32
      %gather3A_1524 = arith.constant 0 : i32
      %gather3A_1525 = arith.constant 0 : i32
      %gather3A_1526 = tpu.memref_slice %arg12[%gather3A_1523, %gather3A_1524, %gather3A_1525] : memref<8x32x128xf32, #tpu.memory_space<vmem>> -> memref<1x32x128xf32, #tpu.memory_space<vmem>>
      %gather3A_1527 = tpu.memref_squeeze %gather3A_1526 : memref<1x32x128xf32, #tpu.memory_space<vmem>> -> memref<32x128xf32, #tpu.memory_space<vmem>>
      %gather3A_1528 = tpu.vector_load_idx %gather3A_1527[%add3A_1522, %broadcast_in_dim3A_1508] : memref<32x128xf32, #tpu.memory_space<vmem>>[vector<16xi32>, vector<16xi32>], vector<16xf32>,
      %gather3A_1529 = arith.constant 7 : i32
      %gather3A_1530 = arith.constant 0 : i32
      %gather3A_1531 = arith.constant 0 : i32
      %gather3A_1532 = tpu.memref_slice %arg13[%gather3A_1529, %gather3A_1530, %gather3A_1531] : memref<8x32x128xf32, #tpu.memory_space<vmem>> -> memref<1x32x128xf32, #tpu.memory_space<vmem>>
      %gather3A_1533 = tpu.memref_squeeze %gather3A_1532 : memref<1x32x128xf32, #tpu.memory_space<vmem>> -> memref<32x128xf32, #tpu.memory_space<vmem>>
      %gather3A_1534 = tpu.vector_load_idx %gather3A_1533[%iota3A, %broadcast_in_dim3A_1513] : memref<32x128xf32, #tpu.memory_space<vmem>>[vector<16xi32>, vector<16xi32>], vector<16xf32>,
      %add3A_1535 = arith.constant 16 : i32
      %add3A_1536 = vector.broadcast %add3A_1535 : i32 to vector<16xi32>
      %add3A_1537 = arith.addi %iota3A, %add3A_1536 : vector<16xi32>
      %gather3A_1538 = arith.constant 7 : i32
      %gather3A_1539 = arith.constant 0 : i32
      %gather3A_1540 = arith.constant 0 : i32
      %gather3A_1541 = tpu.memref_slice %arg13[%gather3A_1538, %gather3A_1539, %gather3A_1540] : memref<8x32x128xf32, #tpu.memory_space<vmem>> -> memref<1x32x128xf32, #tpu.memory_space<vmem>>
      %gather3A_1542 = tpu.memref_squeeze %gather3A_1541 : memref<1x32x128xf32, #tpu.memory_space<vmem>> -> memref<32x128xf32, #tpu.memory_space<vmem>>
      %gather3A_1543 = tpu.vector_load_idx %gather3A_1542[%add3A_1537, %broadcast_in_dim3A_1513] : memref<32x128xf32, #tpu.memory_space<vmem>>[vector<16xi32>, vector<16xi32>], vector<16xf32>,
      %mul3A_1544 = arith.mulf %gather3A_1519, %gather3A_1534 : vector<16xf32>
      %swap3A_1545 = arith.constant 7 : i32
      %swap3A_1546 = arith.index_cast %swap3A_1545 : i32 to index
      %swap3A_1547 = arith.constant 0 : index
      %swap3A_1548 = tpu.vector_load %arg16[%swap3A_1546, %swap3A_1547] {strides = array<i32>} : memref<16x32xf32, #tpu.memory_space<vmem>>, vector<16xf32>,
      tpu.vector_store %arg16[%swap3A_1546, %swap3A_1547], %mul3A_1544 {strides = array<i32>} : memref<16x32xf32, #tpu.memory_space<vmem>>, vector<16xf32>,
      %mul3A_1549 = arith.mulf %gather3A_1528, %gather3A_1543 : vector<16xf32>
      %swap3A_1550 = arith.constant 7 : i32
      %swap3A_1551 = arith.index_cast %swap3A_1550 : i32 to index
      %swap3A_1552 = arith.constant 16 : index
      %swap3A_1553 = tpu.vector_load %arg16[%swap3A_1551, %swap3A_1552] {strides = array<i32>} : memref<16x32xf32, #tpu.memory_space<vmem>>, vector<16xf32>,
      tpu.vector_store %arg16[%swap3A_1551, %swap3A_1552], %mul3A_1549 {strides = array<i32>} : memref<16x32xf32, #tpu.memory_space<vmem>>, vector<16xf32>,
      %gather3A_1554 = arith.constant 7 : i32
      %gather3A_1555 = arith.constant 0 : i32
      %gather3A_1556 = arith.constant 0 : i32
      %gather3A_1557 = tpu.memref_slice %arg14[%gather3A_1554, %gather3A_1555, %gather3A_1556] : memref<8x16x128xf32, #tpu.memory_space<vmem>> -> memref<1x16x128xf32, #tpu.memory_space<vmem>>
      %gather3A_1558 = tpu.memref_squeeze %gather3A_1557 : memref<1x16x128xf32, #tpu.memory_space<vmem>> -> memref<16x128xf32, #tpu.memory_space<vmem>>
      %gather3A_1559 = tpu.vector_load_idx %gather3A_1558[%iota3A, %broadcast_in_dim3A_1508] : memref<16x128xf32, #tpu.memory_space<vmem>>[vector<16xi32>, vector<16xi32>], vector<16xf32>,
      %swap3A_1560 = arith.constant 7 : i32
      %swap3A_1561 = arith.index_cast %swap3A_1560 : i32 to index
      %swap3A_1562 = arith.constant 0 : index
      %swap3A_1563 = tpu.vector_load %arg17[%swap3A_1561, %swap3A_1562] {strides = array<i32>} : memref<16x32xf32, #tpu.memory_space<vmem>>, vector<16xf32>,
      tpu.vector_store %arg17[%swap3A_1561, %swap3A_1562], %gather3A_1559 {strides = array<i32>} : memref<16x32xf32, #tpu.memory_space<vmem>>, vector<16xf32>,
      %gather3A_1564 = arith.constant 7 : i32
      %gather3A_1565 = arith.constant 0 : i32
      %gather3A_1566 = arith.constant 0 : i32
      %gather3A_1567 = tpu.memref_slice %arg15[%gather3A_1564, %gather3A_1565, %gather3A_1566] : memref<8x16x128xf32, #tpu.memory_space<vmem>> -> memref<1x16x128xf32, #tpu.memory_space<vmem>>
      %gather3A_1568 = tpu.memref_squeeze %gather3A_1567 : memref<1x16x128xf32, #tpu.memory_space<vmem>> -> memref<16x128xf32, #tpu.memory_space<vmem>>
      %gather3A_1569 = tpu.vector_load_idx %gather3A_1568[%iota3A, %broadcast_in_dim3A_1513] : memref<16x128xf32, #tpu.memory_space<vmem>>[vector<16xi32>, vector<16xi32>], vector<16xf32>,
      %swap3A_1570 = arith.constant 7 : i32
      %swap3A_1571 = arith.index_cast %swap3A_1570 : i32 to index
      %swap3A_1572 = arith.constant 16 : index
      %swap3A_1573 = tpu.vector_load %arg17[%swap3A_1571, %swap3A_1572] {strides = array<i32>} : memref<16x32xf32, #tpu.memory_space<vmem>>, vector<16xf32>,
      tpu.vector_store %arg17[%swap3A_1571, %swap3A_1572], %gather3A_1569 {strides = array<i32>} : memref<16x32xf32, #tpu.memory_space<vmem>>, vector<16xf32>,
      %slice3A_1574 = vector.extract_strided_slice %get3A_11 {offsets = [8], sizes = [1], strides = [1]} : vector<16xi32> to vector<1xi32>
      %squeeze3A_1575 = vector.extract %slice3A_1574[0] : i32 from vector<1xi32>
      %slice3A_1576 = vector.extract_strided_slice %get3A_15 {offsets = [8], sizes = [1], strides = [1]} : vector<16xi32> to vector<1xi32>
      %squeeze3A_1577 = vector.extract %slice3A_1576[0] : i32 from vector<1xi32>
      %shift_right_arithmetic3A_1578 = arith.constant 7 : i32
      %shift_right_arithmetic3A_1579 = arith.shrsi %squeeze3A_1575, %shift_right_arithmetic3A_1578 : i32
      %mul3A_1580 = arith.constant 128 : i32
      %mul3A_1581 = arith.muli %shift_right_arithmetic3A_1579, %mul3A_1580 : i32
      %multiple_of3A_1582 = tpu.assume_multiple %mul3A_1581, 128 : i32
      %shift_right_arithmetic3A_1583 = arith.constant 7 : i32
      %shift_right_arithmetic3A_1584 = arith.shrsi %squeeze3A_1577, %shift_right_arithmetic3A_1583 : i32
      %mul3A_1585 = arith.constant 128 : i32
      %mul3A_1586 = arith.muli %shift_right_arithmetic3A_1584, %mul3A_1585 : i32
      %multiple_of3A_1587 = tpu.assume_multiple %mul3A_1586, 128 : i32
      %dma_start3A_1588 = arith.constant 0 : i32
      %dma_start3A_1589 = arith.constant 0 : i32
      %dma_start3A_1590 = arith.constant 0 : i32
      %dma_start3A_1591 = tpu.memref_slice %arg12[%dma_start3A_1588, %dma_start3A_1589, %dma_start3A_1590] : memref<8x32x128xf32, #tpu.memory_space<vmem>> -> memref<1x32x128xf32, #tpu.memory_space<vmem>>
      %dma_start3A_1592 = tpu.memref_squeeze %dma_start3A_1591 : memref<1x32x128xf32, #tpu.memory_space<vmem>> -> memref<32x128xf32, #tpu.memory_space<vmem>>
      %dma_start3A_1593 = arith.constant 0 : i32
      %dma_start3A_1594 = tpu.memref_slice %arg4[%dma_start3A_1593, %multiple_of3A_1582] : memref<32x1000000xf32, #tpu.memory_space<hbm>> -> memref<32x128xf32, #tpu.memory_space<hbm>>
      %dma_start3A_1595 = arith.constant 0 : i32
      %dma_start3A_1596 = arith.constant 0 : i32
      %dma_start3A_1597 = tpu.memref_slice %arg12[%dma_start3A_1588, %dma_start3A_1595, %dma_start3A_1596] : memref<8x32x128xf32, #tpu.memory_space<vmem>> -> memref<1x32x128xf32, #tpu.memory_space<vmem>>
      %dma_start3A_1598 = tpu.memref_squeeze %dma_start3A_1597 : memref<1x32x128xf32, #tpu.memory_space<vmem>> -> memref<32x128xf32, #tpu.memory_space<vmem>>
      %dma_start3A_1599 = arith.constant 0 : i32
      %dma_start3A_1600 = tpu.memref_slice %arg4[%dma_start3A_1599, %multiple_of3A_1582] : memref<32x1000000xf32, #tpu.memory_space<hbm>> -> memref<32x128xf32, #tpu.memory_space<hbm>>
      tpu.enqueue_dma source(%dma_start3A_1600 : memref<32x128xf32, #tpu.memory_space<hbm>>) target(%dma_start3A_1598 : memref<32x128xf32, #tpu.memory_space<vmem>>) target_semaphore(%arg18 : memref<!tpu.dma_semaphore, #tpu.memory_space<semaphore_mem>>)
      %dma_start3A_1601 = arith.constant 0 : i32
      %dma_start3A_1602 = arith.constant 0 : i32
      %dma_start3A_1603 = arith.constant 0 : i32
      %dma_start3A_1604 = tpu.memref_slice %arg13[%dma_start3A_1601, %dma_start3A_1602, %dma_start3A_1603] : memref<8x32x128xf32, #tpu.memory_space<vmem>> -> memref<1x32x128xf32, #tpu.memory_space<vmem>>
      %dma_start3A_1605 = tpu.memref_squeeze %dma_start3A_1604 : memref<1x32x128xf32, #tpu.memory_space<vmem>> -> memref<32x128xf32, #tpu.memory_space<vmem>>
      %dma_start3A_1606 = arith.constant 0 : i32
      %dma_start3A_1607 = tpu.memref_slice %arg5[%dma_start3A_1606, %multiple_of3A_1587] : memref<32x1000000xf32, #tpu.memory_space<hbm>> -> memref<32x128xf32, #tpu.memory_space<hbm>>
      %dma_start3A_1608 = arith.constant 0 : i32
      %dma_start3A_1609 = arith.constant 0 : i32
      %dma_start3A_1610 = tpu.memref_slice %arg13[%dma_start3A_1601, %dma_start3A_1608, %dma_start3A_1609] : memref<8x32x128xf32, #tpu.memory_space<vmem>> -> memref<1x32x128xf32, #tpu.memory_space<vmem>>
      %dma_start3A_1611 = tpu.memref_squeeze %dma_start3A_1610 : memref<1x32x128xf32, #tpu.memory_space<vmem>> -> memref<32x128xf32, #tpu.memory_space<vmem>>
      %dma_start3A_1612 = arith.constant 0 : i32
      %dma_start3A_1613 = tpu.memref_slice %arg5[%dma_start3A_1612, %multiple_of3A_1587] : memref<32x1000000xf32, #tpu.memory_space<hbm>> -> memref<32x128xf32, #tpu.memory_space<hbm>>
      tpu.enqueue_dma source(%dma_start3A_1613 : memref<32x128xf32, #tpu.memory_space<hbm>>) target(%dma_start3A_1611 : memref<32x128xf32, #tpu.memory_space<vmem>>) target_semaphore(%arg18 : memref<!tpu.dma_semaphore, #tpu.memory_space<semaphore_mem>>)
      %dma_start3A_1614 = arith.constant 0 : i32
      %dma_start3A_1615 = arith.constant 0 : i32
      %dma_start3A_1616 = arith.constant 0 : i32
      %dma_start3A_1617 = tpu.memref_slice %arg14[%dma_start3A_1614, %dma_start3A_1615, %dma_start3A_1616] : memref<8x16x128xf32, #tpu.memory_space<vmem>> -> memref<1x16x128xf32, #tpu.memory_space<vmem>>
      %dma_start3A_1618 = tpu.memref_squeeze %dma_start3A_1617 : memref<1x16x128xf32, #tpu.memory_space<vmem>> -> memref<16x128xf32, #tpu.memory_space<vmem>>
      %dma_start3A_1619 = arith.constant 0 : i32
      %dma_start3A_1620 = tpu.memref_slice %arg6[%dma_start3A_1619, %multiple_of3A_1582] : memref<16x1000000xf32, #tpu.memory_space<hbm>> -> memref<16x128xf32, #tpu.memory_space<hbm>>
      %dma_start3A_1621 = arith.constant 0 : i32
      %dma_start3A_1622 = arith.constant 0 : i32
      %dma_start3A_1623 = tpu.memref_slice %arg14[%dma_start3A_1614, %dma_start3A_1621, %dma_start3A_1622] : memref<8x16x128xf32, #tpu.memory_space<vmem>> -> memref<1x16x128xf32, #tpu.memory_space<vmem>>
      %dma_start3A_1624 = tpu.memref_squeeze %dma_start3A_1623 : memref<1x16x128xf32, #tpu.memory_space<vmem>> -> memref<16x128xf32, #tpu.memory_space<vmem>>
      %dma_start3A_1625 = arith.constant 0 : i32
      %dma_start3A_1626 = tpu.memref_slice %arg6[%dma_start3A_1625, %multiple_of3A_1582] : memref<16x1000000xf32, #tpu.memory_space<hbm>> -> memref<16x128xf32, #tpu.memory_space<hbm>>
      tpu.enqueue_dma source(%dma_start3A_1626 : memref<16x128xf32, #tpu.memory_space<hbm>>) target(%dma_start3A_1624 : memref<16x128xf32, #tpu.memory_space<vmem>>) target_semaphore(%arg18 : memref<!tpu.dma_semaphore, #tpu.memory_space<semaphore_mem>>)
      %dma_start3A_1627 = arith.constant 0 : i32
      %dma_start3A_1628 = arith.constant 0 : i32
      %dma_start3A_1629 = arith.constant 0 : i32
      %dma_start3A_1630 = tpu.memref_slice %arg15[%dma_start3A_1627, %dma_start3A_1628, %dma_start3A_1629] : memref<8x16x128xf32, #tpu.memory_space<vmem>> -> memref<1x16x128xf32, #tpu.memory_space<vmem>>
      %dma_start3A_1631 = tpu.memref_squeeze %dma_start3A_1630 : memref<1x16x128xf32, #tpu.memory_space<vmem>> -> memref<16x128xf32, #tpu.memory_space<vmem>>
      %dma_start3A_1632 = arith.constant 0 : i32
      %dma_start3A_1633 = tpu.memref_slice %arg7[%dma_start3A_1632, %multiple_of3A_1587] : memref<16x1000000xf32, #tpu.memory_space<hbm>> -> memref<16x128xf32, #tpu.memory_space<hbm>>
      %dma_start3A_1634 = arith.constant 0 : i32
      %dma_start3A_1635 = arith.constant 0 : i32
      %dma_start3A_1636 = tpu.memref_slice %arg15[%dma_start3A_1627, %dma_start3A_1634, %dma_start3A_1635] : memref<8x16x128xf32, #tpu.memory_space<vmem>> -> memref<1x16x128xf32, #tpu.memory_space<vmem>>
      %dma_start3A_1637 = tpu.memref_squeeze %dma_start3A_1636 : memref<1x16x128xf32, #tpu.memory_space<vmem>> -> memref<16x128xf32, #tpu.memory_space<vmem>>
      %dma_start3A_1638 = arith.constant 0 : i32
      %dma_start3A_1639 = tpu.memref_slice %arg7[%dma_start3A_1638, %multiple_of3A_1587] : memref<16x1000000xf32, #tpu.memory_space<hbm>> -> memref<16x128xf32, #tpu.memory_space<hbm>>
      tpu.enqueue_dma source(%dma_start3A_1639 : memref<16x128xf32, #tpu.memory_space<hbm>>) target(%dma_start3A_1637 : memref<16x128xf32, #tpu.memory_space<vmem>>) target_semaphore(%arg18 : memref<!tpu.dma_semaphore, #tpu.memory_space<semaphore_mem>>)
      %slice3A_1640 = vector.extract_strided_slice %get3A_11 {offsets = [9], sizes = [1], strides = [1]} : vector<16xi32> to vector<1xi32>
      %squeeze3A_1641 = vector.extract %slice3A_1640[0] : i32 from vector<1xi32>
      %slice3A_1642 = vector.extract_strided_slice %get3A_15 {offsets = [9], sizes = [1], strides = [1]} : vector<16xi32> to vector<1xi32>
      %squeeze3A_1643 = vector.extract %slice3A_1642[0] : i32 from vector<1xi32>
      %shift_right_arithmetic3A_1644 = arith.constant 7 : i32
      %shift_right_arithmetic3A_1645 = arith.shrsi %squeeze3A_1641, %shift_right_arithmetic3A_1644 : i32
      %mul3A_1646 = arith.constant 128 : i32
      %mul3A_1647 = arith.muli %shift_right_arithmetic3A_1645, %mul3A_1646 : i32
      %multiple_of3A_1648 = tpu.assume_multiple %mul3A_1647, 128 : i32
      %shift_right_arithmetic3A_1649 = arith.constant 7 : i32
      %shift_right_arithmetic3A_1650 = arith.shrsi %squeeze3A_1643, %shift_right_arithmetic3A_1649 : i32
      %mul3A_1651 = arith.constant 128 : i32
      %mul3A_1652 = arith.muli %shift_right_arithmetic3A_1650, %mul3A_1651 : i32
      %multiple_of3A_1653 = tpu.assume_multiple %mul3A_1652, 128 : i32
      %dma_start3A_1654 = arith.constant 1 : i32
      %dma_start3A_1655 = arith.constant 0 : i32
      %dma_start3A_1656 = arith.constant 0 : i32
      %dma_start3A_1657 = tpu.memref_slice %arg12[%dma_start3A_1654, %dma_start3A_1655, %dma_start3A_1656] : memref<8x32x128xf32, #tpu.memory_space<vmem>> -> memref<1x32x128xf32, #tpu.memory_space<vmem>>
      %dma_start3A_1658 = tpu.memref_squeeze %dma_start3A_1657 : memref<1x32x128xf32, #tpu.memory_space<vmem>> -> memref<32x128xf32, #tpu.memory_space<vmem>>
      %dma_start3A_1659 = arith.constant 0 : i32
      %dma_start3A_1660 = tpu.memref_slice %arg4[%dma_start3A_1659, %multiple_of3A_1648] : memref<32x1000000xf32, #tpu.memory_space<hbm>> -> memref<32x128xf32, #tpu.memory_space<hbm>>
      %dma_start3A_1661 = arith.constant 0 : i32
      %dma_start3A_1662 = arith.constant 0 : i32
      %dma_start3A_1663 = tpu.memref_slice %arg12[%dma_start3A_1654, %dma_start3A_1661, %dma_start3A_1662] : memref<8x32x128xf32, #tpu.memory_space<vmem>> -> memref<1x32x128xf32, #tpu.memory_space<vmem>>
      %dma_start3A_1664 = tpu.memref_squeeze %dma_start3A_1663 : memref<1x32x128xf32, #tpu.memory_space<vmem>> -> memref<32x128xf32, #tpu.memory_space<vmem>>
      %dma_start3A_1665 = arith.constant 0 : i32
      %dma_start3A_1666 = tpu.memref_slice %arg4[%dma_start3A_1665, %multiple_of3A_1648] : memref<32x1000000xf32, #tpu.memory_space<hbm>> -> memref<32x128xf32, #tpu.memory_space<hbm>>
      tpu.enqueue_dma source(%dma_start3A_1666 : memref<32x128xf32, #tpu.memory_space<hbm>>) target(%dma_start3A_1664 : memref<32x128xf32, #tpu.memory_space<vmem>>) target_semaphore(%arg18 : memref<!tpu.dma_semaphore, #tpu.memory_space<semaphore_mem>>)
      %dma_start3A_1667 = arith.constant 1 : i32
      %dma_start3A_1668 = arith.constant 0 : i32
      %dma_start3A_1669 = arith.constant 0 : i32
      %dma_start3A_1670 = tpu.memref_slice %arg13[%dma_start3A_1667, %dma_start3A_1668, %dma_start3A_1669] : memref<8x32x128xf32, #tpu.memory_space<vmem>> -> memref<1x32x128xf32, #tpu.memory_space<vmem>>
      %dma_start3A_1671 = tpu.memref_squeeze %dma_start3A_1670 : memref<1x32x128xf32, #tpu.memory_space<vmem>> -> memref<32x128xf32, #tpu.memory_space<vmem>>
      %dma_start3A_1672 = arith.constant 0 : i32
      %dma_start3A_1673 = tpu.memref_slice %arg5[%dma_start3A_1672, %multiple_of3A_1653] : memref<32x1000000xf32, #tpu.memory_space<hbm>> -> memref<32x128xf32, #tpu.memory_space<hbm>>
      %dma_start3A_1674 = arith.constant 0 : i32
      %dma_start3A_1675 = arith.constant 0 : i32
      %dma_start3A_1676 = tpu.memref_slice %arg13[%dma_start3A_1667, %dma_start3A_1674, %dma_start3A_1675] : memref<8x32x128xf32, #tpu.memory_space<vmem>> -> memref<1x32x128xf32, #tpu.memory_space<vmem>>
      %dma_start3A_1677 = tpu.memref_squeeze %dma_start3A_1676 : memref<1x32x128xf32, #tpu.memory_space<vmem>> -> memref<32x128xf32, #tpu.memory_space<vmem>>
      %dma_start3A_1678 = arith.constant 0 : i32
      %dma_start3A_1679 = tpu.memref_slice %arg5[%dma_start3A_1678, %multiple_of3A_1653] : memref<32x1000000xf32, #tpu.memory_space<hbm>> -> memref<32x128xf32, #tpu.memory_space<hbm>>
      tpu.enqueue_dma source(%dma_start3A_1679 : memref<32x128xf32, #tpu.memory_space<hbm>>) target(%dma_start3A_1677 : memref<32x128xf32, #tpu.memory_space<vmem>>) target_semaphore(%arg18 : memref<!tpu.dma_semaphore, #tpu.memory_space<semaphore_mem>>)
      %dma_start3A_1680 = arith.constant 1 : i32
      %dma_start3A_1681 = arith.constant 0 : i32
      %dma_start3A_1682 = arith.constant 0 : i32
      %dma_start3A_1683 = tpu.memref_slice %arg14[%dma_start3A_1680, %dma_start3A_1681, %dma_start3A_1682] : memref<8x16x128xf32, #tpu.memory_space<vmem>> -> memref<1x16x128xf32, #tpu.memory_space<vmem>>
      %dma_start3A_1684 = tpu.memref_squeeze %dma_start3A_1683 : memref<1x16x128xf32, #tpu.memory_space<vmem>> -> memref<16x128xf32, #tpu.memory_space<vmem>>
      %dma_start3A_1685 = arith.constant 0 : i32
      %dma_start3A_1686 = tpu.memref_slice %arg6[%dma_start3A_1685, %multiple_of3A_1648] : memref<16x1000000xf32, #tpu.memory_space<hbm>> -> memref<16x128xf32, #tpu.memory_space<hbm>>
      %dma_start3A_1687 = arith.constant 0 : i32
      %dma_start3A_1688 = arith.constant 0 : i32
      %dma_start3A_1689 = tpu.memref_slice %arg14[%dma_start3A_1680, %dma_start3A_1687, %dma_start3A_1688] : memref<8x16x128xf32, #tpu.memory_space<vmem>> -> memref<1x16x128xf32, #tpu.memory_space<vmem>>
      %dma_start3A_1690 = tpu.memref_squeeze %dma_start3A_1689 : memref<1x16x128xf32, #tpu.memory_space<vmem>> -> memref<16x128xf32, #tpu.memory_space<vmem>>
      %dma_start3A_1691 = arith.constant 0 : i32
      %dma_start3A_1692 = tpu.memref_slice %arg6[%dma_start3A_1691, %multiple_of3A_1648] : memref<16x1000000xf32, #tpu.memory_space<hbm>> -> memref<16x128xf32, #tpu.memory_space<hbm>>
      tpu.enqueue_dma source(%dma_start3A_1692 : memref<16x128xf32, #tpu.memory_space<hbm>>) target(%dma_start3A_1690 : memref<16x128xf32, #tpu.memory_space<vmem>>) target_semaphore(%arg18 : memref<!tpu.dma_semaphore, #tpu.memory_space<semaphore_mem>>)
      %dma_start3A_1693 = arith.constant 1 : i32
      %dma_start3A_1694 = arith.constant 0 : i32
      %dma_start3A_1695 = arith.constant 0 : i32
      %dma_start3A_1696 = tpu.memref_slice %arg15[%dma_start3A_1693, %dma_start3A_1694, %dma_start3A_1695] : memref<8x16x128xf32, #tpu.memory_space<vmem>> -> memref<1x16x128xf32, #tpu.memory_space<vmem>>
      %dma_start3A_1697 = tpu.memref_squeeze %dma_start3A_1696 : memref<1x16x128xf32, #tpu.memory_space<vmem>> -> memref<16x128xf32, #tpu.memory_space<vmem>>
      %dma_start3A_1698 = arith.constant 0 : i32
      %dma_start3A_1699 = tpu.memref_slice %arg7[%dma_start3A_1698, %multiple_of3A_1653] : memref<16x1000000xf32, #tpu.memory_space<hbm>> -> memref<16x128xf32, #tpu.memory_space<hbm>>
      %dma_start3A_1700 = arith.constant 0 : i32
      %dma_start3A_1701 = arith.constant 0 : i32
      %dma_start3A_1702 = tpu.memref_slice %arg15[%dma_start3A_1693, %dma_start3A_1700, %dma_start3A_1701] : memref<8x16x128xf32, #tpu.memory_space<vmem>> -> memref<1x16x128xf32, #tpu.memory_space<vmem>>
      %dma_start3A_1703 = tpu.memref_squeeze %dma_start3A_1702 : memref<1x16x128xf32, #tpu.memory_space<vmem>> -> memref<16x128xf32, #tpu.memory_space<vmem>>
      %dma_start3A_1704 = arith.constant 0 : i32
      %dma_start3A_1705 = tpu.memref_slice %arg7[%dma_start3A_1704, %multiple_of3A_1653] : memref<16x1000000xf32, #tpu.memory_space<hbm>> -> memref<16x128xf32, #tpu.memory_space<hbm>>
      tpu.enqueue_dma source(%dma_start3A_1705 : memref<16x128xf32, #tpu.memory_space<hbm>>) target(%dma_start3A_1703 : memref<16x128xf32, #tpu.memory_space<vmem>>) target_semaphore(%arg18 : memref<!tpu.dma_semaphore, #tpu.memory_space<semaphore_mem>>)
      %slice3A_1706 = vector.extract_strided_slice %get3A_11 {offsets = [10], sizes = [1], strides = [1]} : vector<16xi32> to vector<1xi32>
      %squeeze3A_1707 = vector.extract %slice3A_1706[0] : i32 from vector<1xi32>
      %slice3A_1708 = vector.extract_strided_slice %get3A_15 {offsets = [10], sizes = [1], strides = [1]} : vector<16xi32> to vector<1xi32>
      %squeeze3A_1709 = vector.extract %slice3A_1708[0] : i32 from vector<1xi32>
      %shift_right_arithmetic3A_1710 = arith.constant 7 : i32
      %shift_right_arithmetic3A_1711 = arith.shrsi %squeeze3A_1707, %shift_right_arithmetic3A_1710 : i32
      %mul3A_1712 = arith.constant 128 : i32
      %mul3A_1713 = arith.muli %shift_right_arithmetic3A_1711, %mul3A_1712 : i32
      %multiple_of3A_1714 = tpu.assume_multiple %mul3A_1713, 128 : i32
      %shift_right_arithmetic3A_1715 = arith.constant 7 : i32
      %shift_right_arithmetic3A_1716 = arith.shrsi %squeeze3A_1709, %shift_right_arithmetic3A_1715 : i32
      %mul3A_1717 = arith.constant 128 : i32
      %mul3A_1718 = arith.muli %shift_right_arithmetic3A_1716, %mul3A_1717 : i32
      %multiple_of3A_1719 = tpu.assume_multiple %mul3A_1718, 128 : i32
      %dma_start3A_1720 = arith.constant 2 : i32
      %dma_start3A_1721 = arith.constant 0 : i32
      %dma_start3A_1722 = arith.constant 0 : i32
      %dma_start3A_1723 = tpu.memref_slice %arg12[%dma_start3A_1720, %dma_start3A_1721, %dma_start3A_1722] : memref<8x32x128xf32, #tpu.memory_space<vmem>> -> memref<1x32x128xf32, #tpu.memory_space<vmem>>
      %dma_start3A_1724 = tpu.memref_squeeze %dma_start3A_1723 : memref<1x32x128xf32, #tpu.memory_space<vmem>> -> memref<32x128xf32, #tpu.memory_space<vmem>>
      %dma_start3A_1725 = arith.constant 0 : i32
      %dma_start3A_1726 = tpu.memref_slice %arg4[%dma_start3A_1725, %multiple_of3A_1714] : memref<32x1000000xf32, #tpu.memory_space<hbm>> -> memref<32x128xf32, #tpu.memory_space<hbm>>
      %dma_start3A_1727 = arith.constant 0 : i32
      %dma_start3A_1728 = arith.constant 0 : i32
      %dma_start3A_1729 = tpu.memref_slice %arg12[%dma_start3A_1720, %dma_start3A_1727, %dma_start3A_1728] : memref<8x32x128xf32, #tpu.memory_space<vmem>> -> memref<1x32x128xf32, #tpu.memory_space<vmem>>
      %dma_start3A_1730 = tpu.memref_squeeze %dma_start3A_1729 : memref<1x32x128xf32, #tpu.memory_space<vmem>> -> memref<32x128xf32, #tpu.memory_space<vmem>>
      %dma_start3A_1731 = arith.constant 0 : i32
      %dma_start3A_1732 = tpu.memref_slice %arg4[%dma_start3A_1731, %multiple_of3A_1714] : memref<32x1000000xf32, #tpu.memory_space<hbm>> -> memref<32x128xf32, #tpu.memory_space<hbm>>
      tpu.enqueue_dma source(%dma_start3A_1732 : memref<32x128xf32, #tpu.memory_space<hbm>>) target(%dma_start3A_1730 : memref<32x128xf32, #tpu.memory_space<vmem>>) target_semaphore(%arg18 : memref<!tpu.dma_semaphore, #tpu.memory_space<semaphore_mem>>)
      %dma_start3A_1733 = arith.constant 2 : i32
      %dma_start3A_1734 = arith.constant 0 : i32
      %dma_start3A_1735 = arith.constant 0 : i32
      %dma_start3A_1736 = tpu.memref_slice %arg13[%dma_start3A_1733, %dma_start3A_1734, %dma_start3A_1735] : memref<8x32x128xf32, #tpu.memory_space<vmem>> -> memref<1x32x128xf32, #tpu.memory_space<vmem>>
      %dma_start3A_1737 = tpu.memref_squeeze %dma_start3A_1736 : memref<1x32x128xf32, #tpu.memory_space<vmem>> -> memref<32x128xf32, #tpu.memory_space<vmem>>
      %dma_start3A_1738 = arith.constant 0 : i32
      %dma_start3A_1739 = tpu.memref_slice %arg5[%dma_start3A_1738, %multiple_of3A_1719] : memref<32x1000000xf32, #tpu.memory_space<hbm>> -> memref<32x128xf32, #tpu.memory_space<hbm>>
      %dma_start3A_1740 = arith.constant 0 : i32
      %dma_start3A_1741 = arith.constant 0 : i32
      %dma_start3A_1742 = tpu.memref_slice %arg13[%dma_start3A_1733, %dma_start3A_1740, %dma_start3A_1741] : memref<8x32x128xf32, #tpu.memory_space<vmem>> -> memref<1x32x128xf32, #tpu.memory_space<vmem>>
      %dma_start3A_1743 = tpu.memref_squeeze %dma_start3A_1742 : memref<1x32x128xf32, #tpu.memory_space<vmem>> -> memref<32x128xf32, #tpu.memory_space<vmem>>
      %dma_start3A_1744 = arith.constant 0 : i32
      %dma_start3A_1745 = tpu.memref_slice %arg5[%dma_start3A_1744, %multiple_of3A_1719] : memref<32x1000000xf32, #tpu.memory_space<hbm>> -> memref<32x128xf32, #tpu.memory_space<hbm>>
      tpu.enqueue_dma source(%dma_start3A_1745 : memref<32x128xf32, #tpu.memory_space<hbm>>) target(%dma_start3A_1743 : memref<32x128xf32, #tpu.memory_space<vmem>>) target_semaphore(%arg18 : memref<!tpu.dma_semaphore, #tpu.memory_space<semaphore_mem>>)
      %dma_start3A_1746 = arith.constant 2 : i32
      %dma_start3A_1747 = arith.constant 0 : i32
      %dma_start3A_1748 = arith.constant 0 : i32
      %dma_start3A_1749 = tpu.memref_slice %arg14[%dma_start3A_1746, %dma_start3A_1747, %dma_start3A_1748] : memref<8x16x128xf32, #tpu.memory_space<vmem>> -> memref<1x16x128xf32, #tpu.memory_space<vmem>>
      %dma_start3A_1750 = tpu.memref_squeeze %dma_start3A_1749 : memref<1x16x128xf32, #tpu.memory_space<vmem>> -> memref<16x128xf32, #tpu.memory_space<vmem>>
      %dma_start3A_1751 = arith.constant 0 : i32
      %dma_start3A_1752 = tpu.memref_slice %arg6[%dma_start3A_1751, %multiple_of3A_1714] : memref<16x1000000xf32, #tpu.memory_space<hbm>> -> memref<16x128xf32, #tpu.memory_space<hbm>>
      %dma_start3A_1753 = arith.constant 0 : i32
      %dma_start3A_1754 = arith.constant 0 : i32
      %dma_start3A_1755 = tpu.memref_slice %arg14[%dma_start3A_1746, %dma_start3A_1753, %dma_start3A_1754] : memref<8x16x128xf32, #tpu.memory_space<vmem>> -> memref<1x16x128xf32, #tpu.memory_space<vmem>>
      %dma_start3A_1756 = tpu.memref_squeeze %dma_start3A_1755 : memref<1x16x128xf32, #tpu.memory_space<vmem>> -> memref<16x128xf32, #tpu.memory_space<vmem>>
      %dma_start3A_1757 = arith.constant 0 : i32
      %dma_start3A_1758 = tpu.memref_slice %arg6[%dma_start3A_1757, %multiple_of3A_1714] : memref<16x1000000xf32, #tpu.memory_space<hbm>> -> memref<16x128xf32, #tpu.memory_space<hbm>>
      tpu.enqueue_dma source(%dma_start3A_1758 : memref<16x128xf32, #tpu.memory_space<hbm>>) target(%dma_start3A_1756 : memref<16x128xf32, #tpu.memory_space<vmem>>) target_semaphore(%arg18 : memref<!tpu.dma_semaphore, #tpu.memory_space<semaphore_mem>>)
      %dma_start3A_1759 = arith.constant 2 : i32
      %dma_start3A_1760 = arith.constant 0 : i32
      %dma_start3A_1761 = arith.constant 0 : i32
      %dma_start3A_1762 = tpu.memref_slice %arg15[%dma_start3A_1759, %dma_start3A_1760, %dma_start3A_1761] : memref<8x16x128xf32, #tpu.memory_space<vmem>> -> memref<1x16x128xf32, #tpu.memory_space<vmem>>
      %dma_start3A_1763 = tpu.memref_squeeze %dma_start3A_1762 : memref<1x16x128xf32, #tpu.memory_space<vmem>> -> memref<16x128xf32, #tpu.memory_space<vmem>>
      %dma_start3A_1764 = arith.constant 0 : i32
      %dma_start3A_1765 = tpu.memref_slice %arg7[%dma_start3A_1764, %multiple_of3A_1719] : memref<16x1000000xf32, #tpu.memory_space<hbm>> -> memref<16x128xf32, #tpu.memory_space<hbm>>
      %dma_start3A_1766 = arith.constant 0 : i32
      %dma_start3A_1767 = arith.constant 0 : i32
      %dma_start3A_1768 = tpu.memref_slice %arg15[%dma_start3A_1759, %dma_start3A_1766, %dma_start3A_1767] : memref<8x16x128xf32, #tpu.memory_space<vmem>> -> memref<1x16x128xf32, #tpu.memory_space<vmem>>
      %dma_start3A_1769 = tpu.memref_squeeze %dma_start3A_1768 : memref<1x16x128xf32, #tpu.memory_space<vmem>> -> memref<16x128xf32, #tpu.memory_space<vmem>>
      %dma_start3A_1770 = arith.constant 0 : i32
      %dma_start3A_1771 = tpu.memref_slice %arg7[%dma_start3A_1770, %multiple_of3A_1719] : memref<16x1000000xf32, #tpu.memory_space<hbm>> -> memref<16x128xf32, #tpu.memory_space<hbm>>
      tpu.enqueue_dma source(%dma_start3A_1771 : memref<16x128xf32, #tpu.memory_space<hbm>>) target(%dma_start3A_1769 : memref<16x128xf32, #tpu.memory_space<vmem>>) target_semaphore(%arg18 : memref<!tpu.dma_semaphore, #tpu.memory_space<semaphore_mem>>)
      %slice3A_1772 = vector.extract_strided_slice %get3A_11 {offsets = [11], sizes = [1], strides = [1]} : vector<16xi32> to vector<1xi32>
      %squeeze3A_1773 = vector.extract %slice3A_1772[0] : i32 from vector<1xi32>
      %slice3A_1774 = vector.extract_strided_slice %get3A_15 {offsets = [11], sizes = [1], strides = [1]} : vector<16xi32> to vector<1xi32>
      %squeeze3A_1775 = vector.extract %slice3A_1774[0] : i32 from vector<1xi32>
      %shift_right_arithmetic3A_1776 = arith.constant 7 : i32
      %shift_right_arithmetic3A_1777 = arith.shrsi %squeeze3A_1773, %shift_right_arithmetic3A_1776 : i32
      %mul3A_1778 = arith.constant 128 : i32
      %mul3A_1779 = arith.muli %shift_right_arithmetic3A_1777, %mul3A_1778 : i32
      %multiple_of3A_1780 = tpu.assume_multiple %mul3A_1779, 128 : i32
      %shift_right_arithmetic3A_1781 = arith.constant 7 : i32
      %shift_right_arithmetic3A_1782 = arith.shrsi %squeeze3A_1775, %shift_right_arithmetic3A_1781 : i32
      %mul3A_1783 = arith.constant 128 : i32
      %mul3A_1784 = arith.muli %shift_right_arithmetic3A_1782, %mul3A_1783 : i32
      %multiple_of3A_1785 = tpu.assume_multiple %mul3A_1784, 128 : i32
      %dma_start3A_1786 = arith.constant 3 : i32
      %dma_start3A_1787 = arith.constant 0 : i32
      %dma_start3A_1788 = arith.constant 0 : i32
      %dma_start3A_1789 = tpu.memref_slice %arg12[%dma_start3A_1786, %dma_start3A_1787, %dma_start3A_1788] : memref<8x32x128xf32, #tpu.memory_space<vmem>> -> memref<1x32x128xf32, #tpu.memory_space<vmem>>
      %dma_start3A_1790 = tpu.memref_squeeze %dma_start3A_1789 : memref<1x32x128xf32, #tpu.memory_space<vmem>> -> memref<32x128xf32, #tpu.memory_space<vmem>>
      %dma_start3A_1791 = arith.constant 0 : i32
      %dma_start3A_1792 = tpu.memref_slice %arg4[%dma_start3A_1791, %multiple_of3A_1780] : memref<32x1000000xf32, #tpu.memory_space<hbm>> -> memref<32x128xf32, #tpu.memory_space<hbm>>
      %dma_start3A_1793 = arith.constant 0 : i32
      %dma_start3A_1794 = arith.constant 0 : i32
      %dma_start3A_1795 = tpu.memref_slice %arg12[%dma_start3A_1786, %dma_start3A_1793, %dma_start3A_1794] : memref<8x32x128xf32, #tpu.memory_space<vmem>> -> memref<1x32x128xf32, #tpu.memory_space<vmem>>
      %dma_start3A_1796 = tpu.memref_squeeze %dma_start3A_1795 : memref<1x32x128xf32, #tpu.memory_space<vmem>> -> memref<32x128xf32, #tpu.memory_space<vmem>>
      %dma_start3A_1797 = arith.constant 0 : i32
      %dma_start3A_1798 = tpu.memref_slice %arg4[%dma_start3A_1797, %multiple_of3A_1780] : memref<32x1000000xf32, #tpu.memory_space<hbm>> -> memref<32x128xf32, #tpu.memory_space<hbm>>
      tpu.enqueue_dma source(%dma_start3A_1798 : memref<32x128xf32, #tpu.memory_space<hbm>>) target(%dma_start3A_1796 : memref<32x128xf32, #tpu.memory_space<vmem>>) target_semaphore(%arg18 : memref<!tpu.dma_semaphore, #tpu.memory_space<semaphore_mem>>)
      %dma_start3A_1799 = arith.constant 3 : i32
      %dma_start3A_1800 = arith.constant 0 : i32
      %dma_start3A_1801 = arith.constant 0 : i32
      %dma_start3A_1802 = tpu.memref_slice %arg13[%dma_start3A_1799, %dma_start3A_1800, %dma_start3A_1801] : memref<8x32x128xf32, #tpu.memory_space<vmem>> -> memref<1x32x128xf32, #tpu.memory_space<vmem>>
      %dma_start3A_1803 = tpu.memref_squeeze %dma_start3A_1802 : memref<1x32x128xf32, #tpu.memory_space<vmem>> -> memref<32x128xf32, #tpu.memory_space<vmem>>
      %dma_start3A_1804 = arith.constant 0 : i32
      %dma_start3A_1805 = tpu.memref_slice %arg5[%dma_start3A_1804, %multiple_of3A_1785] : memref<32x1000000xf32, #tpu.memory_space<hbm>> -> memref<32x128xf32, #tpu.memory_space<hbm>>
      %dma_start3A_1806 = arith.constant 0 : i32
      %dma_start3A_1807 = arith.constant 0 : i32
      %dma_start3A_1808 = tpu.memref_slice %arg13[%dma_start3A_1799, %dma_start3A_1806, %dma_start3A_1807] : memref<8x32x128xf32, #tpu.memory_space<vmem>> -> memref<1x32x128xf32, #tpu.memory_space<vmem>>
      %dma_start3A_1809 = tpu.memref_squeeze %dma_start3A_1808 : memref<1x32x128xf32, #tpu.memory_space<vmem>> -> memref<32x128xf32, #tpu.memory_space<vmem>>
      %dma_start3A_1810 = arith.constant 0 : i32
      %dma_start3A_1811 = tpu.memref_slice %arg5[%dma_start3A_1810, %multiple_of3A_1785] : memref<32x1000000xf32, #tpu.memory_space<hbm>> -> memref<32x128xf32, #tpu.memory_space<hbm>>
      tpu.enqueue_dma source(%dma_start3A_1811 : memref<32x128xf32, #tpu.memory_space<hbm>>) target(%dma_start3A_1809 : memref<32x128xf32, #tpu.memory_space<vmem>>) target_semaphore(%arg18 : memref<!tpu.dma_semaphore, #tpu.memory_space<semaphore_mem>>)
      %dma_start3A_1812 = arith.constant 3 : i32
      %dma_start3A_1813 = arith.constant 0 : i32
      %dma_start3A_1814 = arith.constant 0 : i32
      %dma_start3A_1815 = tpu.memref_slice %arg14[%dma_start3A_1812, %dma_start3A_1813, %dma_start3A_1814] : memref<8x16x128xf32, #tpu.memory_space<vmem>> -> memref<1x16x128xf32, #tpu.memory_space<vmem>>
      %dma_start3A_1816 = tpu.memref_squeeze %dma_start3A_1815 : memref<1x16x128xf32, #tpu.memory_space<vmem>> -> memref<16x128xf32, #tpu.memory_space<vmem>>
      %dma_start3A_1817 = arith.constant 0 : i32
      %dma_start3A_1818 = tpu.memref_slice %arg6[%dma_start3A_1817, %multiple_of3A_1780] : memref<16x1000000xf32, #tpu.memory_space<hbm>> -> memref<16x128xf32, #tpu.memory_space<hbm>>
      %dma_start3A_1819 = arith.constant 0 : i32
      %dma_start3A_1820 = arith.constant 0 : i32
      %dma_start3A_1821 = tpu.memref_slice %arg14[%dma_start3A_1812, %dma_start3A_1819, %dma_start3A_1820] : memref<8x16x128xf32, #tpu.memory_space<vmem>> -> memref<1x16x128xf32, #tpu.memory_space<vmem>>
      %dma_start3A_1822 = tpu.memref_squeeze %dma_start3A_1821 : memref<1x16x128xf32, #tpu.memory_space<vmem>> -> memref<16x128xf32, #tpu.memory_space<vmem>>
      %dma_start3A_1823 = arith.constant 0 : i32
      %dma_start3A_1824 = tpu.memref_slice %arg6[%dma_start3A_1823, %multiple_of3A_1780] : memref<16x1000000xf32, #tpu.memory_space<hbm>> -> memref<16x128xf32, #tpu.memory_space<hbm>>
      tpu.enqueue_dma source(%dma_start3A_1824 : memref<16x128xf32, #tpu.memory_space<hbm>>) target(%dma_start3A_1822 : memref<16x128xf32, #tpu.memory_space<vmem>>) target_semaphore(%arg18 : memref<!tpu.dma_semaphore, #tpu.memory_space<semaphore_mem>>)
      %dma_start3A_1825 = arith.constant 3 : i32
      %dma_start3A_1826 = arith.constant 0 : i32
      %dma_start3A_1827 = arith.constant 0 : i32
      %dma_start3A_1828 = tpu.memref_slice %arg15[%dma_start3A_1825, %dma_start3A_1826, %dma_start3A_1827] : memref<8x16x128xf32, #tpu.memory_space<vmem>> -> memref<1x16x128xf32, #tpu.memory_space<vmem>>
      %dma_start3A_1829 = tpu.memref_squeeze %dma_start3A_1828 : memref<1x16x128xf32, #tpu.memory_space<vmem>> -> memref<16x128xf32, #tpu.memory_space<vmem>>
      %dma_start3A_1830 = arith.constant 0 : i32
      %dma_start3A_1831 = tpu.memref_slice %arg7[%dma_start3A_1830, %multiple_of3A_1785] : memref<16x1000000xf32, #tpu.memory_space<hbm>> -> memref<16x128xf32, #tpu.memory_space<hbm>>
      %dma_start3A_1832 = arith.constant 0 : i32
      %dma_start3A_1833 = arith.constant 0 : i32
      %dma_start3A_1834 = tpu.memref_slice %arg15[%dma_start3A_1825, %dma_start3A_1832, %dma_start3A_1833] : memref<8x16x128xf32, #tpu.memory_space<vmem>> -> memref<1x16x128xf32, #tpu.memory_space<vmem>>
      %dma_start3A_1835 = tpu.memref_squeeze %dma_start3A_1834 : memref<1x16x128xf32, #tpu.memory_space<vmem>> -> memref<16x128xf32, #tpu.memory_space<vmem>>
      %dma_start3A_1836 = arith.constant 0 : i32
      %dma_start3A_1837 = tpu.memref_slice %arg7[%dma_start3A_1836, %multiple_of3A_1785] : memref<16x1000000xf32, #tpu.memory_space<hbm>> -> memref<16x128xf32, #tpu.memory_space<hbm>>
      tpu.enqueue_dma source(%dma_start3A_1837 : memref<16x128xf32, #tpu.memory_space<hbm>>) target(%dma_start3A_1835 : memref<16x128xf32, #tpu.memory_space<vmem>>) target_semaphore(%arg18 : memref<!tpu.dma_semaphore, #tpu.memory_space<semaphore_mem>>)
      %slice3A_1838 = vector.extract_strided_slice %get3A_11 {offsets = [12], sizes = [1], strides = [1]} : vector<16xi32> to vector<1xi32>
      %squeeze3A_1839 = vector.extract %slice3A_1838[0] : i32 from vector<1xi32>
      %slice3A_1840 = vector.extract_strided_slice %get3A_15 {offsets = [12], sizes = [1], strides = [1]} : vector<16xi32> to vector<1xi32>
      %squeeze3A_1841 = vector.extract %slice3A_1840[0] : i32 from vector<1xi32>
      %shift_right_arithmetic3A_1842 = arith.constant 7 : i32
      %shift_right_arithmetic3A_1843 = arith.shrsi %squeeze3A_1839, %shift_right_arithmetic3A_1842 : i32
      %mul3A_1844 = arith.constant 128 : i32
      %mul3A_1845 = arith.muli %shift_right_arithmetic3A_1843, %mul3A_1844 : i32
      %multiple_of3A_1846 = tpu.assume_multiple %mul3A_1845, 128 : i32
      %shift_right_arithmetic3A_1847 = arith.constant 7 : i32
      %shift_right_arithmetic3A_1848 = arith.shrsi %squeeze3A_1841, %shift_right_arithmetic3A_1847 : i32
      %mul3A_1849 = arith.constant 128 : i32
      %mul3A_1850 = arith.muli %shift_right_arithmetic3A_1848, %mul3A_1849 : i32
      %multiple_of3A_1851 = tpu.assume_multiple %mul3A_1850, 128 : i32
      %dma_start3A_1852 = arith.constant 4 : i32
      %dma_start3A_1853 = arith.constant 0 : i32
      %dma_start3A_1854 = arith.constant 0 : i32
      %dma_start3A_1855 = tpu.memref_slice %arg12[%dma_start3A_1852, %dma_start3A_1853, %dma_start3A_1854] : memref<8x32x128xf32, #tpu.memory_space<vmem>> -> memref<1x32x128xf32, #tpu.memory_space<vmem>>
      %dma_start3A_1856 = tpu.memref_squeeze %dma_start3A_1855 : memref<1x32x128xf32, #tpu.memory_space<vmem>> -> memref<32x128xf32, #tpu.memory_space<vmem>>
      %dma_start3A_1857 = arith.constant 0 : i32
      %dma_start3A_1858 = tpu.memref_slice %arg4[%dma_start3A_1857, %multiple_of3A_1846] : memref<32x1000000xf32, #tpu.memory_space<hbm>> -> memref<32x128xf32, #tpu.memory_space<hbm>>
      %dma_start3A_1859 = arith.constant 0 : i32
      %dma_start3A_1860 = arith.constant 0 : i32
      %dma_start3A_1861 = tpu.memref_slice %arg12[%dma_start3A_1852, %dma_start3A_1859, %dma_start3A_1860] : memref<8x32x128xf32, #tpu.memory_space<vmem>> -> memref<1x32x128xf32, #tpu.memory_space<vmem>>
      %dma_start3A_1862 = tpu.memref_squeeze %dma_start3A_1861 : memref<1x32x128xf32, #tpu.memory_space<vmem>> -> memref<32x128xf32, #tpu.memory_space<vmem>>
      %dma_start3A_1863 = arith.constant 0 : i32
      %dma_start3A_1864 = tpu.memref_slice %arg4[%dma_start3A_1863, %multiple_of3A_1846] : memref<32x1000000xf32, #tpu.memory_space<hbm>> -> memref<32x128xf32, #tpu.memory_space<hbm>>
      tpu.enqueue_dma source(%dma_start3A_1864 : memref<32x128xf32, #tpu.memory_space<hbm>>) target(%dma_start3A_1862 : memref<32x128xf32, #tpu.memory_space<vmem>>) target_semaphore(%arg18 : memref<!tpu.dma_semaphore, #tpu.memory_space<semaphore_mem>>)
      %dma_start3A_1865 = arith.constant 4 : i32
      %dma_start3A_1866 = arith.constant 0 : i32
      %dma_start3A_1867 = arith.constant 0 : i32
      %dma_start3A_1868 = tpu.memref_slice %arg13[%dma_start3A_1865, %dma_start3A_1866, %dma_start3A_1867] : memref<8x32x128xf32, #tpu.memory_space<vmem>> -> memref<1x32x128xf32, #tpu.memory_space<vmem>>
      %dma_start3A_1869 = tpu.memref_squeeze %dma_start3A_1868 : memref<1x32x128xf32, #tpu.memory_space<vmem>> -> memref<32x128xf32, #tpu.memory_space<vmem>>
      %dma_start3A_1870 = arith.constant 0 : i32
      %dma_start3A_1871 = tpu.memref_slice %arg5[%dma_start3A_1870, %multiple_of3A_1851] : memref<32x1000000xf32, #tpu.memory_space<hbm>> -> memref<32x128xf32, #tpu.memory_space<hbm>>
      %dma_start3A_1872 = arith.constant 0 : i32
      %dma_start3A_1873 = arith.constant 0 : i32
      %dma_start3A_1874 = tpu.memref_slice %arg13[%dma_start3A_1865, %dma_start3A_1872, %dma_start3A_1873] : memref<8x32x128xf32, #tpu.memory_space<vmem>> -> memref<1x32x128xf32, #tpu.memory_space<vmem>>
      %dma_start3A_1875 = tpu.memref_squeeze %dma_start3A_1874 : memref<1x32x128xf32, #tpu.memory_space<vmem>> -> memref<32x128xf32, #tpu.memory_space<vmem>>
      %dma_start3A_1876 = arith.constant 0 : i32
      %dma_start3A_1877 = tpu.memref_slice %arg5[%dma_start3A_1876, %multiple_of3A_1851] : memref<32x1000000xf32, #tpu.memory_space<hbm>> -> memref<32x128xf32, #tpu.memory_space<hbm>>
      tpu.enqueue_dma source(%dma_start3A_1877 : memref<32x128xf32, #tpu.memory_space<hbm>>) target(%dma_start3A_1875 : memref<32x128xf32, #tpu.memory_space<vmem>>) target_semaphore(%arg18 : memref<!tpu.dma_semaphore, #tpu.memory_space<semaphore_mem>>)
      %dma_start3A_1878 = arith.constant 4 : i32
      %dma_start3A_1879 = arith.constant 0 : i32
      %dma_start3A_1880 = arith.constant 0 : i32
      %dma_start3A_1881 = tpu.memref_slice %arg14[%dma_start3A_1878, %dma_start3A_1879, %dma_start3A_1880] : memref<8x16x128xf32, #tpu.memory_space<vmem>> -> memref<1x16x128xf32, #tpu.memory_space<vmem>>
      %dma_start3A_1882 = tpu.memref_squeeze %dma_start3A_1881 : memref<1x16x128xf32, #tpu.memory_space<vmem>> -> memref<16x128xf32, #tpu.memory_space<vmem>>
      %dma_start3A_1883 = arith.constant 0 : i32
      %dma_start3A_1884 = tpu.memref_slice %arg6[%dma_start3A_1883, %multiple_of3A_1846] : memref<16x1000000xf32, #tpu.memory_space<hbm>> -> memref<16x128xf32, #tpu.memory_space<hbm>>
      %dma_start3A_1885 = arith.constant 0 : i32
      %dma_start3A_1886 = arith.constant 0 : i32
      %dma_start3A_1887 = tpu.memref_slice %arg14[%dma_start3A_1878, %dma_start3A_1885, %dma_start3A_1886] : memref<8x16x128xf32, #tpu.memory_space<vmem>> -> memref<1x16x128xf32, #tpu.memory_space<vmem>>
      %dma_start3A_1888 = tpu.memref_squeeze %dma_start3A_1887 : memref<1x16x128xf32, #tpu.memory_space<vmem>> -> memref<16x128xf32, #tpu.memory_space<vmem>>
      %dma_start3A_1889 = arith.constant 0 : i32
      %dma_start3A_1890 = tpu.memref_slice %arg6[%dma_start3A_1889, %multiple_of3A_1846] : memref<16x1000000xf32, #tpu.memory_space<hbm>> -> memref<16x128xf32, #tpu.memory_space<hbm>>
      tpu.enqueue_dma source(%dma_start3A_1890 : memref<16x128xf32, #tpu.memory_space<hbm>>) target(%dma_start3A_1888 : memref<16x128xf32, #tpu.memory_space<vmem>>) target_semaphore(%arg18 : memref<!tpu.dma_semaphore, #tpu.memory_space<semaphore_mem>>)
      %dma_start3A_1891 = arith.constant 4 : i32
      %dma_start3A_1892 = arith.constant 0 : i32
      %dma_start3A_1893 = arith.constant 0 : i32
      %dma_start3A_1894 = tpu.memref_slice %arg15[%dma_start3A_1891, %dma_start3A_1892, %dma_start3A_1893] : memref<8x16x128xf32, #tpu.memory_space<vmem>> -> memref<1x16x128xf32, #tpu.memory_space<vmem>>
      %dma_start3A_1895 = tpu.memref_squeeze %dma_start3A_1894 : memref<1x16x128xf32, #tpu.memory_space<vmem>> -> memref<16x128xf32, #tpu.memory_space<vmem>>
      %dma_start3A_1896 = arith.constant 0 : i32
      %dma_start3A_1897 = tpu.memref_slice %arg7[%dma_start3A_1896, %multiple_of3A_1851] : memref<16x1000000xf32, #tpu.memory_space<hbm>> -> memref<16x128xf32, #tpu.memory_space<hbm>>
      %dma_start3A_1898 = arith.constant 0 : i32
      %dma_start3A_1899 = arith.constant 0 : i32
      %dma_start3A_1900 = tpu.memref_slice %arg15[%dma_start3A_1891, %dma_start3A_1898, %dma_start3A_1899] : memref<8x16x128xf32, #tpu.memory_space<vmem>> -> memref<1x16x128xf32, #tpu.memory_space<vmem>>
      %dma_start3A_1901 = tpu.memref_squeeze %dma_start3A_1900 : memref<1x16x128xf32, #tpu.memory_space<vmem>> -> memref<16x128xf32, #tpu.memory_space<vmem>>
      %dma_start3A_1902 = arith.constant 0 : i32
      %dma_start3A_1903 = tpu.memref_slice %arg7[%dma_start3A_1902, %multiple_of3A_1851] : memref<16x1000000xf32, #tpu.memory_space<hbm>> -> memref<16x128xf32, #tpu.memory_space<hbm>>
      tpu.enqueue_dma source(%dma_start3A_1903 : memref<16x128xf32, #tpu.memory_space<hbm>>) target(%dma_start3A_1901 : memref<16x128xf32, #tpu.memory_space<vmem>>) target_semaphore(%arg18 : memref<!tpu.dma_semaphore, #tpu.memory_space<semaphore_mem>>)
      %slice3A_1904 = vector.extract_strided_slice %get3A_11 {offsets = [13], sizes = [1], strides = [1]} : vector<16xi32> to vector<1xi32>
      %squeeze3A_1905 = vector.extract %slice3A_1904[0] : i32 from vector<1xi32>
      %slice3A_1906 = vector.extract_strided_slice %get3A_15 {offsets = [13], sizes = [1], strides = [1]} : vector<16xi32> to vector<1xi32>
      %squeeze3A_1907 = vector.extract %slice3A_1906[0] : i32 from vector<1xi32>
      %shift_right_arithmetic3A_1908 = arith.constant 7 : i32
      %shift_right_arithmetic3A_1909 = arith.shrsi %squeeze3A_1905, %shift_right_arithmetic3A_1908 : i32
      %mul3A_1910 = arith.constant 128 : i32
      %mul3A_1911 = arith.muli %shift_right_arithmetic3A_1909, %mul3A_1910 : i32
      %multiple_of3A_1912 = tpu.assume_multiple %mul3A_1911, 128 : i32
      %shift_right_arithmetic3A_1913 = arith.constant 7 : i32
      %shift_right_arithmetic3A_1914 = arith.shrsi %squeeze3A_1907, %shift_right_arithmetic3A_1913 : i32
      %mul3A_1915 = arith.constant 128 : i32
      %mul3A_1916 = arith.muli %shift_right_arithmetic3A_1914, %mul3A_1915 : i32
      %multiple_of3A_1917 = tpu.assume_multiple %mul3A_1916, 128 : i32
      %dma_start3A_1918 = arith.constant 5 : i32
      %dma_start3A_1919 = arith.constant 0 : i32
      %dma_start3A_1920 = arith.constant 0 : i32
      %dma_start3A_1921 = tpu.memref_slice %arg12[%dma_start3A_1918, %dma_start3A_1919, %dma_start3A_1920] : memref<8x32x128xf32, #tpu.memory_space<vmem>> -> memref<1x32x128xf32, #tpu.memory_space<vmem>>
      %dma_start3A_1922 = tpu.memref_squeeze %dma_start3A_1921 : memref<1x32x128xf32, #tpu.memory_space<vmem>> -> memref<32x128xf32, #tpu.memory_space<vmem>>
      %dma_start3A_1923 = arith.constant 0 : i32
      %dma_start3A_1924 = tpu.memref_slice %arg4[%dma_start3A_1923, %multiple_of3A_1912] : memref<32x1000000xf32, #tpu.memory_space<hbm>> -> memref<32x128xf32, #tpu.memory_space<hbm>>
      %dma_start3A_1925 = arith.constant 0 : i32
      %dma_start3A_1926 = arith.constant 0 : i32
      %dma_start3A_1927 = tpu.memref_slice %arg12[%dma_start3A_1918, %dma_start3A_1925, %dma_start3A_1926] : memref<8x32x128xf32, #tpu.memory_space<vmem>> -> memref<1x32x128xf32, #tpu.memory_space<vmem>>
      %dma_start3A_1928 = tpu.memref_squeeze %dma_start3A_1927 : memref<1x32x128xf32, #tpu.memory_space<vmem>> -> memref<32x128xf32, #tpu.memory_space<vmem>>
      %dma_start3A_1929 = arith.constant 0 : i32
      %dma_start3A_1930 = tpu.memref_slice %arg4[%dma_start3A_1929, %multiple_of3A_1912] : memref<32x1000000xf32, #tpu.memory_space<hbm>> -> memref<32x128xf32, #tpu.memory_space<hbm>>
      tpu.enqueue_dma source(%dma_start3A_1930 : memref<32x128xf32, #tpu.memory_space<hbm>>) target(%dma_start3A_1928 : memref<32x128xf32, #tpu.memory_space<vmem>>) target_semaphore(%arg18 : memref<!tpu.dma_semaphore, #tpu.memory_space<semaphore_mem>>)
      %dma_start3A_1931 = arith.constant 5 : i32
      %dma_start3A_1932 = arith.constant 0 : i32
      %dma_start3A_1933 = arith.constant 0 : i32
      %dma_start3A_1934 = tpu.memref_slice %arg13[%dma_start3A_1931, %dma_start3A_1932, %dma_start3A_1933] : memref<8x32x128xf32, #tpu.memory_space<vmem>> -> memref<1x32x128xf32, #tpu.memory_space<vmem>>
      %dma_start3A_1935 = tpu.memref_squeeze %dma_start3A_1934 : memref<1x32x128xf32, #tpu.memory_space<vmem>> -> memref<32x128xf32, #tpu.memory_space<vmem>>
      %dma_start3A_1936 = arith.constant 0 : i32
      %dma_start3A_1937 = tpu.memref_slice %arg5[%dma_start3A_1936, %multiple_of3A_1917] : memref<32x1000000xf32, #tpu.memory_space<hbm>> -> memref<32x128xf32, #tpu.memory_space<hbm>>
      %dma_start3A_1938 = arith.constant 0 : i32
      %dma_start3A_1939 = arith.constant 0 : i32
      %dma_start3A_1940 = tpu.memref_slice %arg13[%dma_start3A_1931, %dma_start3A_1938, %dma_start3A_1939] : memref<8x32x128xf32, #tpu.memory_space<vmem>> -> memref<1x32x128xf32, #tpu.memory_space<vmem>>
      %dma_start3A_1941 = tpu.memref_squeeze %dma_start3A_1940 : memref<1x32x128xf32, #tpu.memory_space<vmem>> -> memref<32x128xf32, #tpu.memory_space<vmem>>
      %dma_start3A_1942 = arith.constant 0 : i32
      %dma_start3A_1943 = tpu.memref_slice %arg5[%dma_start3A_1942, %multiple_of3A_1917] : memref<32x1000000xf32, #tpu.memory_space<hbm>> -> memref<32x128xf32, #tpu.memory_space<hbm>>
      tpu.enqueue_dma source(%dma_start3A_1943 : memref<32x128xf32, #tpu.memory_space<hbm>>) target(%dma_start3A_1941 : memref<32x128xf32, #tpu.memory_space<vmem>>) target_semaphore(%arg18 : memref<!tpu.dma_semaphore, #tpu.memory_space<semaphore_mem>>)
      %dma_start3A_1944 = arith.constant 5 : i32
      %dma_start3A_1945 = arith.constant 0 : i32
      %dma_start3A_1946 = arith.constant 0 : i32
      %dma_start3A_1947 = tpu.memref_slice %arg14[%dma_start3A_1944, %dma_start3A_1945, %dma_start3A_1946] : memref<8x16x128xf32, #tpu.memory_space<vmem>> -> memref<1x16x128xf32, #tpu.memory_space<vmem>>
      %dma_start3A_1948 = tpu.memref_squeeze %dma_start3A_1947 : memref<1x16x128xf32, #tpu.memory_space<vmem>> -> memref<16x128xf32, #tpu.memory_space<vmem>>
      %dma_start3A_1949 = arith.constant 0 : i32
      %dma_start3A_1950 = tpu.memref_slice %arg6[%dma_start3A_1949, %multiple_of3A_1912] : memref<16x1000000xf32, #tpu.memory_space<hbm>> -> memref<16x128xf32, #tpu.memory_space<hbm>>
      %dma_start3A_1951 = arith.constant 0 : i32
      %dma_start3A_1952 = arith.constant 0 : i32
      %dma_start3A_1953 = tpu.memref_slice %arg14[%dma_start3A_1944, %dma_start3A_1951, %dma_start3A_1952] : memref<8x16x128xf32, #tpu.memory_space<vmem>> -> memref<1x16x128xf32, #tpu.memory_space<vmem>>
      %dma_start3A_1954 = tpu.memref_squeeze %dma_start3A_1953 : memref<1x16x128xf32, #tpu.memory_space<vmem>> -> memref<16x128xf32, #tpu.memory_space<vmem>>
      %dma_start3A_1955 = arith.constant 0 : i32
      %dma_start3A_1956 = tpu.memref_slice %arg6[%dma_start3A_1955, %multiple_of3A_1912] : memref<16x1000000xf32, #tpu.memory_space<hbm>> -> memref<16x128xf32, #tpu.memory_space<hbm>>
      tpu.enqueue_dma source(%dma_start3A_1956 : memref<16x128xf32, #tpu.memory_space<hbm>>) target(%dma_start3A_1954 : memref<16x128xf32, #tpu.memory_space<vmem>>) target_semaphore(%arg18 : memref<!tpu.dma_semaphore, #tpu.memory_space<semaphore_mem>>)
      %dma_start3A_1957 = arith.constant 5 : i32
      %dma_start3A_1958 = arith.constant 0 : i32
      %dma_start3A_1959 = arith.constant 0 : i32
      %dma_start3A_1960 = tpu.memref_slice %arg15[%dma_start3A_1957, %dma_start3A_1958, %dma_start3A_1959] : memref<8x16x128xf32, #tpu.memory_space<vmem>> -> memref<1x16x128xf32, #tpu.memory_space<vmem>>
      %dma_start3A_1961 = tpu.memref_squeeze %dma_start3A_1960 : memref<1x16x128xf32, #tpu.memory_space<vmem>> -> memref<16x128xf32, #tpu.memory_space<vmem>>
      %dma_start3A_1962 = arith.constant 0 : i32
      %dma_start3A_1963 = tpu.memref_slice %arg7[%dma_start3A_1962, %multiple_of3A_1917] : memref<16x1000000xf32, #tpu.memory_space<hbm>> -> memref<16x128xf32, #tpu.memory_space<hbm>>
      %dma_start3A_1964 = arith.constant 0 : i32
      %dma_start3A_1965 = arith.constant 0 : i32
      %dma_start3A_1966 = tpu.memref_slice %arg15[%dma_start3A_1957, %dma_start3A_1964, %dma_start3A_1965] : memref<8x16x128xf32, #tpu.memory_space<vmem>> -> memref<1x16x128xf32, #tpu.memory_space<vmem>>
      %dma_start3A_1967 = tpu.memref_squeeze %dma_start3A_1966 : memref<1x16x128xf32, #tpu.memory_space<vmem>> -> memref<16x128xf32, #tpu.memory_space<vmem>>
      %dma_start3A_1968 = arith.constant 0 : i32
      %dma_start3A_1969 = tpu.memref_slice %arg7[%dma_start3A_1968, %multiple_of3A_1917] : memref<16x1000000xf32, #tpu.memory_space<hbm>> -> memref<16x128xf32, #tpu.memory_space<hbm>>
      tpu.enqueue_dma source(%dma_start3A_1969 : memref<16x128xf32, #tpu.memory_space<hbm>>) target(%dma_start3A_1967 : memref<16x128xf32, #tpu.memory_space<vmem>>) target_semaphore(%arg18 : memref<!tpu.dma_semaphore, #tpu.memory_space<semaphore_mem>>)
      %slice3A_1970 = vector.extract_strided_slice %get3A_11 {offsets = [14], sizes = [1], strides = [1]} : vector<16xi32> to vector<1xi32>
      %squeeze3A_1971 = vector.extract %slice3A_1970[0] : i32 from vector<1xi32>
      %slice3A_1972 = vector.extract_strided_slice %get3A_15 {offsets = [14], sizes = [1], strides = [1]} : vector<16xi32> to vector<1xi32>
      %squeeze3A_1973 = vector.extract %slice3A_1972[0] : i32 from vector<1xi32>
      %shift_right_arithmetic3A_1974 = arith.constant 7 : i32
      %shift_right_arithmetic3A_1975 = arith.shrsi %squeeze3A_1971, %shift_right_arithmetic3A_1974 : i32
      %mul3A_1976 = arith.constant 128 : i32
      %mul3A_1977 = arith.muli %shift_right_arithmetic3A_1975, %mul3A_1976 : i32
      %multiple_of3A_1978 = tpu.assume_multiple %mul3A_1977, 128 : i32
      %shift_right_arithmetic3A_1979 = arith.constant 7 : i32
      %shift_right_arithmetic3A_1980 = arith.shrsi %squeeze3A_1973, %shift_right_arithmetic3A_1979 : i32
      %mul3A_1981 = arith.constant 128 : i32
      %mul3A_1982 = arith.muli %shift_right_arithmetic3A_1980, %mul3A_1981 : i32
      %multiple_of3A_1983 = tpu.assume_multiple %mul3A_1982, 128 : i32
      %dma_start3A_1984 = arith.constant 6 : i32
      %dma_start3A_1985 = arith.constant 0 : i32
      %dma_start3A_1986 = arith.constant 0 : i32
      %dma_start3A_1987 = tpu.memref_slice %arg12[%dma_start3A_1984, %dma_start3A_1985, %dma_start3A_1986] : memref<8x32x128xf32, #tpu.memory_space<vmem>> -> memref<1x32x128xf32, #tpu.memory_space<vmem>>
      %dma_start3A_1988 = tpu.memref_squeeze %dma_start3A_1987 : memref<1x32x128xf32, #tpu.memory_space<vmem>> -> memref<32x128xf32, #tpu.memory_space<vmem>>
      %dma_start3A_1989 = arith.constant 0 : i32
      %dma_start3A_1990 = tpu.memref_slice %arg4[%dma_start3A_1989, %multiple_of3A_1978] : memref<32x1000000xf32, #tpu.memory_space<hbm>> -> memref<32x128xf32, #tpu.memory_space<hbm>>
      %dma_start3A_1991 = arith.constant 0 : i32
      %dma_start3A_1992 = arith.constant 0 : i32
      %dma_start3A_1993 = tpu.memref_slice %arg12[%dma_start3A_1984, %dma_start3A_1991, %dma_start3A_1992] : memref<8x32x128xf32, #tpu.memory_space<vmem>> -> memref<1x32x128xf32, #tpu.memory_space<vmem>>
      %dma_start3A_1994 = tpu.memref_squeeze %dma_start3A_1993 : memref<1x32x128xf32, #tpu.memory_space<vmem>> -> memref<32x128xf32, #tpu.memory_space<vmem>>
      %dma_start3A_1995 = arith.constant 0 : i32
      %dma_start3A_1996 = tpu.memref_slice %arg4[%dma_start3A_1995, %multiple_of3A_1978] : memref<32x1000000xf32, #tpu.memory_space<hbm>> -> memref<32x128xf32, #tpu.memory_space<hbm>>
      tpu.enqueue_dma source(%dma_start3A_1996 : memref<32x128xf32, #tpu.memory_space<hbm>>) target(%dma_start3A_1994 : memref<32x128xf32, #tpu.memory_space<vmem>>) target_semaphore(%arg18 : memref<!tpu.dma_semaphore, #tpu.memory_space<semaphore_mem>>)
      %dma_start3A_1997 = arith.constant 6 : i32
      %dma_start3A_1998 = arith.constant 0 : i32
      %dma_start3A_1999 = arith.constant 0 : i32
      %dma_start3A_2000 = tpu.memref_slice %arg13[%dma_start3A_1997, %dma_start3A_1998, %dma_start3A_1999] : memref<8x32x128xf32, #tpu.memory_space<vmem>> -> memref<1x32x128xf32, #tpu.memory_space<vmem>>
      %dma_start3A_2001 = tpu.memref_squeeze %dma_start3A_2000 : memref<1x32x128xf32, #tpu.memory_space<vmem>> -> memref<32x128xf32, #tpu.memory_space<vmem>>
      %dma_start3A_2002 = arith.constant 0 : i32
      %dma_start3A_2003 = tpu.memref_slice %arg5[%dma_start3A_2002, %multiple_of3A_1983] : memref<32x1000000xf32, #tpu.memory_space<hbm>> -> memref<32x128xf32, #tpu.memory_space<hbm>>
      %dma_start3A_2004 = arith.constant 0 : i32
      %dma_start3A_2005 = arith.constant 0 : i32
      %dma_start3A_2006 = tpu.memref_slice %arg13[%dma_start3A_1997, %dma_start3A_2004, %dma_start3A_2005] : memref<8x32x128xf32, #tpu.memory_space<vmem>> -> memref<1x32x128xf32, #tpu.memory_space<vmem>>
      %dma_start3A_2007 = tpu.memref_squeeze %dma_start3A_2006 : memref<1x32x128xf32, #tpu.memory_space<vmem>> -> memref<32x128xf32, #tpu.memory_space<vmem>>
      %dma_start3A_2008 = arith.constant 0 : i32
      %dma_start3A_2009 = tpu.memref_slice %arg5[%dma_start3A_2008, %multiple_of3A_1983] : memref<32x1000000xf32, #tpu.memory_space<hbm>> -> memref<32x128xf32, #tpu.memory_space<hbm>>
      tpu.enqueue_dma source(%dma_start3A_2009 : memref<32x128xf32, #tpu.memory_space<hbm>>) target(%dma_start3A_2007 : memref<32x128xf32, #tpu.memory_space<vmem>>) target_semaphore(%arg18 : memref<!tpu.dma_semaphore, #tpu.memory_space<semaphore_mem>>)
      %dma_start3A_2010 = arith.constant 6 : i32
      %dma_start3A_2011 = arith.constant 0 : i32
      %dma_start3A_2012 = arith.constant 0 : i32
      %dma_start3A_2013 = tpu.memref_slice %arg14[%dma_start3A_2010, %dma_start3A_2011, %dma_start3A_2012] : memref<8x16x128xf32, #tpu.memory_space<vmem>> -> memref<1x16x128xf32, #tpu.memory_space<vmem>>
      %dma_start3A_2014 = tpu.memref_squeeze %dma_start3A_2013 : memref<1x16x128xf32, #tpu.memory_space<vmem>> -> memref<16x128xf32, #tpu.memory_space<vmem>>
      %dma_start3A_2015 = arith.constant 0 : i32
      %dma_start3A_2016 = tpu.memref_slice %arg6[%dma_start3A_2015, %multiple_of3A_1978] : memref<16x1000000xf32, #tpu.memory_space<hbm>> -> memref<16x128xf32, #tpu.memory_space<hbm>>
      %dma_start3A_2017 = arith.constant 0 : i32
      %dma_start3A_2018 = arith.constant 0 : i32
      %dma_start3A_2019 = tpu.memref_slice %arg14[%dma_start3A_2010, %dma_start3A_2017, %dma_start3A_2018] : memref<8x16x128xf32, #tpu.memory_space<vmem>> -> memref<1x16x128xf32, #tpu.memory_space<vmem>>
      %dma_start3A_2020 = tpu.memref_squeeze %dma_start3A_2019 : memref<1x16x128xf32, #tpu.memory_space<vmem>> -> memref<16x128xf32, #tpu.memory_space<vmem>>
      %dma_start3A_2021 = arith.constant 0 : i32
      %dma_start3A_2022 = tpu.memref_slice %arg6[%dma_start3A_2021, %multiple_of3A_1978] : memref<16x1000000xf32, #tpu.memory_space<hbm>> -> memref<16x128xf32, #tpu.memory_space<hbm>>
      tpu.enqueue_dma source(%dma_start3A_2022 : memref<16x128xf32, #tpu.memory_space<hbm>>) target(%dma_start3A_2020 : memref<16x128xf32, #tpu.memory_space<vmem>>) target_semaphore(%arg18 : memref<!tpu.dma_semaphore, #tpu.memory_space<semaphore_mem>>)
      %dma_start3A_2023 = arith.constant 6 : i32
      %dma_start3A_2024 = arith.constant 0 : i32
      %dma_start3A_2025 = arith.constant 0 : i32
      %dma_start3A_2026 = tpu.memref_slice %arg15[%dma_start3A_2023, %dma_start3A_2024, %dma_start3A_2025] : memref<8x16x128xf32, #tpu.memory_space<vmem>> -> memref<1x16x128xf32, #tpu.memory_space<vmem>>
      %dma_start3A_2027 = tpu.memref_squeeze %dma_start3A_2026 : memref<1x16x128xf32, #tpu.memory_space<vmem>> -> memref<16x128xf32, #tpu.memory_space<vmem>>
      %dma_start3A_2028 = arith.constant 0 : i32
      %dma_start3A_2029 = tpu.memref_slice %arg7[%dma_start3A_2028, %multiple_of3A_1983] : memref<16x1000000xf32, #tpu.memory_space<hbm>> -> memref<16x128xf32, #tpu.memory_space<hbm>>
      %dma_start3A_2030 = arith.constant 0 : i32
      %dma_start3A_2031 = arith.constant 0 : i32
      %dma_start3A_2032 = tpu.memref_slice %arg15[%dma_start3A_2023, %dma_start3A_2030, %dma_start3A_2031] : memref<8x16x128xf32, #tpu.memory_space<vmem>> -> memref<1x16x128xf32, #tpu.memory_space<vmem>>
      %dma_start3A_2033 = tpu.memref_squeeze %dma_start3A_2032 : memref<1x16x128xf32, #tpu.memory_space<vmem>> -> memref<16x128xf32, #tpu.memory_space<vmem>>
      %dma_start3A_2034 = arith.constant 0 : i32
      %dma_start3A_2035 = tpu.memref_slice %arg7[%dma_start3A_2034, %multiple_of3A_1983] : memref<16x1000000xf32, #tpu.memory_space<hbm>> -> memref<16x128xf32, #tpu.memory_space<hbm>>
      tpu.enqueue_dma source(%dma_start3A_2035 : memref<16x128xf32, #tpu.memory_space<hbm>>) target(%dma_start3A_2033 : memref<16x128xf32, #tpu.memory_space<vmem>>) target_semaphore(%arg18 : memref<!tpu.dma_semaphore, #tpu.memory_space<semaphore_mem>>)
      %slice3A_2036 = vector.extract_strided_slice %get3A_11 {offsets = [15], sizes = [1], strides = [1]} : vector<16xi32> to vector<1xi32>
      %squeeze3A_2037 = vector.extract %slice3A_2036[0] : i32 from vector<1xi32>
      %slice3A_2038 = vector.extract_strided_slice %get3A_15 {offsets = [15], sizes = [1], strides = [1]} : vector<16xi32> to vector<1xi32>
      %squeeze3A_2039 = vector.extract %slice3A_2038[0] : i32 from vector<1xi32>
      %shift_right_arithmetic3A_2040 = arith.constant 7 : i32
      %shift_right_arithmetic3A_2041 = arith.shrsi %squeeze3A_2037, %shift_right_arithmetic3A_2040 : i32
      %mul3A_2042 = arith.constant 128 : i32
      %mul3A_2043 = arith.muli %shift_right_arithmetic3A_2041, %mul3A_2042 : i32
      %multiple_of3A_2044 = tpu.assume_multiple %mul3A_2043, 128 : i32
      %shift_right_arithmetic3A_2045 = arith.constant 7 : i32
      %shift_right_arithmetic3A_2046 = arith.shrsi %squeeze3A_2039, %shift_right_arithmetic3A_2045 : i32
      %mul3A_2047 = arith.constant 128 : i32
      %mul3A_2048 = arith.muli %shift_right_arithmetic3A_2046, %mul3A_2047 : i32
      %multiple_of3A_2049 = tpu.assume_multiple %mul3A_2048, 128 : i32
      %dma_start3A_2050 = arith.constant 7 : i32
      %dma_start3A_2051 = arith.constant 0 : i32
      %dma_start3A_2052 = arith.constant 0 : i32
      %dma_start3A_2053 = tpu.memref_slice %arg12[%dma_start3A_2050, %dma_start3A_2051, %dma_start3A_2052] : memref<8x32x128xf32, #tpu.memory_space<vmem>> -> memref<1x32x128xf32, #tpu.memory_space<vmem>>
      %dma_start3A_2054 = tpu.memref_squeeze %dma_start3A_2053 : memref<1x32x128xf32, #tpu.memory_space<vmem>> -> memref<32x128xf32, #tpu.memory_space<vmem>>
      %dma_start3A_2055 = arith.constant 0 : i32
      %dma_start3A_2056 = tpu.memref_slice %arg4[%dma_start3A_2055, %multiple_of3A_2044] : memref<32x1000000xf32, #tpu.memory_space<hbm>> -> memref<32x128xf32, #tpu.memory_space<hbm>>
      %dma_start3A_2057 = arith.constant 0 : i32
      %dma_start3A_2058 = arith.constant 0 : i32
      %dma_start3A_2059 = tpu.memref_slice %arg12[%dma_start3A_2050, %dma_start3A_2057, %dma_start3A_2058] : memref<8x32x128xf32, #tpu.memory_space<vmem>> -> memref<1x32x128xf32, #tpu.memory_space<vmem>>
      %dma_start3A_2060 = tpu.memref_squeeze %dma_start3A_2059 : memref<1x32x128xf32, #tpu.memory_space<vmem>> -> memref<32x128xf32, #tpu.memory_space<vmem>>
      %dma_start3A_2061 = arith.constant 0 : i32
      %dma_start3A_2062 = tpu.memref_slice %arg4[%dma_start3A_2061, %multiple_of3A_2044] : memref<32x1000000xf32, #tpu.memory_space<hbm>> -> memref<32x128xf32, #tpu.memory_space<hbm>>
      tpu.enqueue_dma source(%dma_start3A_2062 : memref<32x128xf32, #tpu.memory_space<hbm>>) target(%dma_start3A_2060 : memref<32x128xf32, #tpu.memory_space<vmem>>) target_semaphore(%arg18 : memref<!tpu.dma_semaphore, #tpu.memory_space<semaphore_mem>>)
      %dma_start3A_2063 = arith.constant 7 : i32
      %dma_start3A_2064 = arith.constant 0 : i32
      %dma_start3A_2065 = arith.constant 0 : i32
      %dma_start3A_2066 = tpu.memref_slice %arg13[%dma_start3A_2063, %dma_start3A_2064, %dma_start3A_2065] : memref<8x32x128xf32, #tpu.memory_space<vmem>> -> memref<1x32x128xf32, #tpu.memory_space<vmem>>
      %dma_start3A_2067 = tpu.memref_squeeze %dma_start3A_2066 : memref<1x32x128xf32, #tpu.memory_space<vmem>> -> memref<32x128xf32, #tpu.memory_space<vmem>>
      %dma_start3A_2068 = arith.constant 0 : i32
      %dma_start3A_2069 = tpu.memref_slice %arg5[%dma_start3A_2068, %multiple_of3A_2049] : memref<32x1000000xf32, #tpu.memory_space<hbm>> -> memref<32x128xf32, #tpu.memory_space<hbm>>
      %dma_start3A_2070 = arith.constant 0 : i32
      %dma_start3A_2071 = arith.constant 0 : i32
      %dma_start3A_2072 = tpu.memref_slice %arg13[%dma_start3A_2063, %dma_start3A_2070, %dma_start3A_2071] : memref<8x32x128xf32, #tpu.memory_space<vmem>> -> memref<1x32x128xf32, #tpu.memory_space<vmem>>
      %dma_start3A_2073 = tpu.memref_squeeze %dma_start3A_2072 : memref<1x32x128xf32, #tpu.memory_space<vmem>> -> memref<32x128xf32, #tpu.memory_space<vmem>>
      %dma_start3A_2074 = arith.constant 0 : i32
      %dma_start3A_2075 = tpu.memref_slice %arg5[%dma_start3A_2074, %multiple_of3A_2049] : memref<32x1000000xf32, #tpu.memory_space<hbm>> -> memref<32x128xf32, #tpu.memory_space<hbm>>
      tpu.enqueue_dma source(%dma_start3A_2075 : memref<32x128xf32, #tpu.memory_space<hbm>>) target(%dma_start3A_2073 : memref<32x128xf32, #tpu.memory_space<vmem>>) target_semaphore(%arg18 : memref<!tpu.dma_semaphore, #tpu.memory_space<semaphore_mem>>)
      %dma_start3A_2076 = arith.constant 7 : i32
      %dma_start3A_2077 = arith.constant 0 : i32
      %dma_start3A_2078 = arith.constant 0 : i32
      %dma_start3A_2079 = tpu.memref_slice %arg14[%dma_start3A_2076, %dma_start3A_2077, %dma_start3A_2078] : memref<8x16x128xf32, #tpu.memory_space<vmem>> -> memref<1x16x128xf32, #tpu.memory_space<vmem>>
      %dma_start3A_2080 = tpu.memref_squeeze %dma_start3A_2079 : memref<1x16x128xf32, #tpu.memory_space<vmem>> -> memref<16x128xf32, #tpu.memory_space<vmem>>
      %dma_start3A_2081 = arith.constant 0 : i32
      %dma_start3A_2082 = tpu.memref_slice %arg6[%dma_start3A_2081, %multiple_of3A_2044] : memref<16x1000000xf32, #tpu.memory_space<hbm>> -> memref<16x128xf32, #tpu.memory_space<hbm>>
      %dma_start3A_2083 = arith.constant 0 : i32
      %dma_start3A_2084 = arith.constant 0 : i32
      %dma_start3A_2085 = tpu.memref_slice %arg14[%dma_start3A_2076, %dma_start3A_2083, %dma_start3A_2084] : memref<8x16x128xf32, #tpu.memory_space<vmem>> -> memref<1x16x128xf32, #tpu.memory_space<vmem>>
      %dma_start3A_2086 = tpu.memref_squeeze %dma_start3A_2085 : memref<1x16x128xf32, #tpu.memory_space<vmem>> -> memref<16x128xf32, #tpu.memory_space<vmem>>
      %dma_start3A_2087 = arith.constant 0 : i32
      %dma_start3A_2088 = tpu.memref_slice %arg6[%dma_start3A_2087, %multiple_of3A_2044] : memref<16x1000000xf32, #tpu.memory_space<hbm>> -> memref<16x128xf32, #tpu.memory_space<hbm>>
      tpu.enqueue_dma source(%dma_start3A_2088 : memref<16x128xf32, #tpu.memory_space<hbm>>) target(%dma_start3A_2086 : memref<16x128xf32, #tpu.memory_space<vmem>>) target_semaphore(%arg18 : memref<!tpu.dma_semaphore, #tpu.memory_space<semaphore_mem>>)
      %dma_start3A_2089 = arith.constant 7 : i32
      %dma_start3A_2090 = arith.constant 0 : i32
      %dma_start3A_2091 = arith.constant 0 : i32
      %dma_start3A_2092 = tpu.memref_slice %arg15[%dma_start3A_2089, %dma_start3A_2090, %dma_start3A_2091] : memref<8x16x128xf32, #tpu.memory_space<vmem>> -> memref<1x16x128xf32, #tpu.memory_space<vmem>>
      %dma_start3A_2093 = tpu.memref_squeeze %dma_start3A_2092 : memref<1x16x128xf32, #tpu.memory_space<vmem>> -> memref<16x128xf32, #tpu.memory_space<vmem>>
      %dma_start3A_2094 = arith.constant 0 : i32
      %dma_start3A_2095 = tpu.memref_slice %arg7[%dma_start3A_2094, %multiple_of3A_2049] : memref<16x1000000xf32, #tpu.memory_space<hbm>> -> memref<16x128xf32, #tpu.memory_space<hbm>>
      %dma_start3A_2096 = arith.constant 0 : i32
      %dma_start3A_2097 = arith.constant 0 : i32
      %dma_start3A_2098 = tpu.memref_slice %arg15[%dma_start3A_2089, %dma_start3A_2096, %dma_start3A_2097] : memref<8x16x128xf32, #tpu.memory_space<vmem>> -> memref<1x16x128xf32, #tpu.memory_space<vmem>>
      %dma_start3A_2099 = tpu.memref_squeeze %dma_start3A_2098 : memref<1x16x128xf32, #tpu.memory_space<vmem>> -> memref<16x128xf32, #tpu.memory_space<vmem>>
      %dma_start3A_2100 = arith.constant 0 : i32
      %dma_start3A_2101 = tpu.memref_slice %arg7[%dma_start3A_2100, %multiple_of3A_2049] : memref<16x1000000xf32, #tpu.memory_space<hbm>> -> memref<16x128xf32, #tpu.memory_space<hbm>>
      tpu.enqueue_dma source(%dma_start3A_2101 : memref<16x128xf32, #tpu.memory_space<hbm>>) target(%dma_start3A_2099 : memref<16x128xf32, #tpu.memory_space<vmem>>) target_semaphore(%arg18 : memref<!tpu.dma_semaphore, #tpu.memory_space<semaphore_mem>>)
      %dma_wait3A_2102 = arith.constant 0 : i32
      %dma_wait3A_2103 = arith.constant 0 : i32
      %dma_wait3A_2104 = arith.constant 0 : i32
      %dma_wait3A_2105 = tpu.memref_slice %arg12[%dma_wait3A_2102, %dma_wait3A_2103, %dma_wait3A_2104] : memref<8x32x128xf32, #tpu.memory_space<vmem>> -> memref<1x32x128xf32, #tpu.memory_space<vmem>>
      %dma_wait3A_2106 = tpu.memref_squeeze %dma_wait3A_2105 : memref<1x32x128xf32, #tpu.memory_space<vmem>> -> memref<32x128xf32, #tpu.memory_space<vmem>>
      %dma_wait3A_2107 = arith.constant 0 : i32
      %dma_wait3A_2108 = arith.constant 0 : i32
      %dma_wait3A_2109 = tpu.memref_slice %arg4[%dma_wait3A_2107, %dma_wait3A_2108] : memref<32x1000000xf32, #tpu.memory_space<hbm>> -> memref<32x128xf32, #tpu.memory_space<hbm>>
      %dma_wait3A_2110 = arith.constant 0 : i32
      %dma_wait3A_2111 = arith.constant 0 : i32
      %dma_wait3A_2112 = tpu.memref_slice %arg12[%dma_wait3A_2102, %dma_wait3A_2110, %dma_wait3A_2111] : memref<8x32x128xf32, #tpu.memory_space<vmem>> -> memref<1x32x128xf32, #tpu.memory_space<vmem>>
      %dma_wait3A_2113 = tpu.memref_squeeze %dma_wait3A_2112 : memref<1x32x128xf32, #tpu.memory_space<vmem>> -> memref<32x128xf32, #tpu.memory_space<vmem>>
      %dma_wait3A_2114 = arith.constant 0 : i32
      %dma_wait3A_2115 = arith.constant 0 : i32
      %dma_wait3A_2116 = tpu.memref_slice %arg4[%dma_wait3A_2114, %dma_wait3A_2115] : memref<32x1000000xf32, #tpu.memory_space<hbm>> -> memref<32x128xf32, #tpu.memory_space<hbm>>
      tpu.wait_dma2 semaphore(%arg18 : memref<!tpu.dma_semaphore, #tpu.memory_space<semaphore_mem>>) src(%dma_wait3A_2116 : memref<32x128xf32, #tpu.memory_space<hbm>>) dst(%dma_wait3A_2113 : memref<32x128xf32, #tpu.memory_space<vmem>>)
      %dma_wait3A_2117 = arith.constant 0 : i32
      %dma_wait3A_2118 = arith.constant 0 : i32
      %dma_wait3A_2119 = arith.constant 0 : i32
      %dma_wait3A_2120 = tpu.memref_slice %arg13[%dma_wait3A_2117, %dma_wait3A_2118, %dma_wait3A_2119] : memref<8x32x128xf32, #tpu.memory_space<vmem>> -> memref<1x32x128xf32, #tpu.memory_space<vmem>>
      %dma_wait3A_2121 = tpu.memref_squeeze %dma_wait3A_2120 : memref<1x32x128xf32, #tpu.memory_space<vmem>> -> memref<32x128xf32, #tpu.memory_space<vmem>>
      %dma_wait3A_2122 = arith.constant 0 : i32
      %dma_wait3A_2123 = arith.constant 0 : i32
      %dma_wait3A_2124 = tpu.memref_slice %arg5[%dma_wait3A_2122, %dma_wait3A_2123] : memref<32x1000000xf32, #tpu.memory_space<hbm>> -> memref<32x128xf32, #tpu.memory_space<hbm>>
      %dma_wait3A_2125 = arith.constant 0 : i32
      %dma_wait3A_2126 = arith.constant 0 : i32
      %dma_wait3A_2127 = tpu.memref_slice %arg13[%dma_wait3A_2117, %dma_wait3A_2125, %dma_wait3A_2126] : memref<8x32x128xf32, #tpu.memory_space<vmem>> -> memref<1x32x128xf32, #tpu.memory_space<vmem>>
      %dma_wait3A_2128 = tpu.memref_squeeze %dma_wait3A_2127 : memref<1x32x128xf32, #tpu.memory_space<vmem>> -> memref<32x128xf32, #tpu.memory_space<vmem>>
      %dma_wait3A_2129 = arith.constant 0 : i32
      %dma_wait3A_2130 = arith.constant 0 : i32
      %dma_wait3A_2131 = tpu.memref_slice %arg5[%dma_wait3A_2129, %dma_wait3A_2130] : memref<32x1000000xf32, #tpu.memory_space<hbm>> -> memref<32x128xf32, #tpu.memory_space<hbm>>
      tpu.wait_dma2 semaphore(%arg18 : memref<!tpu.dma_semaphore, #tpu.memory_space<semaphore_mem>>) src(%dma_wait3A_2131 : memref<32x128xf32, #tpu.memory_space<hbm>>) dst(%dma_wait3A_2128 : memref<32x128xf32, #tpu.memory_space<vmem>>)
      %dma_wait3A_2132 = arith.constant 0 : i32
      %dma_wait3A_2133 = arith.constant 0 : i32
      %dma_wait3A_2134 = arith.constant 0 : i32
      %dma_wait3A_2135 = tpu.memref_slice %arg14[%dma_wait3A_2132, %dma_wait3A_2133, %dma_wait3A_2134] : memref<8x16x128xf32, #tpu.memory_space<vmem>> -> memref<1x16x128xf32, #tpu.memory_space<vmem>>
      %dma_wait3A_2136 = tpu.memref_squeeze %dma_wait3A_2135 : memref<1x16x128xf32, #tpu.memory_space<vmem>> -> memref<16x128xf32, #tpu.memory_space<vmem>>
      %dma_wait3A_2137 = arith.constant 0 : i32
      %dma_wait3A_2138 = arith.constant 0 : i32
      %dma_wait3A_2139 = tpu.memref_slice %arg6[%dma_wait3A_2137, %dma_wait3A_2138] : memref<16x1000000xf32, #tpu.memory_space<hbm>> -> memref<16x128xf32, #tpu.memory_space<hbm>>
      %dma_wait3A_2140 = arith.constant 0 : i32
      %dma_wait3A_2141 = arith.constant 0 : i32
      %dma_wait3A_2142 = tpu.memref_slice %arg14[%dma_wait3A_2132, %dma_wait3A_2140, %dma_wait3A_2141] : memref<8x16x128xf32, #tpu.memory_space<vmem>> -> memref<1x16x128xf32, #tpu.memory_space<vmem>>
      %dma_wait3A_2143 = tpu.memref_squeeze %dma_wait3A_2142 : memref<1x16x128xf32, #tpu.memory_space<vmem>> -> memref<16x128xf32, #tpu.memory_space<vmem>>
      %dma_wait3A_2144 = arith.constant 0 : i32
      %dma_wait3A_2145 = arith.constant 0 : i32
      %dma_wait3A_2146 = tpu.memref_slice %arg6[%dma_wait3A_2144, %dma_wait3A_2145] : memref<16x1000000xf32, #tpu.memory_space<hbm>> -> memref<16x128xf32, #tpu.memory_space<hbm>>
      tpu.wait_dma2 semaphore(%arg18 : memref<!tpu.dma_semaphore, #tpu.memory_space<semaphore_mem>>) src(%dma_wait3A_2146 : memref<16x128xf32, #tpu.memory_space<hbm>>) dst(%dma_wait3A_2143 : memref<16x128xf32, #tpu.memory_space<vmem>>)
      %dma_wait3A_2147 = arith.constant 0 : i32
      %dma_wait3A_2148 = arith.constant 0 : i32
      %dma_wait3A_2149 = arith.constant 0 : i32
      %dma_wait3A_2150 = tpu.memref_slice %arg15[%dma_wait3A_2147, %dma_wait3A_2148, %dma_wait3A_2149] : memref<8x16x128xf32, #tpu.memory_space<vmem>> -> memref<1x16x128xf32, #tpu.memory_space<vmem>>
      %dma_wait3A_2151 = tpu.memref_squeeze %dma_wait3A_2150 : memref<1x16x128xf32, #tpu.memory_space<vmem>> -> memref<16x128xf32, #tpu.memory_space<vmem>>
      %dma_wait3A_2152 = arith.constant 0 : i32
      %dma_wait3A_2153 = arith.constant 0 : i32
      %dma_wait3A_2154 = tpu.memref_slice %arg7[%dma_wait3A_2152, %dma_wait3A_2153] : memref<16x1000000xf32, #tpu.memory_space<hbm>> -> memref<16x128xf32, #tpu.memory_space<hbm>>
      %dma_wait3A_2155 = arith.constant 0 : i32
      %dma_wait3A_2156 = arith.constant 0 : i32
      %dma_wait3A_2157 = tpu.memref_slice %arg15[%dma_wait3A_2147, %dma_wait3A_2155, %dma_wait3A_2156] : memref<8x16x128xf32, #tpu.memory_space<vmem>> -> memref<1x16x128xf32, #tpu.memory_space<vmem>>
      %dma_wait3A_2158 = tpu.memref_squeeze %dma_wait3A_2157 : memref<1x16x128xf32, #tpu.memory_space<vmem>> -> memref<16x128xf32, #tpu.memory_space<vmem>>
      %dma_wait3A_2159 = arith.constant 0 : i32
      %dma_wait3A_2160 = arith.constant 0 : i32
      %dma_wait3A_2161 = tpu.memref_slice %arg7[%dma_wait3A_2159, %dma_wait3A_2160] : memref<16x1000000xf32, #tpu.memory_space<hbm>> -> memref<16x128xf32, #tpu.memory_space<hbm>>
      tpu.wait_dma2 semaphore(%arg18 : memref<!tpu.dma_semaphore, #tpu.memory_space<semaphore_mem>>) src(%dma_wait3A_2161 : memref<16x128xf32, #tpu.memory_space<hbm>>) dst(%dma_wait3A_2158 : memref<16x128xf32, #tpu.memory_space<vmem>>)
      %dma_wait3A_2162 = arith.constant 1 : i32
      %dma_wait3A_2163 = arith.constant 0 : i32
      %dma_wait3A_2164 = arith.constant 0 : i32
      %dma_wait3A_2165 = tpu.memref_slice %arg12[%dma_wait3A_2162, %dma_wait3A_2163, %dma_wait3A_2164] : memref<8x32x128xf32, #tpu.memory_space<vmem>> -> memref<1x32x128xf32, #tpu.memory_space<vmem>>
      %dma_wait3A_2166 = tpu.memref_squeeze %dma_wait3A_2165 : memref<1x32x128xf32, #tpu.memory_space<vmem>> -> memref<32x128xf32, #tpu.memory_space<vmem>>
      %dma_wait3A_2167 = arith.constant 0 : i32
      %dma_wait3A_2168 = arith.constant 0 : i32
      %dma_wait3A_2169 = tpu.memref_slice %arg4[%dma_wait3A_2167, %dma_wait3A_2168] : memref<32x1000000xf32, #tpu.memory_space<hbm>> -> memref<32x128xf32, #tpu.memory_space<hbm>>
      %dma_wait3A_2170 = arith.constant 0 : i32
      %dma_wait3A_2171 = arith.constant 0 : i32
      %dma_wait3A_2172 = tpu.memref_slice %arg12[%dma_wait3A_2162, %dma_wait3A_2170, %dma_wait3A_2171] : memref<8x32x128xf32, #tpu.memory_space<vmem>> -> memref<1x32x128xf32, #tpu.memory_space<vmem>>
      %dma_wait3A_2173 = tpu.memref_squeeze %dma_wait3A_2172 : memref<1x32x128xf32, #tpu.memory_space<vmem>> -> memref<32x128xf32, #tpu.memory_space<vmem>>
      %dma_wait3A_2174 = arith.constant 0 : i32
      %dma_wait3A_2175 = arith.constant 0 : i32
      %dma_wait3A_2176 = tpu.memref_slice %arg4[%dma_wait3A_2174, %dma_wait3A_2175] : memref<32x1000000xf32, #tpu.memory_space<hbm>> -> memref<32x128xf32, #tpu.memory_space<hbm>>
      tpu.wait_dma2 semaphore(%arg18 : memref<!tpu.dma_semaphore, #tpu.memory_space<semaphore_mem>>) src(%dma_wait3A_2176 : memref<32x128xf32, #tpu.memory_space<hbm>>) dst(%dma_wait3A_2173 : memref<32x128xf32, #tpu.memory_space<vmem>>)
      %dma_wait3A_2177 = arith.constant 1 : i32
      %dma_wait3A_2178 = arith.constant 0 : i32
      %dma_wait3A_2179 = arith.constant 0 : i32
      %dma_wait3A_2180 = tpu.memref_slice %arg13[%dma_wait3A_2177, %dma_wait3A_2178, %dma_wait3A_2179] : memref<8x32x128xf32, #tpu.memory_space<vmem>> -> memref<1x32x128xf32, #tpu.memory_space<vmem>>
      %dma_wait3A_2181 = tpu.memref_squeeze %dma_wait3A_2180 : memref<1x32x128xf32, #tpu.memory_space<vmem>> -> memref<32x128xf32, #tpu.memory_space<vmem>>
      %dma_wait3A_2182 = arith.constant 0 : i32
      %dma_wait3A_2183 = arith.constant 0 : i32
      %dma_wait3A_2184 = tpu.memref_slice %arg5[%dma_wait3A_2182, %dma_wait3A_2183] : memref<32x1000000xf32, #tpu.memory_space<hbm>> -> memref<32x128xf32, #tpu.memory_space<hbm>>
      %dma_wait3A_2185 = arith.constant 0 : i32
      %dma_wait3A_2186 = arith.constant 0 : i32
      %dma_wait3A_2187 = tpu.memref_slice %arg13[%dma_wait3A_2177, %dma_wait3A_2185, %dma_wait3A_2186] : memref<8x32x128xf32, #tpu.memory_space<vmem>> -> memref<1x32x128xf32, #tpu.memory_space<vmem>>
      %dma_wait3A_2188 = tpu.memref_squeeze %dma_wait3A_2187 : memref<1x32x128xf32, #tpu.memory_space<vmem>> -> memref<32x128xf32, #tpu.memory_space<vmem>>
      %dma_wait3A_2189 = arith.constant 0 : i32
      %dma_wait3A_2190 = arith.constant 0 : i32
      %dma_wait3A_2191 = tpu.memref_slice %arg5[%dma_wait3A_2189, %dma_wait3A_2190] : memref<32x1000000xf32, #tpu.memory_space<hbm>> -> memref<32x128xf32, #tpu.memory_space<hbm>>
      tpu.wait_dma2 semaphore(%arg18 : memref<!tpu.dma_semaphore, #tpu.memory_space<semaphore_mem>>) src(%dma_wait3A_2191 : memref<32x128xf32, #tpu.memory_space<hbm>>) dst(%dma_wait3A_2188 : memref<32x128xf32, #tpu.memory_space<vmem>>)
      %dma_wait3A_2192 = arith.constant 1 : i32
      %dma_wait3A_2193 = arith.constant 0 : i32
      %dma_wait3A_2194 = arith.constant 0 : i32
      %dma_wait3A_2195 = tpu.memref_slice %arg14[%dma_wait3A_2192, %dma_wait3A_2193, %dma_wait3A_2194] : memref<8x16x128xf32, #tpu.memory_space<vmem>> -> memref<1x16x128xf32, #tpu.memory_space<vmem>>
      %dma_wait3A_2196 = tpu.memref_squeeze %dma_wait3A_2195 : memref<1x16x128xf32, #tpu.memory_space<vmem>> -> memref<16x128xf32, #tpu.memory_space<vmem>>
      %dma_wait3A_2197 = arith.constant 0 : i32
      %dma_wait3A_2198 = arith.constant 0 : i32
      %dma_wait3A_2199 = tpu.memref_slice %arg6[%dma_wait3A_2197, %dma_wait3A_2198] : memref<16x1000000xf32, #tpu.memory_space<hbm>> -> memref<16x128xf32, #tpu.memory_space<hbm>>
      %dma_wait3A_2200 = arith.constant 0 : i32
      %dma_wait3A_2201 = arith.constant 0 : i32
      %dma_wait3A_2202 = tpu.memref_slice %arg14[%dma_wait3A_2192, %dma_wait3A_2200, %dma_wait3A_2201] : memref<8x16x128xf32, #tpu.memory_space<vmem>> -> memref<1x16x128xf32, #tpu.memory_space<vmem>>
      %dma_wait3A_2203 = tpu.memref_squeeze %dma_wait3A_2202 : memref<1x16x128xf32, #tpu.memory_space<vmem>> -> memref<16x128xf32, #tpu.memory_space<vmem>>
      %dma_wait3A_2204 = arith.constant 0 : i32
      %dma_wait3A_2205 = arith.constant 0 : i32
      %dma_wait3A_2206 = tpu.memref_slice %arg6[%dma_wait3A_2204, %dma_wait3A_2205] : memref<16x1000000xf32, #tpu.memory_space<hbm>> -> memref<16x128xf32, #tpu.memory_space<hbm>>
      tpu.wait_dma2 semaphore(%arg18 : memref<!tpu.dma_semaphore, #tpu.memory_space<semaphore_mem>>) src(%dma_wait3A_2206 : memref<16x128xf32, #tpu.memory_space<hbm>>) dst(%dma_wait3A_2203 : memref<16x128xf32, #tpu.memory_space<vmem>>)
      %dma_wait3A_2207 = arith.constant 1 : i32
      %dma_wait3A_2208 = arith.constant 0 : i32
      %dma_wait3A_2209 = arith.constant 0 : i32
      %dma_wait3A_2210 = tpu.memref_slice %arg15[%dma_wait3A_2207, %dma_wait3A_2208, %dma_wait3A_2209] : memref<8x16x128xf32, #tpu.memory_space<vmem>> -> memref<1x16x128xf32, #tpu.memory_space<vmem>>
      %dma_wait3A_2211 = tpu.memref_squeeze %dma_wait3A_2210 : memref<1x16x128xf32, #tpu.memory_space<vmem>> -> memref<16x128xf32, #tpu.memory_space<vmem>>
      %dma_wait3A_2212 = arith.constant 0 : i32
      %dma_wait3A_2213 = arith.constant 0 : i32
      %dma_wait3A_2214 = tpu.memref_slice %arg7[%dma_wait3A_2212, %dma_wait3A_2213] : memref<16x1000000xf32, #tpu.memory_space<hbm>> -> memref<16x128xf32, #tpu.memory_space<hbm>>
      %dma_wait3A_2215 = arith.constant 0 : i32
      %dma_wait3A_2216 = arith.constant 0 : i32
      %dma_wait3A_2217 = tpu.memref_slice %arg15[%dma_wait3A_2207, %dma_wait3A_2215, %dma_wait3A_2216] : memref<8x16x128xf32, #tpu.memory_space<vmem>> -> memref<1x16x128xf32, #tpu.memory_space<vmem>>
      %dma_wait3A_2218 = tpu.memref_squeeze %dma_wait3A_2217 : memref<1x16x128xf32, #tpu.memory_space<vmem>> -> memref<16x128xf32, #tpu.memory_space<vmem>>
      %dma_wait3A_2219 = arith.constant 0 : i32
      %dma_wait3A_2220 = arith.constant 0 : i32
      %dma_wait3A_2221 = tpu.memref_slice %arg7[%dma_wait3A_2219, %dma_wait3A_2220] : memref<16x1000000xf32, #tpu.memory_space<hbm>> -> memref<16x128xf32, #tpu.memory_space<hbm>>
      tpu.wait_dma2 semaphore(%arg18 : memref<!tpu.dma_semaphore, #tpu.memory_space<semaphore_mem>>) src(%dma_wait3A_2221 : memref<16x128xf32, #tpu.memory_space<hbm>>) dst(%dma_wait3A_2218 : memref<16x128xf32, #tpu.memory_space<vmem>>)
      %dma_wait3A_2222 = arith.constant 2 : i32
      %dma_wait3A_2223 = arith.constant 0 : i32
      %dma_wait3A_2224 = arith.constant 0 : i32
      %dma_wait3A_2225 = tpu.memref_slice %arg12[%dma_wait3A_2222, %dma_wait3A_2223, %dma_wait3A_2224] : memref<8x32x128xf32, #tpu.memory_space<vmem>> -> memref<1x32x128xf32, #tpu.memory_space<vmem>>
      %dma_wait3A_2226 = tpu.memref_squeeze %dma_wait3A_2225 : memref<1x32x128xf32, #tpu.memory_space<vmem>> -> memref<32x128xf32, #tpu.memory_space<vmem>>
      %dma_wait3A_2227 = arith.constant 0 : i32
      %dma_wait3A_2228 = arith.constant 0 : i32
      %dma_wait3A_2229 = tpu.memref_slice %arg4[%dma_wait3A_2227, %dma_wait3A_2228] : memref<32x1000000xf32, #tpu.memory_space<hbm>> -> memref<32x128xf32, #tpu.memory_space<hbm>>
      %dma_wait3A_2230 = arith.constant 0 : i32
      %dma_wait3A_2231 = arith.constant 0 : i32
      %dma_wait3A_2232 = tpu.memref_slice %arg12[%dma_wait3A_2222, %dma_wait3A_2230, %dma_wait3A_2231] : memref<8x32x128xf32, #tpu.memory_space<vmem>> -> memref<1x32x128xf32, #tpu.memory_space<vmem>>
      %dma_wait3A_2233 = tpu.memref_squeeze %dma_wait3A_2232 : memref<1x32x128xf32, #tpu.memory_space<vmem>> -> memref<32x128xf32, #tpu.memory_space<vmem>>
      %dma_wait3A_2234 = arith.constant 0 : i32
      %dma_wait3A_2235 = arith.constant 0 : i32
      %dma_wait3A_2236 = tpu.memref_slice %arg4[%dma_wait3A_2234, %dma_wait3A_2235] : memref<32x1000000xf32, #tpu.memory_space<hbm>> -> memref<32x128xf32, #tpu.memory_space<hbm>>
      tpu.wait_dma2 semaphore(%arg18 : memref<!tpu.dma_semaphore, #tpu.memory_space<semaphore_mem>>) src(%dma_wait3A_2236 : memref<32x128xf32, #tpu.memory_space<hbm>>) dst(%dma_wait3A_2233 : memref<32x128xf32, #tpu.memory_space<vmem>>)
      %dma_wait3A_2237 = arith.constant 2 : i32
      %dma_wait3A_2238 = arith.constant 0 : i32
      %dma_wait3A_2239 = arith.constant 0 : i32
      %dma_wait3A_2240 = tpu.memref_slice %arg13[%dma_wait3A_2237, %dma_wait3A_2238, %dma_wait3A_2239] : memref<8x32x128xf32, #tpu.memory_space<vmem>> -> memref<1x32x128xf32, #tpu.memory_space<vmem>>
      %dma_wait3A_2241 = tpu.memref_squeeze %dma_wait3A_2240 : memref<1x32x128xf32, #tpu.memory_space<vmem>> -> memref<32x128xf32, #tpu.memory_space<vmem>>
      %dma_wait3A_2242 = arith.constant 0 : i32
      %dma_wait3A_2243 = arith.constant 0 : i32
      %dma_wait3A_2244 = tpu.memref_slice %arg5[%dma_wait3A_2242, %dma_wait3A_2243] : memref<32x1000000xf32, #tpu.memory_space<hbm>> -> memref<32x128xf32, #tpu.memory_space<hbm>>
      %dma_wait3A_2245 = arith.constant 0 : i32
      %dma_wait3A_2246 = arith.constant 0 : i32
      %dma_wait3A_2247 = tpu.memref_slice %arg13[%dma_wait3A_2237, %dma_wait3A_2245, %dma_wait3A_2246] : memref<8x32x128xf32, #tpu.memory_space<vmem>> -> memref<1x32x128xf32, #tpu.memory_space<vmem>>
      %dma_wait3A_2248 = tpu.memref_squeeze %dma_wait3A_2247 : memref<1x32x128xf32, #tpu.memory_space<vmem>> -> memref<32x128xf32, #tpu.memory_space<vmem>>
      %dma_wait3A_2249 = arith.constant 0 : i32
      %dma_wait3A_2250 = arith.constant 0 : i32
      %dma_wait3A_2251 = tpu.memref_slice %arg5[%dma_wait3A_2249, %dma_wait3A_2250] : memref<32x1000000xf32, #tpu.memory_space<hbm>> -> memref<32x128xf32, #tpu.memory_space<hbm>>
      tpu.wait_dma2 semaphore(%arg18 : memref<!tpu.dma_semaphore, #tpu.memory_space<semaphore_mem>>) src(%dma_wait3A_2251 : memref<32x128xf32, #tpu.memory_space<hbm>>) dst(%dma_wait3A_2248 : memref<32x128xf32, #tpu.memory_space<vmem>>)
      %dma_wait3A_2252 = arith.constant 2 : i32
      %dma_wait3A_2253 = arith.constant 0 : i32
      %dma_wait3A_2254 = arith.constant 0 : i32
      %dma_wait3A_2255 = tpu.memref_slice %arg14[%dma_wait3A_2252, %dma_wait3A_2253, %dma_wait3A_2254] : memref<8x16x128xf32, #tpu.memory_space<vmem>> -> memref<1x16x128xf32, #tpu.memory_space<vmem>>
      %dma_wait3A_2256 = tpu.memref_squeeze %dma_wait3A_2255 : memref<1x16x128xf32, #tpu.memory_space<vmem>> -> memref<16x128xf32, #tpu.memory_space<vmem>>
      %dma_wait3A_2257 = arith.constant 0 : i32
      %dma_wait3A_2258 = arith.constant 0 : i32
      %dma_wait3A_2259 = tpu.memref_slice %arg6[%dma_wait3A_2257, %dma_wait3A_2258] : memref<16x1000000xf32, #tpu.memory_space<hbm>> -> memref<16x128xf32, #tpu.memory_space<hbm>>
      %dma_wait3A_2260 = arith.constant 0 : i32
      %dma_wait3A_2261 = arith.constant 0 : i32
      %dma_wait3A_2262 = tpu.memref_slice %arg14[%dma_wait3A_2252, %dma_wait3A_2260, %dma_wait3A_2261] : memref<8x16x128xf32, #tpu.memory_space<vmem>> -> memref<1x16x128xf32, #tpu.memory_space<vmem>>
      %dma_wait3A_2263 = tpu.memref_squeeze %dma_wait3A_2262 : memref<1x16x128xf32, #tpu.memory_space<vmem>> -> memref<16x128xf32, #tpu.memory_space<vmem>>
      %dma_wait3A_2264 = arith.constant 0 : i32
      %dma_wait3A_2265 = arith.constant 0 : i32
      %dma_wait3A_2266 = tpu.memref_slice %arg6[%dma_wait3A_2264, %dma_wait3A_2265] : memref<16x1000000xf32, #tpu.memory_space<hbm>> -> memref<16x128xf32, #tpu.memory_space<hbm>>
      tpu.wait_dma2 semaphore(%arg18 : memref<!tpu.dma_semaphore, #tpu.memory_space<semaphore_mem>>) src(%dma_wait3A_2266 : memref<16x128xf32, #tpu.memory_space<hbm>>) dst(%dma_wait3A_2263 : memref<16x128xf32, #tpu.memory_space<vmem>>)
      %dma_wait3A_2267 = arith.constant 2 : i32
      %dma_wait3A_2268 = arith.constant 0 : i32
      %dma_wait3A_2269 = arith.constant 0 : i32
      %dma_wait3A_2270 = tpu.memref_slice %arg15[%dma_wait3A_2267, %dma_wait3A_2268, %dma_wait3A_2269] : memref<8x16x128xf32, #tpu.memory_space<vmem>> -> memref<1x16x128xf32, #tpu.memory_space<vmem>>
      %dma_wait3A_2271 = tpu.memref_squeeze %dma_wait3A_2270 : memref<1x16x128xf32, #tpu.memory_space<vmem>> -> memref<16x128xf32, #tpu.memory_space<vmem>>
      %dma_wait3A_2272 = arith.constant 0 : i32
      %dma_wait3A_2273 = arith.constant 0 : i32
      %dma_wait3A_2274 = tpu.memref_slice %arg7[%dma_wait3A_2272, %dma_wait3A_2273] : memref<16x1000000xf32, #tpu.memory_space<hbm>> -> memref<16x128xf32, #tpu.memory_space<hbm>>
      %dma_wait3A_2275 = arith.constant 0 : i32
      %dma_wait3A_2276 = arith.constant 0 : i32
      %dma_wait3A_2277 = tpu.memref_slice %arg15[%dma_wait3A_2267, %dma_wait3A_2275, %dma_wait3A_2276] : memref<8x16x128xf32, #tpu.memory_space<vmem>> -> memref<1x16x128xf32, #tpu.memory_space<vmem>>
      %dma_wait3A_2278 = tpu.memref_squeeze %dma_wait3A_2277 : memref<1x16x128xf32, #tpu.memory_space<vmem>> -> memref<16x128xf32, #tpu.memory_space<vmem>>
      %dma_wait3A_2279 = arith.constant 0 : i32
      %dma_wait3A_2280 = arith.constant 0 : i32
      %dma_wait3A_2281 = tpu.memref_slice %arg7[%dma_wait3A_2279, %dma_wait3A_2280] : memref<16x1000000xf32, #tpu.memory_space<hbm>> -> memref<16x128xf32, #tpu.memory_space<hbm>>
      tpu.wait_dma2 semaphore(%arg18 : memref<!tpu.dma_semaphore, #tpu.memory_space<semaphore_mem>>) src(%dma_wait3A_2281 : memref<16x128xf32, #tpu.memory_space<hbm>>) dst(%dma_wait3A_2278 : memref<16x128xf32, #tpu.memory_space<vmem>>)
      %dma_wait3A_2282 = arith.constant 3 : i32
      %dma_wait3A_2283 = arith.constant 0 : i32
      %dma_wait3A_2284 = arith.constant 0 : i32
      %dma_wait3A_2285 = tpu.memref_slice %arg12[%dma_wait3A_2282, %dma_wait3A_2283, %dma_wait3A_2284] : memref<8x32x128xf32, #tpu.memory_space<vmem>> -> memref<1x32x128xf32, #tpu.memory_space<vmem>>
      %dma_wait3A_2286 = tpu.memref_squeeze %dma_wait3A_2285 : memref<1x32x128xf32, #tpu.memory_space<vmem>> -> memref<32x128xf32, #tpu.memory_space<vmem>>
      %dma_wait3A_2287 = arith.constant 0 : i32
      %dma_wait3A_2288 = arith.constant 0 : i32
      %dma_wait3A_2289 = tpu.memref_slice %arg4[%dma_wait3A_2287, %dma_wait3A_2288] : memref<32x1000000xf32, #tpu.memory_space<hbm>> -> memref<32x128xf32, #tpu.memory_space<hbm>>
      %dma_wait3A_2290 = arith.constant 0 : i32
      %dma_wait3A_2291 = arith.constant 0 : i32
      %dma_wait3A_2292 = tpu.memref_slice %arg12[%dma_wait3A_2282, %dma_wait3A_2290, %dma_wait3A_2291] : memref<8x32x128xf32, #tpu.memory_space<vmem>> -> memref<1x32x128xf32, #tpu.memory_space<vmem>>
      %dma_wait3A_2293 = tpu.memref_squeeze %dma_wait3A_2292 : memref<1x32x128xf32, #tpu.memory_space<vmem>> -> memref<32x128xf32, #tpu.memory_space<vmem>>
      %dma_wait3A_2294 = arith.constant 0 : i32
      %dma_wait3A_2295 = arith.constant 0 : i32
      %dma_wait3A_2296 = tpu.memref_slice %arg4[%dma_wait3A_2294, %dma_wait3A_2295] : memref<32x1000000xf32, #tpu.memory_space<hbm>> -> memref<32x128xf32, #tpu.memory_space<hbm>>
      tpu.wait_dma2 semaphore(%arg18 : memref<!tpu.dma_semaphore, #tpu.memory_space<semaphore_mem>>) src(%dma_wait3A_2296 : memref<32x128xf32, #tpu.memory_space<hbm>>) dst(%dma_wait3A_2293 : memref<32x128xf32, #tpu.memory_space<vmem>>)
      %dma_wait3A_2297 = arith.constant 3 : i32
      %dma_wait3A_2298 = arith.constant 0 : i32
      %dma_wait3A_2299 = arith.constant 0 : i32
      %dma_wait3A_2300 = tpu.memref_slice %arg13[%dma_wait3A_2297, %dma_wait3A_2298, %dma_wait3A_2299] : memref<8x32x128xf32, #tpu.memory_space<vmem>> -> memref<1x32x128xf32, #tpu.memory_space<vmem>>
      %dma_wait3A_2301 = tpu.memref_squeeze %dma_wait3A_2300 : memref<1x32x128xf32, #tpu.memory_space<vmem>> -> memref<32x128xf32, #tpu.memory_space<vmem>>
      %dma_wait3A_2302 = arith.constant 0 : i32
      %dma_wait3A_2303 = arith.constant 0 : i32
      %dma_wait3A_2304 = tpu.memref_slice %arg5[%dma_wait3A_2302, %dma_wait3A_2303] : memref<32x1000000xf32, #tpu.memory_space<hbm>> -> memref<32x128xf32, #tpu.memory_space<hbm>>
      %dma_wait3A_2305 = arith.constant 0 : i32
      %dma_wait3A_2306 = arith.constant 0 : i32
      %dma_wait3A_2307 = tpu.memref_slice %arg13[%dma_wait3A_2297, %dma_wait3A_2305, %dma_wait3A_2306] : memref<8x32x128xf32, #tpu.memory_space<vmem>> -> memref<1x32x128xf32, #tpu.memory_space<vmem>>
      %dma_wait3A_2308 = tpu.memref_squeeze %dma_wait3A_2307 : memref<1x32x128xf32, #tpu.memory_space<vmem>> -> memref<32x128xf32, #tpu.memory_space<vmem>>
      %dma_wait3A_2309 = arith.constant 0 : i32
      %dma_wait3A_2310 = arith.constant 0 : i32
      %dma_wait3A_2311 = tpu.memref_slice %arg5[%dma_wait3A_2309, %dma_wait3A_2310] : memref<32x1000000xf32, #tpu.memory_space<hbm>> -> memref<32x128xf32, #tpu.memory_space<hbm>>
      tpu.wait_dma2 semaphore(%arg18 : memref<!tpu.dma_semaphore, #tpu.memory_space<semaphore_mem>>) src(%dma_wait3A_2311 : memref<32x128xf32, #tpu.memory_space<hbm>>) dst(%dma_wait3A_2308 : memref<32x128xf32, #tpu.memory_space<vmem>>)
      %dma_wait3A_2312 = arith.constant 3 : i32
      %dma_wait3A_2313 = arith.constant 0 : i32
      %dma_wait3A_2314 = arith.constant 0 : i32
      %dma_wait3A_2315 = tpu.memref_slice %arg14[%dma_wait3A_2312, %dma_wait3A_2313, %dma_wait3A_2314] : memref<8x16x128xf32, #tpu.memory_space<vmem>> -> memref<1x16x128xf32, #tpu.memory_space<vmem>>
      %dma_wait3A_2316 = tpu.memref_squeeze %dma_wait3A_2315 : memref<1x16x128xf32, #tpu.memory_space<vmem>> -> memref<16x128xf32, #tpu.memory_space<vmem>>
      %dma_wait3A_2317 = arith.constant 0 : i32
      %dma_wait3A_2318 = arith.constant 0 : i32
      %dma_wait3A_2319 = tpu.memref_slice %arg6[%dma_wait3A_2317, %dma_wait3A_2318] : memref<16x1000000xf32, #tpu.memory_space<hbm>> -> memref<16x128xf32, #tpu.memory_space<hbm>>
      %dma_wait3A_2320 = arith.constant 0 : i32
      %dma_wait3A_2321 = arith.constant 0 : i32
      %dma_wait3A_2322 = tpu.memref_slice %arg14[%dma_wait3A_2312, %dma_wait3A_2320, %dma_wait3A_2321] : memref<8x16x128xf32, #tpu.memory_space<vmem>> -> memref<1x16x128xf32, #tpu.memory_space<vmem>>
      %dma_wait3A_2323 = tpu.memref_squeeze %dma_wait3A_2322 : memref<1x16x128xf32, #tpu.memory_space<vmem>> -> memref<16x128xf32, #tpu.memory_space<vmem>>
      %dma_wait3A_2324 = arith.constant 0 : i32
      %dma_wait3A_2325 = arith.constant 0 : i32
      %dma_wait3A_2326 = tpu.memref_slice %arg6[%dma_wait3A_2324, %dma_wait3A_2325] : memref<16x1000000xf32, #tpu.memory_space<hbm>> -> memref<16x128xf32, #tpu.memory_space<hbm>>
      tpu.wait_dma2 semaphore(%arg18 : memref<!tpu.dma_semaphore, #tpu.memory_space<semaphore_mem>>) src(%dma_wait3A_2326 : memref<16x128xf32, #tpu.memory_space<hbm>>) dst(%dma_wait3A_2323 : memref<16x128xf32, #tpu.memory_space<vmem>>)
      %dma_wait3A_2327 = arith.constant 3 : i32
      %dma_wait3A_2328 = arith.constant 0 : i32
      %dma_wait3A_2329 = arith.constant 0 : i32
      %dma_wait3A_2330 = tpu.memref_slice %arg15[%dma_wait3A_2327, %dma_wait3A_2328, %dma_wait3A_2329] : memref<8x16x128xf32, #tpu.memory_space<vmem>> -> memref<1x16x128xf32, #tpu.memory_space<vmem>>
      %dma_wait3A_2331 = tpu.memref_squeeze %dma_wait3A_2330 : memref<1x16x128xf32, #tpu.memory_space<vmem>> -> memref<16x128xf32, #tpu.memory_space<vmem>>
      %dma_wait3A_2332 = arith.constant 0 : i32
      %dma_wait3A_2333 = arith.constant 0 : i32
      %dma_wait3A_2334 = tpu.memref_slice %arg7[%dma_wait3A_2332, %dma_wait3A_2333] : memref<16x1000000xf32, #tpu.memory_space<hbm>> -> memref<16x128xf32, #tpu.memory_space<hbm>>
      %dma_wait3A_2335 = arith.constant 0 : i32
      %dma_wait3A_2336 = arith.constant 0 : i32
      %dma_wait3A_2337 = tpu.memref_slice %arg15[%dma_wait3A_2327, %dma_wait3A_2335, %dma_wait3A_2336] : memref<8x16x128xf32, #tpu.memory_space<vmem>> -> memref<1x16x128xf32, #tpu.memory_space<vmem>>
      %dma_wait3A_2338 = tpu.memref_squeeze %dma_wait3A_2337 : memref<1x16x128xf32, #tpu.memory_space<vmem>> -> memref<16x128xf32, #tpu.memory_space<vmem>>
      %dma_wait3A_2339 = arith.constant 0 : i32
      %dma_wait3A_2340 = arith.constant 0 : i32
      %dma_wait3A_2341 = tpu.memref_slice %arg7[%dma_wait3A_2339, %dma_wait3A_2340] : memref<16x1000000xf32, #tpu.memory_space<hbm>> -> memref<16x128xf32, #tpu.memory_space<hbm>>
      tpu.wait_dma2 semaphore(%arg18 : memref<!tpu.dma_semaphore, #tpu.memory_space<semaphore_mem>>) src(%dma_wait3A_2341 : memref<16x128xf32, #tpu.memory_space<hbm>>) dst(%dma_wait3A_2338 : memref<16x128xf32, #tpu.memory_space<vmem>>)
      %dma_wait3A_2342 = arith.constant 4 : i32
      %dma_wait3A_2343 = arith.constant 0 : i32
      %dma_wait3A_2344 = arith.constant 0 : i32
      %dma_wait3A_2345 = tpu.memref_slice %arg12[%dma_wait3A_2342, %dma_wait3A_2343, %dma_wait3A_2344] : memref<8x32x128xf32, #tpu.memory_space<vmem>> -> memref<1x32x128xf32, #tpu.memory_space<vmem>>
      %dma_wait3A_2346 = tpu.memref_squeeze %dma_wait3A_2345 : memref<1x32x128xf32, #tpu.memory_space<vmem>> -> memref<32x128xf32, #tpu.memory_space<vmem>>
      %dma_wait3A_2347 = arith.constant 0 : i32
      %dma_wait3A_2348 = arith.constant 0 : i32
      %dma_wait3A_2349 = tpu.memref_slice %arg4[%dma_wait3A_2347, %dma_wait3A_2348] : memref<32x1000000xf32, #tpu.memory_space<hbm>> -> memref<32x128xf32, #tpu.memory_space<hbm>>
      %dma_wait3A_2350 = arith.constant 0 : i32
      %dma_wait3A_2351 = arith.constant 0 : i32
      %dma_wait3A_2352 = tpu.memref_slice %arg12[%dma_wait3A_2342, %dma_wait3A_2350, %dma_wait3A_2351] : memref<8x32x128xf32, #tpu.memory_space<vmem>> -> memref<1x32x128xf32, #tpu.memory_space<vmem>>
      %dma_wait3A_2353 = tpu.memref_squeeze %dma_wait3A_2352 : memref<1x32x128xf32, #tpu.memory_space<vmem>> -> memref<32x128xf32, #tpu.memory_space<vmem>>
      %dma_wait3A_2354 = arith.constant 0 : i32
      %dma_wait3A_2355 = arith.constant 0 : i32
      %dma_wait3A_2356 = tpu.memref_slice %arg4[%dma_wait3A_2354, %dma_wait3A_2355] : memref<32x1000000xf32, #tpu.memory_space<hbm>> -> memref<32x128xf32, #tpu.memory_space<hbm>>
      tpu.wait_dma2 semaphore(%arg18 : memref<!tpu.dma_semaphore, #tpu.memory_space<semaphore_mem>>) src(%dma_wait3A_2356 : memref<32x128xf32, #tpu.memory_space<hbm>>) dst(%dma_wait3A_2353 : memref<32x128xf32, #tpu.memory_space<vmem>>)
      %dma_wait3A_2357 = arith.constant 4 : i32
      %dma_wait3A_2358 = arith.constant 0 : i32
      %dma_wait3A_2359 = arith.constant 0 : i32
      %dma_wait3A_2360 = tpu.memref_slice %arg13[%dma_wait3A_2357, %dma_wait3A_2358, %dma_wait3A_2359] : memref<8x32x128xf32, #tpu.memory_space<vmem>> -> memref<1x32x128xf32, #tpu.memory_space<vmem>>
      %dma_wait3A_2361 = tpu.memref_squeeze %dma_wait3A_2360 : memref<1x32x128xf32, #tpu.memory_space<vmem>> -> memref<32x128xf32, #tpu.memory_space<vmem>>
      %dma_wait3A_2362 = arith.constant 0 : i32
      %dma_wait3A_2363 = arith.constant 0 : i32
      %dma_wait3A_2364 = tpu.memref_slice %arg5[%dma_wait3A_2362, %dma_wait3A_2363] : memref<32x1000000xf32, #tpu.memory_space<hbm>> -> memref<32x128xf32, #tpu.memory_space<hbm>>
      %dma_wait3A_2365 = arith.constant 0 : i32
      %dma_wait3A_2366 = arith.constant 0 : i32
      %dma_wait3A_2367 = tpu.memref_slice %arg13[%dma_wait3A_2357, %dma_wait3A_2365, %dma_wait3A_2366] : memref<8x32x128xf32, #tpu.memory_space<vmem>> -> memref<1x32x128xf32, #tpu.memory_space<vmem>>
      %dma_wait3A_2368 = tpu.memref_squeeze %dma_wait3A_2367 : memref<1x32x128xf32, #tpu.memory_space<vmem>> -> memref<32x128xf32, #tpu.memory_space<vmem>>
      %dma_wait3A_2369 = arith.constant 0 : i32
      %dma_wait3A_2370 = arith.constant 0 : i32
      %dma_wait3A_2371 = tpu.memref_slice %arg5[%dma_wait3A_2369, %dma_wait3A_2370] : memref<32x1000000xf32, #tpu.memory_space<hbm>> -> memref<32x128xf32, #tpu.memory_space<hbm>>
      tpu.wait_dma2 semaphore(%arg18 : memref<!tpu.dma_semaphore, #tpu.memory_space<semaphore_mem>>) src(%dma_wait3A_2371 : memref<32x128xf32, #tpu.memory_space<hbm>>) dst(%dma_wait3A_2368 : memref<32x128xf32, #tpu.memory_space<vmem>>)
      %dma_wait3A_2372 = arith.constant 4 : i32
      %dma_wait3A_2373 = arith.constant 0 : i32
      %dma_wait3A_2374 = arith.constant 0 : i32
      %dma_wait3A_2375 = tpu.memref_slice %arg14[%dma_wait3A_2372, %dma_wait3A_2373, %dma_wait3A_2374] : memref<8x16x128xf32, #tpu.memory_space<vmem>> -> memref<1x16x128xf32, #tpu.memory_space<vmem>>
      %dma_wait3A_2376 = tpu.memref_squeeze %dma_wait3A_2375 : memref<1x16x128xf32, #tpu.memory_space<vmem>> -> memref<16x128xf32, #tpu.memory_space<vmem>>
      %dma_wait3A_2377 = arith.constant 0 : i32
      %dma_wait3A_2378 = arith.constant 0 : i32
      %dma_wait3A_2379 = tpu.memref_slice %arg6[%dma_wait3A_2377, %dma_wait3A_2378] : memref<16x1000000xf32, #tpu.memory_space<hbm>> -> memref<16x128xf32, #tpu.memory_space<hbm>>
      %dma_wait3A_2380 = arith.constant 0 : i32
      %dma_wait3A_2381 = arith.constant 0 : i32
      %dma_wait3A_2382 = tpu.memref_slice %arg14[%dma_wait3A_2372, %dma_wait3A_2380, %dma_wait3A_2381] : memref<8x16x128xf32, #tpu.memory_space<vmem>> -> memref<1x16x128xf32, #tpu.memory_space<vmem>>
      %dma_wait3A_2383 = tpu.memref_squeeze %dma_wait3A_2382 : memref<1x16x128xf32, #tpu.memory_space<vmem>> -> memref<16x128xf32, #tpu.memory_space<vmem>>
      %dma_wait3A_2384 = arith.constant 0 : i32
      %dma_wait3A_2385 = arith.constant 0 : i32
      %dma_wait3A_2386 = tpu.memref_slice %arg6[%dma_wait3A_2384, %dma_wait3A_2385] : memref<16x1000000xf32, #tpu.memory_space<hbm>> -> memref<16x128xf32, #tpu.memory_space<hbm>>
      tpu.wait_dma2 semaphore(%arg18 : memref<!tpu.dma_semaphore, #tpu.memory_space<semaphore_mem>>) src(%dma_wait3A_2386 : memref<16x128xf32, #tpu.memory_space<hbm>>) dst(%dma_wait3A_2383 : memref<16x128xf32, #tpu.memory_space<vmem>>)
      %dma_wait3A_2387 = arith.constant 4 : i32
      %dma_wait3A_2388 = arith.constant 0 : i32
      %dma_wait3A_2389 = arith.constant 0 : i32
      %dma_wait3A_2390 = tpu.memref_slice %arg15[%dma_wait3A_2387, %dma_wait3A_2388, %dma_wait3A_2389] : memref<8x16x128xf32, #tpu.memory_space<vmem>> -> memref<1x16x128xf32, #tpu.memory_space<vmem>>
      %dma_wait3A_2391 = tpu.memref_squeeze %dma_wait3A_2390 : memref<1x16x128xf32, #tpu.memory_space<vmem>> -> memref<16x128xf32, #tpu.memory_space<vmem>>
      %dma_wait3A_2392 = arith.constant 0 : i32
      %dma_wait3A_2393 = arith.constant 0 : i32
      %dma_wait3A_2394 = tpu.memref_slice %arg7[%dma_wait3A_2392, %dma_wait3A_2393] : memref<16x1000000xf32, #tpu.memory_space<hbm>> -> memref<16x128xf32, #tpu.memory_space<hbm>>
      %dma_wait3A_2395 = arith.constant 0 : i32
      %dma_wait3A_2396 = arith.constant 0 : i32
      %dma_wait3A_2397 = tpu.memref_slice %arg15[%dma_wait3A_2387, %dma_wait3A_2395, %dma_wait3A_2396] : memref<8x16x128xf32, #tpu.memory_space<vmem>> -> memref<1x16x128xf32, #tpu.memory_space<vmem>>
      %dma_wait3A_2398 = tpu.memref_squeeze %dma_wait3A_2397 : memref<1x16x128xf32, #tpu.memory_space<vmem>> -> memref<16x128xf32, #tpu.memory_space<vmem>>
      %dma_wait3A_2399 = arith.constant 0 : i32
      %dma_wait3A_2400 = arith.constant 0 : i32
      %dma_wait3A_2401 = tpu.memref_slice %arg7[%dma_wait3A_2399, %dma_wait3A_2400] : memref<16x1000000xf32, #tpu.memory_space<hbm>> -> memref<16x128xf32, #tpu.memory_space<hbm>>
      tpu.wait_dma2 semaphore(%arg18 : memref<!tpu.dma_semaphore, #tpu.memory_space<semaphore_mem>>) src(%dma_wait3A_2401 : memref<16x128xf32, #tpu.memory_space<hbm>>) dst(%dma_wait3A_2398 : memref<16x128xf32, #tpu.memory_space<vmem>>)
      %dma_wait3A_2402 = arith.constant 5 : i32
      %dma_wait3A_2403 = arith.constant 0 : i32
      %dma_wait3A_2404 = arith.constant 0 : i32
      %dma_wait3A_2405 = tpu.memref_slice %arg12[%dma_wait3A_2402, %dma_wait3A_2403, %dma_wait3A_2404] : memref<8x32x128xf32, #tpu.memory_space<vmem>> -> memref<1x32x128xf32, #tpu.memory_space<vmem>>
      %dma_wait3A_2406 = tpu.memref_squeeze %dma_wait3A_2405 : memref<1x32x128xf32, #tpu.memory_space<vmem>> -> memref<32x128xf32, #tpu.memory_space<vmem>>
      %dma_wait3A_2407 = arith.constant 0 : i32
      %dma_wait3A_2408 = arith.constant 0 : i32
      %dma_wait3A_2409 = tpu.memref_slice %arg4[%dma_wait3A_2407, %dma_wait3A_2408] : memref<32x1000000xf32, #tpu.memory_space<hbm>> -> memref<32x128xf32, #tpu.memory_space<hbm>>
      %dma_wait3A_2410 = arith.constant 0 : i32
      %dma_wait3A_2411 = arith.constant 0 : i32
      %dma_wait3A_2412 = tpu.memref_slice %arg12[%dma_wait3A_2402, %dma_wait3A_2410, %dma_wait3A_2411] : memref<8x32x128xf32, #tpu.memory_space<vmem>> -> memref<1x32x128xf32, #tpu.memory_space<vmem>>
      %dma_wait3A_2413 = tpu.memref_squeeze %dma_wait3A_2412 : memref<1x32x128xf32, #tpu.memory_space<vmem>> -> memref<32x128xf32, #tpu.memory_space<vmem>>
      %dma_wait3A_2414 = arith.constant 0 : i32
      %dma_wait3A_2415 = arith.constant 0 : i32
      %dma_wait3A_2416 = tpu.memref_slice %arg4[%dma_wait3A_2414, %dma_wait3A_2415] : memref<32x1000000xf32, #tpu.memory_space<hbm>> -> memref<32x128xf32, #tpu.memory_space<hbm>>
      tpu.wait_dma2 semaphore(%arg18 : memref<!tpu.dma_semaphore, #tpu.memory_space<semaphore_mem>>) src(%dma_wait3A_2416 : memref<32x128xf32, #tpu.memory_space<hbm>>) dst(%dma_wait3A_2413 : memref<32x128xf32, #tpu.memory_space<vmem>>)
      %dma_wait3A_2417 = arith.constant 5 : i32
      %dma_wait3A_2418 = arith.constant 0 : i32
      %dma_wait3A_2419 = arith.constant 0 : i32
      %dma_wait3A_2420 = tpu.memref_slice %arg13[%dma_wait3A_2417, %dma_wait3A_2418, %dma_wait3A_2419] : memref<8x32x128xf32, #tpu.memory_space<vmem>> -> memref<1x32x128xf32, #tpu.memory_space<vmem>>
      %dma_wait3A_2421 = tpu.memref_squeeze %dma_wait3A_2420 : memref<1x32x128xf32, #tpu.memory_space<vmem>> -> memref<32x128xf32, #tpu.memory_space<vmem>>
      %dma_wait3A_2422 = arith.constant 0 : i32
      %dma_wait3A_2423 = arith.constant 0 : i32
      %dma_wait3A_2424 = tpu.memref_slice %arg5[%dma_wait3A_2422, %dma_wait3A_2423] : memref<32x1000000xf32, #tpu.memory_space<hbm>> -> memref<32x128xf32, #tpu.memory_space<hbm>>
      %dma_wait3A_2425 = arith.constant 0 : i32
      %dma_wait3A_2426 = arith.constant 0 : i32
      %dma_wait3A_2427 = tpu.memref_slice %arg13[%dma_wait3A_2417, %dma_wait3A_2425, %dma_wait3A_2426] : memref<8x32x128xf32, #tpu.memory_space<vmem>> -> memref<1x32x128xf32, #tpu.memory_space<vmem>>
      %dma_wait3A_2428 = tpu.memref_squeeze %dma_wait3A_2427 : memref<1x32x128xf32, #tpu.memory_space<vmem>> -> memref<32x128xf32, #tpu.memory_space<vmem>>
      %dma_wait3A_2429 = arith.constant 0 : i32
      %dma_wait3A_2430 = arith.constant 0 : i32
      %dma_wait3A_2431 = tpu.memref_slice %arg5[%dma_wait3A_2429, %dma_wait3A_2430] : memref<32x1000000xf32, #tpu.memory_space<hbm>> -> memref<32x128xf32, #tpu.memory_space<hbm>>
      tpu.wait_dma2 semaphore(%arg18 : memref<!tpu.dma_semaphore, #tpu.memory_space<semaphore_mem>>) src(%dma_wait3A_2431 : memref<32x128xf32, #tpu.memory_space<hbm>>) dst(%dma_wait3A_2428 : memref<32x128xf32, #tpu.memory_space<vmem>>)
      %dma_wait3A_2432 = arith.constant 5 : i32
      %dma_wait3A_2433 = arith.constant 0 : i32
      %dma_wait3A_2434 = arith.constant 0 : i32
      %dma_wait3A_2435 = tpu.memref_slice %arg14[%dma_wait3A_2432, %dma_wait3A_2433, %dma_wait3A_2434] : memref<8x16x128xf32, #tpu.memory_space<vmem>> -> memref<1x16x128xf32, #tpu.memory_space<vmem>>
      %dma_wait3A_2436 = tpu.memref_squeeze %dma_wait3A_2435 : memref<1x16x128xf32, #tpu.memory_space<vmem>> -> memref<16x128xf32, #tpu.memory_space<vmem>>
      %dma_wait3A_2437 = arith.constant 0 : i32
      %dma_wait3A_2438 = arith.constant 0 : i32
      %dma_wait3A_2439 = tpu.memref_slice %arg6[%dma_wait3A_2437, %dma_wait3A_2438] : memref<16x1000000xf32, #tpu.memory_space<hbm>> -> memref<16x128xf32, #tpu.memory_space<hbm>>
      %dma_wait3A_2440 = arith.constant 0 : i32
      %dma_wait3A_2441 = arith.constant 0 : i32
      %dma_wait3A_2442 = tpu.memref_slice %arg14[%dma_wait3A_2432, %dma_wait3A_2440, %dma_wait3A_2441] : memref<8x16x128xf32, #tpu.memory_space<vmem>> -> memref<1x16x128xf32, #tpu.memory_space<vmem>>
      %dma_wait3A_2443 = tpu.memref_squeeze %dma_wait3A_2442 : memref<1x16x128xf32, #tpu.memory_space<vmem>> -> memref<16x128xf32, #tpu.memory_space<vmem>>
      %dma_wait3A_2444 = arith.constant 0 : i32
      %dma_wait3A_2445 = arith.constant 0 : i32
      %dma_wait3A_2446 = tpu.memref_slice %arg6[%dma_wait3A_2444, %dma_wait3A_2445] : memref<16x1000000xf32, #tpu.memory_space<hbm>> -> memref<16x128xf32, #tpu.memory_space<hbm>>
      tpu.wait_dma2 semaphore(%arg18 : memref<!tpu.dma_semaphore, #tpu.memory_space<semaphore_mem>>) src(%dma_wait3A_2446 : memref<16x128xf32, #tpu.memory_space<hbm>>) dst(%dma_wait3A_2443 : memref<16x128xf32, #tpu.memory_space<vmem>>)
      %dma_wait3A_2447 = arith.constant 5 : i32
      %dma_wait3A_2448 = arith.constant 0 : i32
      %dma_wait3A_2449 = arith.constant 0 : i32
      %dma_wait3A_2450 = tpu.memref_slice %arg15[%dma_wait3A_2447, %dma_wait3A_2448, %dma_wait3A_2449] : memref<8x16x128xf32, #tpu.memory_space<vmem>> -> memref<1x16x128xf32, #tpu.memory_space<vmem>>
      %dma_wait3A_2451 = tpu.memref_squeeze %dma_wait3A_2450 : memref<1x16x128xf32, #tpu.memory_space<vmem>> -> memref<16x128xf32, #tpu.memory_space<vmem>>
      %dma_wait3A_2452 = arith.constant 0 : i32
      %dma_wait3A_2453 = arith.constant 0 : i32
      %dma_wait3A_2454 = tpu.memref_slice %arg7[%dma_wait3A_2452, %dma_wait3A_2453] : memref<16x1000000xf32, #tpu.memory_space<hbm>> -> memref<16x128xf32, #tpu.memory_space<hbm>>
      %dma_wait3A_2455 = arith.constant 0 : i32
      %dma_wait3A_2456 = arith.constant 0 : i32
      %dma_wait3A_2457 = tpu.memref_slice %arg15[%dma_wait3A_2447, %dma_wait3A_2455, %dma_wait3A_2456] : memref<8x16x128xf32, #tpu.memory_space<vmem>> -> memref<1x16x128xf32, #tpu.memory_space<vmem>>
      %dma_wait3A_2458 = tpu.memref_squeeze %dma_wait3A_2457 : memref<1x16x128xf32, #tpu.memory_space<vmem>> -> memref<16x128xf32, #tpu.memory_space<vmem>>
      %dma_wait3A_2459 = arith.constant 0 : i32
      %dma_wait3A_2460 = arith.constant 0 : i32
      %dma_wait3A_2461 = tpu.memref_slice %arg7[%dma_wait3A_2459, %dma_wait3A_2460] : memref<16x1000000xf32, #tpu.memory_space<hbm>> -> memref<16x128xf32, #tpu.memory_space<hbm>>
      tpu.wait_dma2 semaphore(%arg18 : memref<!tpu.dma_semaphore, #tpu.memory_space<semaphore_mem>>) src(%dma_wait3A_2461 : memref<16x128xf32, #tpu.memory_space<hbm>>) dst(%dma_wait3A_2458 : memref<16x128xf32, #tpu.memory_space<vmem>>)
      %dma_wait3A_2462 = arith.constant 6 : i32
      %dma_wait3A_2463 = arith.constant 0 : i32
      %dma_wait3A_2464 = arith.constant 0 : i32
      %dma_wait3A_2465 = tpu.memref_slice %arg12[%dma_wait3A_2462, %dma_wait3A_2463, %dma_wait3A_2464] : memref<8x32x128xf32, #tpu.memory_space<vmem>> -> memref<1x32x128xf32, #tpu.memory_space<vmem>>
      %dma_wait3A_2466 = tpu.memref_squeeze %dma_wait3A_2465 : memref<1x32x128xf32, #tpu.memory_space<vmem>> -> memref<32x128xf32, #tpu.memory_space<vmem>>
      %dma_wait3A_2467 = arith.constant 0 : i32
      %dma_wait3A_2468 = arith.constant 0 : i32
      %dma_wait3A_2469 = tpu.memref_slice %arg4[%dma_wait3A_2467, %dma_wait3A_2468] : memref<32x1000000xf32, #tpu.memory_space<hbm>> -> memref<32x128xf32, #tpu.memory_space<hbm>>
      %dma_wait3A_2470 = arith.constant 0 : i32
      %dma_wait3A_2471 = arith.constant 0 : i32
      %dma_wait3A_2472 = tpu.memref_slice %arg12[%dma_wait3A_2462, %dma_wait3A_2470, %dma_wait3A_2471] : memref<8x32x128xf32, #tpu.memory_space<vmem>> -> memref<1x32x128xf32, #tpu.memory_space<vmem>>
      %dma_wait3A_2473 = tpu.memref_squeeze %dma_wait3A_2472 : memref<1x32x128xf32, #tpu.memory_space<vmem>> -> memref<32x128xf32, #tpu.memory_space<vmem>>
      %dma_wait3A_2474 = arith.constant 0 : i32
      %dma_wait3A_2475 = arith.constant 0 : i32
      %dma_wait3A_2476 = tpu.memref_slice %arg4[%dma_wait3A_2474, %dma_wait3A_2475] : memref<32x1000000xf32, #tpu.memory_space<hbm>> -> memref<32x128xf32, #tpu.memory_space<hbm>>
      tpu.wait_dma2 semaphore(%arg18 : memref<!tpu.dma_semaphore, #tpu.memory_space<semaphore_mem>>) src(%dma_wait3A_2476 : memref<32x128xf32, #tpu.memory_space<hbm>>) dst(%dma_wait3A_2473 : memref<32x128xf32, #tpu.memory_space<vmem>>)
      %dma_wait3A_2477 = arith.constant 6 : i32
      %dma_wait3A_2478 = arith.constant 0 : i32
      %dma_wait3A_2479 = arith.constant 0 : i32
      %dma_wait3A_2480 = tpu.memref_slice %arg13[%dma_wait3A_2477, %dma_wait3A_2478, %dma_wait3A_2479] : memref<8x32x128xf32, #tpu.memory_space<vmem>> -> memref<1x32x128xf32, #tpu.memory_space<vmem>>
      %dma_wait3A_2481 = tpu.memref_squeeze %dma_wait3A_2480 : memref<1x32x128xf32, #tpu.memory_space<vmem>> -> memref<32x128xf32, #tpu.memory_space<vmem>>
      %dma_wait3A_2482 = arith.constant 0 : i32
      %dma_wait3A_2483 = arith.constant 0 : i32
      %dma_wait3A_2484 = tpu.memref_slice %arg5[%dma_wait3A_2482, %dma_wait3A_2483] : memref<32x1000000xf32, #tpu.memory_space<hbm>> -> memref<32x128xf32, #tpu.memory_space<hbm>>
      %dma_wait3A_2485 = arith.constant 0 : i32
      %dma_wait3A_2486 = arith.constant 0 : i32
      %dma_wait3A_2487 = tpu.memref_slice %arg13[%dma_wait3A_2477, %dma_wait3A_2485, %dma_wait3A_2486] : memref<8x32x128xf32, #tpu.memory_space<vmem>> -> memref<1x32x128xf32, #tpu.memory_space<vmem>>
      %dma_wait3A_2488 = tpu.memref_squeeze %dma_wait3A_2487 : memref<1x32x128xf32, #tpu.memory_space<vmem>> -> memref<32x128xf32, #tpu.memory_space<vmem>>
      %dma_wait3A_2489 = arith.constant 0 : i32
      %dma_wait3A_2490 = arith.constant 0 : i32
      %dma_wait3A_2491 = tpu.memref_slice %arg5[%dma_wait3A_2489, %dma_wait3A_2490] : memref<32x1000000xf32, #tpu.memory_space<hbm>> -> memref<32x128xf32, #tpu.memory_space<hbm>>
      tpu.wait_dma2 semaphore(%arg18 : memref<!tpu.dma_semaphore, #tpu.memory_space<semaphore_mem>>) src(%dma_wait3A_2491 : memref<32x128xf32, #tpu.memory_space<hbm>>) dst(%dma_wait3A_2488 : memref<32x128xf32, #tpu.memory_space<vmem>>)
      %dma_wait3A_2492 = arith.constant 6 : i32
      %dma_wait3A_2493 = arith.constant 0 : i32
      %dma_wait3A_2494 = arith.constant 0 : i32
      %dma_wait3A_2495 = tpu.memref_slice %arg14[%dma_wait3A_2492, %dma_wait3A_2493, %dma_wait3A_2494] : memref<8x16x128xf32, #tpu.memory_space<vmem>> -> memref<1x16x128xf32, #tpu.memory_space<vmem>>
      %dma_wait3A_2496 = tpu.memref_squeeze %dma_wait3A_2495 : memref<1x16x128xf32, #tpu.memory_space<vmem>> -> memref<16x128xf32, #tpu.memory_space<vmem>>
      %dma_wait3A_2497 = arith.constant 0 : i32
      %dma_wait3A_2498 = arith.constant 0 : i32
      %dma_wait3A_2499 = tpu.memref_slice %arg6[%dma_wait3A_2497, %dma_wait3A_2498] : memref<16x1000000xf32, #tpu.memory_space<hbm>> -> memref<16x128xf32, #tpu.memory_space<hbm>>
      %dma_wait3A_2500 = arith.constant 0 : i32
      %dma_wait3A_2501 = arith.constant 0 : i32
      %dma_wait3A_2502 = tpu.memref_slice %arg14[%dma_wait3A_2492, %dma_wait3A_2500, %dma_wait3A_2501] : memref<8x16x128xf32, #tpu.memory_space<vmem>> -> memref<1x16x128xf32, #tpu.memory_space<vmem>>
      %dma_wait3A_2503 = tpu.memref_squeeze %dma_wait3A_2502 : memref<1x16x128xf32, #tpu.memory_space<vmem>> -> memref<16x128xf32, #tpu.memory_space<vmem>>
      %dma_wait3A_2504 = arith.constant 0 : i32
      %dma_wait3A_2505 = arith.constant 0 : i32
      %dma_wait3A_2506 = tpu.memref_slice %arg6[%dma_wait3A_2504, %dma_wait3A_2505] : memref<16x1000000xf32, #tpu.memory_space<hbm>> -> memref<16x128xf32, #tpu.memory_space<hbm>>
      tpu.wait_dma2 semaphore(%arg18 : memref<!tpu.dma_semaphore, #tpu.memory_space<semaphore_mem>>) src(%dma_wait3A_2506 : memref<16x128xf32, #tpu.memory_space<hbm>>) dst(%dma_wait3A_2503 : memref<16x128xf32, #tpu.memory_space<vmem>>)
      %dma_wait3A_2507 = arith.constant 6 : i32
      %dma_wait3A_2508 = arith.constant 0 : i32
      %dma_wait3A_2509 = arith.constant 0 : i32
      %dma_wait3A_2510 = tpu.memref_slice %arg15[%dma_wait3A_2507, %dma_wait3A_2508, %dma_wait3A_2509] : memref<8x16x128xf32, #tpu.memory_space<vmem>> -> memref<1x16x128xf32, #tpu.memory_space<vmem>>
      %dma_wait3A_2511 = tpu.memref_squeeze %dma_wait3A_2510 : memref<1x16x128xf32, #tpu.memory_space<vmem>> -> memref<16x128xf32, #tpu.memory_space<vmem>>
      %dma_wait3A_2512 = arith.constant 0 : i32
      %dma_wait3A_2513 = arith.constant 0 : i32
      %dma_wait3A_2514 = tpu.memref_slice %arg7[%dma_wait3A_2512, %dma_wait3A_2513] : memref<16x1000000xf32, #tpu.memory_space<hbm>> -> memref<16x128xf32, #tpu.memory_space<hbm>>
      %dma_wait3A_2515 = arith.constant 0 : i32
      %dma_wait3A_2516 = arith.constant 0 : i32
      %dma_wait3A_2517 = tpu.memref_slice %arg15[%dma_wait3A_2507, %dma_wait3A_2515, %dma_wait3A_2516] : memref<8x16x128xf32, #tpu.memory_space<vmem>> -> memref<1x16x128xf32, #tpu.memory_space<vmem>>
      %dma_wait3A_2518 = tpu.memref_squeeze %dma_wait3A_2517 : memref<1x16x128xf32, #tpu.memory_space<vmem>> -> memref<16x128xf32, #tpu.memory_space<vmem>>
      %dma_wait3A_2519 = arith.constant 0 : i32
      %dma_wait3A_2520 = arith.constant 0 : i32
      %dma_wait3A_2521 = tpu.memref_slice %arg7[%dma_wait3A_2519, %dma_wait3A_2520] : memref<16x1000000xf32, #tpu.memory_space<hbm>> -> memref<16x128xf32, #tpu.memory_space<hbm>>
      tpu.wait_dma2 semaphore(%arg18 : memref<!tpu.dma_semaphore, #tpu.memory_space<semaphore_mem>>) src(%dma_wait3A_2521 : memref<16x128xf32, #tpu.memory_space<hbm>>) dst(%dma_wait3A_2518 : memref<16x128xf32, #tpu.memory_space<vmem>>)
      %dma_wait3A_2522 = arith.constant 7 : i32
      %dma_wait3A_2523 = arith.constant 0 : i32
      %dma_wait3A_2524 = arith.constant 0 : i32
      %dma_wait3A_2525 = tpu.memref_slice %arg12[%dma_wait3A_2522, %dma_wait3A_2523, %dma_wait3A_2524] : memref<8x32x128xf32, #tpu.memory_space<vmem>> -> memref<1x32x128xf32, #tpu.memory_space<vmem>>
      %dma_wait3A_2526 = tpu.memref_squeeze %dma_wait3A_2525 : memref<1x32x128xf32, #tpu.memory_space<vmem>> -> memref<32x128xf32, #tpu.memory_space<vmem>>
      %dma_wait3A_2527 = arith.constant 0 : i32
      %dma_wait3A_2528 = arith.constant 0 : i32
      %dma_wait3A_2529 = tpu.memref_slice %arg4[%dma_wait3A_2527, %dma_wait3A_2528] : memref<32x1000000xf32, #tpu.memory_space<hbm>> -> memref<32x128xf32, #tpu.memory_space<hbm>>
      %dma_wait3A_2530 = arith.constant 0 : i32
      %dma_wait3A_2531 = arith.constant 0 : i32
      %dma_wait3A_2532 = tpu.memref_slice %arg12[%dma_wait3A_2522, %dma_wait3A_2530, %dma_wait3A_2531] : memref<8x32x128xf32, #tpu.memory_space<vmem>> -> memref<1x32x128xf32, #tpu.memory_space<vmem>>
      %dma_wait3A_2533 = tpu.memref_squeeze %dma_wait3A_2532 : memref<1x32x128xf32, #tpu.memory_space<vmem>> -> memref<32x128xf32, #tpu.memory_space<vmem>>
      %dma_wait3A_2534 = arith.constant 0 : i32
      %dma_wait3A_2535 = arith.constant 0 : i32
      %dma_wait3A_2536 = tpu.memref_slice %arg4[%dma_wait3A_2534, %dma_wait3A_2535] : memref<32x1000000xf32, #tpu.memory_space<hbm>> -> memref<32x128xf32, #tpu.memory_space<hbm>>
      tpu.wait_dma2 semaphore(%arg18 : memref<!tpu.dma_semaphore, #tpu.memory_space<semaphore_mem>>) src(%dma_wait3A_2536 : memref<32x128xf32, #tpu.memory_space<hbm>>) dst(%dma_wait3A_2533 : memref<32x128xf32, #tpu.memory_space<vmem>>)
      %dma_wait3A_2537 = arith.constant 7 : i32
      %dma_wait3A_2538 = arith.constant 0 : i32
      %dma_wait3A_2539 = arith.constant 0 : i32
      %dma_wait3A_2540 = tpu.memref_slice %arg13[%dma_wait3A_2537, %dma_wait3A_2538, %dma_wait3A_2539] : memref<8x32x128xf32, #tpu.memory_space<vmem>> -> memref<1x32x128xf32, #tpu.memory_space<vmem>>
      %dma_wait3A_2541 = tpu.memref_squeeze %dma_wait3A_2540 : memref<1x32x128xf32, #tpu.memory_space<vmem>> -> memref<32x128xf32, #tpu.memory_space<vmem>>
      %dma_wait3A_2542 = arith.constant 0 : i32
      %dma_wait3A_2543 = arith.constant 0 : i32
      %dma_wait3A_2544 = tpu.memref_slice %arg5[%dma_wait3A_2542, %dma_wait3A_2543] : memref<32x1000000xf32, #tpu.memory_space<hbm>> -> memref<32x128xf32, #tpu.memory_space<hbm>>
      %dma_wait3A_2545 = arith.constant 0 : i32
      %dma_wait3A_2546 = arith.constant 0 : i32
      %dma_wait3A_2547 = tpu.memref_slice %arg13[%dma_wait3A_2537, %dma_wait3A_2545, %dma_wait3A_2546] : memref<8x32x128xf32, #tpu.memory_space<vmem>> -> memref<1x32x128xf32, #tpu.memory_space<vmem>>
      %dma_wait3A_2548 = tpu.memref_squeeze %dma_wait3A_2547 : memref<1x32x128xf32, #tpu.memory_space<vmem>> -> memref<32x128xf32, #tpu.memory_space<vmem>>
      %dma_wait3A_2549 = arith.constant 0 : i32
      %dma_wait3A_2550 = arith.constant 0 : i32
      %dma_wait3A_2551 = tpu.memref_slice %arg5[%dma_wait3A_2549, %dma_wait3A_2550] : memref<32x1000000xf32, #tpu.memory_space<hbm>> -> memref<32x128xf32, #tpu.memory_space<hbm>>
      tpu.wait_dma2 semaphore(%arg18 : memref<!tpu.dma_semaphore, #tpu.memory_space<semaphore_mem>>) src(%dma_wait3A_2551 : memref<32x128xf32, #tpu.memory_space<hbm>>) dst(%dma_wait3A_2548 : memref<32x128xf32, #tpu.memory_space<vmem>>)
      %dma_wait3A_2552 = arith.constant 7 : i32
      %dma_wait3A_2553 = arith.constant 0 : i32
      %dma_wait3A_2554 = arith.constant 0 : i32
      %dma_wait3A_2555 = tpu.memref_slice %arg14[%dma_wait3A_2552, %dma_wait3A_2553, %dma_wait3A_2554] : memref<8x16x128xf32, #tpu.memory_space<vmem>> -> memref<1x16x128xf32, #tpu.memory_space<vmem>>
      %dma_wait3A_2556 = tpu.memref_squeeze %dma_wait3A_2555 : memref<1x16x128xf32, #tpu.memory_space<vmem>> -> memref<16x128xf32, #tpu.memory_space<vmem>>
      %dma_wait3A_2557 = arith.constant 0 : i32
      %dma_wait3A_2558 = arith.constant 0 : i32
      %dma_wait3A_2559 = tpu.memref_slice %arg6[%dma_wait3A_2557, %dma_wait3A_2558] : memref<16x1000000xf32, #tpu.memory_space<hbm>> -> memref<16x128xf32, #tpu.memory_space<hbm>>
      %dma_wait3A_2560 = arith.constant 0 : i32
      %dma_wait3A_2561 = arith.constant 0 : i32
      %dma_wait3A_2562 = tpu.memref_slice %arg14[%dma_wait3A_2552, %dma_wait3A_2560, %dma_wait3A_2561] : memref<8x16x128xf32, #tpu.memory_space<vmem>> -> memref<1x16x128xf32, #tpu.memory_space<vmem>>
      %dma_wait3A_2563 = tpu.memref_squeeze %dma_wait3A_2562 : memref<1x16x128xf32, #tpu.memory_space<vmem>> -> memref<16x128xf32, #tpu.memory_space<vmem>>
      %dma_wait3A_2564 = arith.constant 0 : i32
      %dma_wait3A_2565 = arith.constant 0 : i32
      %dma_wait3A_2566 = tpu.memref_slice %arg6[%dma_wait3A_2564, %dma_wait3A_2565] : memref<16x1000000xf32, #tpu.memory_space<hbm>> -> memref<16x128xf32, #tpu.memory_space<hbm>>
      tpu.wait_dma2 semaphore(%arg18 : memref<!tpu.dma_semaphore, #tpu.memory_space<semaphore_mem>>) src(%dma_wait3A_2566 : memref<16x128xf32, #tpu.memory_space<hbm>>) dst(%dma_wait3A_2563 : memref<16x128xf32, #tpu.memory_space<vmem>>)
      %dma_wait3A_2567 = arith.constant 7 : i32
      %dma_wait3A_2568 = arith.constant 0 : i32
      %dma_wait3A_2569 = arith.constant 0 : i32
      %dma_wait3A_2570 = tpu.memref_slice %arg15[%dma_wait3A_2567, %dma_wait3A_2568, %dma_wait3A_2569] : memref<8x16x128xf32, #tpu.memory_space<vmem>> -> memref<1x16x128xf32, #tpu.memory_space<vmem>>
      %dma_wait3A_2571 = tpu.memref_squeeze %dma_wait3A_2570 : memref<1x16x128xf32, #tpu.memory_space<vmem>> -> memref<16x128xf32, #tpu.memory_space<vmem>>
      %dma_wait3A_2572 = arith.constant 0 : i32
      %dma_wait3A_2573 = arith.constant 0 : i32
      %dma_wait3A_2574 = tpu.memref_slice %arg7[%dma_wait3A_2572, %dma_wait3A_2573] : memref<16x1000000xf32, #tpu.memory_space<hbm>> -> memref<16x128xf32, #tpu.memory_space<hbm>>
      %dma_wait3A_2575 = arith.constant 0 : i32
      %dma_wait3A_2576 = arith.constant 0 : i32
      %dma_wait3A_2577 = tpu.memref_slice %arg15[%dma_wait3A_2567, %dma_wait3A_2575, %dma_wait3A_2576] : memref<8x16x128xf32, #tpu.memory_space<vmem>> -> memref<1x16x128xf32, #tpu.memory_space<vmem>>
      %dma_wait3A_2578 = tpu.memref_squeeze %dma_wait3A_2577 : memref<1x16x128xf32, #tpu.memory_space<vmem>> -> memref<16x128xf32, #tpu.memory_space<vmem>>
      %dma_wait3A_2579 = arith.constant 0 : i32
      %dma_wait3A_2580 = arith.constant 0 : i32
      %dma_wait3A_2581 = tpu.memref_slice %arg7[%dma_wait3A_2579, %dma_wait3A_2580] : memref<16x1000000xf32, #tpu.memory_space<hbm>> -> memref<16x128xf32, #tpu.memory_space<hbm>>
      tpu.wait_dma2 semaphore(%arg18 : memref<!tpu.dma_semaphore, #tpu.memory_space<semaphore_mem>>) src(%dma_wait3A_2581 : memref<16x128xf32, #tpu.memory_space<hbm>>) dst(%dma_wait3A_2578 : memref<16x128xf32, #tpu.memory_space<vmem>>)
      %slice3A_2582 = vector.extract_strided_slice %get3A_11 {offsets = [8], sizes = [1], strides = [1]} : vector<16xi32> to vector<1xi32>
      %squeeze3A_2583 = vector.extract %slice3A_2582[0] : i32 from vector<1xi32>
      %and3A_2584 = arith.constant 127 : i32
      %and3A_2585 = arith.andi %squeeze3A_2583, %and3A_2584 : i32
      %broadcast_in_dim3A_2586 = vector.broadcast %and3A_2585 : i32 to vector<16xi32>
      %slice3A_2587 = vector.extract_strided_slice %get3A_15 {offsets = [8], sizes = [1], strides = [1]} : vector<16xi32> to vector<1xi32>
      %squeeze3A_2588 = vector.extract %slice3A_2587[0] : i32 from vector<1xi32>
      %and3A_2589 = arith.constant 127 : i32
      %and3A_2590 = arith.andi %squeeze3A_2588, %and3A_2589 : i32
      %broadcast_in_dim3A_2591 = vector.broadcast %and3A_2590 : i32 to vector<16xi32>
      %gather3A_2592 = arith.constant 0 : i32
      %gather3A_2593 = arith.constant 0 : i32
      %gather3A_2594 = arith.constant 0 : i32
      %gather3A_2595 = tpu.memref_slice %arg12[%gather3A_2592, %gather3A_2593, %gather3A_2594] : memref<8x32x128xf32, #tpu.memory_space<vmem>> -> memref<1x32x128xf32, #tpu.memory_space<vmem>>
      %gather3A_2596 = tpu.memref_squeeze %gather3A_2595 : memref<1x32x128xf32, #tpu.memory_space<vmem>> -> memref<32x128xf32, #tpu.memory_space<vmem>>
      %gather3A_2597 = tpu.vector_load_idx %gather3A_2596[%iota3A, %broadcast_in_dim3A_2586] : memref<32x128xf32, #tpu.memory_space<vmem>>[vector<16xi32>, vector<16xi32>], vector<16xf32>,
      %add3A_2598 = arith.constant 16 : i32
      %add3A_2599 = vector.broadcast %add3A_2598 : i32 to vector<16xi32>
      %add3A_2600 = arith.addi %iota3A, %add3A_2599 : vector<16xi32>
      %gather3A_2601 = arith.constant 0 : i32
      %gather3A_2602 = arith.constant 0 : i32
      %gather3A_2603 = arith.constant 0 : i32
      %gather3A_2604 = tpu.memref_slice %arg12[%gather3A_2601, %gather3A_2602, %gather3A_2603] : memref<8x32x128xf32, #tpu.memory_space<vmem>> -> memref<1x32x128xf32, #tpu.memory_space<vmem>>
      %gather3A_2605 = tpu.memref_squeeze %gather3A_2604 : memref<1x32x128xf32, #tpu.memory_space<vmem>> -> memref<32x128xf32, #tpu.memory_space<vmem>>
      %gather3A_2606 = tpu.vector_load_idx %gather3A_2605[%add3A_2600, %broadcast_in_dim3A_2586] : memref<32x128xf32, #tpu.memory_space<vmem>>[vector<16xi32>, vector<16xi32>], vector<16xf32>,
      %gather3A_2607 = arith.constant 0 : i32
      %gather3A_2608 = arith.constant 0 : i32
      %gather3A_2609 = arith.constant 0 : i32
      %gather3A_2610 = tpu.memref_slice %arg13[%gather3A_2607, %gather3A_2608, %gather3A_2609] : memref<8x32x128xf32, #tpu.memory_space<vmem>> -> memref<1x32x128xf32, #tpu.memory_space<vmem>>
      %gather3A_2611 = tpu.memref_squeeze %gather3A_2610 : memref<1x32x128xf32, #tpu.memory_space<vmem>> -> memref<32x128xf32, #tpu.memory_space<vmem>>
      %gather3A_2612 = tpu.vector_load_idx %gather3A_2611[%iota3A, %broadcast_in_dim3A_2591] : memref<32x128xf32, #tpu.memory_space<vmem>>[vector<16xi32>, vector<16xi32>], vector<16xf32>,
      %add3A_2613 = arith.constant 16 : i32
      %add3A_2614 = vector.broadcast %add3A_2613 : i32 to vector<16xi32>
      %add3A_2615 = arith.addi %iota3A, %add3A_2614 : vector<16xi32>
      %gather3A_2616 = arith.constant 0 : i32
      %gather3A_2617 = arith.constant 0 : i32
      %gather3A_2618 = arith.constant 0 : i32
      %gather3A_2619 = tpu.memref_slice %arg13[%gather3A_2616, %gather3A_2617, %gather3A_2618] : memref<8x32x128xf32, #tpu.memory_space<vmem>> -> memref<1x32x128xf32, #tpu.memory_space<vmem>>
      %gather3A_2620 = tpu.memref_squeeze %gather3A_2619 : memref<1x32x128xf32, #tpu.memory_space<vmem>> -> memref<32x128xf32, #tpu.memory_space<vmem>>
      %gather3A_2621 = tpu.vector_load_idx %gather3A_2620[%add3A_2615, %broadcast_in_dim3A_2591] : memref<32x128xf32, #tpu.memory_space<vmem>>[vector<16xi32>, vector<16xi32>], vector<16xf32>,
      %mul3A_2622 = arith.mulf %gather3A_2597, %gather3A_2612 : vector<16xf32>
      %swap3A_2623 = arith.constant 8 : i32
      %swap3A_2624 = arith.index_cast %swap3A_2623 : i32 to index
      %swap3A_2625 = arith.constant 0 : index
      %swap3A_2626 = tpu.vector_load %arg16[%swap3A_2624, %swap3A_2625] {strides = array<i32>} : memref<16x32xf32, #tpu.memory_space<vmem>>, vector<16xf32>,
      tpu.vector_store %arg16[%swap3A_2624, %swap3A_2625], %mul3A_2622 {strides = array<i32>} : memref<16x32xf32, #tpu.memory_space<vmem>>, vector<16xf32>,
      %mul3A_2627 = arith.mulf %gather3A_2606, %gather3A_2621 : vector<16xf32>
      %swap3A_2628 = arith.constant 8 : i32
      %swap3A_2629 = arith.index_cast %swap3A_2628 : i32 to index
      %swap3A_2630 = arith.constant 16 : index
      %swap3A_2631 = tpu.vector_load %arg16[%swap3A_2629, %swap3A_2630] {strides = array<i32>} : memref<16x32xf32, #tpu.memory_space<vmem>>, vector<16xf32>,
      tpu.vector_store %arg16[%swap3A_2629, %swap3A_2630], %mul3A_2627 {strides = array<i32>} : memref<16x32xf32, #tpu.memory_space<vmem>>, vector<16xf32>,
      %gather3A_2632 = arith.constant 0 : i32
      %gather3A_2633 = arith.constant 0 : i32
      %gather3A_2634 = arith.constant 0 : i32
      %gather3A_2635 = tpu.memref_slice %arg14[%gather3A_2632, %gather3A_2633, %gather3A_2634] : memref<8x16x128xf32, #tpu.memory_space<vmem>> -> memref<1x16x128xf32, #tpu.memory_space<vmem>>
      %gather3A_2636 = tpu.memref_squeeze %gather3A_2635 : memref<1x16x128xf32, #tpu.memory_space<vmem>> -> memref<16x128xf32, #tpu.memory_space<vmem>>
      %gather3A_2637 = tpu.vector_load_idx %gather3A_2636[%iota3A, %broadcast_in_dim3A_2586] : memref<16x128xf32, #tpu.memory_space<vmem>>[vector<16xi32>, vector<16xi32>], vector<16xf32>,
      %swap3A_2638 = arith.constant 8 : i32
      %swap3A_2639 = arith.index_cast %swap3A_2638 : i32 to index
      %swap3A_2640 = arith.constant 0 : index
      %swap3A_2641 = tpu.vector_load %arg17[%swap3A_2639, %swap3A_2640] {strides = array<i32>} : memref<16x32xf32, #tpu.memory_space<vmem>>, vector<16xf32>,
      tpu.vector_store %arg17[%swap3A_2639, %swap3A_2640], %gather3A_2637 {strides = array<i32>} : memref<16x32xf32, #tpu.memory_space<vmem>>, vector<16xf32>,
      %gather3A_2642 = arith.constant 0 : i32
      %gather3A_2643 = arith.constant 0 : i32
      %gather3A_2644 = arith.constant 0 : i32
      %gather3A_2645 = tpu.memref_slice %arg15[%gather3A_2642, %gather3A_2643, %gather3A_2644] : memref<8x16x128xf32, #tpu.memory_space<vmem>> -> memref<1x16x128xf32, #tpu.memory_space<vmem>>
      %gather3A_2646 = tpu.memref_squeeze %gather3A_2645 : memref<1x16x128xf32, #tpu.memory_space<vmem>> -> memref<16x128xf32, #tpu.memory_space<vmem>>
      %gather3A_2647 = tpu.vector_load_idx %gather3A_2646[%iota3A, %broadcast_in_dim3A_2591] : memref<16x128xf32, #tpu.memory_space<vmem>>[vector<16xi32>, vector<16xi32>], vector<16xf32>,
      %swap3A_2648 = arith.constant 8 : i32
      %swap3A_2649 = arith.index_cast %swap3A_2648 : i32 to index
      %swap3A_2650 = arith.constant 16 : index
      %swap3A_2651 = tpu.vector_load %arg17[%swap3A_2649, %swap3A_2650] {strides = array<i32>} : memref<16x32xf32, #tpu.memory_space<vmem>>, vector<16xf32>,
      tpu.vector_store %arg17[%swap3A_2649, %swap3A_2650], %gather3A_2647 {strides = array<i32>} : memref<16x32xf32, #tpu.memory_space<vmem>>, vector<16xf32>,
      %slice3A_2652 = vector.extract_strided_slice %get3A_11 {offsets = [9], sizes = [1], strides = [1]} : vector<16xi32> to vector<1xi32>
      %squeeze3A_2653 = vector.extract %slice3A_2652[0] : i32 from vector<1xi32>
      %and3A_2654 = arith.constant 127 : i32
      %and3A_2655 = arith.andi %squeeze3A_2653, %and3A_2654 : i32
      %broadcast_in_dim3A_2656 = vector.broadcast %and3A_2655 : i32 to vector<16xi32>
      %slice3A_2657 = vector.extract_strided_slice %get3A_15 {offsets = [9], sizes = [1], strides = [1]} : vector<16xi32> to vector<1xi32>
      %squeeze3A_2658 = vector.extract %slice3A_2657[0] : i32 from vector<1xi32>
      %and3A_2659 = arith.constant 127 : i32
      %and3A_2660 = arith.andi %squeeze3A_2658, %and3A_2659 : i32
      %broadcast_in_dim3A_2661 = vector.broadcast %and3A_2660 : i32 to vector<16xi32>
      %gather3A_2662 = arith.constant 1 : i32
      %gather3A_2663 = arith.constant 0 : i32
      %gather3A_2664 = arith.constant 0 : i32
      %gather3A_2665 = tpu.memref_slice %arg12[%gather3A_2662, %gather3A_2663, %gather3A_2664] : memref<8x32x128xf32, #tpu.memory_space<vmem>> -> memref<1x32x128xf32, #tpu.memory_space<vmem>>
      %gather3A_2666 = tpu.memref_squeeze %gather3A_2665 : memref<1x32x128xf32, #tpu.memory_space<vmem>> -> memref<32x128xf32, #tpu.memory_space<vmem>>
      %gather3A_2667 = tpu.vector_load_idx %gather3A_2666[%iota3A, %broadcast_in_dim3A_2656] : memref<32x128xf32, #tpu.memory_space<vmem>>[vector<16xi32>, vector<16xi32>], vector<16xf32>,
      %add3A_2668 = arith.constant 16 : i32
      %add3A_2669 = vector.broadcast %add3A_2668 : i32 to vector<16xi32>
      %add3A_2670 = arith.addi %iota3A, %add3A_2669 : vector<16xi32>
      %gather3A_2671 = arith.constant 1 : i32
      %gather3A_2672 = arith.constant 0 : i32
      %gather3A_2673 = arith.constant 0 : i32
      %gather3A_2674 = tpu.memref_slice %arg12[%gather3A_2671, %gather3A_2672, %gather3A_2673] : memref<8x32x128xf32, #tpu.memory_space<vmem>> -> memref<1x32x128xf32, #tpu.memory_space<vmem>>
      %gather3A_2675 = tpu.memref_squeeze %gather3A_2674 : memref<1x32x128xf32, #tpu.memory_space<vmem>> -> memref<32x128xf32, #tpu.memory_space<vmem>>
      %gather3A_2676 = tpu.vector_load_idx %gather3A_2675[%add3A_2670, %broadcast_in_dim3A_2656] : memref<32x128xf32, #tpu.memory_space<vmem>>[vector<16xi32>, vector<16xi32>], vector<16xf32>,
      %gather3A_2677 = arith.constant 1 : i32
      %gather3A_2678 = arith.constant 0 : i32
      %gather3A_2679 = arith.constant 0 : i32
      %gather3A_2680 = tpu.memref_slice %arg13[%gather3A_2677, %gather3A_2678, %gather3A_2679] : memref<8x32x128xf32, #tpu.memory_space<vmem>> -> memref<1x32x128xf32, #tpu.memory_space<vmem>>
      %gather3A_2681 = tpu.memref_squeeze %gather3A_2680 : memref<1x32x128xf32, #tpu.memory_space<vmem>> -> memref<32x128xf32, #tpu.memory_space<vmem>>
      %gather3A_2682 = tpu.vector_load_idx %gather3A_2681[%iota3A, %broadcast_in_dim3A_2661] : memref<32x128xf32, #tpu.memory_space<vmem>>[vector<16xi32>, vector<16xi32>], vector<16xf32>,
      %add3A_2683 = arith.constant 16 : i32
      %add3A_2684 = vector.broadcast %add3A_2683 : i32 to vector<16xi32>
      %add3A_2685 = arith.addi %iota3A, %add3A_2684 : vector<16xi32>
      %gather3A_2686 = arith.constant 1 : i32
      %gather3A_2687 = arith.constant 0 : i32
      %gather3A_2688 = arith.constant 0 : i32
      %gather3A_2689 = tpu.memref_slice %arg13[%gather3A_2686, %gather3A_2687, %gather3A_2688] : memref<8x32x128xf32, #tpu.memory_space<vmem>> -> memref<1x32x128xf32, #tpu.memory_space<vmem>>
      %gather3A_2690 = tpu.memref_squeeze %gather3A_2689 : memref<1x32x128xf32, #tpu.memory_space<vmem>> -> memref<32x128xf32, #tpu.memory_space<vmem>>
      %gather3A_2691 = tpu.vector_load_idx %gather3A_2690[%add3A_2685, %broadcast_in_dim3A_2661] : memref<32x128xf32, #tpu.memory_space<vmem>>[vector<16xi32>, vector<16xi32>], vector<16xf32>,
      %mul3A_2692 = arith.mulf %gather3A_2667, %gather3A_2682 : vector<16xf32>
      %swap3A_2693 = arith.constant 9 : i32
      %swap3A_2694 = arith.index_cast %swap3A_2693 : i32 to index
      %swap3A_2695 = arith.constant 0 : index
      %swap3A_2696 = tpu.vector_load %arg16[%swap3A_2694, %swap3A_2695] {strides = array<i32>} : memref<16x32xf32, #tpu.memory_space<vmem>>, vector<16xf32>,
      tpu.vector_store %arg16[%swap3A_2694, %swap3A_2695], %mul3A_2692 {strides = array<i32>} : memref<16x32xf32, #tpu.memory_space<vmem>>, vector<16xf32>,
      %mul3A_2697 = arith.mulf %gather3A_2676, %gather3A_2691 : vector<16xf32>
      %swap3A_2698 = arith.constant 9 : i32
      %swap3A_2699 = arith.index_cast %swap3A_2698 : i32 to index
      %swap3A_2700 = arith.constant 16 : index
      %swap3A_2701 = tpu.vector_load %arg16[%swap3A_2699, %swap3A_2700] {strides = array<i32>} : memref<16x32xf32, #tpu.memory_space<vmem>>, vector<16xf32>,
      tpu.vector_store %arg16[%swap3A_2699, %swap3A_2700], %mul3A_2697 {strides = array<i32>} : memref<16x32xf32, #tpu.memory_space<vmem>>, vector<16xf32>,
      %gather3A_2702 = arith.constant 1 : i32
      %gather3A_2703 = arith.constant 0 : i32
      %gather3A_2704 = arith.constant 0 : i32
      %gather3A_2705 = tpu.memref_slice %arg14[%gather3A_2702, %gather3A_2703, %gather3A_2704] : memref<8x16x128xf32, #tpu.memory_space<vmem>> -> memref<1x16x128xf32, #tpu.memory_space<vmem>>
      %gather3A_2706 = tpu.memref_squeeze %gather3A_2705 : memref<1x16x128xf32, #tpu.memory_space<vmem>> -> memref<16x128xf32, #tpu.memory_space<vmem>>
      %gather3A_2707 = tpu.vector_load_idx %gather3A_2706[%iota3A, %broadcast_in_dim3A_2656] : memref<16x128xf32, #tpu.memory_space<vmem>>[vector<16xi32>, vector<16xi32>], vector<16xf32>,
      %swap3A_2708 = arith.constant 9 : i32
      %swap3A_2709 = arith.index_cast %swap3A_2708 : i32 to index
      %swap3A_2710 = arith.constant 0 : index
      %swap3A_2711 = tpu.vector_load %arg17[%swap3A_2709, %swap3A_2710] {strides = array<i32>} : memref<16x32xf32, #tpu.memory_space<vmem>>, vector<16xf32>,
      tpu.vector_store %arg17[%swap3A_2709, %swap3A_2710], %gather3A_2707 {strides = array<i32>} : memref<16x32xf32, #tpu.memory_space<vmem>>, vector<16xf32>,
      %gather3A_2712 = arith.constant 1 : i32
      %gather3A_2713 = arith.constant 0 : i32
      %gather3A_2714 = arith.constant 0 : i32
      %gather3A_2715 = tpu.memref_slice %arg15[%gather3A_2712, %gather3A_2713, %gather3A_2714] : memref<8x16x128xf32, #tpu.memory_space<vmem>> -> memref<1x16x128xf32, #tpu.memory_space<vmem>>
      %gather3A_2716 = tpu.memref_squeeze %gather3A_2715 : memref<1x16x128xf32, #tpu.memory_space<vmem>> -> memref<16x128xf32, #tpu.memory_space<vmem>>
      %gather3A_2717 = tpu.vector_load_idx %gather3A_2716[%iota3A, %broadcast_in_dim3A_2661] : memref<16x128xf32, #tpu.memory_space<vmem>>[vector<16xi32>, vector<16xi32>], vector<16xf32>,
      %swap3A_2718 = arith.constant 9 : i32
      %swap3A_2719 = arith.index_cast %swap3A_2718 : i32 to index
      %swap3A_2720 = arith.constant 16 : index
      %swap3A_2721 = tpu.vector_load %arg17[%swap3A_2719, %swap3A_2720] {strides = array<i32>} : memref<16x32xf32, #tpu.memory_space<vmem>>, vector<16xf32>,
      tpu.vector_store %arg17[%swap3A_2719, %swap3A_2720], %gather3A_2717 {strides = array<i32>} : memref<16x32xf32, #tpu.memory_space<vmem>>, vector<16xf32>,
      %slice3A_2722 = vector.extract_strided_slice %get3A_11 {offsets = [10], sizes = [1], strides = [1]} : vector<16xi32> to vector<1xi32>
      %squeeze3A_2723 = vector.extract %slice3A_2722[0] : i32 from vector<1xi32>
      %and3A_2724 = arith.constant 127 : i32
      %and3A_2725 = arith.andi %squeeze3A_2723, %and3A_2724 : i32
      %broadcast_in_dim3A_2726 = vector.broadcast %and3A_2725 : i32 to vector<16xi32>
      %slice3A_2727 = vector.extract_strided_slice %get3A_15 {offsets = [10], sizes = [1], strides = [1]} : vector<16xi32> to vector<1xi32>
      %squeeze3A_2728 = vector.extract %slice3A_2727[0] : i32 from vector<1xi32>
      %and3A_2729 = arith.constant 127 : i32
      %and3A_2730 = arith.andi %squeeze3A_2728, %and3A_2729 : i32
      %broadcast_in_dim3A_2731 = vector.broadcast %and3A_2730 : i32 to vector<16xi32>
      %gather3A_2732 = arith.constant 2 : i32
      %gather3A_2733 = arith.constant 0 : i32
      %gather3A_2734 = arith.constant 0 : i32
      %gather3A_2735 = tpu.memref_slice %arg12[%gather3A_2732, %gather3A_2733, %gather3A_2734] : memref<8x32x128xf32, #tpu.memory_space<vmem>> -> memref<1x32x128xf32, #tpu.memory_space<vmem>>
      %gather3A_2736 = tpu.memref_squeeze %gather3A_2735 : memref<1x32x128xf32, #tpu.memory_space<vmem>> -> memref<32x128xf32, #tpu.memory_space<vmem>>
      %gather3A_2737 = tpu.vector_load_idx %gather3A_2736[%iota3A, %broadcast_in_dim3A_2726] : memref<32x128xf32, #tpu.memory_space<vmem>>[vector<16xi32>, vector<16xi32>], vector<16xf32>,
      %add3A_2738 = arith.constant 16 : i32
      %add3A_2739 = vector.broadcast %add3A_2738 : i32 to vector<16xi32>
      %add3A_2740 = arith.addi %iota3A, %add3A_2739 : vector<16xi32>
      %gather3A_2741 = arith.constant 2 : i32
      %gather3A_2742 = arith.constant 0 : i32
      %gather3A_2743 = arith.constant 0 : i32
      %gather3A_2744 = tpu.memref_slice %arg12[%gather3A_2741, %gather3A_2742, %gather3A_2743] : memref<8x32x128xf32, #tpu.memory_space<vmem>> -> memref<1x32x128xf32, #tpu.memory_space<vmem>>
      %gather3A_2745 = tpu.memref_squeeze %gather3A_2744 : memref<1x32x128xf32, #tpu.memory_space<vmem>> -> memref<32x128xf32, #tpu.memory_space<vmem>>
      %gather3A_2746 = tpu.vector_load_idx %gather3A_2745[%add3A_2740, %broadcast_in_dim3A_2726] : memref<32x128xf32, #tpu.memory_space<vmem>>[vector<16xi32>, vector<16xi32>], vector<16xf32>,
      %gather3A_2747 = arith.constant 2 : i32
      %gather3A_2748 = arith.constant 0 : i32
      %gather3A_2749 = arith.constant 0 : i32
      %gather3A_2750 = tpu.memref_slice %arg13[%gather3A_2747, %gather3A_2748, %gather3A_2749] : memref<8x32x128xf32, #tpu.memory_space<vmem>> -> memref<1x32x128xf32, #tpu.memory_space<vmem>>
      %gather3A_2751 = tpu.memref_squeeze %gather3A_2750 : memref<1x32x128xf32, #tpu.memory_space<vmem>> -> memref<32x128xf32, #tpu.memory_space<vmem>>
      %gather3A_2752 = tpu.vector_load_idx %gather3A_2751[%iota3A, %broadcast_in_dim3A_2731] : memref<32x128xf32, #tpu.memory_space<vmem>>[vector<16xi32>, vector<16xi32>], vector<16xf32>,
      %add3A_2753 = arith.constant 16 : i32
      %add3A_2754 = vector.broadcast %add3A_2753 : i32 to vector<16xi32>
      %add3A_2755 = arith.addi %iota3A, %add3A_2754 : vector<16xi32>
      %gather3A_2756 = arith.constant 2 : i32
      %gather3A_2757 = arith.constant 0 : i32
      %gather3A_2758 = arith.constant 0 : i32
      %gather3A_2759 = tpu.memref_slice %arg13[%gather3A_2756, %gather3A_2757, %gather3A_2758] : memref<8x32x128xf32, #tpu.memory_space<vmem>> -> memref<1x32x128xf32, #tpu.memory_space<vmem>>
      %gather3A_2760 = tpu.memref_squeeze %gather3A_2759 : memref<1x32x128xf32, #tpu.memory_space<vmem>> -> memref<32x128xf32, #tpu.memory_space<vmem>>
      %gather3A_2761 = tpu.vector_load_idx %gather3A_2760[%add3A_2755, %broadcast_in_dim3A_2731] : memref<32x128xf32, #tpu.memory_space<vmem>>[vector<16xi32>, vector<16xi32>], vector<16xf32>,
      %mul3A_2762 = arith.mulf %gather3A_2737, %gather3A_2752 : vector<16xf32>
      %swap3A_2763 = arith.constant 10 : i32
      %swap3A_2764 = arith.index_cast %swap3A_2763 : i32 to index
      %swap3A_2765 = arith.constant 0 : index
      %swap3A_2766 = tpu.vector_load %arg16[%swap3A_2764, %swap3A_2765] {strides = array<i32>} : memref<16x32xf32, #tpu.memory_space<vmem>>, vector<16xf32>,
      tpu.vector_store %arg16[%swap3A_2764, %swap3A_2765], %mul3A_2762 {strides = array<i32>} : memref<16x32xf32, #tpu.memory_space<vmem>>, vector<16xf32>,
      %mul3A_2767 = arith.mulf %gather3A_2746, %gather3A_2761 : vector<16xf32>
      %swap3A_2768 = arith.constant 10 : i32
      %swap3A_2769 = arith.index_cast %swap3A_2768 : i32 to index
      %swap3A_2770 = arith.constant 16 : index
      %swap3A_2771 = tpu.vector_load %arg16[%swap3A_2769, %swap3A_2770] {strides = array<i32>} : memref<16x32xf32, #tpu.memory_space<vmem>>, vector<16xf32>,
      tpu.vector_store %arg16[%swap3A_2769, %swap3A_2770], %mul3A_2767 {strides = array<i32>} : memref<16x32xf32, #tpu.memory_space<vmem>>, vector<16xf32>,
      %gather3A_2772 = arith.constant 2 : i32
      %gather3A_2773 = arith.constant 0 : i32
      %gather3A_2774 = arith.constant 0 : i32
      %gather3A_2775 = tpu.memref_slice %arg14[%gather3A_2772, %gather3A_2773, %gather3A_2774] : memref<8x16x128xf32, #tpu.memory_space<vmem>> -> memref<1x16x128xf32, #tpu.memory_space<vmem>>
      %gather3A_2776 = tpu.memref_squeeze %gather3A_2775 : memref<1x16x128xf32, #tpu.memory_space<vmem>> -> memref<16x128xf32, #tpu.memory_space<vmem>>
      %gather3A_2777 = tpu.vector_load_idx %gather3A_2776[%iota3A, %broadcast_in_dim3A_2726] : memref<16x128xf32, #tpu.memory_space<vmem>>[vector<16xi32>, vector<16xi32>], vector<16xf32>,
      %swap3A_2778 = arith.constant 10 : i32
      %swap3A_2779 = arith.index_cast %swap3A_2778 : i32 to index
      %swap3A_2780 = arith.constant 0 : index
      %swap3A_2781 = tpu.vector_load %arg17[%swap3A_2779, %swap3A_2780] {strides = array<i32>} : memref<16x32xf32, #tpu.memory_space<vmem>>, vector<16xf32>,
      tpu.vector_store %arg17[%swap3A_2779, %swap3A_2780], %gather3A_2777 {strides = array<i32>} : memref<16x32xf32, #tpu.memory_space<vmem>>, vector<16xf32>,
      %gather3A_2782 = arith.constant 2 : i32
      %gather3A_2783 = arith.constant 0 : i32
      %gather3A_2784 = arith.constant 0 : i32
      %gather3A_2785 = tpu.memref_slice %arg15[%gather3A_2782, %gather3A_2783, %gather3A_2784] : memref<8x16x128xf32, #tpu.memory_space<vmem>> -> memref<1x16x128xf32, #tpu.memory_space<vmem>>
      %gather3A_2786 = tpu.memref_squeeze %gather3A_2785 : memref<1x16x128xf32, #tpu.memory_space<vmem>> -> memref<16x128xf32, #tpu.memory_space<vmem>>
      %gather3A_2787 = tpu.vector_load_idx %gather3A_2786[%iota3A, %broadcast_in_dim3A_2731] : memref<16x128xf32, #tpu.memory_space<vmem>>[vector<16xi32>, vector<16xi32>], vector<16xf32>,
      %swap3A_2788 = arith.constant 10 : i32
      %swap3A_2789 = arith.index_cast %swap3A_2788 : i32 to index
      %swap3A_2790 = arith.constant 16 : index
      %swap3A_2791 = tpu.vector_load %arg17[%swap3A_2789, %swap3A_2790] {strides = array<i32>} : memref<16x32xf32, #tpu.memory_space<vmem>>, vector<16xf32>,
      tpu.vector_store %arg17[%swap3A_2789, %swap3A_2790], %gather3A_2787 {strides = array<i32>} : memref<16x32xf32, #tpu.memory_space<vmem>>, vector<16xf32>,
      %slice3A_2792 = vector.extract_strided_slice %get3A_11 {offsets = [11], sizes = [1], strides = [1]} : vector<16xi32> to vector<1xi32>
      %squeeze3A_2793 = vector.extract %slice3A_2792[0] : i32 from vector<1xi32>
      %and3A_2794 = arith.constant 127 : i32
      %and3A_2795 = arith.andi %squeeze3A_2793, %and3A_2794 : i32
      %broadcast_in_dim3A_2796 = vector.broadcast %and3A_2795 : i32 to vector<16xi32>
      %slice3A_2797 = vector.extract_strided_slice %get3A_15 {offsets = [11], sizes = [1], strides = [1]} : vector<16xi32> to vector<1xi32>
      %squeeze3A_2798 = vector.extract %slice3A_2797[0] : i32 from vector<1xi32>
      %and3A_2799 = arith.constant 127 : i32
      %and3A_2800 = arith.andi %squeeze3A_2798, %and3A_2799 : i32
      %broadcast_in_dim3A_2801 = vector.broadcast %and3A_2800 : i32 to vector<16xi32>
      %gather3A_2802 = arith.constant 3 : i32
      %gather3A_2803 = arith.constant 0 : i32
      %gather3A_2804 = arith.constant 0 : i32
      %gather3A_2805 = tpu.memref_slice %arg12[%gather3A_2802, %gather3A_2803, %gather3A_2804] : memref<8x32x128xf32, #tpu.memory_space<vmem>> -> memref<1x32x128xf32, #tpu.memory_space<vmem>>
      %gather3A_2806 = tpu.memref_squeeze %gather3A_2805 : memref<1x32x128xf32, #tpu.memory_space<vmem>> -> memref<32x128xf32, #tpu.memory_space<vmem>>
      %gather3A_2807 = tpu.vector_load_idx %gather3A_2806[%iota3A, %broadcast_in_dim3A_2796] : memref<32x128xf32, #tpu.memory_space<vmem>>[vector<16xi32>, vector<16xi32>], vector<16xf32>,
      %add3A_2808 = arith.constant 16 : i32
      %add3A_2809 = vector.broadcast %add3A_2808 : i32 to vector<16xi32>
      %add3A_2810 = arith.addi %iota3A, %add3A_2809 : vector<16xi32>
      %gather3A_2811 = arith.constant 3 : i32
      %gather3A_2812 = arith.constant 0 : i32
      %gather3A_2813 = arith.constant 0 : i32
      %gather3A_2814 = tpu.memref_slice %arg12[%gather3A_2811, %gather3A_2812, %gather3A_2813] : memref<8x32x128xf32, #tpu.memory_space<vmem>> -> memref<1x32x128xf32, #tpu.memory_space<vmem>>
      %gather3A_2815 = tpu.memref_squeeze %gather3A_2814 : memref<1x32x128xf32, #tpu.memory_space<vmem>> -> memref<32x128xf32, #tpu.memory_space<vmem>>
      %gather3A_2816 = tpu.vector_load_idx %gather3A_2815[%add3A_2810, %broadcast_in_dim3A_2796] : memref<32x128xf32, #tpu.memory_space<vmem>>[vector<16xi32>, vector<16xi32>], vector<16xf32>,
      %gather3A_2817 = arith.constant 3 : i32
      %gather3A_2818 = arith.constant 0 : i32
      %gather3A_2819 = arith.constant 0 : i32
      %gather3A_2820 = tpu.memref_slice %arg13[%gather3A_2817, %gather3A_2818, %gather3A_2819] : memref<8x32x128xf32, #tpu.memory_space<vmem>> -> memref<1x32x128xf32, #tpu.memory_space<vmem>>
      %gather3A_2821 = tpu.memref_squeeze %gather3A_2820 : memref<1x32x128xf32, #tpu.memory_space<vmem>> -> memref<32x128xf32, #tpu.memory_space<vmem>>
      %gather3A_2822 = tpu.vector_load_idx %gather3A_2821[%iota3A, %broadcast_in_dim3A_2801] : memref<32x128xf32, #tpu.memory_space<vmem>>[vector<16xi32>, vector<16xi32>], vector<16xf32>,
      %add3A_2823 = arith.constant 16 : i32
      %add3A_2824 = vector.broadcast %add3A_2823 : i32 to vector<16xi32>
      %add3A_2825 = arith.addi %iota3A, %add3A_2824 : vector<16xi32>
      %gather3A_2826 = arith.constant 3 : i32
      %gather3A_2827 = arith.constant 0 : i32
      %gather3A_2828 = arith.constant 0 : i32
      %gather3A_2829 = tpu.memref_slice %arg13[%gather3A_2826, %gather3A_2827, %gather3A_2828] : memref<8x32x128xf32, #tpu.memory_space<vmem>> -> memref<1x32x128xf32, #tpu.memory_space<vmem>>
      %gather3A_2830 = tpu.memref_squeeze %gather3A_2829 : memref<1x32x128xf32, #tpu.memory_space<vmem>> -> memref<32x128xf32, #tpu.memory_space<vmem>>
      %gather3A_2831 = tpu.vector_load_idx %gather3A_2830[%add3A_2825, %broadcast_in_dim3A_2801] : memref<32x128xf32, #tpu.memory_space<vmem>>[vector<16xi32>, vector<16xi32>], vector<16xf32>,
      %mul3A_2832 = arith.mulf %gather3A_2807, %gather3A_2822 : vector<16xf32>
      %swap3A_2833 = arith.constant 11 : i32
      %swap3A_2834 = arith.index_cast %swap3A_2833 : i32 to index
      %swap3A_2835 = arith.constant 0 : index
      %swap3A_2836 = tpu.vector_load %arg16[%swap3A_2834, %swap3A_2835] {strides = array<i32>} : memref<16x32xf32, #tpu.memory_space<vmem>>, vector<16xf32>,
      tpu.vector_store %arg16[%swap3A_2834, %swap3A_2835], %mul3A_2832 {strides = array<i32>} : memref<16x32xf32, #tpu.memory_space<vmem>>, vector<16xf32>,
      %mul3A_2837 = arith.mulf %gather3A_2816, %gather3A_2831 : vector<16xf32>
      %swap3A_2838 = arith.constant 11 : i32
      %swap3A_2839 = arith.index_cast %swap3A_2838 : i32 to index
      %swap3A_2840 = arith.constant 16 : index
      %swap3A_2841 = tpu.vector_load %arg16[%swap3A_2839, %swap3A_2840] {strides = array<i32>} : memref<16x32xf32, #tpu.memory_space<vmem>>, vector<16xf32>,
      tpu.vector_store %arg16[%swap3A_2839, %swap3A_2840], %mul3A_2837 {strides = array<i32>} : memref<16x32xf32, #tpu.memory_space<vmem>>, vector<16xf32>,
      %gather3A_2842 = arith.constant 3 : i32
      %gather3A_2843 = arith.constant 0 : i32
      %gather3A_2844 = arith.constant 0 : i32
      %gather3A_2845 = tpu.memref_slice %arg14[%gather3A_2842, %gather3A_2843, %gather3A_2844] : memref<8x16x128xf32, #tpu.memory_space<vmem>> -> memref<1x16x128xf32, #tpu.memory_space<vmem>>
      %gather3A_2846 = tpu.memref_squeeze %gather3A_2845 : memref<1x16x128xf32, #tpu.memory_space<vmem>> -> memref<16x128xf32, #tpu.memory_space<vmem>>
      %gather3A_2847 = tpu.vector_load_idx %gather3A_2846[%iota3A, %broadcast_in_dim3A_2796] : memref<16x128xf32, #tpu.memory_space<vmem>>[vector<16xi32>, vector<16xi32>], vector<16xf32>,
      %swap3A_2848 = arith.constant 11 : i32
      %swap3A_2849 = arith.index_cast %swap3A_2848 : i32 to index
      %swap3A_2850 = arith.constant 0 : index
      %swap3A_2851 = tpu.vector_load %arg17[%swap3A_2849, %swap3A_2850] {strides = array<i32>} : memref<16x32xf32, #tpu.memory_space<vmem>>, vector<16xf32>,
      tpu.vector_store %arg17[%swap3A_2849, %swap3A_2850], %gather3A_2847 {strides = array<i32>} : memref<16x32xf32, #tpu.memory_space<vmem>>, vector<16xf32>,
      %gather3A_2852 = arith.constant 3 : i32
      %gather3A_2853 = arith.constant 0 : i32
      %gather3A_2854 = arith.constant 0 : i32
      %gather3A_2855 = tpu.memref_slice %arg15[%gather3A_2852, %gather3A_2853, %gather3A_2854] : memref<8x16x128xf32, #tpu.memory_space<vmem>> -> memref<1x16x128xf32, #tpu.memory_space<vmem>>
      %gather3A_2856 = tpu.memref_squeeze %gather3A_2855 : memref<1x16x128xf32, #tpu.memory_space<vmem>> -> memref<16x128xf32, #tpu.memory_space<vmem>>
      %gather3A_2857 = tpu.vector_load_idx %gather3A_2856[%iota3A, %broadcast_in_dim3A_2801] : memref<16x128xf32, #tpu.memory_space<vmem>>[vector<16xi32>, vector<16xi32>], vector<16xf32>,
      %swap3A_2858 = arith.constant 11 : i32
      %swap3A_2859 = arith.index_cast %swap3A_2858 : i32 to index
      %swap3A_2860 = arith.constant 16 : index
      %swap3A_2861 = tpu.vector_load %arg17[%swap3A_2859, %swap3A_2860] {strides = array<i32>} : memref<16x32xf32, #tpu.memory_space<vmem>>, vector<16xf32>,
      tpu.vector_store %arg17[%swap3A_2859, %swap3A_2860], %gather3A_2857 {strides = array<i32>} : memref<16x32xf32, #tpu.memory_space<vmem>>, vector<16xf32>,
      %slice3A_2862 = vector.extract_strided_slice %get3A_11 {offsets = [12], sizes = [1], strides = [1]} : vector<16xi32> to vector<1xi32>
      %squeeze3A_2863 = vector.extract %slice3A_2862[0] : i32 from vector<1xi32>
      %and3A_2864 = arith.constant 127 : i32
      %and3A_2865 = arith.andi %squeeze3A_2863, %and3A_2864 : i32
      %broadcast_in_dim3A_2866 = vector.broadcast %and3A_2865 : i32 to vector<16xi32>
      %slice3A_2867 = vector.extract_strided_slice %get3A_15 {offsets = [12], sizes = [1], strides = [1]} : vector<16xi32> to vector<1xi32>
      %squeeze3A_2868 = vector.extract %slice3A_2867[0] : i32 from vector<1xi32>
      %and3A_2869 = arith.constant 127 : i32
      %and3A_2870 = arith.andi %squeeze3A_2868, %and3A_2869 : i32
      %broadcast_in_dim3A_2871 = vector.broadcast %and3A_2870 : i32 to vector<16xi32>
      %gather3A_2872 = arith.constant 4 : i32
      %gather3A_2873 = arith.constant 0 : i32
      %gather3A_2874 = arith.constant 0 : i32
      %gather3A_2875 = tpu.memref_slice %arg12[%gather3A_2872, %gather3A_2873, %gather3A_2874] : memref<8x32x128xf32, #tpu.memory_space<vmem>> -> memref<1x32x128xf32, #tpu.memory_space<vmem>>
      %gather3A_2876 = tpu.memref_squeeze %gather3A_2875 : memref<1x32x128xf32, #tpu.memory_space<vmem>> -> memref<32x128xf32, #tpu.memory_space<vmem>>
      %gather3A_2877 = tpu.vector_load_idx %gather3A_2876[%iota3A, %broadcast_in_dim3A_2866] : memref<32x128xf32, #tpu.memory_space<vmem>>[vector<16xi32>, vector<16xi32>], vector<16xf32>,
      %add3A_2878 = arith.constant 16 : i32
      %add3A_2879 = vector.broadcast %add3A_2878 : i32 to vector<16xi32>
      %add3A_2880 = arith.addi %iota3A, %add3A_2879 : vector<16xi32>
      %gather3A_2881 = arith.constant 4 : i32
      %gather3A_2882 = arith.constant 0 : i32
      %gather3A_2883 = arith.constant 0 : i32
      %gather3A_2884 = tpu.memref_slice %arg12[%gather3A_2881, %gather3A_2882, %gather3A_2883] : memref<8x32x128xf32, #tpu.memory_space<vmem>> -> memref<1x32x128xf32, #tpu.memory_space<vmem>>
      %gather3A_2885 = tpu.memref_squeeze %gather3A_2884 : memref<1x32x128xf32, #tpu.memory_space<vmem>> -> memref<32x128xf32, #tpu.memory_space<vmem>>
      %gather3A_2886 = tpu.vector_load_idx %gather3A_2885[%add3A_2880, %broadcast_in_dim3A_2866] : memref<32x128xf32, #tpu.memory_space<vmem>>[vector<16xi32>, vector<16xi32>], vector<16xf32>,
      %gather3A_2887 = arith.constant 4 : i32
      %gather3A_2888 = arith.constant 0 : i32
      %gather3A_2889 = arith.constant 0 : i32
      %gather3A_2890 = tpu.memref_slice %arg13[%gather3A_2887, %gather3A_2888, %gather3A_2889] : memref<8x32x128xf32, #tpu.memory_space<vmem>> -> memref<1x32x128xf32, #tpu.memory_space<vmem>>
      %gather3A_2891 = tpu.memref_squeeze %gather3A_2890 : memref<1x32x128xf32, #tpu.memory_space<vmem>> -> memref<32x128xf32, #tpu.memory_space<vmem>>
      %gather3A_2892 = tpu.vector_load_idx %gather3A_2891[%iota3A, %broadcast_in_dim3A_2871] : memref<32x128xf32, #tpu.memory_space<vmem>>[vector<16xi32>, vector<16xi32>], vector<16xf32>,
      %add3A_2893 = arith.constant 16 : i32
      %add3A_2894 = vector.broadcast %add3A_2893 : i32 to vector<16xi32>
      %add3A_2895 = arith.addi %iota3A, %add3A_2894 : vector<16xi32>
      %gather3A_2896 = arith.constant 4 : i32
      %gather3A_2897 = arith.constant 0 : i32
      %gather3A_2898 = arith.constant 0 : i32
      %gather3A_2899 = tpu.memref_slice %arg13[%gather3A_2896, %gather3A_2897, %gather3A_2898] : memref<8x32x128xf32, #tpu.memory_space<vmem>> -> memref<1x32x128xf32, #tpu.memory_space<vmem>>
      %gather3A_2900 = tpu.memref_squeeze %gather3A_2899 : memref<1x32x128xf32, #tpu.memory_space<vmem>> -> memref<32x128xf32, #tpu.memory_space<vmem>>
      %gather3A_2901 = tpu.vector_load_idx %gather3A_2900[%add3A_2895, %broadcast_in_dim3A_2871] : memref<32x128xf32, #tpu.memory_space<vmem>>[vector<16xi32>, vector<16xi32>], vector<16xf32>,
      %mul3A_2902 = arith.mulf %gather3A_2877, %gather3A_2892 : vector<16xf32>
      %swap3A_2903 = arith.constant 12 : i32
      %swap3A_2904 = arith.index_cast %swap3A_2903 : i32 to index
      %swap3A_2905 = arith.constant 0 : index
      %swap3A_2906 = tpu.vector_load %arg16[%swap3A_2904, %swap3A_2905] {strides = array<i32>} : memref<16x32xf32, #tpu.memory_space<vmem>>, vector<16xf32>,
      tpu.vector_store %arg16[%swap3A_2904, %swap3A_2905], %mul3A_2902 {strides = array<i32>} : memref<16x32xf32, #tpu.memory_space<vmem>>, vector<16xf32>,
      %mul3A_2907 = arith.mulf %gather3A_2886, %gather3A_2901 : vector<16xf32>
      %swap3A_2908 = arith.constant 12 : i32
      %swap3A_2909 = arith.index_cast %swap3A_2908 : i32 to index
      %swap3A_2910 = arith.constant 16 : index
      %swap3A_2911 = tpu.vector_load %arg16[%swap3A_2909, %swap3A_2910] {strides = array<i32>} : memref<16x32xf32, #tpu.memory_space<vmem>>, vector<16xf32>,
      tpu.vector_store %arg16[%swap3A_2909, %swap3A_2910], %mul3A_2907 {strides = array<i32>} : memref<16x32xf32, #tpu.memory_space<vmem>>, vector<16xf32>,
      %gather3A_2912 = arith.constant 4 : i32
      %gather3A_2913 = arith.constant 0 : i32
      %gather3A_2914 = arith.constant 0 : i32
      %gather3A_2915 = tpu.memref_slice %arg14[%gather3A_2912, %gather3A_2913, %gather3A_2914] : memref<8x16x128xf32, #tpu.memory_space<vmem>> -> memref<1x16x128xf32, #tpu.memory_space<vmem>>
      %gather3A_2916 = tpu.memref_squeeze %gather3A_2915 : memref<1x16x128xf32, #tpu.memory_space<vmem>> -> memref<16x128xf32, #tpu.memory_space<vmem>>
      %gather3A_2917 = tpu.vector_load_idx %gather3A_2916[%iota3A, %broadcast_in_dim3A_2866] : memref<16x128xf32, #tpu.memory_space<vmem>>[vector<16xi32>, vector<16xi32>], vector<16xf32>,
      %swap3A_2918 = arith.constant 12 : i32
      %swap3A_2919 = arith.index_cast %swap3A_2918 : i32 to index
      %swap3A_2920 = arith.constant 0 : index
      %swap3A_2921 = tpu.vector_load %arg17[%swap3A_2919, %swap3A_2920] {strides = array<i32>} : memref<16x32xf32, #tpu.memory_space<vmem>>, vector<16xf32>,
      tpu.vector_store %arg17[%swap3A_2919, %swap3A_2920], %gather3A_2917 {strides = array<i32>} : memref<16x32xf32, #tpu.memory_space<vmem>>, vector<16xf32>,
      %gather3A_2922 = arith.constant 4 : i32
      %gather3A_2923 = arith.constant 0 : i32
      %gather3A_2924 = arith.constant 0 : i32
      %gather3A_2925 = tpu.memref_slice %arg15[%gather3A_2922, %gather3A_2923, %gather3A_2924] : memref<8x16x128xf32, #tpu.memory_space<vmem>> -> memref<1x16x128xf32, #tpu.memory_space<vmem>>
      %gather3A_2926 = tpu.memref_squeeze %gather3A_2925 : memref<1x16x128xf32, #tpu.memory_space<vmem>> -> memref<16x128xf32, #tpu.memory_space<vmem>>
      %gather3A_2927 = tpu.vector_load_idx %gather3A_2926[%iota3A, %broadcast_in_dim3A_2871] : memref<16x128xf32, #tpu.memory_space<vmem>>[vector<16xi32>, vector<16xi32>], vector<16xf32>,
      %swap3A_2928 = arith.constant 12 : i32
      %swap3A_2929 = arith.index_cast %swap3A_2928 : i32 to index
      %swap3A_2930 = arith.constant 16 : index
      %swap3A_2931 = tpu.vector_load %arg17[%swap3A_2929, %swap3A_2930] {strides = array<i32>} : memref<16x32xf32, #tpu.memory_space<vmem>>, vector<16xf32>,
      tpu.vector_store %arg17[%swap3A_2929, %swap3A_2930], %gather3A_2927 {strides = array<i32>} : memref<16x32xf32, #tpu.memory_space<vmem>>, vector<16xf32>,
      %slice3A_2932 = vector.extract_strided_slice %get3A_11 {offsets = [13], sizes = [1], strides = [1]} : vector<16xi32> to vector<1xi32>
      %squeeze3A_2933 = vector.extract %slice3A_2932[0] : i32 from vector<1xi32>
      %and3A_2934 = arith.constant 127 : i32
      %and3A_2935 = arith.andi %squeeze3A_2933, %and3A_2934 : i32
      %broadcast_in_dim3A_2936 = vector.broadcast %and3A_2935 : i32 to vector<16xi32>
      %slice3A_2937 = vector.extract_strided_slice %get3A_15 {offsets = [13], sizes = [1], strides = [1]} : vector<16xi32> to vector<1xi32>
      %squeeze3A_2938 = vector.extract %slice3A_2937[0] : i32 from vector<1xi32>
      %and3A_2939 = arith.constant 127 : i32
      %and3A_2940 = arith.andi %squeeze3A_2938, %and3A_2939 : i32
      %broadcast_in_dim3A_2941 = vector.broadcast %and3A_2940 : i32 to vector<16xi32>
      %gather3A_2942 = arith.constant 5 : i32
      %gather3A_2943 = arith.constant 0 : i32
      %gather3A_2944 = arith.constant 0 : i32
      %gather3A_2945 = tpu.memref_slice %arg12[%gather3A_2942, %gather3A_2943, %gather3A_2944] : memref<8x32x128xf32, #tpu.memory_space<vmem>> -> memref<1x32x128xf32, #tpu.memory_space<vmem>>
      %gather3A_2946 = tpu.memref_squeeze %gather3A_2945 : memref<1x32x128xf32, #tpu.memory_space<vmem>> -> memref<32x128xf32, #tpu.memory_space<vmem>>
      %gather3A_2947 = tpu.vector_load_idx %gather3A_2946[%iota3A, %broadcast_in_dim3A_2936] : memref<32x128xf32, #tpu.memory_space<vmem>>[vector<16xi32>, vector<16xi32>], vector<16xf32>,
      %add3A_2948 = arith.constant 16 : i32
      %add3A_2949 = vector.broadcast %add3A_2948 : i32 to vector<16xi32>
      %add3A_2950 = arith.addi %iota3A, %add3A_2949 : vector<16xi32>
      %gather3A_2951 = arith.constant 5 : i32
      %gather3A_2952 = arith.constant 0 : i32
      %gather3A_2953 = arith.constant 0 : i32
      %gather3A_2954 = tpu.memref_slice %arg12[%gather3A_2951, %gather3A_2952, %gather3A_2953] : memref<8x32x128xf32, #tpu.memory_space<vmem>> -> memref<1x32x128xf32, #tpu.memory_space<vmem>>
      %gather3A_2955 = tpu.memref_squeeze %gather3A_2954 : memref<1x32x128xf32, #tpu.memory_space<vmem>> -> memref<32x128xf32, #tpu.memory_space<vmem>>
      %gather3A_2956 = tpu.vector_load_idx %gather3A_2955[%add3A_2950, %broadcast_in_dim3A_2936] : memref<32x128xf32, #tpu.memory_space<vmem>>[vector<16xi32>, vector<16xi32>], vector<16xf32>,
      %gather3A_2957 = arith.constant 5 : i32
      %gather3A_2958 = arith.constant 0 : i32
      %gather3A_2959 = arith.constant 0 : i32
      %gather3A_2960 = tpu.memref_slice %arg13[%gather3A_2957, %gather3A_2958, %gather3A_2959] : memref<8x32x128xf32, #tpu.memory_space<vmem>> -> memref<1x32x128xf32, #tpu.memory_space<vmem>>
      %gather3A_2961 = tpu.memref_squeeze %gather3A_2960 : memref<1x32x128xf32, #tpu.memory_space<vmem>> -> memref<32x128xf32, #tpu.memory_space<vmem>>
      %gather3A_2962 = tpu.vector_load_idx %gather3A_2961[%iota3A, %broadcast_in_dim3A_2941] : memref<32x128xf32, #tpu.memory_space<vmem>>[vector<16xi32>, vector<16xi32>], vector<16xf32>,
      %add3A_2963 = arith.constant 16 : i32
      %add3A_2964 = vector.broadcast %add3A_2963 : i32 to vector<16xi32>
      %add3A_2965 = arith.addi %iota3A, %add3A_2964 : vector<16xi32>
      %gather3A_2966 = arith.constant 5 : i32
      %gather3A_2967 = arith.constant 0 : i32
      %gather3A_2968 = arith.constant 0 : i32
      %gather3A_2969 = tpu.memref_slice %arg13[%gather3A_2966, %gather3A_2967, %gather3A_2968] : memref<8x32x128xf32, #tpu.memory_space<vmem>> -> memref<1x32x128xf32, #tpu.memory_space<vmem>>
      %gather3A_2970 = tpu.memref_squeeze %gather3A_2969 : memref<1x32x128xf32, #tpu.memory_space<vmem>> -> memref<32x128xf32, #tpu.memory_space<vmem>>
      %gather3A_2971 = tpu.vector_load_idx %gather3A_2970[%add3A_2965, %broadcast_in_dim3A_2941] : memref<32x128xf32, #tpu.memory_space<vmem>>[vector<16xi32>, vector<16xi32>], vector<16xf32>,
      %mul3A_2972 = arith.mulf %gather3A_2947, %gather3A_2962 : vector<16xf32>
      %swap3A_2973 = arith.constant 13 : i32
      %swap3A_2974 = arith.index_cast %swap3A_2973 : i32 to index
      %swap3A_2975 = arith.constant 0 : index
      %swap3A_2976 = tpu.vector_load %arg16[%swap3A_2974, %swap3A_2975] {strides = array<i32>} : memref<16x32xf32, #tpu.memory_space<vmem>>, vector<16xf32>,
      tpu.vector_store %arg16[%swap3A_2974, %swap3A_2975], %mul3A_2972 {strides = array<i32>} : memref<16x32xf32, #tpu.memory_space<vmem>>, vector<16xf32>,
      %mul3A_2977 = arith.mulf %gather3A_2956, %gather3A_2971 : vector<16xf32>
      %swap3A_2978 = arith.constant 13 : i32
      %swap3A_2979 = arith.index_cast %swap3A_2978 : i32 to index
      %swap3A_2980 = arith.constant 16 : index
      %swap3A_2981 = tpu.vector_load %arg16[%swap3A_2979, %swap3A_2980] {strides = array<i32>} : memref<16x32xf32, #tpu.memory_space<vmem>>, vector<16xf32>,
      tpu.vector_store %arg16[%swap3A_2979, %swap3A_2980], %mul3A_2977 {strides = array<i32>} : memref<16x32xf32, #tpu.memory_space<vmem>>, vector<16xf32>,
      %gather3A_2982 = arith.constant 5 : i32
      %gather3A_2983 = arith.constant 0 : i32
      %gather3A_2984 = arith.constant 0 : i32
      %gather3A_2985 = tpu.memref_slice %arg14[%gather3A_2982, %gather3A_2983, %gather3A_2984] : memref<8x16x128xf32, #tpu.memory_space<vmem>> -> memref<1x16x128xf32, #tpu.memory_space<vmem>>
      %gather3A_2986 = tpu.memref_squeeze %gather3A_2985 : memref<1x16x128xf32, #tpu.memory_space<vmem>> -> memref<16x128xf32, #tpu.memory_space<vmem>>
      %gather3A_2987 = tpu.vector_load_idx %gather3A_2986[%iota3A, %broadcast_in_dim3A_2936] : memref<16x128xf32, #tpu.memory_space<vmem>>[vector<16xi32>, vector<16xi32>], vector<16xf32>,
      %swap3A_2988 = arith.constant 13 : i32
      %swap3A_2989 = arith.index_cast %swap3A_2988 : i32 to index
      %swap3A_2990 = arith.constant 0 : index
      %swap3A_2991 = tpu.vector_load %arg17[%swap3A_2989, %swap3A_2990] {strides = array<i32>} : memref<16x32xf32, #tpu.memory_space<vmem>>, vector<16xf32>,
      tpu.vector_store %arg17[%swap3A_2989, %swap3A_2990], %gather3A_2987 {strides = array<i32>} : memref<16x32xf32, #tpu.memory_space<vmem>>, vector<16xf32>,
      %gather3A_2992 = arith.constant 5 : i32
      %gather3A_2993 = arith.constant 0 : i32
      %gather3A_2994 = arith.constant 0 : i32
      %gather3A_2995 = tpu.memref_slice %arg15[%gather3A_2992, %gather3A_2993, %gather3A_2994] : memref<8x16x128xf32, #tpu.memory_space<vmem>> -> memref<1x16x128xf32, #tpu.memory_space<vmem>>
      %gather3A_2996 = tpu.memref_squeeze %gather3A_2995 : memref<1x16x128xf32, #tpu.memory_space<vmem>> -> memref<16x128xf32, #tpu.memory_space<vmem>>
      %gather3A_2997 = tpu.vector_load_idx %gather3A_2996[%iota3A, %broadcast_in_dim3A_2941] : memref<16x128xf32, #tpu.memory_space<vmem>>[vector<16xi32>, vector<16xi32>], vector<16xf32>,
      %swap3A_2998 = arith.constant 13 : i32
      %swap3A_2999 = arith.index_cast %swap3A_2998 : i32 to index
      %swap3A_3000 = arith.constant 16 : index
      %swap3A_3001 = tpu.vector_load %arg17[%swap3A_2999, %swap3A_3000] {strides = array<i32>} : memref<16x32xf32, #tpu.memory_space<vmem>>, vector<16xf32>,
      tpu.vector_store %arg17[%swap3A_2999, %swap3A_3000], %gather3A_2997 {strides = array<i32>} : memref<16x32xf32, #tpu.memory_space<vmem>>, vector<16xf32>,
      %slice3A_3002 = vector.extract_strided_slice %get3A_11 {offsets = [14], sizes = [1], strides = [1]} : vector<16xi32> to vector<1xi32>
      %squeeze3A_3003 = vector.extract %slice3A_3002[0] : i32 from vector<1xi32>
      %and3A_3004 = arith.constant 127 : i32
      %and3A_3005 = arith.andi %squeeze3A_3003, %and3A_3004 : i32
      %broadcast_in_dim3A_3006 = vector.broadcast %and3A_3005 : i32 to vector<16xi32>
      %slice3A_3007 = vector.extract_strided_slice %get3A_15 {offsets = [14], sizes = [1], strides = [1]} : vector<16xi32> to vector<1xi32>
      %squeeze3A_3008 = vector.extract %slice3A_3007[0] : i32 from vector<1xi32>
      %and3A_3009 = arith.constant 127 : i32
      %and3A_3010 = arith.andi %squeeze3A_3008, %and3A_3009 : i32
      %broadcast_in_dim3A_3011 = vector.broadcast %and3A_3010 : i32 to vector<16xi32>
      %gather3A_3012 = arith.constant 6 : i32
      %gather3A_3013 = arith.constant 0 : i32
      %gather3A_3014 = arith.constant 0 : i32
      %gather3A_3015 = tpu.memref_slice %arg12[%gather3A_3012, %gather3A_3013, %gather3A_3014] : memref<8x32x128xf32, #tpu.memory_space<vmem>> -> memref<1x32x128xf32, #tpu.memory_space<vmem>>
      %gather3A_3016 = tpu.memref_squeeze %gather3A_3015 : memref<1x32x128xf32, #tpu.memory_space<vmem>> -> memref<32x128xf32, #tpu.memory_space<vmem>>
      %gather3A_3017 = tpu.vector_load_idx %gather3A_3016[%iota3A, %broadcast_in_dim3A_3006] : memref<32x128xf32, #tpu.memory_space<vmem>>[vector<16xi32>, vector<16xi32>], vector<16xf32>,
      %add3A_3018 = arith.constant 16 : i32
      %add3A_3019 = vector.broadcast %add3A_3018 : i32 to vector<16xi32>
      %add3A_3020 = arith.addi %iota3A, %add3A_3019 : vector<16xi32>
      %gather3A_3021 = arith.constant 6 : i32
      %gather3A_3022 = arith.constant 0 : i32
      %gather3A_3023 = arith.constant 0 : i32
      %gather3A_3024 = tpu.memref_slice %arg12[%gather3A_3021, %gather3A_3022, %gather3A_3023] : memref<8x32x128xf32, #tpu.memory_space<vmem>> -> memref<1x32x128xf32, #tpu.memory_space<vmem>>
      %gather3A_3025 = tpu.memref_squeeze %gather3A_3024 : memref<1x32x128xf32, #tpu.memory_space<vmem>> -> memref<32x128xf32, #tpu.memory_space<vmem>>
      %gather3A_3026 = tpu.vector_load_idx %gather3A_3025[%add3A_3020, %broadcast_in_dim3A_3006] : memref<32x128xf32, #tpu.memory_space<vmem>>[vector<16xi32>, vector<16xi32>], vector<16xf32>,
      %gather3A_3027 = arith.constant 6 : i32
      %gather3A_3028 = arith.constant 0 : i32
      %gather3A_3029 = arith.constant 0 : i32
      %gather3A_3030 = tpu.memref_slice %arg13[%gather3A_3027, %gather3A_3028, %gather3A_3029] : memref<8x32x128xf32, #tpu.memory_space<vmem>> -> memref<1x32x128xf32, #tpu.memory_space<vmem>>
      %gather3A_3031 = tpu.memref_squeeze %gather3A_3030 : memref<1x32x128xf32, #tpu.memory_space<vmem>> -> memref<32x128xf32, #tpu.memory_space<vmem>>
      %gather3A_3032 = tpu.vector_load_idx %gather3A_3031[%iota3A, %broadcast_in_dim3A_3011] : memref<32x128xf32, #tpu.memory_space<vmem>>[vector<16xi32>, vector<16xi32>], vector<16xf32>,
      %add3A_3033 = arith.constant 16 : i32
      %add3A_3034 = vector.broadcast %add3A_3033 : i32 to vector<16xi32>
      %add3A_3035 = arith.addi %iota3A, %add3A_3034 : vector<16xi32>
      %gather3A_3036 = arith.constant 6 : i32
      %gather3A_3037 = arith.constant 0 : i32
      %gather3A_3038 = arith.constant 0 : i32
      %gather3A_3039 = tpu.memref_slice %arg13[%gather3A_3036, %gather3A_3037, %gather3A_3038] : memref<8x32x128xf32, #tpu.memory_space<vmem>> -> memref<1x32x128xf32, #tpu.memory_space<vmem>>
      %gather3A_3040 = tpu.memref_squeeze %gather3A_3039 : memref<1x32x128xf32, #tpu.memory_space<vmem>> -> memref<32x128xf32, #tpu.memory_space<vmem>>
      %gather3A_3041 = tpu.vector_load_idx %gather3A_3040[%add3A_3035, %broadcast_in_dim3A_3011] : memref<32x128xf32, #tpu.memory_space<vmem>>[vector<16xi32>, vector<16xi32>], vector<16xf32>,
      %mul3A_3042 = arith.mulf %gather3A_3017, %gather3A_3032 : vector<16xf32>
      %swap3A_3043 = arith.constant 14 : i32
      %swap3A_3044 = arith.index_cast %swap3A_3043 : i32 to index
      %swap3A_3045 = arith.constant 0 : index
      %swap3A_3046 = tpu.vector_load %arg16[%swap3A_3044, %swap3A_3045] {strides = array<i32>} : memref<16x32xf32, #tpu.memory_space<vmem>>, vector<16xf32>,
      tpu.vector_store %arg16[%swap3A_3044, %swap3A_3045], %mul3A_3042 {strides = array<i32>} : memref<16x32xf32, #tpu.memory_space<vmem>>, vector<16xf32>,
      %mul3A_3047 = arith.mulf %gather3A_3026, %gather3A_3041 : vector<16xf32>
      %swap3A_3048 = arith.constant 14 : i32
      %swap3A_3049 = arith.index_cast %swap3A_3048 : i32 to index
      %swap3A_3050 = arith.constant 16 : index
      %swap3A_3051 = tpu.vector_load %arg16[%swap3A_3049, %swap3A_3050] {strides = array<i32>} : memref<16x32xf32, #tpu.memory_space<vmem>>, vector<16xf32>,
      tpu.vector_store %arg16[%swap3A_3049, %swap3A_3050], %mul3A_3047 {strides = array<i32>} : memref<16x32xf32, #tpu.memory_space<vmem>>, vector<16xf32>,
      %gather3A_3052 = arith.constant 6 : i32
      %gather3A_3053 = arith.constant 0 : i32
      %gather3A_3054 = arith.constant 0 : i32
      %gather3A_3055 = tpu.memref_slice %arg14[%gather3A_3052, %gather3A_3053, %gather3A_3054] : memref<8x16x128xf32, #tpu.memory_space<vmem>> -> memref<1x16x128xf32, #tpu.memory_space<vmem>>
      %gather3A_3056 = tpu.memref_squeeze %gather3A_3055 : memref<1x16x128xf32, #tpu.memory_space<vmem>> -> memref<16x128xf32, #tpu.memory_space<vmem>>
      %gather3A_3057 = tpu.vector_load_idx %gather3A_3056[%iota3A, %broadcast_in_dim3A_3006] : memref<16x128xf32, #tpu.memory_space<vmem>>[vector<16xi32>, vector<16xi32>], vector<16xf32>,
      %swap3A_3058 = arith.constant 14 : i32
      %swap3A_3059 = arith.index_cast %swap3A_3058 : i32 to index
      %swap3A_3060 = arith.constant 0 : index
      %swap3A_3061 = tpu.vector_load %arg17[%swap3A_3059, %swap3A_3060] {strides = array<i32>} : memref<16x32xf32, #tpu.memory_space<vmem>>, vector<16xf32>,
      tpu.vector_store %arg17[%swap3A_3059, %swap3A_3060], %gather3A_3057 {strides = array<i32>} : memref<16x32xf32, #tpu.memory_space<vmem>>, vector<16xf32>,
      %gather3A_3062 = arith.constant 6 : i32
      %gather3A_3063 = arith.constant 0 : i32
      %gather3A_3064 = arith.constant 0 : i32
      %gather3A_3065 = tpu.memref_slice %arg15[%gather3A_3062, %gather3A_3063, %gather3A_3064] : memref<8x16x128xf32, #tpu.memory_space<vmem>> -> memref<1x16x128xf32, #tpu.memory_space<vmem>>
      %gather3A_3066 = tpu.memref_squeeze %gather3A_3065 : memref<1x16x128xf32, #tpu.memory_space<vmem>> -> memref<16x128xf32, #tpu.memory_space<vmem>>
      %gather3A_3067 = tpu.vector_load_idx %gather3A_3066[%iota3A, %broadcast_in_dim3A_3011] : memref<16x128xf32, #tpu.memory_space<vmem>>[vector<16xi32>, vector<16xi32>], vector<16xf32>,
      %swap3A_3068 = arith.constant 14 : i32
      %swap3A_3069 = arith.index_cast %swap3A_3068 : i32 to index
      %swap3A_3070 = arith.constant 16 : index
      %swap3A_3071 = tpu.vector_load %arg17[%swap3A_3069, %swap3A_3070] {strides = array<i32>} : memref<16x32xf32, #tpu.memory_space<vmem>>, vector<16xf32>,
      tpu.vector_store %arg17[%swap3A_3069, %swap3A_3070], %gather3A_3067 {strides = array<i32>} : memref<16x32xf32, #tpu.memory_space<vmem>>, vector<16xf32>,
      %slice3A_3072 = vector.extract_strided_slice %get3A_11 {offsets = [15], sizes = [1], strides = [1]} : vector<16xi32> to vector<1xi32>
      %squeeze3A_3073 = vector.extract %slice3A_3072[0] : i32 from vector<1xi32>
      %and3A_3074 = arith.constant 127 : i32
      %and3A_3075 = arith.andi %squeeze3A_3073, %and3A_3074 : i32
      %broadcast_in_dim3A_3076 = vector.broadcast %and3A_3075 : i32 to vector<16xi32>
      %slice3A_3077 = vector.extract_strided_slice %get3A_15 {offsets = [15], sizes = [1], strides = [1]} : vector<16xi32> to vector<1xi32>
      %squeeze3A_3078 = vector.extract %slice3A_3077[0] : i32 from vector<1xi32>
      %and3A_3079 = arith.constant 127 : i32
      %and3A_3080 = arith.andi %squeeze3A_3078, %and3A_3079 : i32
      %broadcast_in_dim3A_3081 = vector.broadcast %and3A_3080 : i32 to vector<16xi32>
      %gather3A_3082 = arith.constant 7 : i32
      %gather3A_3083 = arith.constant 0 : i32
      %gather3A_3084 = arith.constant 0 : i32
      %gather3A_3085 = tpu.memref_slice %arg12[%gather3A_3082, %gather3A_3083, %gather3A_3084] : memref<8x32x128xf32, #tpu.memory_space<vmem>> -> memref<1x32x128xf32, #tpu.memory_space<vmem>>
      %gather3A_3086 = tpu.memref_squeeze %gather3A_3085 : memref<1x32x128xf32, #tpu.memory_space<vmem>> -> memref<32x128xf32, #tpu.memory_space<vmem>>
      %gather3A_3087 = tpu.vector_load_idx %gather3A_3086[%iota3A, %broadcast_in_dim3A_3076] : memref<32x128xf32, #tpu.memory_space<vmem>>[vector<16xi32>, vector<16xi32>], vector<16xf32>,
      %add3A_3088 = arith.constant 16 : i32
      %add3A_3089 = vector.broadcast %add3A_3088 : i32 to vector<16xi32>
      %add3A_3090 = arith.addi %iota3A, %add3A_3089 : vector<16xi32>
      %gather3A_3091 = arith.constant 7 : i32
      %gather3A_3092 = arith.constant 0 : i32
      %gather3A_3093 = arith.constant 0 : i32
      %gather3A_3094 = tpu.memref_slice %arg12[%gather3A_3091, %gather3A_3092, %gather3A_3093] : memref<8x32x128xf32, #tpu.memory_space<vmem>> -> memref<1x32x128xf32, #tpu.memory_space<vmem>>
      %gather3A_3095 = tpu.memref_squeeze %gather3A_3094 : memref<1x32x128xf32, #tpu.memory_space<vmem>> -> memref<32x128xf32, #tpu.memory_space<vmem>>
      %gather3A_3096 = tpu.vector_load_idx %gather3A_3095[%add3A_3090, %broadcast_in_dim3A_3076] : memref<32x128xf32, #tpu.memory_space<vmem>>[vector<16xi32>, vector<16xi32>], vector<16xf32>,
      %gather3A_3097 = arith.constant 7 : i32
      %gather3A_3098 = arith.constant 0 : i32
      %gather3A_3099 = arith.constant 0 : i32
      %gather3A_3100 = tpu.memref_slice %arg13[%gather3A_3097, %gather3A_3098, %gather3A_3099] : memref<8x32x128xf32, #tpu.memory_space<vmem>> -> memref<1x32x128xf32, #tpu.memory_space<vmem>>
      %gather3A_3101 = tpu.memref_squeeze %gather3A_3100 : memref<1x32x128xf32, #tpu.memory_space<vmem>> -> memref<32x128xf32, #tpu.memory_space<vmem>>
      %gather3A_3102 = tpu.vector_load_idx %gather3A_3101[%iota3A, %broadcast_in_dim3A_3081] : memref<32x128xf32, #tpu.memory_space<vmem>>[vector<16xi32>, vector<16xi32>], vector<16xf32>,
      %add3A_3103 = arith.constant 16 : i32
      %add3A_3104 = vector.broadcast %add3A_3103 : i32 to vector<16xi32>
      %add3A_3105 = arith.addi %iota3A, %add3A_3104 : vector<16xi32>
      %gather3A_3106 = arith.constant 7 : i32
      %gather3A_3107 = arith.constant 0 : i32
      %gather3A_3108 = arith.constant 0 : i32
      %gather3A_3109 = tpu.memref_slice %arg13[%gather3A_3106, %gather3A_3107, %gather3A_3108] : memref<8x32x128xf32, #tpu.memory_space<vmem>> -> memref<1x32x128xf32, #tpu.memory_space<vmem>>
      %gather3A_3110 = tpu.memref_squeeze %gather3A_3109 : memref<1x32x128xf32, #tpu.memory_space<vmem>> -> memref<32x128xf32, #tpu.memory_space<vmem>>
      %gather3A_3111 = tpu.vector_load_idx %gather3A_3110[%add3A_3105, %broadcast_in_dim3A_3081] : memref<32x128xf32, #tpu.memory_space<vmem>>[vector<16xi32>, vector<16xi32>], vector<16xf32>,
      %mul3A_3112 = arith.mulf %gather3A_3087, %gather3A_3102 : vector<16xf32>
      %swap3A_3113 = arith.constant 15 : i32
      %swap3A_3114 = arith.index_cast %swap3A_3113 : i32 to index
      %swap3A_3115 = arith.constant 0 : index
      %swap3A_3116 = tpu.vector_load %arg16[%swap3A_3114, %swap3A_3115] {strides = array<i32>} : memref<16x32xf32, #tpu.memory_space<vmem>>, vector<16xf32>,
      tpu.vector_store %arg16[%swap3A_3114, %swap3A_3115], %mul3A_3112 {strides = array<i32>} : memref<16x32xf32, #tpu.memory_space<vmem>>, vector<16xf32>,
      %mul3A_3117 = arith.mulf %gather3A_3096, %gather3A_3111 : vector<16xf32>
      %swap3A_3118 = arith.constant 15 : i32
      %swap3A_3119 = arith.index_cast %swap3A_3118 : i32 to index
      %swap3A_3120 = arith.constant 16 : index
      %swap3A_3121 = tpu.vector_load %arg16[%swap3A_3119, %swap3A_3120] {strides = array<i32>} : memref<16x32xf32, #tpu.memory_space<vmem>>, vector<16xf32>,
      tpu.vector_store %arg16[%swap3A_3119, %swap3A_3120], %mul3A_3117 {strides = array<i32>} : memref<16x32xf32, #tpu.memory_space<vmem>>, vector<16xf32>,
      %gather3A_3122 = arith.constant 7 : i32
      %gather3A_3123 = arith.constant 0 : i32
      %gather3A_3124 = arith.constant 0 : i32
      %gather3A_3125 = tpu.memref_slice %arg14[%gather3A_3122, %gather3A_3123, %gather3A_3124] : memref<8x16x128xf32, #tpu.memory_space<vmem>> -> memref<1x16x128xf32, #tpu.memory_space<vmem>>
      %gather3A_3126 = tpu.memref_squeeze %gather3A_3125 : memref<1x16x128xf32, #tpu.memory_space<vmem>> -> memref<16x128xf32, #tpu.memory_space<vmem>>
      %gather3A_3127 = tpu.vector_load_idx %gather3A_3126[%iota3A, %broadcast_in_dim3A_3076] : memref<16x128xf32, #tpu.memory_space<vmem>>[vector<16xi32>, vector<16xi32>], vector<16xf32>,
      %swap3A_3128 = arith.constant 15 : i32
      %swap3A_3129 = arith.index_cast %swap3A_3128 : i32 to index
      %swap3A_3130 = arith.constant 0 : index
      %swap3A_3131 = tpu.vector_load %arg17[%swap3A_3129, %swap3A_3130] {strides = array<i32>} : memref<16x32xf32, #tpu.memory_space<vmem>>, vector<16xf32>,
      tpu.vector_store %arg17[%swap3A_3129, %swap3A_3130], %gather3A_3127 {strides = array<i32>} : memref<16x32xf32, #tpu.memory_space<vmem>>, vector<16xf32>,
      %gather3A_3132 = arith.constant 7 : i32
      %gather3A_3133 = arith.constant 0 : i32
      %gather3A_3134 = arith.constant 0 : i32
      %gather3A_3135 = tpu.memref_slice %arg15[%gather3A_3132, %gather3A_3133, %gather3A_3134] : memref<8x16x128xf32, #tpu.memory_space<vmem>> -> memref<1x16x128xf32, #tpu.memory_space<vmem>>
      %gather3A_3136 = tpu.memref_squeeze %gather3A_3135 : memref<1x16x128xf32, #tpu.memory_space<vmem>> -> memref<16x128xf32, #tpu.memory_space<vmem>>
      %gather3A_3137 = tpu.vector_load_idx %gather3A_3136[%iota3A, %broadcast_in_dim3A_3081] : memref<16x128xf32, #tpu.memory_space<vmem>>[vector<16xi32>, vector<16xi32>], vector<16xf32>,
      %swap3A_3138 = arith.constant 15 : i32
      %swap3A_3139 = arith.index_cast %swap3A_3138 : i32 to index
      %swap3A_3140 = arith.constant 16 : index
      %swap3A_3141 = tpu.vector_load %arg17[%swap3A_3139, %swap3A_3140] {strides = array<i32>} : memref<16x32xf32, #tpu.memory_space<vmem>>, vector<16xf32>,
      tpu.vector_store %arg17[%swap3A_3139, %swap3A_3140], %gather3A_3137 {strides = array<i32>} : memref<16x32xf32, #tpu.memory_space<vmem>>, vector<16xf32>,
      %mul3A_3142 = arith.constant 16 : i32
      %mul3A_3143 = arith.muli %scan3A_8, %mul3A_3142 : i32
      %add3A_3144 = arith.addi %mul3A_2, %mul3A_3143 : i32
      "tpu.region"() ({
        %run_scoped3A = tpu.sem_alloc : memref<!tpu.dma_semaphore, #tpu.memory_space<semaphore_mem>>
        %dma_start3A_3145 = arith.constant 0 : i32
        %dma_start3A_3146 = tpu.memref_slice %arg8[%add3A_3144, %dma_start3A_3145] : memref<16384x32xf32, #tpu.memory_space<hbm>> -> memref<16x32xf32, #tpu.memory_space<hbm>>
        %dma_start3A_3147 = arith.constant 0 : i32
        %dma_start3A_3148 = tpu.memref_slice %arg8[%add3A_3144, %dma_start3A_3147] : memref<16384x32xf32, #tpu.memory_space<hbm>> -> memref<16x32xf32, #tpu.memory_space<hbm>>
        tpu.enqueue_dma source(%arg16 : memref<16x32xf32, #tpu.memory_space<vmem>>) target(%dma_start3A_3148 : memref<16x32xf32, #tpu.memory_space<hbm>>) target_semaphore(%run_scoped3A : memref<!tpu.dma_semaphore, #tpu.memory_space<semaphore_mem>>)
        %dma_wait3A_3149 = arith.constant 0 : i32
        %dma_wait3A_3150 = tpu.memref_slice %arg8[%add3A_3144, %dma_wait3A_3149] : memref<16384x32xf32, #tpu.memory_space<hbm>> -> memref<16x32xf32, #tpu.memory_space<hbm>>
        %dma_wait3A_3151 = arith.constant 0 : i32
        %dma_wait3A_3152 = tpu.memref_slice %arg8[%add3A_3144, %dma_wait3A_3151] : memref<16384x32xf32, #tpu.memory_space<hbm>> -> memref<16x32xf32, #tpu.memory_space<hbm>>
        tpu.wait_dma2 semaphore(%run_scoped3A : memref<!tpu.dma_semaphore, #tpu.memory_space<semaphore_mem>>) src(%arg16 : memref<16x32xf32, #tpu.memory_space<vmem>>) dst(%dma_wait3A_3152 : memref<16x32xf32, #tpu.memory_space<hbm>>)
        tpu.yield
      }) : () -> ()
      "tpu.region"() ({
        %run_scoped3A = tpu.sem_alloc : memref<!tpu.dma_semaphore, #tpu.memory_space<semaphore_mem>>
        %dma_start3A_3145 = arith.constant 0 : i32
        %dma_start3A_3146 = tpu.memref_slice %arg9[%add3A_3144, %dma_start3A_3145] : memref<16384x32xf32, #tpu.memory_space<hbm>> -> memref<16x32xf32, #tpu.memory_space<hbm>>
        %dma_start3A_3147 = arith.constant 0 : i32
        %dma_start3A_3148 = tpu.memref_slice %arg9[%add3A_3144, %dma_start3A_3147] : memref<16384x32xf32, #tpu.memory_space<hbm>> -> memref<16x32xf32, #tpu.memory_space<hbm>>
        tpu.enqueue_dma source(%arg17 : memref<16x32xf32, #tpu.memory_space<vmem>>) target(%dma_start3A_3148 : memref<16x32xf32, #tpu.memory_space<hbm>>) target_semaphore(%run_scoped3A : memref<!tpu.dma_semaphore, #tpu.memory_space<semaphore_mem>>)
        %dma_wait3A_3149 = arith.constant 0 : i32
        %dma_wait3A_3150 = tpu.memref_slice %arg9[%add3A_3144, %dma_wait3A_3149] : memref<16384x32xf32, #tpu.memory_space<hbm>> -> memref<16x32xf32, #tpu.memory_space<hbm>>
        %dma_wait3A_3151 = arith.constant 0 : i32
        %dma_wait3A_3152 = tpu.memref_slice %arg9[%add3A_3144, %dma_wait3A_3151] : memref<16384x32xf32, #tpu.memory_space<hbm>> -> memref<16x32xf32, #tpu.memory_space<hbm>>
        tpu.wait_dma2 semaphore(%run_scoped3A : memref<!tpu.dma_semaphore, #tpu.memory_space<semaphore_mem>>) src(%arg17 : memref<16x32xf32, #tpu.memory_space<vmem>>) dst(%dma_wait3A_3152 : memref<16x32xf32, #tpu.memory_space<hbm>>)
        tpu.yield
      }) : () -> ()
    }
    %scan3A_7 = arith.constant 32 : i32
    return
  }
}

module attributes {stable_mosaic.version = 14 : i64} {
  func.func @_tc_mlp_body(%arg0: i32, %arg1: memref<2048x32xf32, #tpu.memory_space<vmem>>, %arg2: memref<2048x32xf32, #tpu.memory_space<vmem>>, %arg3: memref<32x32xf32, #tpu.memory_space<vmem>>, %arg4: memref<1x32xf32, #tpu.memory_space<vmem>>, %arg5: memref<32x32xf32, #tpu.memory_space<vmem>>, %arg6: memref<1x32xf32, #tpu.memory_space<vmem>>, %arg7: memref<32x32xf32, #tpu.memory_space<vmem>>, %arg8: memref<1x32xf32, #tpu.memory_space<vmem>>, %arg9: memref<32x32xf32, #tpu.memory_space<vmem>>, %arg10: memref<1x32xf32, #tpu.memory_space<vmem>>, %arg11: memref<32x1xf32, #tpu.memory_space<vmem>>, %arg12: memref<32x1xf32, #tpu.memory_space<vmem>>, %arg13: memref<1x1xf32, #tpu.memory_space<vmem>>, %arg14: memref<2048x1xf32, #tpu.memory_space<vmem>>) attributes {dimension_semantics = [#tpu.dimension_semantics<arbitrary>], iteration_bounds = array<i64: 8>, scalar_prefetch = 0 : i64, scratch_operands = 0 : i64, tpu.core_type = #tpu.core_type<tc>, window_params = [{transform_indices = @transform_0, window_bounds = array<i64: 2048, 32>}, {transform_indices = @transform_1, window_bounds = array<i64: 2048, 32>}, {pipeline_mode = #tpu.pipeline_mode<synchronous>, transform_indices = @transform_2, window_bounds = array<i64: 32, 32>}, {pipeline_mode = #tpu.pipeline_mode<synchronous>, transform_indices = @transform_3, window_bounds = array<i64: 1, 32>}, {pipeline_mode = #tpu.pipeline_mode<synchronous>, transform_indices = @transform_4, window_bounds = array<i64: 32, 32>}, {pipeline_mode = #tpu.pipeline_mode<synchronous>, transform_indices = @transform_5, window_bounds = array<i64: 1, 32>}, {pipeline_mode = #tpu.pipeline_mode<synchronous>, transform_indices = @transform_6, window_bounds = array<i64: 32, 32>}, {pipeline_mode = #tpu.pipeline_mode<synchronous>, transform_indices = @transform_7, window_bounds = array<i64: 1, 32>}, {pipeline_mode = #tpu.pipeline_mode<synchronous>, transform_indices = @transform_8, window_bounds = array<i64: 32, 32>}, {pipeline_mode = #tpu.pipeline_mode<synchronous>, transform_indices = @transform_9, window_bounds = array<i64: 1, 32>}, {pipeline_mode = #tpu.pipeline_mode<synchronous>, transform_indices = @transform_10, window_bounds = array<i64: 32, 1>}, {pipeline_mode = #tpu.pipeline_mode<synchronous>, transform_indices = @transform_11, window_bounds = array<i64: 32, 1>}, {pipeline_mode = #tpu.pipeline_mode<synchronous>, transform_indices = @transform_12, window_bounds = array<i64: 1, 1>}, {transform_indices = @transform_13, window_bounds = array<i64: 2048, 1>}]} {
    %get3A = arith.constant 0 : index
    %get3A_0 = arith.constant 0 : index
    %get3A_1 = vector.load %arg2[%get3A, %get3A_0] : memref<2048x32xf32, #tpu.memory_space<vmem>>, vector<2048x32xf32>
    %get3A_2 = arith.constant 0 : index
    %get3A_3 = arith.constant 0 : index
    %get3A_4 = vector.load %arg3[%get3A_2, %get3A_3] : memref<32x32xf32, #tpu.memory_space<vmem>>, vector<32x32xf32>
    %dot_general3A = arith.constant dense<0.000000e+00> : vector<2048x32xf32>
    %dot_general3A_5 = tpu.matmul %get3A_1, %get3A_4, %dot_general3A {dimension_numbers = #tpu.dot_dimension_numbers<[1], [0], [0], [1], [0, 0, 1, 1], [], []>, transpose_lhs_hint = false} : vector<2048x32xf32>, vector<32x32xf32>, vector<2048x32xf32> -> vector<2048x32xf32>
    %get3A_6 = arith.constant 0 : index
    %get3A_7 = arith.constant 0 : index
    %get3A_8 = vector.load %arg4[%get3A_6, %get3A_7] : memref<1x32xf32, #tpu.memory_space<vmem>>, vector<1x32xf32>
    %add3A = vector.broadcast %get3A_8 : vector<1x32xf32> to vector<2048x32xf32>
    %add3A_9 = arith.addf %dot_general3A_5, %add3A : vector<2048x32xf32>
    %max3A = arith.constant 0.000000e+00 : f32
    %max3A_10 = vector.broadcast %max3A : f32 to vector<2048x32xf32>
    %max3A_11 = arith.maximumf %add3A_9, %max3A_10 : vector<2048x32xf32>
    %get3A_12 = arith.constant 0 : index
    %get3A_13 = arith.constant 0 : index
    %get3A_14 = vector.load %arg5[%get3A_12, %get3A_13] : memref<32x32xf32, #tpu.memory_space<vmem>>, vector<32x32xf32>
    %dot_general3A_15 = arith.constant dense<0.000000e+00> : vector<2048x32xf32>
    %dot_general3A_16 = tpu.matmul %max3A_11, %get3A_14, %dot_general3A_15 {dimension_numbers = #tpu.dot_dimension_numbers<[1], [0], [0], [1], [0, 0, 1, 1], [], []>, transpose_lhs_hint = false} : vector<2048x32xf32>, vector<32x32xf32>, vector<2048x32xf32> -> vector<2048x32xf32>
    %get3A_17 = arith.constant 0 : index
    %get3A_18 = arith.constant 0 : index
    %get3A_19 = vector.load %arg6[%get3A_17, %get3A_18] : memref<1x32xf32, #tpu.memory_space<vmem>>, vector<1x32xf32>
    %add3A_20 = vector.broadcast %get3A_19 : vector<1x32xf32> to vector<2048x32xf32>
    %add3A_21 = arith.addf %dot_general3A_16, %add3A_20 : vector<2048x32xf32>
    %max3A_22 = arith.constant 0.000000e+00 : f32
    %max3A_23 = vector.broadcast %max3A_22 : f32 to vector<2048x32xf32>
    %max3A_24 = arith.maximumf %add3A_21, %max3A_23 : vector<2048x32xf32>
    %get3A_25 = arith.constant 0 : index
    %get3A_26 = arith.constant 0 : index
    %get3A_27 = vector.load %arg7[%get3A_25, %get3A_26] : memref<32x32xf32, #tpu.memory_space<vmem>>, vector<32x32xf32>
    %dot_general3A_28 = arith.constant dense<0.000000e+00> : vector<2048x32xf32>
    %dot_general3A_29 = tpu.matmul %max3A_24, %get3A_27, %dot_general3A_28 {dimension_numbers = #tpu.dot_dimension_numbers<[1], [0], [0], [1], [0, 0, 1, 1], [], []>, transpose_lhs_hint = false} : vector<2048x32xf32>, vector<32x32xf32>, vector<2048x32xf32> -> vector<2048x32xf32>
    %get3A_30 = arith.constant 0 : index
    %get3A_31 = arith.constant 0 : index
    %get3A_32 = vector.load %arg8[%get3A_30, %get3A_31] : memref<1x32xf32, #tpu.memory_space<vmem>>, vector<1x32xf32>
    %add3A_33 = vector.broadcast %get3A_32 : vector<1x32xf32> to vector<2048x32xf32>
    %add3A_34 = arith.addf %dot_general3A_29, %add3A_33 : vector<2048x32xf32>
    %max3A_35 = arith.constant 0.000000e+00 : f32
    %max3A_36 = vector.broadcast %max3A_35 : f32 to vector<2048x32xf32>
    %max3A_37 = arith.maximumf %add3A_34, %max3A_36 : vector<2048x32xf32>
    %get3A_38 = arith.constant 0 : index
    %get3A_39 = arith.constant 0 : index
    %get3A_40 = vector.load %arg9[%get3A_38, %get3A_39] : memref<32x32xf32, #tpu.memory_space<vmem>>, vector<32x32xf32>
    %dot_general3A_41 = arith.constant dense<0.000000e+00> : vector<2048x32xf32>
    %dot_general3A_42 = tpu.matmul %max3A_37, %get3A_40, %dot_general3A_41 {dimension_numbers = #tpu.dot_dimension_numbers<[1], [0], [0], [1], [0, 0, 1, 1], [], []>, transpose_lhs_hint = false} : vector<2048x32xf32>, vector<32x32xf32>, vector<2048x32xf32> -> vector<2048x32xf32>
    %get3A_43 = arith.constant 0 : index
    %get3A_44 = arith.constant 0 : index
    %get3A_45 = vector.load %arg10[%get3A_43, %get3A_44] : memref<1x32xf32, #tpu.memory_space<vmem>>, vector<1x32xf32>
    %add3A_46 = vector.broadcast %get3A_45 : vector<1x32xf32> to vector<2048x32xf32>
    %add3A_47 = arith.addf %dot_general3A_42, %add3A_46 : vector<2048x32xf32>
    %max3A_48 = arith.constant 0.000000e+00 : f32
    %max3A_49 = vector.broadcast %max3A_48 : f32 to vector<2048x32xf32>
    %max3A_50 = arith.maximumf %add3A_47, %max3A_49 : vector<2048x32xf32>
    %get3A_51 = arith.constant 0 : index
    %get3A_52 = arith.constant 0 : index
    %get3A_53 = vector.load %arg1[%get3A_51, %get3A_52] : memref<2048x32xf32, #tpu.memory_space<vmem>>, vector<2048x32xf32>
    %get3A_54 = arith.constant 0 : index
    %get3A_55 = arith.constant 0 : index
    %get3A_56 = vector.load %arg11[%get3A_54, %get3A_55] : memref<32x1xf32, #tpu.memory_space<vmem>>, vector<32x1xf32>
    %dot_general3A_57 = arith.constant dense<0.000000e+00> : vector<2048x1xf32>
    %dot_general3A_58 = tpu.matmul %get3A_53, %get3A_56, %dot_general3A_57 {dimension_numbers = #tpu.dot_dimension_numbers<[1], [0], [0], [1], [0, 0, 1, 1], [], []>, transpose_lhs_hint = false} : vector<2048x32xf32>, vector<32x1xf32>, vector<2048x1xf32> -> vector<2048x1xf32>
    %get3A_59 = arith.constant 0 : index
    %get3A_60 = arith.constant 0 : index
    %get3A_61 = vector.load %arg12[%get3A_59, %get3A_60] : memref<32x1xf32, #tpu.memory_space<vmem>>, vector<32x1xf32>
    %dot_general3A_62 = arith.constant dense<0.000000e+00> : vector<2048x1xf32>
    %dot_general3A_63 = tpu.matmul %max3A_50, %get3A_61, %dot_general3A_62 {dimension_numbers = #tpu.dot_dimension_numbers<[1], [0], [0], [1], [0, 0, 1, 1], [], []>, transpose_lhs_hint = false} : vector<2048x32xf32>, vector<32x1xf32>, vector<2048x1xf32> -> vector<2048x1xf32>
    %add3A_64 = arith.addf %dot_general3A_58, %dot_general3A_63 : vector<2048x1xf32>
    %get3A_65 = arith.constant 0 : index
    %get3A_66 = arith.constant 0 : index
    %get3A_67 = vector.load %arg13[%get3A_65, %get3A_66] : memref<1x1xf32, #tpu.memory_space<vmem>>, vector<1x1xf32>
    %add3A_68 = vector.broadcast %get3A_67 : vector<1x1xf32> to vector<2048x1xf32>
    %add3A_69 = arith.addf %add3A_64, %add3A_68 : vector<2048x1xf32>
    %logistic3A = arith.negf %add3A_69 : vector<2048x1xf32>
    %logistic3A_70 = math.exp %logistic3A : vector<2048x1xf32>
    %logistic3A_71 = arith.constant 1.000000e+00 : f32
    %logistic3A_72 = vector.broadcast %logistic3A_71 : f32 to vector<2048x1xf32>
    %logistic3A_73 = arith.addf %logistic3A_72, %logistic3A_70 : vector<2048x1xf32>
    %logistic3A_74 = arith.divf %logistic3A_72, %logistic3A_73 : vector<2048x1xf32>
    %swap3A = arith.constant 0 : index
    %swap3A_75 = arith.constant 0 : index
    %swap3A_76 = vector.load %arg14[%swap3A, %swap3A_75] : memref<2048x1xf32, #tpu.memory_space<vmem>>, vector<2048x1xf32>
    tpu.vector_store %arg14[%swap3A, %swap3A_75], %logistic3A_74 {strides = array<i32>} : memref<2048x1xf32, #tpu.memory_space<vmem>>, vector<2048x1xf32>,
    return
  }
  func.func @transform_0(%arg0: i32) -> (i32, i32) {
    %c0_i32 = arith.constant 0 : i32
    %c0_i32_0 = arith.constant 0 : i32
    return %arg0, %c0_i32 : i32, i32
  }
  func.func @transform_1(%arg0: i32) -> (i32, i32) {
    %c0_i32 = arith.constant 0 : i32
    %c0_i32_0 = arith.constant 0 : i32
    return %arg0, %c0_i32 : i32, i32
  }
  func.func @transform_2(%arg0: i32) -> (i32, i32) {
    %c0_i32 = arith.constant 0 : i32
    %c0_i32_0 = arith.constant 0 : i32
    %c0_i32_1 = arith.constant 0 : i32
    return %c0_i32, %c0_i32_0 : i32, i32
  }
  func.func @transform_3(%arg0: i32) -> (i32, i32) {
    %c0_i32 = arith.constant 0 : i32
    %c0_i32_0 = arith.constant 0 : i32
    %c0_i32_1 = arith.constant 0 : i32
    return %c0_i32, %c0_i32_0 : i32, i32
  }
  func.func @transform_4(%arg0: i32) -> (i32, i32) {
    %c0_i32 = arith.constant 0 : i32
    %c0_i32_0 = arith.constant 0 : i32
    %c0_i32_1 = arith.constant 0 : i32
    return %c0_i32, %c0_i32_0 : i32, i32
  }
  func.func @transform_5(%arg0: i32) -> (i32, i32) {
    %c0_i32 = arith.constant 0 : i32
    %c0_i32_0 = arith.constant 0 : i32
    %c0_i32_1 = arith.constant 0 : i32
    return %c0_i32, %c0_i32_0 : i32, i32
  }
  func.func @transform_6(%arg0: i32) -> (i32, i32) {
    %c0_i32 = arith.constant 0 : i32
    %c0_i32_0 = arith.constant 0 : i32
    %c0_i32_1 = arith.constant 0 : i32
    return %c0_i32, %c0_i32_0 : i32, i32
  }
  func.func @transform_7(%arg0: i32) -> (i32, i32) {
    %c0_i32 = arith.constant 0 : i32
    %c0_i32_0 = arith.constant 0 : i32
    %c0_i32_1 = arith.constant 0 : i32
    return %c0_i32, %c0_i32_0 : i32, i32
  }
  func.func @transform_8(%arg0: i32) -> (i32, i32) {
    %c0_i32 = arith.constant 0 : i32
    %c0_i32_0 = arith.constant 0 : i32
    %c0_i32_1 = arith.constant 0 : i32
    return %c0_i32, %c0_i32_0 : i32, i32
  }
  func.func @transform_9(%arg0: i32) -> (i32, i32) {
    %c0_i32 = arith.constant 0 : i32
    %c0_i32_0 = arith.constant 0 : i32
    %c0_i32_1 = arith.constant 0 : i32
    return %c0_i32, %c0_i32_0 : i32, i32
  }
  func.func @transform_10(%arg0: i32) -> (i32, i32) {
    %c0_i32 = arith.constant 0 : i32
    %c0_i32_0 = arith.constant 0 : i32
    %c0_i32_1 = arith.constant 0 : i32
    return %c0_i32, %c0_i32_0 : i32, i32
  }
  func.func @transform_11(%arg0: i32) -> (i32, i32) {
    %c0_i32 = arith.constant 0 : i32
    %c0_i32_0 = arith.constant 0 : i32
    %c0_i32_1 = arith.constant 0 : i32
    return %c0_i32, %c0_i32_0 : i32, i32
  }
  func.func @transform_12(%arg0: i32) -> (i32, i32) {
    %c0_i32 = arith.constant 0 : i32
    %c0_i32_0 = arith.constant 0 : i32
    %c0_i32_1 = arith.constant 0 : i32
    return %c0_i32, %c0_i32_0 : i32, i32
  }
  func.func @transform_13(%arg0: i32) -> (i32, i32) {
    %c0_i32 = arith.constant 0 : i32
    %c0_i32_0 = arith.constant 0 : i32
    return %arg0, %c0_i32 : i32, i32
  }
}

</mosaic_0001>

<sc_bundles>
// kernel: kernel.4.cloned.1.call-start
scs
__scs_entry_jumppad:
0x0: {  	(pc) =	sbr.rel $0x88, $3  }
0x1: {  	(tag) =	ssettag $0x0;
	lr =	simm.s32 $0x1  }
0x2: {  	[smem:$0x3F91] =	sst lr;
	_ =	strace $0xD0000000  }
0x3: {  	_ = 	snop  }
0x4: {  	_ = 	snop  }
0x5: {  	_ = 	snop  }
0x6: {  	_ = 	snop  }
0x7: {  	_ = 	snop  }
__scs_overlays_trampoline_lowered:
0x8: {  	[smem:$0x3FA0] =	sst s0  }
0x9: {  	[smem:$0x3FA1] =	sst s1  }
0xa: {  	[smem:$0x3FA2] =	sst s2  }
0xb: {  	[smem:$0x3FA3] =	sst s3  }
0xc: {  	[smem:$0x3FA4] =	sst s4  }
0xd: {  	[smem:$0x3FA5] =	sst s5  }
0xe: {  	[smem:$0x3FA6] =	sst s6  }
0xf: {  	[smem:$0x3FA7] =	sst s7  }
0x10: {  	[smem:$0x3FA8] =	sst s8  }
0x11: {  	[smem:$0x3FA9] =	sst s9;
	s0 =	simm.s32 @!p0 $0x0  }
0x12: {  	s1 =	sld [smem:$0x3F8F];
	s0 =	simm.s32 @p0 $0x1  }
0x13: {  	[smem:$0x3FAA] =	sst s0;
	s0 =	simm.s32 @!p1 $0x0  }
0x14: {  	s2 =	sld [smem:$0x3F8E];
	s0 =	simm.s32 @p1 $0x1  }
0x15: {  	[smem:$0x3FAB] =	sst s0;
	s0 =	simm.s32 @!p2 $0x0  }
0x16: {  	s3 =	sld [smem:$0x3FDB];
	s0 =	simm.s32 @p2 $0x1  }
0x17: {  	s4 =	simm.s32 $0x1BF5;
	[smem:$0x3FAD] =	sst s0  }
0x18: {  	s0 =	sld [smem:$0x3F90];
	_ =	swait.ge [sflag:s4], $0x0  }
0x19: {  	s7 =	sld [smem:$0x3F91]  }
0x1a: {  	s8 =	sadd.s32 $0xFFFFE003, lr  }
0x1b: {  	s9 =	sadd.s32 $0xFFFFFEF7, lr;
	s5 =	simm.s32 $0xFFFFFFFF;
	p2 =	slt.u32 s8, $0xFFFFF086  }
0x1c: {  	p1 =	slt.u32 s9, $0xF7A;
	s5 =	simm.s32 @!p2 $0x0  }
0x1d: {  	s5 =	simm.s32 @p1 $0x1;
	p0 =	seq.s32 s7, s2  }
0x1e: {  	s7 =	smul.u32 @!p0 $0xF7A, s2;
	p2 =	seq.s32 @!p0 s5, $0x0  }
0x1f: {  	s9 =	smul.u32 $0xF7A, s1;
	s8 =	simm.s32 @!p0 $0x1BF5;
	p2 =	por !p2, p0  }
0x20: {  	[sflag:s8] =	ssyncset.s32 @!p0 $0xFFFFF086;
	s6 =	sadd.s32 @!p0 s3, s7;
	s7 =	simm.s32 @!p0 $0x108  }
0x21: {  	s3 =	sadd.s32 s3, s9;
	s6 =	sadd.s32 @!p0 $0x88, s6;
	s7 =	simm.s32 @p2 $0x1082  }
0x22: {  	[simem:s7], [sflag:s8] =	dma.local @!p0 [hbm:s6], $0xF7A  }
0x23: {  	s9 =	sor.u32 $0xD0000000, s2;
	s6 =	simm.s32 $0x108;
	_ =	swait.ge @!p0 [sflag:s8], $0x0  }
0x24: {  	s3 =	sadd.s32 $0x88, s3;
	s6 =	simm.s32 @!p1 $0x1082;
	[sflag:s4] =	ssyncset.s32 $0xFFFFF086  }
0x25: {  	[simem:s6], [sflag:s4] =	dma.local [hbm:s3], $0xF7A  }
0x26: {  	[smem:$0x3F91] =	sst s1;
	(tag) =	ssettag s2;
	_ =	strace s9  }
0x27: {  	s1 =	sld [smem:$0x3FA1]  }
0x28: {  	s2 =	sld [smem:$0x3FA2]  }
0x29: {  	s4 =	sld [smem:$0x3FA4]  }
0x2a: {  	p0 =	seq.s32 s5, $0x0;
	s5 =	sld [smem:$0x3FA5]  }
0x2b: {  	s6 =	sld [smem:$0x3FA6]  }
0x2c: {  	s7 =	sld [smem:$0x3FA7]  }
0x2d: {  	s3 =	simm.s32 $0x108;
	s8 =	sld [smem:$0x3FA8]  }
0x2e: {  	s3 =	simm.s32 @!p0 $0x1082;
	s9 =	sld [smem:$0x3FA9]  }
0x2f: {  	lr =	sadd.s32 s0, s3;
	s0 =	sld [smem:$0x3FA0]  }
0x30: {  	s3 =	sld [smem:$0x3FA3]  }
0x31: {  	[smem:$0x3FAC] =	sst s10  }
0x32: {  	s10 =	sld [smem:$0x3FAA];
	_ =	sdelay $0x3  }
0x33: {  	p0 =	seq.s32 s10, $0x1;
	s10 =	sld [smem:$0x3FAC];
	_ =	sdelay $0x3  }
0x34: {  	[smem:$0x3FAC] =	sst s10  }
0x35: {  	s10 =	sld [smem:$0x3FAB];
	_ =	sdelay $0x3  }
0x36: {  	p1 =	seq.s32 s10, $0x1;
	s10 =	sld [smem:$0x3FAC];
	_ =	sdelay $0x3  }
0x37: {  	[smem:$0x3FAC] =	sst s10  }
0x38: {  	s10 =	sld [smem:$0x3FAD]  }
0x39: {  	_ = 	snop;
	(pc) =	sbr.ind lr, $3  }
0x3a: {  	_ = 	snop  }
0x3b: {  	_ = 	snop  }
0x3c: {  	p2 =	seq.s32 s10, $0x1;
	s10 =	sld [smem:$0x3FAC]  }
0x3d: {  	_ =	shalt  }
0x3e: {  	_ =	shalt  }
0x3f: {  	_ =	shalt  }
0x40: {  	_ =	shalt  }
0x41: {  	_ =	shalt  }
0x42: {  	_ =	shalt  }
0x43: {  	_ =	shalt  }
0x44: {  	_ =	shalt  }
0x45: {  	_ =	shalt  }
0x46: {  	_ =	shalt  }
0x47: {  	_ =	shalt  }
0x48: {  	_ =	shalt  }
0x49: {  	_ =	shalt  }
0x4a: {  	_ =	shalt  }
0x4b: {  	_ =	shalt  }
0x4c: {  	_ =	shalt  }
0x4d: {  	_ =	shalt  }
0x4e: {  	_ =	shalt  }
0x4f: {  	_ =	shalt  }
0x50: {  	_ =	shalt  }
0x51: {  	_ =	shalt  }
0x52: {  	_ =	shalt  }
0x53: {  	_ =	shalt  }
0x54: {  	_ =	shalt  }
0x55: {  	_ =	shalt  }
0x56: {  	_ =	shalt  }
0x57: {  	_ =	shalt  }
0x58: {  	_ =	shalt  }
0x59: {  	_ =	shalt  }
0x5a: {  	_ =	shalt  }
0x5b: {  	_ =	shalt  }
0x5c: {  	_ =	shalt  }
0x5d: {  	_ =	shalt  }
0x5e: {  	_ =	shalt  }
0x5f: {  	_ =	shalt  }
0x60: {  	_ =	shalt  }
0x61: {  	_ =	shalt  }
0x62: {  	_ =	shalt  }
0x63: {  	_ =	shalt  }
0x64: {  	_ =	shalt  }
0x65: {  	_ =	shalt  }
0x66: {  	_ =	shalt  }
0x67: {  	_ =	shalt  }
0x68: {  	_ =	shalt  }
0x69: {  	_ =	shalt  }
0x6a: {  	_ =	shalt  }
0x6b: {  	_ =	shalt  }
0x6c: {  	_ =	shalt  }
0x6d: {  	_ =	shalt  }
0x6e: {  	_ =	shalt  }
0x6f: {  	_ =	shalt  }
0x70: {  	_ =	shalt  }
0x71: {  	_ =	shalt  }
0x72: {  	_ =	shalt  }
0x73: {  	_ =	shalt  }
0x74: {  	_ =	shalt  }
0x75: {  	_ =	shalt  }
0x76: {  	_ =	shalt  }
0x77: {  	_ =	shalt  }
0x78: {  	_ =	shalt  }
0x79: {  	_ =	shalt  }
0x7a: {  	_ =	shalt  }
0x7b: {  	_ =	shalt  }
0x7c: {  	_ =	shalt  }
0x7d: {  	_ =	shalt  }
0x7e: {  	_ =	shalt  }
0x7f: {  	_ =	shalt  }
0x80: {  	_ =	shalt  }
0x81: {  	_ =	shalt  }
0x82: {  	_ =	shalt  }
0x83: {  	_ =	shalt  }
0x84: {  	_ =	shalt  }
0x85: {  	_ =	shalt  }
0x86: {  	_ =	shalt  }
0x87: {  	_ =	shalt  }
.Lfunc_end0:
.L_simem_size_0:
called_computation_lowered:
.L_overlay_start_0:
0x88: {  	s2 =	sld [smem:$0x3FD9]  }
0x89: {  	s3 =	sld [smem:$0x3FFE];
	_ =	sdelay $0x1  }
0x8a: {  	s1 =	srdreg.scid  }
0x8b: {  	s0 =	sand.u32 $0x1, s1  }
0x8c: {  	s17 =	sshll.u32 s0, $0xA;
	s2 =	sadd.s32 s3, s2  }
0x8d: {  	s2 =	sadd.s32 s2, s17  }
0x8e: {  	[smem:$0x3FB8] =	sst s2  }
0x8f: {  	_ = 	snop  }
0x90: {  	s2 =	sld [smem:$0x3FC9]  }
0x91: {  	s18 =	sld [smem:$0x3FC8]  }
0x92: {  	s4 =	sld [smem:$0x3FC7]  }
0x93: {  	s5 =	sld [smem:$0x3FC6]  }
0x94: {  	s6 =	sld [smem:$0x3FC5]  }
0x95: {  	s7 =	sld [smem:$0x3FC4];
	(tm) =	ssettm $0x1  }
0x96: {  	s8 =	sld [smem:$0x3FFB];
	_ =	sdelay $0x3  }
0x97: {  	_ =	strace s8  }
0x98: {  	s8 =	sld [smem:$0x3FFC];
	_ =	sdelay $0x3  }
0x99: {  	_ =	strace s8  }
0x9a: {  	s8 =	sld [smem:$0x3FFD];
	_ =	sdelay $0x3  }
0x9b: {  	_ =	strace s8  }
0x9c: {  	_ =	strace $0x8FFFFFFF  }
0x9d: {  	s19 =	sld [smem:$0x3FDB];
	_ =	sdelay $0x1  }
0x9e: {  	s9 =	simm.s32 $_scs_section_size  }
0x9f: {  	s10 =	simm.s32 $_size__tile_overlayer_lowered;
	s11 =	simm.s32 $_tile_overlayer_lowered  }
0xa0: {  	s22 =	simm.s32 $0x1BFF;
	s21 =	sshll.u32 s11, $0x1;
	s8 =	sadd.s32 s9, s19  }
0xa1: {  	s12 =	simm.s32 $0x0;
	s20 =	sshll.u32 s10, $0x1;
	s10 =	sadd.s32 s21, s8  }
0xa2: {  	[timem:s12], [sflag:s22] =	dma.local [hbm:s10], s20  }
0xa3: {  	_ =	swait.ge [sflag:s22], s20  }
0xa4: {  	s9 =	ssub.s32 $0x0, s20;
	[sflag:s22] =	ssyncset.done $0x0  }
0xa5: {  	[sflag:s22] =	ssyncadd.s32 s9;
	_ =	sdelay $0x1  }
0xa6: {  	s23 =	simm.s32 $0x1B8B  }
0xa7: {  	_ =	swait.ge [sflag:s23], $0x1  }
0xa8: {  	[sflag:s23] =	ssyncset.done $0x0  }
0xa9: {  	s25 =	simm.s32 $0x1B8E;
	s24 =	sld [smem:$0x3FFE];
	[sflag:s23] =	ssyncadd.s32 $0xFFFFFFFF  }
0xaa: {  	s26 =	simm.s32 $execute0_lowered;
	[smem:$0x3FD2] =	sst s25  }
0xab: {  	s10 =	sshll.u32 s26, $0x1;
	_ =	strace $0x80000046;
	[dreg:$0x1] =	wrdreg $0xFFFFFFFF  }
0xac: {  	s28 =	simm.s32 $_size_execute0_lowered;
	s8 =	sadd.s32 s8, s10;
	[dreg:$0x0] =	wrdreg $0x0  }
0xad: {  	s10 =	sshll.u32 s28, $0x1;
	[dreg:$0x2] =	wrdreg s8  }
0xae: {  	[dreg:$0x3] =	wrdreg s10  }
0xaf: {  	[dreg:$0x4] =	wrdreg $0xC0  }
0xb0: {  	_ =	task [dreg:s12], $0x5FFFF  }
0xb1: {  	[dreg:$0x1] =	wrdreg $0xFFFFFFFF  }
0xb2: {  	[dreg:$0x0] =	wrdreg $0x60  }
0xb3: {  	[dreg:$0x2] =	wrdreg s2  }
0xb4: {  	[dreg:$0x3] =	wrdreg s18  }
0xb5: {  	[dreg:$0x4] =	wrdreg s4  }
0xb6: {  	[dreg:$0x5] =	wrdreg s5  }
0xb7: {  	[dreg:$0x6] =	wrdreg s6  }
0xb8: {  	[dreg:$0x7] =	wrdreg s7  }
0xb9: {  	[dreg:$0x8] =	wrdreg s24  }
0xba: {  	[dreg:$0x9] =	wrdreg $0x9  }
0xbb: {  	_ =	task.clear_ibuf [dreg:s12], $0xAFFFF;
	_ =	strace $0x90000046  }
0xbc: {  	s29 =	simm.s32 $0x9;
	_ =	strace $0x80000048  }
0xbd: {  	_ =	swait.ge [sflag:s29], $0x1  }
0xbe: {  	[sflag:s29] =	ssyncadd.s32 $0xFFFFFFFF  }
0xbf: {  	_ =	strace $0x90000048  }
0xc0: {  	_ =	sfence  }
0xc1: {  	s30 =	sld [smem:$0x0];
	_ =	sdelay $0x2  }
0xc2: {  	s31 =	sshll.u32 s1, $0xD;
	s1 =	sshrl.u32 s1, $0x2  }
0xc3: {  	s3 =	sand.u32 $0x4000, s31;
	s1 =	sadd.s32 s1, s30  }
0xc4: {  	s0 =	sor.u32 s3, s0;
	s1 =	sshll.u32 s1, $0x11  }
0xc5: {  	s0 =	sor.u32 s1, s0  }
0xc6: {  	s0 =	sadd.s32 $0x8F2B, s0  }
0xc7: {  	[sflag:s0] =	ssyncadd.remote.s32 $0x1  }
0xc8: {  	_ =	sfence.sel $0xFFFF  }
0xc9: {  	[dreg:$0x0] =	wrdreg $0xFFFFFFFF;
	(pc) =	sbr.abs _section_cstart, $3  }
0xca: {  	[dreg:$0x1] =	wrdreg $0xFFFFFFFF  }
0xcb: {  	_ =	task.clear_ibuf [dreg:s12], $0x2FFFF;
	_ =	strace $0x9FFFFFFF  }
0xcc: {  	(tm) =	ssettm $0x7FFFFFFF  }
0xcd: {  	_ =	shalt  }
tec
execute0_lowered:
.L_overlay_start_1:
0x0: {  	(tag) =	ssettag $0x1  }
0x1: {  	s0 =	rddreg [dreg:$0x0]  }
0x2: {  	s5 =	rddreg [dreg:$0x1]  }
0x3: {  	s1 =	rddreg [dreg:$0x2]  }
0x4: {  	s2 =	rddreg [dreg:$0x3]  }
0x5: {  	s3 =	rddreg [dreg:$0x4]  }
0x6: {  	s4 =	rddreg [dreg:$0x5]  }
0x7: {  	s6 =	rddreg [dreg:$0x6];
	s11 =	simm.s32 $0x0;
	s7 =	srdreg.scid  }
0x8: {  	s9 =	stileid.u32;
	s14 =	simm.s32 $0x7A1400;
	s15 =	simm.s32 $0x400  }
0x9: {  	s17 =	simm.s32 $0x10400;
	s22 =	simm.s32 $0x14400;
	s29 =	simm.s32 $0x18400  }
0xa: {  	s30 =	simm.s32 $0x18C00;
	s13 =	simm.s32 $0x13C00;
	s31 =	simm.s32 $0x1  }
0xb: {  	[smem:$0x7FF] =	sst s11;
	s7 =	sand.u32 $0x1, s7;
	s8 =	sshll.u32 s9, $0xE  }
0xc: {  	s9 =	sshll.u32 s9, $0xA;
	_ =	strace $0x80000047;
	s10 =	sshll.u32 s7, $0x9  }
0xd: {  	s6 =	sadd.s32 s8, s6;
	s23 =	ssub.s32 $0x2, s7;
	s7 =	sshll.u32 s7, $0xD  }
0xe: {  	[dreg:$0x8] =	wrdreg s29;
	s9 =	sor.u32 s10, s9;
	s25 =	sadd.s32 s7, s6  }
0xf: {  	[dreg:$0x9] =	wrdreg s30;
	s9 =	sshrl.u32 s9, $0x3;
	s28 =	sadd.s32 $0x1E00, s25  }
0x10: {  	s24 =	sshrl.u32 s23, $0x1;
	s0 =	sadd.s32 s0, s9;
	[dreg:$0xd] =	wrdreg s28  }
0x11: {  	v0 =	vlaneseq.u32;
	s8 =	ssub.s32 s23, s24;
	s5 =	sadd.s32 s5, s9;
	[dreg:$0xa] =	wrdreg s0  }
0x12: {  	v0 =	vmul.u32 $0x80, v0;
	s6 =	simm.s32 $0x0;
	s26 =	smax.u32 s8, $0x1;
	[dreg:$0xb] =	wrdreg s5  }
0x13: {  	s9 =	simm.s32 $0x8400;
	[dreg:$0xc] =	wrdreg s26;
	s0 =	sadd.s32 $0x41E00, s25  }
0x14: {  	v1 =	vor.u32 $0x800, v0;
	s5 =	simm.s32 $0x2;
	s25 =	simm.s32 $0x1400;
	[dreg:$0xe] =	wrdreg s0  }
.LBB2_1:
0x15: {  	[dreg:$0xf] =	wrdreg s6  }
0x16: {  	s0 =	rddreg [dreg:$0xa]  }
0x17: {  	[tilespmem:s11], [sflag:$0x2] =	stream.linear.gather [hbm4b:s0+s11], $0x200, $0x38;
	[tilespmem:$0x19400] =	vst v63  }
0x18: {  	_ =	swait.ge [sflag:s5], $0x200  }
0x19: {  	[sflag:s5] =	ssyncset.done $0x0  }
0x1a: {  	s30 =	simm.s32 $0x200;
	s29 =	rddreg [dreg:$0xb];
	[sflag:s5] =	ssyncadd.s32 $0xFFFFFE00  }
0x1b: {  	[tilespmem:s30], [sflag:$0x2] =	stream.linear.gather [hbm4b:s29+s11], $0x200, $0x38;
	[tilespmem:$0x19400] =	vst v63  }
0x1c: {  	_ =	swait.ge [sflag:s5], $0x200  }
0x1d: {  	s6 =	simm.s32 $0x9400;
	[sflag:s5] =	ssyncset.done $0x0;
	s0 =	rddreg [dreg:$0xe]  }
0x1e: {  	s10 =	simm.s32 $0x0;
	s8 =	rddreg [dreg:$0xd];
	[sflag:s5] =	ssyncadd.s32 $0xFFFFFE00  }
.LBB2_2:
0x1f: {  	s23 =	sshra.s32 s10, $0x2  }
0x20: {  	v3 =	vld [tilespmem:s23+$0x0]  }
0x21: {  	v2 =	vld [tilespmem:s23+$0x200];
	_ =	sdelay $0x3  }
0x22: {  	(v2sf) =	vpush v3, $0x0  }
0x23: {  	(v2sf) =	vpush v2, $0x0;
	_ =	sdelay $0x6  }
0x24: {  	(v2sf) =	vpush v3, $0x1  }
0x25: {  	(v2sf) =	vpush v2, $0x1;
	_ =	sdelay $0x5  }
0x26: {  	[dreg:$0x11] =	wrdreg s8;
	s8 =	spop (v2sf)  }
0x27: {  	s24 =	sand.u32 $0xFFFFF80, s8;
	s12 =	spop (v2sf)  }
0x28: {  	(v2sf) =	vpush v3, $0x2;
	s5 =	sadd.s32 s1, s24;
	s26 =	sand.u32 $0xFFFFF80, s12  }
0x29: {  	(v2sf) =	vpush v2, $0x2;
	[tilespmem:s15], [sflag:$0x1] =	stream.strided.gather [hbm4b:s5+s15], $0x1000, s14, s15, $0x38;
	[tilespmem:$0x19400] =	vst v63  }
0x2a: {  	s11 =	sadd.s32 s2, s26  }
0x2b: {  	[tilespmem:s9], [sflag:$0x1] =	stream.strided.gather [hbm4b:s11+s15], $0x1000, s14, s15, $0x38;
	[tilespmem:$0x19400] =	vst v63  }
0x2c: {  	[dreg:$0x10] =	wrdreg s0;
	s0 =	sadd.s32 s3, s24  }
0x2d: {  	[tilespmem:s17], [sflag:$0x1] =	stream.strided.gather [hbm4b:s0+s15], $0x800, s14, s15, $0x38;
	[tilespmem:$0x19400] =	vst v63  }
0x2e: {  	s0 =	spop (v2sf)  }
0x2f: {  	s28 =	sadd.s32 s4, s26;
	(v2sf) =	vpush v3, $0x3;
	s29 =	sand.u32 $0xFFFFF80, s0;
	s5 =	spop (v2sf)  }
0x30: {  	[tilespmem:s22], [sflag:$0x1] =	stream.strided.gather [hbm4b:s28+s15], $0x800, s14, s15, $0x38;
	[tilespmem:$0x19400] =	vst v63  }
0x31: {  	(v2sf) =	vpush v2, $0x3;
	s16 =	sadd.s32 s1, s29;
	s30 =	sand.u32 $0xFFFFF80, s5  }
0x32: {  	[tilespmem:s25], [sflag:$0x1] =	stream.strided.gather [hbm4b:s16+s15], $0x1000, s14, s15, $0x38;
	[tilespmem:$0x19400] =	vst v63  }
0x33: {  	s18 =	sadd.s32 s2, s30  }
0x34: {  	[tilespmem:s6], [sflag:$0x1] =	stream.strided.gather [hbm4b:s18+s15], $0x1000, s14, s15, $0x38;
	[tilespmem:$0x19400] =	vst v63  }
0x35: {  	s7 =	simm.s32 $0x10C00;
	s11 =	sadd.s32 s3, s29  }
0x36: {  	[tilespmem:s7], [sflag:$0x1] =	stream.strided.gather [hbm4b:s11+s15], $0x800, s14, s15, $0x38;
	[tilespmem:$0x19400] =	vst v63  }
0x37: {  	s9 =	sadd.s32 s4, s30;
	s28 =	spop (v2sf);
	(v2sf) =	vpush v3, $0x4  }
0x38: {  	s16 =	simm.s32 $0x14C00;
	s17 =	sand.u32 $0xFFFFF80, s28;
	s29 =	spop (v2sf)  }
0x39: {  	(v2sf) =	vpush v2, $0x4;
	[tilespmem:s16], [sflag:$0x1] =	stream.strided.gather [hbm4b:s9+s15], $0x800, s14, s15, $0x38;
	[tilespmem:$0x19400] =	vst v63  }
0x3a: {  	s20 =	simm.s32 $0x2400;
	s19 =	sadd.s32 s1, s17;
	s21 =	sand.u32 $0xFFFFF80, s29  }
0x3b: {  	[tilespmem:s20], [sflag:$0x1] =	stream.strided.gather [hbm4b:s19+s15], $0x1000, s14, s15, $0x38;
	[tilespmem:$0x19400] =	vst v63  }
0x3c: {  	s23 =	simm.s32 $0xA400;
	s24 =	simm.s32 $0x11400;
	s22 =	sadd.s32 s2, s21  }
0x3d: {  	[tilespmem:s23], [sflag:$0x1] =	stream.strided.gather [hbm4b:s22+s15], $0x1000, s14, s15, $0x38;
	[tilespmem:$0x19400] =	vst v63  }
0x3e: {  	s26 =	simm.s32 $0x15400;
	s11 =	sadd.s32 s3, s17;
	s23 =	spop (v2sf)  }
0x3f: {  	(v2sf) =	vpush v3, $0x5;
	[tilespmem:s24], [sflag:$0x1] =	stream.strided.gather [hbm4b:s11+s15], $0x800, s14, s15, $0x38;
	[tilespmem:$0x19400] =	vst v63  }
0x40: {  	s25 =	sadd.s32 s4, s21;
	s30 =	sand.u32 $0xFFFFF80, s23;
	s24 =	spop (v2sf)  }
0x41: {  	(v2sf) =	vpush v2, $0x5;
	[tilespmem:s26], [sflag:$0x1] =	stream.strided.gather [hbm4b:s25+s15], $0x800, s14, s15, $0x38;
	[tilespmem:$0x19400] =	vst v63  }
0x42: {  	s7 =	simm.s32 $0x3400;
	s6 =	sadd.s32 s1, s30;
	s9 =	sand.u32 $0xFFFFF80, s24  }
0x43: {  	[tilespmem:s7], [sflag:$0x1] =	stream.strided.gather [hbm4b:s6+s15], $0x1000, s14, s15, $0x38;
	[tilespmem:$0x19400] =	vst v63  }
0x44: {  	s19 =	simm.s32 $0xB400;
	s20 =	simm.s32 $0x11C00;
	s17 =	sadd.s32 s2, s9  }
0x45: {  	[tilespmem:s19], [sflag:$0x1] =	stream.strided.gather [hbm4b:s17+s15], $0x1000, s14, s15, $0x38;
	[tilespmem:$0x19400] =	vst v63  }
0x46: {  	s22 =	simm.s32 $0x15C00;
	s11 =	sadd.s32 s3, s30;
	s19 =	spop (v2sf)  }
0x47: {  	[tilespmem:s20], [sflag:$0x1] =	stream.strided.gather [hbm4b:s11+s15], $0x800, s14, s15, $0x38;
	[tilespmem:$0x19400] =	vst v63  }
0x48: {  	s21 =	sadd.s32 s4, s9;
	s25 =	sand.u32 $0xFFFFF80, s19;
	s20 =	spop (v2sf)  }
0x49: {  	(v2sf) =	vpush v3, $0x6;
	[tilespmem:s22], [sflag:$0x1] =	stream.strided.gather [hbm4b:s21+s15], $0x800, s14, s15, $0x38;
	[tilespmem:$0x19400] =	vst v63  }
0x4a: {  	s30 =	simm.s32 $0x4400;
	s26 =	sadd.s32 s1, s25;
	s7 =	sand.u32 $0xFFFFF80, s20  }
0x4b: {  	(v2sf) =	vpush v2, $0x6;
	[tilespmem:s30], [sflag:$0x1] =	stream.strided.gather [hbm4b:s26+s15], $0x1000, s14, s15, $0x38;
	[tilespmem:$0x19400] =	vst v63  }
0x4c: {  	s17 =	simm.s32 $0xC400;
	s11 =	sadd.s32 s3, s25;
	s9 =	sadd.s32 s2, s7  }
0x4d: {  	[tilespmem:s17], [sflag:$0x1] =	stream.strided.gather [hbm4b:s9+s15], $0x1000, s14, s15, $0x38;
	[tilespmem:$0x19400] =	vst v63  }
0x4e: {  	s25 =	simm.s32 $0x16400;
	s21 =	simm.s32 $0x12400;
	s30 =	spop (v2sf)  }
0x4f: {  	[tilespmem:s21], [sflag:$0x1] =	stream.strided.gather [hbm4b:s11+s15], $0x800, s14, s15, $0x38;
	[tilespmem:$0x19400] =	vst v63  }
0x50: {  	s22 =	sadd.s32 s4, s7;
	s26 =	sand.u32 $0xFFFFF80, s30;
	s16 =	spop (v2sf)  }
0x51: {  	[tilespmem:s25], [sflag:$0x1] =	stream.strided.gather [hbm4b:s22+s15], $0x800, s14, s15, $0x38;
	[tilespmem:$0x19400] =	vst v63  }
0x52: {  	s7 =	simm.s32 $0x5400;
	(v2sf) =	vpush v3, $0x7;
	s6 =	sadd.s32 s1, s26;
	s9 =	sand.u32 $0xFFFFF80, s16  }
0x53: {  	[tilespmem:s7], [sflag:$0x1] =	stream.strided.gather [hbm4b:s6+s15], $0x1000, s14, s15, $0x38;
	[tilespmem:$0x19400] =	vst v63  }
0x54: {  	s17 =	simm.s32 $0xD400;
	(v2sf) =	vpush v2, $0x7;
	s21 =	sadd.s32 s2, s9  }
0x55: {  	[tilespmem:s17], [sflag:$0x1] =	stream.strided.gather [hbm4b:s21+s15], $0x1000, s14, s15, $0x38;
	[tilespmem:$0x19400] =	vst v63  }
0x56: {  	s11 =	sadd.s32 s3, s26;
	s22 =	simm.s32 $0x12C00  }
0x57: {  	[tilespmem:s22], [sflag:$0x1] =	stream.strided.gather [hbm4b:s11+s15], $0x800, s14, s15, $0x38;
	[tilespmem:$0x19400] =	vst v63  }
0x58: {  	s26 =	simm.s32 $0x16C00;
	s25 =	sadd.s32 s4, s9;
	s21 =	spop (v2sf)  }
0x59: {  	[tilespmem:s26], [sflag:$0x1] =	stream.strided.gather [hbm4b:s25+s15], $0x800, s14, s15, $0x38;
	[tilespmem:$0x19400] =	vst v63  }
0x5a: {  	s11 =	sand.u32 $0xFFFFF80, s21;
	s26 =	spop (v2sf)  }
0x5b: {  	s9 =	simm.s32 $0x6400;
	s7 =	sadd.s32 s1, s11;
	s18 =	sand.u32 $0xFFFFF80, s26  }
0x5c: {  	[tilespmem:s9], [sflag:$0x1] =	stream.strided.gather [hbm4b:s7+s15], $0x1000, s14, s15, $0x38;
	[tilespmem:$0x19400] =	vst v63  }
0x5d: {  	s25 =	simm.s32 $0xE400;
	s17 =	sadd.s32 s2, s18  }
0x5e: {  	[tilespmem:s25], [sflag:$0x1] =	stream.strided.gather [hbm4b:s17+s15], $0x1000, s14, s15, $0x38;
	[tilespmem:$0x19400] =	vst v63  }
0x5f: {  	s7 =	sadd.s32 s3, s11;
	s11 =	simm.s32 $0x13400  }
0x60: {  	[tilespmem:s11], [sflag:$0x1] =	stream.strided.gather [hbm4b:s7+s15], $0x800, s14, s15, $0x38;
	[tilespmem:$0x19400] =	vst v63  }
0x61: {  	s17 =	sadd.s32 s4, s18;
	s18 =	simm.s32 $0x17400;
	s11 =	spop (v2sf)  }
0x62: {  	[tilespmem:s18], [sflag:$0x1] =	stream.strided.gather [hbm4b:s17+s15], $0x800, s14, s15, $0x38;
	[tilespmem:$0x19400] =	vst v63  }
0x63: {  	s9 =	sand.u32 $0xFFFFF80, s11;
	s18 =	spop (v2sf)  }
0x64: {  	s7 =	simm.s32 $0x7400;
	s25 =	sadd.s32 s1, s9;
	s6 =	sand.u32 $0xFFFFF80, s18  }
0x65: {  	[tilespmem:s7], [sflag:$0x1] =	stream.strided.gather [hbm4b:s25+s15], $0x1000, s14, s15, $0x38;
	[tilespmem:$0x19400] =	vst v63  }
0x66: {  	s25 =	sadd.s32 s2, s6;
	s7 =	simm.s32 $0xF400  }
0x67: {  	[tilespmem:s7], [sflag:$0x1] =	stream.strided.gather [hbm4b:s25+s15], $0x1000, s14, s15, $0x38;
	[tilespmem:$0x19400] =	vst v63  }
0x68: {  	s9 =	sadd.s32 s3, s9  }
0x69: {  	[tilespmem:s13], [sflag:$0x1] =	stream.strided.gather [hbm4b:s9+s15], $0x800, s14, s15, $0x38;
	[tilespmem:$0x19400] =	vst v63  }
0x6a: {  	s6 =	sadd.s32 s4, s6;
	s7 =	simm.s32 $0x17C00  }
0x6b: {  	[tilespmem:s7], [sflag:$0x1] =	stream.strided.gather [hbm4b:s6+s15], $0x800, s14, s15, $0x38;
	[tilespmem:$0x19400] =	vst v63  }
0x6c: {  	_ =	swait.ge [sflag:s31], $0x1000  }
0x6d: {  	[sflag:s31] =	ssyncset.done $0x0  }
0x6e: {  	[sflag:s31] =	ssyncadd.s32 $0xFFFFF000  }
0x6f: {  	_ =	swait.ge [sflag:s31], $0x1000  }
0x70: {  	[sflag:s31] =	ssyncset.done $0x0  }
0x71: {  	[sflag:s31] =	ssyncadd.s32 $0xFFFFF000  }
0x72: {  	_ =	swait.ge [sflag:s31], $0x800  }
0x73: {  	[sflag:s31] =	ssyncset.done $0x0  }
0x74: {  	[sflag:s31] =	ssyncadd.s32 $0xFFFFF800  }
0x75: {  	_ =	swait.ge [sflag:s31], $0x800  }
0x76: {  	[sflag:s31] =	ssyncset.done $0x0  }
0x77: {  	[sflag:s31] =	ssyncadd.s32 $0xFFFFF800  }
0x78: {  	_ =	swait.ge [sflag:s31], $0x1000  }
0x79: {  	[sflag:s31] =	ssyncset.done $0x0  }
0x7a: {  	[sflag:s31] =	ssyncadd.s32 $0xFFFFF000  }
0x7b: {  	_ =	swait.ge [sflag:s31], $0x1000  }
0x7c: {  	[sflag:s31] =	ssyncset.done $0x0  }
0x7d: {  	[sflag:s31] =	ssyncadd.s32 $0xFFFFF000  }
0x7e: {  	_ =	swait.ge [sflag:s31], $0x800  }
0x7f: {  	[sflag:s31] =	ssyncset.done $0x0  }
0x80: {  	[sflag:s31] =	ssyncadd.s32 $0xFFFFF800  }
0x81: {  	_ =	swait.ge [sflag:s31], $0x800  }
0x82: {  	[sflag:s31] =	ssyncset.done $0x0  }
0x83: {  	[sflag:s31] =	ssyncadd.s32 $0xFFFFF800  }
0x84: {  	_ =	swait.ge [sflag:s31], $0x1000  }
0x85: {  	[sflag:s31] =	ssyncset.done $0x0  }
0x86: {  	[sflag:s31] =	ssyncadd.s32 $0xFFFFF000  }
0x87: {  	_ =	swait.ge [sflag:s31], $0x1000  }
0x88: {  	[sflag:s31] =	ssyncset.done $0x0  }
0x89: {  	[sflag:s31] =	ssyncadd.s32 $0xFFFFF000  }
0x8a: {  	_ =	swait.ge [sflag:s31], $0x800  }
0x8b: {  	[sflag:s31] =	ssyncset.done $0x0  }
0x8c: {  	[sflag:s31] =	ssyncadd.s32 $0xFFFFF800  }
0x8d: {  	_ =	swait.ge [sflag:s31], $0x800  }
0x8e: {  	[sflag:s31] =	ssyncset.done $0x0  }
0x8f: {  	[sflag:s31] =	ssyncadd.s32 $0xFFFFF800  }
0x90: {  	_ =	swait.ge [sflag:s31], $0x1000  }
0x91: {  	[sflag:s31] =	ssyncset.done $0x0  }
0x92: {  	[sflag:s31] =	ssyncadd.s32 $0xFFFFF000  }
0x93: {  	_ =	swait.ge [sflag:s31], $0x1000  }
0x94: {  	[sflag:s31] =	ssyncset.done $0x0  }
0x95: {  	[sflag:s31] =	ssyncadd.s32 $0xFFFFF000  }
0x96: {  	_ =	swait.ge [sflag:s31], $0x800  }
0x97: {  	[sflag:s31] =	ssyncset.done $0x0  }
0x98: {  	[sflag:s31] =	ssyncadd.s32 $0xFFFFF800  }
0x99: {  	_ =	swait.ge [sflag:s31], $0x800  }
0x9a: {  	[sflag:s31] =	ssyncset.done $0x0  }
0x9b: {  	[sflag:s31] =	ssyncadd.s32 $0xFFFFF800  }
0x9c: {  	_ =	swait.ge [sflag:s31], $0x1000  }
0x9d: {  	[sflag:s31] =	ssyncset.done $0x0  }
0x9e: {  	[sflag:s31] =	ssyncadd.s32 $0xFFFFF000  }
0x9f: {  	_ =	swait.ge [sflag:s31], $0x1000  }
0xa0: {  	[sflag:s31] =	ssyncset.done $0x0  }
0xa1: {  	[sflag:s31] =	ssyncadd.s32 $0xFFFFF000  }
0xa2: {  	_ =	swait.ge [sflag:s31], $0x800  }
0xa3: {  	[sflag:s31] =	ssyncset.done $0x0  }
0xa4: {  	[sflag:s31] =	ssyncadd.s32 $0xFFFFF800  }
0xa5: {  	_ =	swait.ge [sflag:s31], $0x800  }
0xa6: {  	[sflag:s31] =	ssyncset.done $0x0  }
0xa7: {  	[sflag:s31] =	ssyncadd.s32 $0xFFFFF800  }
0xa8: {  	_ =	swait.ge [sflag:s31], $0x1000  }
0xa9: {  	[sflag:s31] =	ssyncset.done $0x0  }
0xaa: {  	[sflag:s31] =	ssyncadd.s32 $0xFFFFF000  }
0xab: {  	_ =	swait.ge [sflag:s31], $0x1000  }
0xac: {  	[sflag:s31] =	ssyncset.done $0x0  }
0xad: {  	[sflag:s31] =	ssyncadd.s32 $0xFFFFF000  }
0xae: {  	_ =	swait.ge [sflag:s31], $0x800  }
0xaf: {  	[sflag:s31] =	ssyncset.done $0x0  }
0xb0: {  	[sflag:s31] =	ssyncadd.s32 $0xFFFFF800  }
0xb1: {  	_ =	swait.ge [sflag:s31], $0x800  }
0xb2: {  	[sflag:s31] =	ssyncset.done $0x0  }
0xb3: {  	[sflag:s31] =	ssyncadd.s32 $0xFFFFF800  }
0xb4: {  	_ =	swait.ge [sflag:s31], $0x1000  }
0xb5: {  	[sflag:s31] =	ssyncset.done $0x0  }
0xb6: {  	[sflag:s31] =	ssyncadd.s32 $0xFFFFF000  }
0xb7: {  	_ =	swait.ge [sflag:s31], $0x1000  }
0xb8: {  	[sflag:s31] =	ssyncset.done $0x0  }
0xb9: {  	[sflag:s31] =	ssyncadd.s32 $0xFFFFF000  }
0xba: {  	_ =	swait.ge [sflag:s31], $0x800  }
0xbb: {  	[sflag:s31] =	ssyncset.done $0x0  }
0xbc: {  	[sflag:s31] =	ssyncadd.s32 $0xFFFFF800  }
0xbd: {  	_ =	swait.ge [sflag:s31], $0x800  }
0xbe: {  	[sflag:s31] =	ssyncset.done $0x0  }
0xbf: {  	[sflag:s31] =	ssyncadd.s32 $0xFFFFF800  }
0xc0: {  	_ =	swait.ge [sflag:s31], $0x1000  }
0xc1: {  	[sflag:s31] =	ssyncset.done $0x0  }
0xc2: {  	[sflag:s31] =	ssyncadd.s32 $0xFFFFF000  }
0xc3: {  	_ =	swait.ge [sflag:s31], $0x1000  }
0xc4: {  	[sflag:s31] =	ssyncset.done $0x0  }
0xc5: {  	[sflag:s31] =	ssyncadd.s32 $0xFFFFF000  }
0xc6: {  	s9 =	sand.u32 $0x7F, s8;
	_ =	swait.ge [sflag:s31], $0x800  }
0xc7: {  	v4 =	vor.u32 s9, v0;
	[sflag:s31] =	ssyncset.done $0x0  }
0xc8: {  	s17 =	sand.u32 $0x7F, s12;
	v5 =	vor.u32 s9, v1;
	[sflag:s31] =	ssyncadd.s32 $0xFFFFF800  }
0xc9: {  	v6 =	vor.u32 s17, v0;
	_ =	swait.ge [sflag:s31], $0x800  }
0xca: {  	v7 =	vor.u32 s17, v1;
	[sflag:s31] =	ssyncset.done $0x0  }
0xcb: {  	[sflag:s31] =	ssyncadd.s32 $0xFFFFF800  }
0xcc: {  	v8 =	vld.idx.msk [tilespmem:v4+s15+$0x0], $0xffff  }
0xcd: {  	s22 =	simm.s32 $0x8400;
	v5 =	vld.idx.msk [tilespmem:v5+s15+$0x0], $0xffff  }
0xce: {  	v9 =	vld.idx.msk [tilespmem:v6+s22+$0x0], $0xffff  }
0xcf: {  	v7 =	vld.idx.msk [tilespmem:v7+s22+$0x0], $0xffff;
	_ =	sdelay $0x3  }
0xd0: {  	v8 =	vmul.f32 v9, v8  }
0xd1: {  	v5 =	vmul.f32 v7, v5  }
0xd2: {  	[tilespmem:$0x18400] =	vst v8  }
0xd3: {  	s25 =	simm.s32 $0x10400;
	[tilespmem:$0x18410] =	vst v5  }
0xd4: {  	v4 =	vld.idx.msk [tilespmem:v4+s25+$0x0], $0xffff;
	_ =	sdelay $0x4  }
0xd5: {  	s7 =	simm.s32 $0x14400;
	[tilespmem:$0x18C00] =	vst v4  }
0xd6: {  	s0 =	sand.u32 $0x7F, s0;
	v4 =	vld.idx.msk [tilespmem:v6+s7+$0x0], $0xffff  }
0xd7: {  	v49 =	vor.u32 s0, v0  }
0xd8: {  	s5 =	sand.u32 $0x7F, s5;
	v50 =	vor.u32 s0, v1  }
0xd9: {  	v51 =	vor.u32 s5, v0  }
0xda: {  	v52 =	vor.u32 s5, v1  }
0xdb: {  	s25 =	simm.s32 $0x1400;
	[tilespmem:$0x18C10] =	vst v4  }
0xdc: {  	v4 =	vld.idx.msk [tilespmem:v49+s25+$0x0], $0xffff  }
0xdd: {  	s8 =	simm.s32 $0x9400;
	v6 =	vld.idx.msk [tilespmem:v50+s25+$0x0], $0xffff  }
0xde: {  	s9 =	simm.s32 $0x9400;
	v53 =	vld.idx.msk [tilespmem:v51+s8+$0x0], $0xffff  }
0xdf: {  	v8 =	vld.idx.msk [tilespmem:v52+s9+$0x0], $0xffff;
	_ =	sdelay $0x3  }
0xe0: {  	v4 =	vmul.f32 v53, v4  }
0xe1: {  	v6 =	vmul.f32 v8, v6  }
0xe2: {  	[tilespmem:$0x18480] =	vst v4  }
0xe3: {  	s12 =	simm.s32 $0x10C00;
	[tilespmem:$0x18490] =	vst v6  }
0xe4: {  	v4 =	vld.idx.msk [tilespmem:v49+s12+$0x0], $0xffff;
	_ =	sdelay $0x4  }
0xe5: {  	s17 =	simm.s32 $0x14C00;
	[tilespmem:$0x18C80] =	vst v4  }
0xe6: {  	s28 =	sand.u32 $0x7F, s28;
	v4 =	vld.idx.msk [tilespmem:v51+s17+$0x0], $0xffff  }
0xe7: {  	v54 =	vor.u32 s28, v0  }
0xe8: {  	s29 =	sand.u32 $0x7F, s29;
	v55 =	vor.u32 s28, v1  }
0xe9: {  	v56 =	vor.u32 s29, v0  }
0xea: {  	v57 =	vor.u32 s29, v1  }
0xeb: {  	s6 =	simm.s32 $0x2400;
	[tilespmem:$0x18C90] =	vst v4  }
0xec: {  	s7 =	simm.s32 $0x2400;
	v4 =	vld.idx.msk [tilespmem:v54+s6+$0x0], $0xffff  }
0xed: {  	s8 =	simm.s32 $0xA400;
	v6 =	vld.idx.msk [tilespmem:v55+s7+$0x0], $0xffff  }
0xee: {  	s9 =	simm.s32 $0xA400;
	v58 =	vld.idx.msk [tilespmem:v56+s8+$0x0], $0xffff  }
0xef: {  	v8 =	vld.idx.msk [tilespmem:v57+s9+$0x0], $0xffff;
	_ =	sdelay $0x3  }
0xf0: {  	v4 =	vmul.f32 v58, v4  }
0xf1: {  	v6 =	vmul.f32 v8, v6  }
0xf2: {  	[tilespmem:$0x18500] =	vst v4  }
0xf3: {  	s12 =	simm.s32 $0x11400;
	[tilespmem:$0x18510] =	vst v6  }
0xf4: {  	v4 =	vld.idx.msk [tilespmem:v54+s12+$0x0], $0xffff;
	_ =	sdelay $0x4  }
0xf5: {  	s17 =	simm.s32 $0x15400;
	[tilespmem:$0x18D00] =	vst v4  }
0xf6: {  	s28 =	sand.u32 $0x7F, s23;
	v4 =	vld.idx.msk [tilespmem:v56+s17+$0x0], $0xffff  }
0xf7: {  	v59 =	vor.u32 s28, v0  }
0xf8: {  	s29 =	sand.u32 $0x7F, s24;
	v60 =	vor.u32 s28, v1  }
0xf9: {  	v61 =	vor.u32 s29, v0  }
0xfa: {  	v62 =	vor.u32 s29, v1  }
0xfb: {  	s6 =	simm.s32 $0x3400;
	[tilespmem:$0x18D10] =	vst v4  }
0xfc: {  	s7 =	simm.s32 $0x3400;
	v4 =	vld.idx.msk [tilespmem:v59+s6+$0x0], $0xffff  }
0xfd: {  	s8 =	simm.s32 $0xB400;
	v6 =	vld.idx.msk [tilespmem:v60+s7+$0x0], $0xffff  }
0xfe: {  	s9 =	simm.s32 $0xB400;
	v63 =	vld.idx.msk [tilespmem:v61+s8+$0x0], $0xffff  }
0xff: {  	v8 =	vld.idx.msk [tilespmem:v62+s9+$0x0], $0xffff;
	_ =	sdelay $0x3  }
0x100: {  	v4 =	vmul.f32 v63, v4  }
0x101: {  	v6 =	vmul.f32 v8, v6  }
0x102: {  	[tilespmem:$0x18580] =	vst v4  }
0x103: {  	s12 =	simm.s32 $0x11C00;
	[tilespmem:$0x18590] =	vst v6  }
0x104: {  	v4 =	vld.idx.msk [tilespmem:v59+s12+$0x0], $0xffff;
	_ =	sdelay $0x4  }
0x105: {  	s17 =	simm.s32 $0x15C00;
	[tilespmem:$0x18D80] =	vst v4  }
0x106: {  	s19 =	sand.u32 $0x7F, s19;
	v4 =	vld.idx.msk [tilespmem:v61+s17+$0x0], $0xffff  }
0x107: {  	v12 =	vor.u32 s19, v0  }
0x108: {  	s20 =	sand.u32 $0x7F, s20;
	v13 =	vor.u32 s19, v1  }
0x109: {  	v14 =	vor.u32 s20, v0  }
0x10a: {  	v15 =	vor.u32 s20, v1  }
0x10b: {  	s23 =	simm.s32 $0x4400;
	[tilespmem:$0x18D90] =	vst v4  }
0x10c: {  	s24 =	simm.s32 $0x4400;
	v4 =	vld.idx.msk [tilespmem:v12+s23+$0x0], $0xffff  }
0x10d: {  	s28 =	simm.s32 $0xC400;
	v6 =	vld.idx.msk [tilespmem:v13+s24+$0x0], $0xffff  }
0x10e: {  	s29 =	simm.s32 $0xC400;
	v16 =	vld.idx.msk [tilespmem:v14+s28+$0x0], $0xffff  }
0x10f: {  	v8 =	vld.idx.msk [tilespmem:v15+s29+$0x0], $0xffff;
	_ =	sdelay $0x3  }
0x110: {  	v4 =	vmul.f32 v16, v4  }
0x111: {  	v6 =	vmul.f32 v8, v6  }
0x112: {  	[tilespmem:$0x18600] =	vst v4  }
0x113: {  	s5 =	simm.s32 $0x12400;
	[tilespmem:$0x18610] =	vst v6  }
0x114: {  	v4 =	vld.idx.msk [tilespmem:v12+s5+$0x0], $0xffff;
	_ =	sdelay $0x4  }
0x115: {  	s6 =	simm.s32 $0x16400;
	[tilespmem:$0x18E00] =	vst v4  }
0x116: {  	s7 =	sand.u32 $0x7F, s30;
	v4 =	vld.idx.msk [tilespmem:v14+s6+$0x0], $0xffff  }
0x117: {  	v17 =	vor.u32 s7, v0  }
0x118: {  	s8 =	sand.u32 $0x7F, s16;
	v18 =	vor.u32 s7, v1  }
0x119: {  	v19 =	vor.u32 s8, v0  }
0x11a: {  	v20 =	vor.u32 s8, v1  }
0x11b: {  	s9 =	simm.s32 $0x5400;
	[tilespmem:$0x18E10] =	vst v4  }
0x11c: {  	s12 =	simm.s32 $0x5400;
	v4 =	vld.idx.msk [tilespmem:v17+s9+$0x0], $0xffff  }
0x11d: {  	s16 =	simm.s32 $0xD400;
	v6 =	vld.idx.msk [tilespmem:v18+s12+$0x0], $0xffff  }
0x11e: {  	s17 =	simm.s32 $0xD400;
	v21 =	vld.idx.msk [tilespmem:v19+s16+$0x0], $0xffff  }
0x11f: {  	v8 =	vld.idx.msk [tilespmem:v20+s17+$0x0], $0xffff;
	_ =	sdelay $0x3  }
0x120: {  	v4 =	vmul.f32 v21, v4  }
0x121: {  	v6 =	vmul.f32 v8, v6  }
0x122: {  	[tilespmem:$0x18680] =	vst v4  }
0x123: {  	s19 =	simm.s32 $0x12C00;
	[tilespmem:$0x18690] =	vst v6  }
0x124: {  	v4 =	vld.idx.msk [tilespmem:v17+s19+$0x0], $0xffff;
	_ =	sdelay $0x4  }
0x125: {  	s20 =	simm.s32 $0x16C00;
	[tilespmem:$0x18E80] =	vst v4  }
0x126: {  	s21 =	sand.u32 $0x7F, s21;
	v4 =	vld.idx.msk [tilespmem:v19+s20+$0x0], $0xffff  }
0x127: {  	v22 =	vor.u32 s21, v0  }
0x128: {  	v23 =	vor.u32 s21, v1;
	s23 =	sand.u32 $0x7F, s26  }
0x129: {  	v24 =	vor.u32 s23, v0  }
0x12a: {  	v25 =	vor.u32 s23, v1  }
0x12b: {  	s24 =	simm.s32 $0x6400;
	[tilespmem:$0x18E90] =	vst v4  }
0x12c: {  	s26 =	simm.s32 $0x6400;
	v4 =	vld.idx.msk [tilespmem:v22+s24+$0x0], $0xffff  }
0x12d: {  	s28 =	simm.s32 $0xE400;
	v6 =	vld.idx.msk [tilespmem:v23+s26+$0x0], $0xffff  }
0x12e: {  	s29 =	simm.s32 $0xE400;
	v26 =	vld.idx.msk [tilespmem:v24+s28+$0x0], $0xffff  }
0x12f: {  	v8 =	vld.idx.msk [tilespmem:v25+s29+$0x0], $0xffff;
	_ =	sdelay $0x3  }
0x130: {  	v4 =	vmul.f32 v26, v4  }
0x131: {  	v6 =	vmul.f32 v8, v6  }
0x132: {  	[tilespmem:$0x18700] =	vst v4  }
0x133: {  	s30 =	simm.s32 $0x13400;
	[tilespmem:$0x18710] =	vst v6  }
0x134: {  	v4 =	vld.idx.msk [tilespmem:v22+s30+$0x0], $0xffff;
	_ =	sdelay $0x4  }
0x135: {  	s5 =	simm.s32 $0x17400;
	[tilespmem:$0x18F00] =	vst v4  }
0x136: {  	s6 =	sand.u32 $0x7F, s11;
	v4 =	vld.idx.msk [tilespmem:v24+s5+$0x0], $0xffff  }
0x137: {  	v27 =	vor.u32 s6, v0  }
0x138: {  	s7 =	sand.u32 $0x7F, s18;
	v28 =	vor.u32 s6, v1  }
0x139: {  	v29 =	vor.u32 s7, v0  }
0x13a: {  	v30 =	vor.u32 s7, v1  }
0x13b: {  	s8 =	simm.s32 $0x7400;
	[tilespmem:$0x18F10] =	vst v4  }
0x13c: {  	s9 =	simm.s32 $0x7400;
	v4 =	vld.idx.msk [tilespmem:v27+s8+$0x0], $0xffff  }
0x13d: {  	s11 =	simm.s32 $0xF400;
	v6 =	vld.idx.msk [tilespmem:v28+s9+$0x0], $0xffff  }
0x13e: {  	s12 =	simm.s32 $0xF400;
	v31 =	vld.idx.msk [tilespmem:v29+s11+$0x0], $0xffff  }
0x13f: {  	v8 =	vld.idx.msk [tilespmem:v30+s12+$0x0], $0xffff  }
0x140: {  	(v2sf) =	vpush v3, $0x8;
	_ =	sdelay $0x1  }
0x141: {  	(v2sf) =	vpush v2, $0x8  }
0x142: {  	v4 =	vmul.f32 v31, v4  }
0x143: {  	v6 =	vmul.f32 v8, v6  }
0x144: {  	[tilespmem:$0x18780] =	vst v4  }
0x145: {  	[tilespmem:$0x18790] =	vst v6  }
0x146: {  	(v2sf) =	vpush v3, $0x9;
	v4 =	vld.idx.msk [tilespmem:v27+s13+$0x0], $0xffff;
	_ =	sdelay $0x1  }
0x147: {  	(v2sf) =	vpush v2, $0x9;
	_ =	sdelay $0x2  }
0x148: {  	s16 =	simm.s32 $0x17C00;
	[tilespmem:$0x18F80] =	vst v4  }
0x149: {  	v4 =	vld.idx.msk [tilespmem:v29+s16+$0x0], $0xffff;
	_ =	sdelay $0x1  }
0x14a: {  	s8 =	spop (v2sf);
	(v2sf) =	vpush v3, $0xA;
	_ =	sdelay $0x1  }
0x14b: {  	s17 =	sand.u32 $0xFFFFF80, s8;
	s12 =	spop (v2sf);
	(v2sf) =	vpush v2, $0xA  }
0x14c: {  	s18 =	sadd.s32 s1, s17;
	s19 =	sand.u32 $0xFFFFF80, s12;
	[tilespmem:$0x18F90] =	vst v4  }
0x14d: {  	[tilespmem:s15], [sflag:$0x1] =	stream.strided.gather [hbm4b:s18+s15], $0x1000, s14, s15, $0x38;
	[tilespmem:$0x19400] =	vst v63  }
0x14e: {  	s21 =	simm.s32 $0x10400;
	s20 =	sadd.s32 s2, s19  }
0x14f: {  	[tilespmem:s22], [sflag:$0x1] =	stream.strided.gather [hbm4b:s20+s15], $0x1000, s14, s15, $0x38;
	[tilespmem:$0x19400] =	vst v63  }
0x150: {  	s0 =	sadd.s32 s3, s17;
	s5 =	spop (v2sf);
	s23 =	sadd.s32 s4, s19  }
0x151: {  	[tilespmem:s21], [sflag:$0x1] =	stream.strided.gather [hbm4b:s0+s15], $0x800, s14, s15, $0x38;
	[tilespmem:$0x19400] =	vst v63  }
0x152: {  	s24 =	sand.u32 $0xFFFFF80, s5;
	s22 =	simm.s32 $0x14400;
	s0 =	spop (v2sf)  }
0x153: {  	[tilespmem:s22], [sflag:$0x1] =	stream.strided.gather [hbm4b:s23+s15], $0x800, s14, s15, $0x38;
	[tilespmem:$0x19400] =	vst v63  }
0x154: {  	s26 =	sadd.s32 s1, s24;
	s28 =	sand.u32 $0xFFFFF80, s0  }
0x155: {  	(v2sf) =	vpush v3, $0xB;
	[tilespmem:s25], [sflag:$0x1] =	stream.strided.gather [hbm4b:s26+s15], $0x1000, s14, s15, $0x38;
	[tilespmem:$0x19400] =	vst v63  }
0x156: {  	s7 =	simm.s32 $0x10C00;
	s30 =	simm.s32 $0x9400;
	(v2sf) =	vpush v2, $0xB;
	s29 =	sadd.s32 s2, s28  }
0x157: {  	[tilespmem:s30], [sflag:$0x1] =	stream.strided.gather [hbm4b:s29+s15], $0x1000, s14, s15, $0x38;
	[tilespmem:$0x19400] =	vst v63  }
0x158: {  	s11 =	simm.s32 $0x14C00;
	s6 =	sadd.s32 s3, s24;
	s29 =	spop (v2sf)  }
0x159: {  	[tilespmem:s7], [sflag:$0x1] =	stream.strided.gather [hbm4b:s6+s15], $0x800, s14, s15, $0x38;
	[tilespmem:$0x19400] =	vst v63  }
0x15a: {  	s9 =	sadd.s32 s4, s28;
	s13 =	sand.u32 $0xFFFFF80, s29;
	s28 =	spop (v2sf)  }
0x15b: {  	[tilespmem:s11], [sflag:$0x1] =	stream.strided.gather [hbm4b:s9+s15], $0x800, s14, s15, $0x38;
	[tilespmem:$0x19400] =	vst v63  }
0x15c: {  	s17 =	simm.s32 $0x2400;
	s16 =	sadd.s32 s1, s13;
	s18 =	sand.u32 $0xFFFFF80, s28  }
0x15d: {  	[tilespmem:s17], [sflag:$0x1] =	stream.strided.gather [hbm4b:s16+s15], $0x1000, s14, s15, $0x38;
	[tilespmem:$0x19400] =	vst v63  }
0x15e: {  	s20 =	simm.s32 $0xA400;
	s19 =	sadd.s32 s2, s18  }
0x15f: {  	(v2sf) =	vpush v3, $0xC;
	[tilespmem:s20], [sflag:$0x1] =	stream.strided.gather [hbm4b:s19+s15], $0x1000, s14, s15, $0x38;
	[tilespmem:$0x19400] =	vst v63  }
0x160: {  	s21 =	simm.s32 $0x11400;
	(v2sf) =	vpush v2, $0xC;
	s6 =	sadd.s32 s3, s13  }
0x161: {  	[tilespmem:s21], [sflag:$0x1] =	stream.strided.gather [hbm4b:s6+s15], $0x800, s14, s15, $0x38;
	[tilespmem:$0x19400] =	vst v63  }
0x162: {  	s24 =	simm.s32 $0x15400;
	s23 =	sadd.s32 s4, s18  }
0x163: {  	[tilespmem:s24], [sflag:$0x1] =	stream.strided.gather [hbm4b:s23+s15], $0x800, s14, s15, $0x38;
	[tilespmem:$0x19400] =	vst v63  }
0x164: {  	s24 =	spop (v2sf)  }
0x165: {  	s26 =	sand.u32 $0xFFFFF80, s24;
	s23 =	spop (v2sf)  }
0x166: {  	s7 =	simm.s32 $0x3400;
	s30 =	sadd.s32 s1, s26;
	s13 =	sand.u32 $0xFFFFF80, s23  }
0x167: {  	(v2sf) =	vpush v3, $0xD;
	[tilespmem:s7], [sflag:$0x1] =	stream.strided.gather [hbm4b:s30+s15], $0x1000, s14, s15, $0x38;
	[tilespmem:$0x19400] =	vst v63  }
0x168: {  	s18 =	simm.s32 $0xB400;
	s17 =	sadd.s32 s2, s13  }
0x169: {  	(v2sf) =	vpush v2, $0xD;
	[tilespmem:s18], [sflag:$0x1] =	stream.strided.gather [hbm4b:s17+s15], $0x1000, s14, s15, $0x38;
	[tilespmem:$0x19400] =	vst v63  }
0x16a: {  	s19 =	simm.s32 $0x11C00;
	s6 =	sadd.s32 s3, s26  }
0x16b: {  	[tilespmem:s19], [sflag:$0x1] =	stream.strided.gather [hbm4b:s6+s15], $0x800, s14, s15, $0x38;
	[tilespmem:$0x19400] =	vst v63  }
0x16c: {  	s21 =	simm.s32 $0x15C00;
	s20 =	sadd.s32 s4, s13  }
0x16d: {  	[tilespmem:s21], [sflag:$0x1] =	stream.strided.gather [hbm4b:s20+s15], $0x800, s14, s15, $0x38;
	[tilespmem:$0x19400] =	vst v63  }
0x16e: {  	s20 =	spop (v2sf)  }
0x16f: {  	s26 =	sand.u32 $0xFFFFF80, s20;
	s19 =	spop (v2sf)  }
0x170: {  	s7 =	simm.s32 $0x4400;
	(v2sf) =	vpush v3, $0xE;
	s30 =	sadd.s32 s1, s26;
	s13 =	sand.u32 $0xFFFFF80, s19  }
0x171: {  	(v2sf) =	vpush v2, $0xE;
	[tilespmem:s7], [sflag:$0x1] =	stream.strided.gather [hbm4b:s30+s15], $0x1000, s14, s15, $0x38;
	[tilespmem:$0x19400] =	vst v63  }
0x172: {  	s18 =	simm.s32 $0xC400;
	s17 =	sadd.s32 s2, s13  }
0x173: {  	[tilespmem:s18], [sflag:$0x1] =	stream.strided.gather [hbm4b:s17+s15], $0x1000, s14, s15, $0x38;
	[tilespmem:$0x19400] =	vst v63  }
0x174: {  	s21 =	simm.s32 $0x12400;
	s6 =	sadd.s32 s3, s26  }
0x175: {  	[tilespmem:s21], [sflag:$0x1] =	stream.strided.gather [hbm4b:s6+s15], $0x800, s14, s15, $0x38;
	[tilespmem:$0x19400] =	vst v63  }
0x176: {  	s26 =	sadd.s32 s4, s13;
	s30 =	simm.s32 $0x16400;
	s16 =	spop (v2sf)  }
0x177: {  	(v2sf) =	vpush v3, $0xF;
	[tilespmem:s30], [sflag:$0x1] =	stream.strided.gather [hbm4b:s26+s15], $0x800, s14, s15, $0x38;
	[tilespmem:$0x19400] =	vst v63  }
0x178: {  	s7 =	sand.u32 $0xFFFFF80, s16;
	s30 =	spop (v2sf)  }
0x179: {  	s17 =	simm.s32 $0x5400;
	s13 =	sadd.s32 s1, s7;
	(v2sf) =	vpush v2, $0xF;
	s18 =	sand.u32 $0xFFFFF80, s30  }
0x17a: {  	[tilespmem:s17], [sflag:$0x1] =	stream.strided.gather [hbm4b:s13+s15], $0x1000, s14, s15, $0x38;
	[tilespmem:$0x19400] =	vst v63  }
0x17b: {  	s26 =	simm.s32 $0xD400;
	s21 =	sadd.s32 s2, s18  }
0x17c: {  	[tilespmem:s26], [sflag:$0x1] =	stream.strided.gather [hbm4b:s21+s15], $0x1000, s14, s15, $0x38;
	[tilespmem:$0x19400] =	vst v63  }
0x17d: {  	s6 =	sadd.s32 s3, s7;
	s7 =	simm.s32 $0x12C00  }
0x17e: {  	[tilespmem:s7], [sflag:$0x1] =	stream.strided.gather [hbm4b:s6+s15], $0x800, s14, s15, $0x38;
	[tilespmem:$0x19400] =	vst v63  }
0x17f: {  	s13 =	sadd.s32 s4, s18;
	s21 =	spop (v2sf)  }
0x180: {  	s17 =	simm.s32 $0x16C00;
	s6 =	sand.u32 $0xFFFFF80, s21;
	s26 =	spop (v2sf)  }
0x181: {  	[tilespmem:s17], [sflag:$0x1] =	stream.strided.gather [hbm4b:s13+s15], $0x800, s14, s15, $0x38;
	[tilespmem:$0x19400] =	vst v63  }
0x182: {  	s7 =	simm.s32 $0x6400;
	s18 =	sadd.s32 s1, s6;
	s13 =	sand.u32 $0xFFFFF80, s26  }
0x183: {  	[tilespmem:s7], [sflag:$0x1] =	stream.strided.gather [hbm4b:s18+s15], $0x1000, s14, s15, $0x38;
	[tilespmem:$0x19400] =	vst v63  }
0x184: {  	s6 =	sadd.s32 s3, s6;
	s17 =	sadd.s32 s2, s13;
	s18 =	simm.s32 $0xE400  }
0x185: {  	[tilespmem:s18], [sflag:$0x1] =	stream.strided.gather [hbm4b:s17+s15], $0x1000, s14, s15, $0x38;
	[tilespmem:$0x19400] =	vst v63  }
0x186: {  	s9 =	sadd.s32 s4, s13;
	s7 =	simm.s32 $0x13400;
	s11 =	spop (v2sf)  }
0x187: {  	[tilespmem:s7], [sflag:$0x1] =	stream.strided.gather [hbm4b:s6+s15], $0x800, s14, s15, $0x38;
	[tilespmem:$0x19400] =	vst v63  }
0x188: {  	s13 =	simm.s32 $0x17400;
	s6 =	sand.u32 $0xFFFFF80, s11;
	s18 =	spop (v2sf)  }
0x189: {  	[tilespmem:s13], [sflag:$0x1] =	stream.strided.gather [hbm4b:s9+s15], $0x800, s14, s15, $0x38;
	[tilespmem:$0x19400] =	vst v63  }
0x18a: {  	s7 =	simm.s32 $0x7400;
	s17 =	sadd.s32 s1, s6;
	s9 =	sand.u32 $0xFFFFF80, s18  }
0x18b: {  	[tilespmem:s7], [sflag:$0x1] =	stream.strided.gather [hbm4b:s17+s15], $0x1000, s14, s15, $0x38;
	[tilespmem:$0x19400] =	vst v63  }
0x18c: {  	s13 =	sadd.s32 s2, s9;
	s7 =	simm.s32 $0xF400  }
0x18d: {  	[tilespmem:s7], [sflag:$0x1] =	stream.strided.gather [hbm4b:s13+s15], $0x1000, s14, s15, $0x38;
	[tilespmem:$0x19400] =	vst v63  }
0x18e: {  	s6 =	sadd.s32 s3, s6;
	s13 =	simm.s32 $0x13C00  }
0x18f: {  	[tilespmem:s13], [sflag:$0x1] =	stream.strided.gather [hbm4b:s6+s15], $0x800, s14, s15, $0x38;
	[tilespmem:$0x19400] =	vst v63  }
0x190: {  	s7 =	simm.s32 $0x17C00;
	s6 =	sadd.s32 s4, s9  }
0x191: {  	[tilespmem:s7], [sflag:$0x1] =	stream.strided.gather [hbm4b:s6+s15], $0x800, s14, s15, $0x38;
	[tilespmem:$0x19400] =	vst v63  }
0x192: {  	_ =	swait.ge [sflag:s31], $0x1000  }
0x193: {  	[sflag:s31] =	ssyncset.done $0x0  }
0x194: {  	[sflag:s31] =	ssyncadd.s32 $0xFFFFF000  }
0x195: {  	_ =	swait.ge [sflag:s31], $0x1000  }
0x196: {  	[sflag:s31] =	ssyncset.done $0x0  }
0x197: {  	[sflag:s31] =	ssyncadd.s32 $0xFFFFF000  }
0x198: {  	_ =	swait.ge [sflag:s31], $0x800  }
0x199: {  	[sflag:s31] =	ssyncset.done $0x0  }
0x19a: {  	[sflag:s31] =	ssyncadd.s32 $0xFFFFF800  }
0x19b: {  	_ =	swait.ge [sflag:s31], $0x800  }
0x19c: {  	[sflag:s31] =	ssyncset.done $0x0  }
0x19d: {  	[sflag:s31] =	ssyncadd.s32 $0xFFFFF800  }
0x19e: {  	_ =	swait.ge [sflag:s31], $0x1000  }
0x19f: {  	[sflag:s31] =	ssyncset.done $0x0  }
0x1a0: {  	[sflag:s31] =	ssyncadd.s32 $0xFFFFF000  }
0x1a1: {  	_ =	swait.ge [sflag:s31], $0x1000  }
0x1a2: {  	[sflag:s31] =	ssyncset.done $0x0  }
0x1a3: {  	[sflag:s31] =	ssyncadd.s32 $0xFFFFF000  }
0x1a4: {  	_ =	swait.ge [sflag:s31], $0x800  }
0x1a5: {  	[sflag:s31] =	ssyncset.done $0x0  }
0x1a6: {  	[sflag:s31] =	ssyncadd.s32 $0xFFFFF800  }
0x1a7: {  	_ =	swait.ge [sflag:s31], $0x800  }
0x1a8: {  	[sflag:s31] =	ssyncset.done $0x0  }
0x1a9: {  	[sflag:s31] =	ssyncadd.s32 $0xFFFFF800  }
0x1aa: {  	_ =	swait.ge [sflag:s31], $0x1000  }
0x1ab: {  	[sflag:s31] =	ssyncset.done $0x0  }
0x1ac: {  	[sflag:s31] =	ssyncadd.s32 $0xFFFFF000  }
0x1ad: {  	_ =	swait.ge [sflag:s31], $0x1000  }
0x1ae: {  	[sflag:s31] =	ssyncset.done $0x0  }
0x1af: {  	[sflag:s31] =	ssyncadd.s32 $0xFFFFF000  }
0x1b0: {  	_ =	swait.ge [sflag:s31], $0x800  }
0x1b1: {  	[sflag:s31] =	ssyncset.done $0x0  }
0x1b2: {  	[sflag:s31] =	ssyncadd.s32 $0xFFFFF800  }
0x1b3: {  	_ =	swait.ge [sflag:s31], $0x800  }
0x1b4: {  	[sflag:s31] =	ssyncset.done $0x0  }
0x1b5: {  	[sflag:s31] =	ssyncadd.s32 $0xFFFFF800  }
0x1b6: {  	_ =	swait.ge [sflag:s31], $0x1000  }
0x1b7: {  	[sflag:s31] =	ssyncset.done $0x0  }
0x1b8: {  	[sflag:s31] =	ssyncadd.s32 $0xFFFFF000  }
0x1b9: {  	_ =	swait.ge [sflag:s31], $0x1000  }
0x1ba: {  	[sflag:s31] =	ssyncset.done $0x0  }
0x1bb: {  	[sflag:s31] =	ssyncadd.s32 $0xFFFFF000  }
0x1bc: {  	_ =	swait.ge [sflag:s31], $0x800  }
0x1bd: {  	[sflag:s31] =	ssyncset.done $0x0  }
0x1be: {  	[sflag:s31] =	ssyncadd.s32 $0xFFFFF800  }
0x1bf: {  	_ =	swait.ge [sflag:s31], $0x800  }
0x1c0: {  	[sflag:s31] =	ssyncset.done $0x0  }
0x1c1: {  	[sflag:s31] =	ssyncadd.s32 $0xFFFFF800  }
0x1c2: {  	_ =	swait.ge [sflag:s31], $0x1000  }
0x1c3: {  	[sflag:s31] =	ssyncset.done $0x0  }
0x1c4: {  	[sflag:s31] =	ssyncadd.s32 $0xFFFFF000  }
0x1c5: {  	_ =	swait.ge [sflag:s31], $0x1000  }
0x1c6: {  	[sflag:s31] =	ssyncset.done $0x0  }
0x1c7: {  	[sflag:s31] =	ssyncadd.s32 $0xFFFFF000  }
0x1c8: {  	_ =	swait.ge [sflag:s31], $0x800  }
0x1c9: {  	[sflag:s31] =	ssyncset.done $0x0  }
0x1ca: {  	[sflag:s31] =	ssyncadd.s32 $0xFFFFF800  }
0x1cb: {  	_ =	swait.ge [sflag:s31], $0x800  }
0x1cc: {  	[sflag:s31] =	ssyncset.done $0x0  }
0x1cd: {  	[sflag:s31] =	ssyncadd.s32 $0xFFFFF800  }
0x1ce: {  	_ =	swait.ge [sflag:s31], $0x1000  }
0x1cf: {  	[sflag:s31] =	ssyncset.done $0x0  }
0x1d0: {  	[sflag:s31] =	ssyncadd.s32 $0xFFFFF000  }
0x1d1: {  	_ =	swait.ge [sflag:s31], $0x1000  }
0x1d2: {  	[sflag:s31] =	ssyncset.done $0x0  }
0x1d3: {  	[sflag:s31] =	ssyncadd.s32 $0xFFFFF000  }
0x1d4: {  	_ =	swait.ge [sflag:s31], $0x800  }
0x1d5: {  	[sflag:s31] =	ssyncset.done $0x0  }
0x1d6: {  	[sflag:s31] =	ssyncadd.s32 $0xFFFFF800  }
0x1d7: {  	_ =	swait.ge [sflag:s31], $0x800  }
0x1d8: {  	[sflag:s31] =	ssyncset.done $0x0  }
0x1d9: {  	[sflag:s31] =	ssyncadd.s32 $0xFFFFF800  }
0x1da: {  	_ =	swait.ge [sflag:s31], $0x1000  }
0x1db: {  	[sflag:s31] =	ssyncset.done $0x0  }
0x1dc: {  	[sflag:s31] =	ssyncadd.s32 $0xFFFFF000  }
0x1dd: {  	_ =	swait.ge [sflag:s31], $0x1000  }
0x1de: {  	[sflag:s31] =	ssyncset.done $0x0  }
0x1df: {  	[sflag:s31] =	ssyncadd.s32 $0xFFFFF000  }
0x1e0: {  	_ =	swait.ge [sflag:s31], $0x800  }
0x1e1: {  	[sflag:s31] =	ssyncset.done $0x0  }
0x1e2: {  	[sflag:s31] =	ssyncadd.s32 $0xFFFFF800  }
0x1e3: {  	_ =	swait.ge [sflag:s31], $0x800  }
0x1e4: {  	[sflag:s31] =	ssyncset.done $0x0  }
0x1e5: {  	[sflag:s31] =	ssyncadd.s32 $0xFFFFF800  }
0x1e6: {  	_ =	swait.ge [sflag:s31], $0x1000  }
0x1e7: {  	[sflag:s31] =	ssyncset.done $0x0  }
0x1e8: {  	[sflag:s31] =	ssyncadd.s32 $0xFFFFF000  }
0x1e9: {  	_ =	swait.ge [sflag:s31], $0x1000  }
0x1ea: {  	[sflag:s31] =	ssyncset.done $0x0  }
0x1eb: {  	[sflag:s31] =	ssyncadd.s32 $0xFFFFF000  }
0x1ec: {  	s7 =	sand.u32 $0x7F, s8;
	_ =	swait.ge [sflag:s31], $0x800  }
0x1ed: {  	v2 =	vor.u32 s7, v0;
	[sflag:s31] =	ssyncset.done $0x0  }
0x1ee: {  	v3 =	vor.u32 s7, v1;
	s7 =	sand.u32 $0x7F, s12;
	[sflag:s31] =	ssyncadd.s32 $0xFFFFF800  }
0x1ef: {  	v32 =	vor.u32 s7, v0;
	_ =	swait.ge [sflag:s31], $0x800  }
0x1f0: {  	v33 =	vor.u32 s7, v1;
	[sflag:s31] =	ssyncset.done $0x0  }
0x1f1: {  	[sflag:s31] =	ssyncadd.s32 $0xFFFFF800  }
0x1f2: {  	v34 =	vld.idx.msk [tilespmem:v2+s15+$0x0], $0xffff  }
0x1f3: {  	s9 =	simm.s32 $0x8400;
	v3 =	vld.idx.msk [tilespmem:v3+s15+$0x0], $0xffff  }
0x1f4: {  	v35 =	vld.idx.msk [tilespmem:v32+s9+$0x0], $0xffff  }
0x1f5: {  	v5 =	vld.idx.msk [tilespmem:v33+s9+$0x0], $0xffff;
	_ =	sdelay $0x3  }
0x1f6: {  	v6 =	vmul.f32 v35, v34  }
0x1f7: {  	v3 =	vmul.f32 v5, v3  }
0x1f8: {  	[tilespmem:$0x18800] =	vst v6  }
0x1f9: {  	s17 =	simm.s32 $0x10400;
	[tilespmem:$0x18810] =	vst v3  }
0x1fa: {  	v2 =	vld.idx.msk [tilespmem:v2+s17+$0x0], $0xffff;
	_ =	sdelay $0x4  }
0x1fb: {  	[tilespmem:$0x19000] =	vst v2  }
0x1fc: {  	s5 =	sand.u32 $0x7F, s5;
	v2 =	vld.idx.msk [tilespmem:v32+s22+$0x0], $0xffff  }
0x1fd: {  	v3 =	vor.u32 s5, v0  }
0x1fe: {  	v36 =	vor.u32 s5, v1;
	s0 =	sand.u32 $0x7F, s0  }
0x1ff: {  	v37 =	vor.u32 s0, v0  }
0x200: {  	v38 =	vor.u32 s0, v1  }
0x201: {  	[tilespmem:$0x19010] =	vst v2  }
0x202: {  	v2 =	vld.idx.msk [tilespmem:v3+s25+$0x0], $0xffff  }
0x203: {  	s6 =	simm.s32 $0x9400;
	v4 =	vld.idx.msk [tilespmem:v36+s25+$0x0], $0xffff  }
0x204: {  	v39 =	vld.idx.msk [tilespmem:v37+s6+$0x0], $0xffff  }
0x205: {  	v6 =	vld.idx.msk [tilespmem:v38+s6+$0x0], $0xffff;
	_ =	sdelay $0x3  }
0x206: {  	v2 =	vmul.f32 v39, v2  }
0x207: {  	v4 =	vmul.f32 v6, v4  }
0x208: {  	[tilespmem:$0x18880] =	vst v2  }
0x209: {  	s8 =	simm.s32 $0x10C00;
	[tilespmem:$0x18890] =	vst v4  }
0x20a: {  	v2 =	vld.idx.msk [tilespmem:v3+s8+$0x0], $0xffff;
	_ =	sdelay $0x4  }
0x20b: {  	s12 =	simm.s32 $0x14C00;
	[tilespmem:$0x19080] =	vst v2  }
0x20c: {  	s29 =	sand.u32 $0x7F, s29;
	v2 =	vld.idx.msk [tilespmem:v37+s12+$0x0], $0xffff  }
0x20d: {  	v3 =	vor.u32 s29, v0  }
0x20e: {  	v40 =	vor.u32 s29, v1;
	s7 =	sand.u32 $0x7F, s28  }
0x20f: {  	v41 =	vor.u32 s7, v0  }
0x210: {  	v42 =	vor.u32 s7, v1  }
0x211: {  	s8 =	simm.s32 $0x2400;
	[tilespmem:$0x19090] =	vst v2  }
0x212: {  	v2 =	vld.idx.msk [tilespmem:v3+s8+$0x0], $0xffff  }
0x213: {  	s28 =	simm.s32 $0xA400;
	v4 =	vld.idx.msk [tilespmem:v40+s8+$0x0], $0xffff  }
0x214: {  	v43 =	vld.idx.msk [tilespmem:v41+s28+$0x0], $0xffff  }
0x215: {  	v6 =	vld.idx.msk [tilespmem:v42+s28+$0x0], $0xffff;
	_ =	sdelay $0x3  }
0x216: {  	v2 =	vmul.f32 v43, v2  }
0x217: {  	v4 =	vmul.f32 v6, v4  }
0x218: {  	[tilespmem:$0x18900] =	vst v2  }
0x219: {  	s12 =	simm.s32 $0x11400;
	[tilespmem:$0x18910] =	vst v4  }
0x21a: {  	v2 =	vld.idx.msk [tilespmem:v3+s12+$0x0], $0xffff;
	_ =	sdelay $0x4  }
0x21b: {  	s7 =	simm.s32 $0x15400;
	[tilespmem:$0x19100] =	vst v2  }
0x21c: {  	s12 =	sand.u32 $0x7F, s24;
	v2 =	vld.idx.msk [tilespmem:v41+s7+$0x0], $0xffff  }
0x21d: {  	v3 =	vor.u32 s12, v0  }
0x21e: {  	s24 =	sand.u32 $0x7F, s23;
	v44 =	vor.u32 s12, v1  }
0x21f: {  	v45 =	vor.u32 s24, v0  }
0x220: {  	v46 =	vor.u32 s24, v1  }
0x221: {  	s29 =	simm.s32 $0x3400;
	[tilespmem:$0x19110] =	vst v2  }
0x222: {  	v2 =	vld.idx.msk [tilespmem:v3+s29+$0x0], $0xffff  }
0x223: {  	v4 =	vld.idx.msk [tilespmem:v44+s29+$0x0], $0xffff;
	s29 =	simm.s32 $0xB400  }
0x224: {  	v47 =	vld.idx.msk [tilespmem:v45+s29+$0x0], $0xffff  }
0x225: {  	v6 =	vld.idx.msk [tilespmem:v46+s29+$0x0], $0xffff;
	_ =	sdelay $0x3  }
0x226: {  	v2 =	vmul.f32 v47, v2  }
0x227: {  	v4 =	vmul.f32 v6, v4  }
0x228: {  	[tilespmem:$0x18980] =	vst v2  }
0x229: {  	s28 =	simm.s32 $0x11C00;
	[tilespmem:$0x18990] =	vst v4  }
0x22a: {  	v2 =	vld.idx.msk [tilespmem:v3+s28+$0x0], $0xffff;
	_ =	sdelay $0x4  }
0x22b: {  	s12 =	simm.s32 $0x15C00;
	[tilespmem:$0x19180] =	vst v2  }
0x22c: {  	s20 =	sand.u32 $0x7F, s20;
	v2 =	vld.idx.msk [tilespmem:v45+s12+$0x0], $0xffff  }
0x22d: {  	v3 =	vor.u32 s20, v0  }
0x22e: {  	v48 =	vor.u32 s20, v1;
	s23 =	sand.u32 $0x7F, s19  }
0x22f: {  	v49 =	vor.u32 s23, v0  }
0x230: {  	v50 =	vor.u32 s23, v1  }
0x231: {  	s7 =	simm.s32 $0x4400;
	[tilespmem:$0x19190] =	vst v2  }
0x232: {  	v2 =	vld.idx.msk [tilespmem:v3+s7+$0x0], $0xffff  }
0x233: {  	s28 =	simm.s32 $0xC400;
	v4 =	vld.idx.msk [tilespmem:v48+s7+$0x0], $0xffff  }
0x234: {  	v51 =	vld.idx.msk [tilespmem:v49+s28+$0x0], $0xffff  }
0x235: {  	v6 =	vld.idx.msk [tilespmem:v50+s28+$0x0], $0xffff;
	_ =	sdelay $0x3  }
0x236: {  	v2 =	vmul.f32 v51, v2  }
0x237: {  	v4 =	vmul.f32 v6, v4  }
0x238: {  	[tilespmem:$0x18A00] =	vst v2  }
0x239: {  	s24 =	simm.s32 $0x12400;
	[tilespmem:$0x18A10] =	vst v4  }
0x23a: {  	v2 =	vld.idx.msk [tilespmem:v3+s24+$0x0], $0xffff;
	_ =	sdelay $0x4  }
0x23b: {  	s7 =	simm.s32 $0x16400;
	[tilespmem:$0x19200] =	vst v2  }
0x23c: {  	s12 =	sand.u32 $0x7F, s16;
	v2 =	vld.idx.msk [tilespmem:v49+s7+$0x0], $0xffff  }
0x23d: {  	v3 =	vor.u32 s12, v0  }
0x23e: {  	s16 =	sand.u32 $0x7F, s30;
	v52 =	vor.u32 s12, v1  }
0x23f: {  	v53 =	vor.u32 s16, v0  }
0x240: {  	v54 =	vor.u32 s16, v1  }
0x241: {  	s29 =	simm.s32 $0x5400;
	[tilespmem:$0x19210] =	vst v2  }
0x242: {  	v2 =	vld.idx.msk [tilespmem:v3+s29+$0x0], $0xffff  }
0x243: {  	s20 =	simm.s32 $0xD400;
	v4 =	vld.idx.msk [tilespmem:v52+s29+$0x0], $0xffff  }
0x244: {  	v55 =	vld.idx.msk [tilespmem:v53+s20+$0x0], $0xffff  }
0x245: {  	v6 =	vld.idx.msk [tilespmem:v54+s20+$0x0], $0xffff;
	_ =	sdelay $0x3  }
0x246: {  	v2 =	vmul.f32 v55, v2  }
0x247: {  	v4 =	vmul.f32 v6, v4  }
0x248: {  	[tilespmem:$0x18A80] =	vst v2  }
0x249: {  	s19 =	simm.s32 $0x12C00;
	[tilespmem:$0x18A90] =	vst v4  }
0x24a: {  	v2 =	vld.idx.msk [tilespmem:v3+s19+$0x0], $0xffff;
	_ =	sdelay $0x4  }
0x24b: {  	s24 =	simm.s32 $0x16C00;
	[tilespmem:$0x19280] =	vst v2  }
0x24c: {  	s28 =	sand.u32 $0x7F, s21;
	v2 =	vld.idx.msk [tilespmem:v53+s24+$0x0], $0xffff  }
0x24d: {  	v3 =	vor.u32 s28, v0  }
0x24e: {  	v56 =	vor.u32 s28, v1;
	s29 =	sand.u32 $0x7F, s26  }
0x24f: {  	v57 =	vor.u32 s29, v0  }
0x250: {  	v58 =	vor.u32 s29, v1  }
0x251: {  	s23 =	simm.s32 $0x6400;
	[tilespmem:$0x19290] =	vst v2  }
0x252: {  	v2 =	vld.idx.msk [tilespmem:v3+s23+$0x0], $0xffff  }
0x253: {  	s7 =	simm.s32 $0xE400;
	v4 =	vld.idx.msk [tilespmem:v56+s23+$0x0], $0xffff  }
0x254: {  	v59 =	vld.idx.msk [tilespmem:v57+s7+$0x0], $0xffff  }
0x255: {  	v6 =	vld.idx.msk [tilespmem:v58+s7+$0x0], $0xffff;
	_ =	sdelay $0x3  }
0x256: {  	v2 =	vmul.f32 v59, v2  }
0x257: {  	v4 =	vmul.f32 v6, v4  }
0x258: {  	[tilespmem:$0x18B00] =	vst v2  }
0x259: {  	s30 =	simm.s32 $0x13400;
	[tilespmem:$0x18B10] =	vst v4  }
0x25a: {  	v2 =	vld.idx.msk [tilespmem:v3+s30+$0x0], $0xffff;
	_ =	sdelay $0x4  }
0x25b: {  	s16 =	simm.s32 $0x17400;
	[tilespmem:$0x19300] =	vst v2  }
0x25c: {  	s19 =	sand.u32 $0x7F, s11;
	v2 =	vld.idx.msk [tilespmem:v57+s16+$0x0], $0xffff  }
0x25d: {  	v3 =	vor.u32 s19, v0  }
0x25e: {  	s20 =	sand.u32 $0x7F, s18;
	v60 =	vor.u32 s19, v1  }
0x25f: {  	v61 =	vor.u32 s20, v0  }
0x260: {  	v62 =	vor.u32 s20, v1  }
0x261: {  	s12 =	simm.s32 $0x7400;
	[tilespmem:$0x19310] =	vst v2  }
0x262: {  	v2 =	vld.idx.msk [tilespmem:v3+s12+$0x0], $0xffff  }
0x263: {  	s24 =	simm.s32 $0xF400;
	v4 =	vld.idx.msk [tilespmem:v60+s12+$0x0], $0xffff  }
0x264: {  	v63 =	vld.idx.msk [tilespmem:v61+s24+$0x0], $0xffff  }
0x265: {  	v6 =	vld.idx.msk [tilespmem:v62+s24+$0x0], $0xffff;
	_ =	sdelay $0x3  }
0x266: {  	v2 =	vmul.f32 v63, v2  }
0x267: {  	v4 =	vmul.f32 v6, v4  }
0x268: {  	[tilespmem:$0x18B80] =	vst v2  }
0x269: {  	[tilespmem:$0x18B90] =	vst v4  }
0x26a: {  	v2 =	vld.idx.msk [tilespmem:v3+s13+$0x0], $0xffff;
	_ =	sdelay $0x4  }
0x26b: {  	s23 =	simm.s32 $0x17C00;
	[tilespmem:$0x19380] =	vst v2  }
0x26c: {  	v2 =	vld.idx.msk [tilespmem:v61+s23+$0x0], $0xffff;
	_ =	sdelay $0x3  }
0x26d: {  	s21 =	rddreg [dreg:$0x11]  }
0x26e: {  	s5 =	simm.s32 $0x2;
	s26 =	rddreg [dreg:$0x8];
	s11 =	simm.s32 $0x0;
	[tilespmem:$0x19390] =	vst v2  }
0x26f: {  	[hbm4b:s21+s11] =	stream.linear.scatter [tilespmem:s26], [sflag:$0x2], $0x800, $0x38;
	[tilespmem:$0x19400] =	vst v63  }
0x270: {  	_ =	swait.ge [sflag:s5], $0x800  }
0x271: {  	p0 =	sne.s32 s10, $0x7C0;
	s28 =	rddreg [dreg:$0x9];
	[sflag:s5] =	ssyncset.done $0x0  }
.Ltmp0:
0x272: {  	s29 =	rddreg [dreg:$0x10];
	[sflag:s5] =	ssyncadd.s32 $0xFFFFF800;
	(pc) =	sbr.rel @p0 .LBB2_2-.Ltmp0, $4  }
0x273: {  	[hbm4b:s29+s11] =	stream.linear.scatter [tilespmem:s28], [sflag:$0x2], $0x800, $0x38;
	[tilespmem:$0x19400] =	vst v63  }
0x274: {  	s30 =	rddreg [dreg:$0x10];
	_ =	swait.ge [sflag:s5], $0x800  }
0x275: {  	s10 =	sadd.s32 $0x40, s10;
	[sflag:s5] =	ssyncset.done $0x0  }
0x276: {  	s8 =	sadd.s32 $0x100, s21;
	s0 =	sadd.s32 $0x100, s30;
	[sflag:s5] =	ssyncadd.s32 $0xFFFFF800  }
0x277: {  	s6 =	rddreg [dreg:$0xf]  }
0x278: {  	s0 =	rddreg [dreg:$0xc];
	s6 =	sadd.s32 $0x1, s6  }
0x279: {  	p0 =	sne.s32 s6, s0  }
.Ltmp1:
0x27a: {  	_ = 	snop;
	(pc) =	sbr.rel @p0 .LBB2_1-.Ltmp1, $1  }
0x27b: {  	_ =	sdelay $0x3  }
0x27c: {  	_ =	sfence.sel $0x180000  }
0x27d: {  	[bflag:$0x0] =	sbarrier.arrive $0xFFFF  }
0x27e: {  	_ =	strace $0x90000047  }
0x27f: {  	s0 =	stileid.u32;
	[bflag:$0x2] =	sbarrier.arrive $0xFFFF  }
0x280: {  	p0 =	sne.s32 s0, $0x0;
	s0 =	rddreg [dreg:$0x7]  }
0x281: {  	s0 =	sadd.s32 @!p0 $0x100000, s0  }
0x282: {  	[sflag:s0] =	ssyncadd.tile.s32 @!p0 $0x1;
	_ =	shalt  }
.Lfunc_end2:
_tile_overlayer_lowered:
.L_overlay_start_2:
0x283: {  	(tag) =	ssettag $0x2  }
0x284: {  	s0 =	rddreg [dreg:$0x0];
	s2 =	stileid.u32  }
0x285: {  	s1 =	rddreg [dreg:$0x1];
	p0 =	sne.s32 s2, $0x0  }
0x286: {  	s3 =	rddreg [dreg:$0x2];
	[bflag:$0x3] =	sbarrier.arrive $0xFFFF;
	s2 =	simm.s32 @!p0 $0x1C02  }
0x287: {  	[timem:s3], [sflag:s2] =	dma.local @!p0 [hbm:s0], s1  }
0x288: {  	s0 =	simm.s32 @!p0 $0x2  }
0x289: {  	_ =	swait.ge @!p0 [sflag:s0], s1  }
0x28a: {  	s1 =	ssub.s32 @!p0 $0x0, s1;
	[sflag:s0] =	ssyncset.done @!p0 $0x0  }
0x28b: {  	[sflag:s0] =	ssyncadd.s32 @!p0 s1  }
0x28c: {  	[bflag:$0x3] =	sbarrier.arrive $0xFFFF  }
0x28d: {  	_ =	shalt  }

</sc_bundles>
